<compile_context>
chip_gen: v7x
topology: tpu7x:2x2x1
jax: 0.10.2.dev20260603
libtpu: 0.0.44.dev20260713+nightly
codegen_flags: <defaults>
</compile_context>

<pallas_src>
import functools

import jax
import jax.numpy as jnp
from jax import lax
from jax.experimental import pallas as pl
from jax.experimental.pallas import tpu as pltpu
from jax.experimental.pallas import tpu_sc as plsc

N = 10000
E = 320000
D = 128

ROWS_BLK = 400
EDGE_BLK = E // (N // ROWS_BLK)

SC_NC = 2
SC_NS = 16
NW = SC_NC * SC_NS
EPT = E // NW
KA = 400
KB = 80

_MESH = plsc.VectorSubcoreMesh(core_axis_name="c", subcore_axis_name="s")



def _dense_body(h_ref, ea_ref, red_ref, v_ref, we_ref,
                wi_ref, wr_ref, wri_ref, wrr_ref, bi_ref, br_ref,
                oscal_ref, oae_ref, ox_ref, ores_ref):
    h = h_ref[...]
    red = red_ref[...]
    scal = jnp.dot(h, v_ref[...], preferred_element_type=jnp.float32)
    dm = jnp.where(red[:, 0] > 0.5, scal[:, 3], scal[:, 2])
    oscal_ref[...] = jnp.concatenate(
        [scal[:, :2], dm[:, None], scal[:, 3:]], axis=1)
    ae2 = jnp.dot(ea_ref[...], we_ref[...],
                  preferred_element_type=jnp.float32)
    oae_ref[...] = ae2.T
    ox_ref[0] = jnp.dot(h, wi_ref[...], preferred_element_type=jnp.float32)
    ox_ref[1] = jnp.dot(h, wr_ref[...], preferred_element_type=jnp.float32)
    res_i = jnp.dot(h, wri_ref[...], preferred_element_type=jnp.float32) + bi_ref[...]
    res_r = jnp.dot(h, wrr_ref[...], preferred_element_type=jnp.float32) + br_ref[...]
    ores_ref[...] = jnp.where(red > 0.5, res_r, res_i)


def _dense_phase(h, edge_attr, redf, V, WE, i_W, r_W, i_Wres, r_Wres, bi, br):
    nblk = N // ROWS_BLK
    full = lambda i: (0, 0)
    out_shapes = [
        jax.ShapeDtypeStruct((N, 8), jnp.float32),
        jax.ShapeDtypeStruct((2, E), jnp.float32),
        jax.ShapeDtypeStruct((2, N, D), jnp.float32),
        jax.ShapeDtypeStruct((N, D), jnp.float32),
    ]
    return pl.pallas_call(
        _dense_body,
        grid=(nblk,),
        in_specs=[
            pl.BlockSpec((ROWS_BLK, D), lambda i: (i, 0)),
            pl.BlockSpec((EDGE_BLK, 16), lambda i: (i, 0)),
            pl.BlockSpec((ROWS_BLK, 1), lambda i: (i, 0)),
            pl.BlockSpec((D, 8), full),
            pl.BlockSpec((16, 2), full),
            pl.BlockSpec((D, D), full),
            pl.BlockSpec((D, D), full),
            pl.BlockSpec((D, D), full),
            pl.BlockSpec((D, D), full),
            pl.BlockSpec((1, D), full),
            pl.BlockSpec((1, D), full),
        ],
        out_specs=[
            pl.BlockSpec((ROWS_BLK, 8), lambda i: (i, 0)),
            pl.BlockSpec((2, EDGE_BLK), lambda i: (0, i)),
            pl.BlockSpec((2, ROWS_BLK, D), lambda i: (0, i, 0)),
            pl.BlockSpec((ROWS_BLK, D), lambda i: (i, 0)),
        ],
        out_shape=out_shapes,
    )(h, edge_attr, redf, V, WE, i_W, r_W, i_Wres, r_Wres, bi, br)



NCH_A = EPT // KA
ZR = 48
SUP = 400
NSUP = EPT // SUP
NSUB = SUP // KB
NSUB_T = EPT // KB

@functools.partial(
    pl.kernel,
    out_type=[jax.ShapeDtypeStruct((E,), jnp.float32),
              jax.ShapeDtypeStruct((E,), jnp.int32),
              jax.ShapeDtypeStruct((NW, N), jnp.float32),
              jax.ShapeDtypeStruct((SC_NC, N, D), jnp.float32)],
    mesh=_MESH,
    compiler_params=pltpu.CompilerParams(needs_layout_passes=False),
    scratch_types=[
        pltpu.VMEM_SHARED((N, D), jnp.float32),
        pltpu.SemaphoreType.DMA,
        pltpu.SemaphoreType.DMA,
        pltpu.SemaphoreType.DMA,
        pltpu.SemaphoreType.DMA,
        pltpu.SemaphoreType.DMA,
    ])
def _edge_all(src_hbm, dst_hbm, ae_hbm, redi_hbm, s2_hbm, dm_hbm, x2_hbm,
              ex_hbm, idx2_hbm, den_hbm, out_hbm,
              acc_sh, isem, osem, msem, gsem, ssem):
    cid = lax.axis_index("c")
    sid = lax.axis_index("s")
    wid = sid * SC_NC + cid
    base0 = wid * EPT
    lane = lax.iota(jnp.int32, 16)

    def scores(redi_v, s2_v, dm_v, src_v, dst_v, ae_v, exc_v, idc_v):
        pltpu.sync_copy(redi_hbm, redi_v)
        pltpu.sync_copy(s2_hbm, s2_v)
        pltpu.sync_copy(dm_hbm, dm_v)

        def start_in(c, par):
            base = base0 + c * KA
            pltpu.async_copy(src_hbm.at[pl.ds(base, KA)],
                             src_v.at[pl.ds(par * KA, KA)], isem)
            pltpu.async_copy(dst_hbm.at[pl.ds(base, KA)],
                             dst_v.at[pl.ds(par * KA, KA)], isem)
            pltpu.async_copy(ae_hbm.at[pl.ds(base, KA)],
                             ae_v.at[pl.ds(par * 2 * KA, KA)], isem)
            pltpu.async_copy(ae_hbm.at[pl.ds(E + base, KA)],
                             ae_v.at[pl.ds(par * 2 * KA + KA, KA)], isem)

        start_in(0, 0)

        def chunk(c, _):
            par = lax.rem(c, 2)
            pltpu.make_async_copy(src_hbm.at[pl.ds(0, KA)],
                                  src_v.at[pl.ds(0, KA)], isem).wait()
            pltpu.make_async_copy(dst_hbm.at[pl.ds(0, KA)],
                                  dst_v.at[pl.ds(0, KA)], isem).wait()
            pltpu.make_async_copy(ae_hbm.at[pl.ds(0, 2 * KA)],
                                  ae_v.at[pl.ds(0, 2 * KA)], isem).wait()

            @pl.when(c < NCH_A - 1)
            def _():
                start_in(c + 1, 1 - par)

            @pl.when(c >= 2)
            def _():
                pltpu.make_async_copy(exc_v.at[pl.ds(0, KA)],
                                      ex_hbm.at[pl.ds(0, KA)], osem).wait()
                pltpu.make_async_copy(idc_v.at[pl.ds(0, KA)],
                                      idx2_hbm.at[pl.ds(0, KA)], osem).wait()

            def grp(j, _):
                s16 = src_v[pl.ds(par * KA + j * 16, 16)]
                d16 = dst_v[pl.ds(par * KA + j * 16, 16)]
                b = plsc.load_gather(redi_v, [d16])
                sv = plsc.load_gather(s2_v, [s16 + b * N])
                dv = plsc.load_gather(dm_v, [d16])
                ae = plsc.load_gather(
                    ae_v, [par * 2 * KA + b * KA + j * 16 + lane])
                a = sv + dv + ae
                a = jnp.where(a > 0, a, 0.2 * a)
                exv = jnp.exp(a)
                exc_v[pl.ds(par * KA + j * 16, 16)] = exv
                idc_v[pl.ds(par * KA + j * 16, 16)] = s16 + b * N
                return 0
            lax.fori_loop(0, KA // 16, grp, 0)
            base = base0 + c * KA
            pltpu.async_copy(exc_v.at[pl.ds(par * KA, KA)],
                             ex_hbm.at[pl.ds(base, KA)], osem)
            pltpu.async_copy(idc_v.at[pl.ds(par * KA, KA)],
                             idx2_hbm.at[pl.ds(base, KA)], osem)
            return 0
        lax.fori_loop(0, NCH_A, chunk, 0)
        for _ in range(4):
            pltpu.make_async_copy(exc_v.at[pl.ds(0, KA)],
                                  ex_hbm.at[pl.ds(0, KA)], osem).wait()

    pl.run_scoped(
        scores,
        pltpu.VMEM((N,), jnp.int32),
        pltpu.VMEM((2 * N,), jnp.float32),
        pltpu.VMEM((N,), jnp.float32),
        pltpu.VMEM((2 * KA,), jnp.int32),
        pltpu.VMEM((2 * KA,), jnp.int32),
        pltpu.VMEM((4 * KA,), jnp.float32),
        pltpu.VMEM((2 * KA,), jnp.float32),
        pltpu.VMEM((2 * KA,), jnp.int32),
    )

    def apply(i2b, dsb, exb, dstw, rows_v, zero_v, den_v):
        def zbody(i, _):
            den_v[pl.ds(i * 16, 16)] = jnp.zeros((16,), jnp.float32)
            return 0
        lax.fori_loop(0, N // 16, zbody, 0)

        def zb(r, _):
            for t in range(8):
                zero_v[r, pl.ds(t * 16, 16)] = jnp.zeros((16,), jnp.float32)
            return 0
        lax.fori_loop(0, ZR, zb, 0)
        for k in range(13):
            pltpu.sync_copy(zero_v, acc_sh.at[pl.ds(sid * 624 + k * ZR, ZR)])
        @pl.when(sid == SC_NS - 1)
        def _():
            pltpu.sync_copy(zero_v.at[pl.ds(0, 16)], acc_sh.at[pl.ds(9984, 16)])

        def start_meta(s, mpar):
            base = base0 + s * SUP
            pltpu.async_copy(idx2_hbm.at[pl.ds(base, SUP)],
                             i2b.at[pl.ds(mpar * SUP, SUP)], msem)
            pltpu.async_copy(dst_hbm.at[pl.ds(base, SUP)],
                             dsb.at[pl.ds(mpar * SUP, SUP)], msem)
            pltpu.async_copy(ex_hbm.at[pl.ds(base, SUP)],
                             exb.at[pl.ds(mpar * SUP, SUP)], msem)

        def wait_meta():
            pltpu.make_async_copy(idx2_hbm.at[pl.ds(0, SUP)],
                                  i2b.at[pl.ds(0, SUP)], msem).wait()
            pltpu.make_async_copy(dst_hbm.at[pl.ds(0, SUP)],
                                  dsb.at[pl.ds(0, SUP)], msem).wait()
            pltpu.make_async_copy(ex_hbm.at[pl.ds(0, SUP)],
                                  exb.at[pl.ds(0, SUP)], msem).wait()

        start_meta(0, 0)
        plsc.subcore_barrier()

        def wait_gather(par):
            pltpu.make_async_copy(x2_hbm.at[pl.ds(0, KB)],
                                  rows_v.at[pl.ds(par * KB, KB)], gsem).wait()

        def wait_scatter():
            pltpu.make_async_copy(rows_v.at[pl.ds(0, KB)],
                                  acc_sh.at[pl.ds(0, KB)], ssem).wait()

        def start_gather(k):
            par = lax.rem(k, 3)
            mpar = lax.rem(k // NSUB, 2)
            off = lax.rem(k, NSUB) * KB
            pltpu.async_copy(x2_hbm.at[i2b.at[pl.ds(mpar * SUP + off, KB)]],
                             rows_v.at[pl.ds(par * KB, KB)], gsem)

        def sub(k, _):
            par = lax.rem(k, 3)
            mpar = lax.rem(k // NSUB, 2)
            off = lax.rem(k, NSUB) * KB

            @pl.when(k == 0)
            def _():
                wait_meta()
                start_gather(0)

            @pl.when((lax.rem(k, NSUB) == 0) & (k // NSUB < NSUP - 1))
            def _():
                start_meta(k // NSUB + 1, 1 - mpar)

            wait_gather(par)

            @pl.when(k >= 2)
            def _():
                wait_scatter()

            @pl.when(k < NSUB_T - 1)
            def _():
                @pl.when(lax.rem(k, NSUB) == NSUB - 1)
                def _():
                    wait_meta()
                start_gather(k + 1)

            for g in range(KB // 16):
                d16 = dsb[pl.ds(mpar * SUP + off + g * 16, 16)]
                dstw[par, pl.ds(g * 16, 16)] = d16
                plsc.addupdate_scatter(
                    den_v, [d16], exb[pl.ds(mpar * SUP + off + g * 16, 16)])

            def rowb(g, _):
                al16 = exb[pl.ds(mpar * SUP + off + g * 16, 16)]
                for kk in range(16):
                    r = par * KB + g * 16 + kk
                    asc = al16[kk]
                    for t in range(8):
                        rows_v[r, pl.ds(t * 16, 16)] = (
                            rows_v[r, pl.ds(t * 16, 16)] * asc)
                return 0
            lax.fori_loop(0, KB // 16, rowb, 0)

            pltpu.async_copy(rows_v.at[pl.ds(par * KB, KB)],
                             acc_sh.at[dstw.at[par]], ssem, add=True)
            return 0
        lax.fori_loop(0, NSUB_T, sub, 0)
        wait_scatter()
        wait_scatter()
        pltpu.sync_copy(den_v, den_hbm.at[wid])

        plsc.subcore_barrier()
        pltpu.sync_copy(acc_sh.at[pl.ds(sid * 624, 624)],
                        out_hbm.at[cid, pl.ds(sid * 624, 624)])
        @pl.when(sid == SC_NS - 1)
        def _():
            pltpu.sync_copy(acc_sh.at[pl.ds(9984, 16)],
                            out_hbm.at[cid, pl.ds(9984, 16)])

    pl.run_scoped(
        apply,
        pltpu.VMEM((2 * SUP,), jnp.int32),
        pltpu.VMEM((2 * SUP,), jnp.int32),
        pltpu.VMEM((2 * SUP,), jnp.float32),
        pltpu.VMEM((3, KB), jnp.int32),
        pltpu.VMEM((3 * KB, D), jnp.float32),
        pltpu.VMEM((ZR, D), jnp.float32),
        pltpu.VMEM((N,), jnp.float32),
    )



FROWS = 2048

def _final_body(acc_ref, den_ref, res_ref, out_ref):
    rden = 1.0 / (jnp.sum(den_ref[...], axis=0) + 1e-16)
    out_ref[...] = jnp.maximum(
        (acc_ref[0] + acc_ref[1]) * rden[:, None] + res_ref[...], 0.0)


def _final_phase(acc, den_parts, res):
    nblk = (N + FROWS - 1) // FROWS
    return pl.pallas_call(
        _final_body,
        grid=(nblk,),
        in_specs=[
            pl.BlockSpec((2, FROWS, D), lambda i: (0, i, 0)),
            pl.BlockSpec((NW, FROWS), lambda i: (0, i)),
            pl.BlockSpec((FROWS, D), lambda i: (i, 0)),
        ],
        out_specs=pl.BlockSpec((FROWS, D), lambda i: (i, 0)),
        out_shape=jax.ShapeDtypeStruct((N, D), jnp.float32),
    )(acc, den_parts, res)



def kernel(h, edge_index, edge_attr, reducible,
           r_W, r_att_s, r_att_d, r_We, r_att_e, r_Wres, r_b,
           i_W, i_att_s, i_att_d, i_We, i_att_e, i_Wres, i_b):
    V = jnp.stack([i_W @ i_att_s, r_W @ r_att_s, i_W @ i_att_d, r_W @ r_att_d],
                  axis=1)
    V = jnp.pad(V, ((0, 0), (0, 4)))
    WE = jnp.stack([i_We @ i_att_e, r_We @ r_att_e], axis=1)
    redf = reducible.astype(jnp.float32)[:, None]

    scal, ae2, ox, res = _dense_phase(h, edge_attr, redf, V, WE,
                                      i_W, r_W, i_Wres, r_Wres,
                                      i_b[None, :], r_b[None, :])

    src = edge_index[0]
    dst = edge_index[1]
    redi = reducible.astype(jnp.int32)
    s2 = jnp.concatenate([scal[:, 0], scal[:, 1]])
    dm = scal[:, 2]
    ae_flat = ae2.reshape(2 * E)

    x2 = ox.reshape(2 * N, D)
    _ex, _idx2, den_parts, acc = _edge_all(src, dst, ae_flat, redi, s2, dm, x2)

    return _final_phase(acc, den_parts, res)

# --- scband reference (transcript-rebuilt; emitter-appended) ---
"""Pipeline reference for scband-processing-block-15040975470802 (READ-ONLY COPY).

The authoritative reference and input builder live on the scoring server;
editing this copy changes nothing except your own understanding.
"""

import jax, jax.numpy as jnp
import numpy as np

N = 10000
E = 320000
D = 128
ED = 16

def _gat(h, edge_index, edge_attr, W, att_s, att_d, We, att_e, Wres, b):
    src = edge_index[0]
    dst = edge_index[1]
    x = h @ W
    e = edge_attr @ We
    a = (x * att_s).sum(axis=-1)[src] + (x * att_d).sum(axis=-1)[dst] + (e * att_e).sum(axis=-1)
    a = jnp.where(a > 0, a, 0.2 * a)
    amax = jax.lax.stop_gradient(jax.ops.segment_max(a, dst, num_segments=N))
    amax = jnp.where(jnp.isfinite(amax), amax, 0.0)
    ex = jnp.exp(a - amax[dst])
    den = jax.ops.segment_sum(ex, dst, num_segments=N)
    alpha = ex / (den[dst] + 1e-16)
    out = jax.ops.segment_sum(x[src] * alpha[:, None], dst, num_segments=N)
    return out + h @ Wres + b

def setup_inputs(seed: int = 0):
    key = jax.random.key(seed)
    ks = jax.random.split(key, 16)
    inp = {}
    inp["h"] = jax.random.normal(ks[0], (N, D), dtype=jnp.float32)
    inp["edge_index"] = jax.random.randint(ks[1], (2, E), 0, N)
    inp["edge_attr"] = jax.random.normal(ks[2], (E, ED), dtype=jnp.float32)
    inp["reducible"] = jax.random.randint(ks[3], (N,), 0, 2).astype(bool)
    sc = 1.0 / np.sqrt(D)
    sce = 1.0 / np.sqrt(ED)
    for i, pre in enumerate(["r_", "i_"]):
        base = 4 + i * 6
        inp[pre + "W"] = jax.random.normal(ks[base], (D, D), dtype=jnp.float32) * sc
        inp[pre + "att_s"] = jax.random.normal(ks[base + 1], (D,), dtype=jnp.float32) * sc
        inp[pre + "att_d"] = jax.random.normal(ks[base + 2], (D,), dtype=jnp.float32) * sc
        inp[pre + "We"] = jax.random.normal(ks[base + 3], (ED, D), dtype=jnp.float32) * sce
        inp[pre + "att_e"] = jax.random.normal(ks[base + 4], (D,), dtype=jnp.float32) * sc
        inp[pre + "Wres"] = jax.random.normal(ks[base + 5], (D, D), dtype=jnp.float32) * sc
        inp[pre + "b"] = jnp.zeros((D,), dtype=jnp.float32)
    return inp

def reference(h, edge_index, edge_attr, reducible,
              r_W, r_att_s, r_att_d, r_We, r_att_e, r_Wres, r_b,
              i_W, i_att_s, i_att_d, i_We, i_att_e, i_Wres, i_b):
    out_r = _gat(h, edge_index, edge_attr, r_W, r_att_s, r_att_d, r_We, r_att_e, r_Wres, r_b)
    out_i = _gat(h, edge_index, edge_attr, i_W, i_att_s, i_att_d, i_We, i_att_e, i_Wres, i_b)
    out = jnp.where(reducible[:, None], out_r, out_i)
    return jax.nn.relu(out)

if __name__ == "__main__":
    import jax
    _d = setup_inputs()
    print(jax.jit(kernel)(*tuple(_d.values())))

</pallas_src>

<mosaic_0001>
#map = affine_map<(d0, d1) -> (0)>
#map1 = affine_map<(d0, d1) -> (0, 0)>
#map2 = affine_map<(d0, d1) -> (0, 0, 0)>
module attributes {stable_mosaic.version = 14 : i64} {
  func.func @_edge_all(%arg0: i32, %arg1: i32, %arg2: memref<320000xi32, #tpu.memory_space<hbm>>, %arg3: memref<320000xi32, #tpu.memory_space<hbm>>, %arg4: memref<640000xf32, #tpu.memory_space<hbm>>, %arg5: memref<10000xi32, #tpu.memory_space<hbm>>, %arg6: memref<20000xf32, #tpu.memory_space<hbm>>, %arg7: memref<10000xf32, #tpu.memory_space<hbm>>, %arg8: memref<20000x128xf32, #tpu.memory_space<hbm>>, %arg9: memref<320000xf32, #tpu.memory_space<hbm>>, %arg10: memref<320000xi32, #tpu.memory_space<hbm>>, %arg11: memref<32x10000xf32, #tpu.memory_space<hbm>>, %arg12: memref<2x10000x128xf32, #tpu.memory_space<hbm>>, %arg13: memref<10000x128xf32, #tpu.memory_space<vmem_shared>>, %arg14: memref<!tpu.dma_semaphore, #tpu.memory_space<semaphore_mem>>, %arg15: memref<!tpu.dma_semaphore, #tpu.memory_space<semaphore_mem>>, %arg16: memref<!tpu.dma_semaphore, #tpu.memory_space<semaphore_mem>>, %arg17: memref<!tpu.dma_semaphore, #tpu.memory_space<semaphore_mem>>, %arg18: memref<!tpu.dma_semaphore, #tpu.memory_space<semaphore_mem>>) attributes {dimension_semantics = [#tpu.dimension_semantics<core_parallel>, #tpu.dimension_semantics<subcore_parallel>], iteration_bounds = array<i64: 2, 16>, scalar_prefetch = 0 : i64, scratch_operands = 6 : i64, tpu.core_type = #tpu.core_type<sc_vector_subcore>, window_params = [{transform_indices = #map}, {transform_indices = #map}, {transform_indices = #map}, {transform_indices = #map}, {transform_indices = #map}, {transform_indices = #map}, {transform_indices = #map1}, {transform_indices = #map}, {transform_indices = #map}, {transform_indices = #map1}, {transform_indices = #map2}]} {
    %mul3A = arith.constant 2 : i32
    %mul3A_0 = arith.muli %arg1, %mul3A : i32
    %add3A = arith.addi %mul3A_0, %arg0 : i32
    %mul3A_1 = arith.constant 10000 : i32
    %mul3A_2 = arith.muli %add3A, %mul3A_1 : i32
    %iota3A = tpu.iota {dimensions = array<i32: 0>} : vector<16xi32>
    "tpu.region"() ({
      %run_scoped3A = memref.alloca() : memref<10000xi32, #tpu.memory_space<vmem>>
      %run_scoped3A_3 = memref.alloca() : memref<20000xf32, #tpu.memory_space<vmem>>
      %run_scoped3A_4 = memref.alloca() : memref<10000xf32, #tpu.memory_space<vmem>>
      %run_scoped3A_5 = memref.alloca() : memref<800xi32, #tpu.memory_space<vmem>>
      %run_scoped3A_6 = memref.alloca() : memref<800xi32, #tpu.memory_space<vmem>>
      %run_scoped3A_7 = memref.alloca() : memref<1600xf32, #tpu.memory_space<vmem>>
      %run_scoped3A_8 = memref.alloca() : memref<800xf32, #tpu.memory_space<vmem>>
      %run_scoped3A_9 = memref.alloca() : memref<800xi32, #tpu.memory_space<vmem>>
      "tpu.region"() ({
        %run_scoped3A_74 = tpu.sem_alloc : memref<!tpu.dma_semaphore, #tpu.memory_space<semaphore_mem>>
        tpu.enqueue_dma source(%arg5 : memref<10000xi32, #tpu.memory_space<hbm>>) target(%run_scoped3A : memref<10000xi32, #tpu.memory_space<vmem>>) target_semaphore(%run_scoped3A_74 : memref<!tpu.dma_semaphore, #tpu.memory_space<semaphore_mem>>)
        tpu.wait_dma2 semaphore(%run_scoped3A_74 : memref<!tpu.dma_semaphore, #tpu.memory_space<semaphore_mem>>) src(%arg5 : memref<10000xi32, #tpu.memory_space<hbm>>) dst(%run_scoped3A : memref<10000xi32, #tpu.memory_space<vmem>>)
        tpu.yield
      }) : () -> ()
      "tpu.region"() ({
        %run_scoped3A_74 = tpu.sem_alloc : memref<!tpu.dma_semaphore, #tpu.memory_space<semaphore_mem>>
        tpu.enqueue_dma source(%arg6 : memref<20000xf32, #tpu.memory_space<hbm>>) target(%run_scoped3A_3 : memref<20000xf32, #tpu.memory_space<vmem>>) target_semaphore(%run_scoped3A_74 : memref<!tpu.dma_semaphore, #tpu.memory_space<semaphore_mem>>)
        tpu.wait_dma2 semaphore(%run_scoped3A_74 : memref<!tpu.dma_semaphore, #tpu.memory_space<semaphore_mem>>) src(%arg6 : memref<20000xf32, #tpu.memory_space<hbm>>) dst(%run_scoped3A_3 : memref<20000xf32, #tpu.memory_space<vmem>>)
        tpu.yield
      }) : () -> ()
      "tpu.region"() ({
        %run_scoped3A_74 = tpu.sem_alloc : memref<!tpu.dma_semaphore, #tpu.memory_space<semaphore_mem>>
        tpu.enqueue_dma source(%arg7 : memref<10000xf32, #tpu.memory_space<hbm>>) target(%run_scoped3A_4 : memref<10000xf32, #tpu.memory_space<vmem>>) target_semaphore(%run_scoped3A_74 : memref<!tpu.dma_semaphore, #tpu.memory_space<semaphore_mem>>)
        tpu.wait_dma2 semaphore(%run_scoped3A_74 : memref<!tpu.dma_semaphore, #tpu.memory_space<semaphore_mem>>) src(%arg7 : memref<10000xf32, #tpu.memory_space<hbm>>) dst(%run_scoped3A_4 : memref<10000xf32, #tpu.memory_space<vmem>>)
        tpu.yield
      }) : () -> ()
      %add3A_10 = arith.constant 0 : i32
      %add3A_11 = arith.addi %mul3A_2, %add3A_10 : i32
      %dma_start3A = arith.constant 0 : i32
      %dma_start3A_12 = tpu.memref_slice %run_scoped3A_5[%dma_start3A] : memref<800xi32, #tpu.memory_space<vmem>> -> memref<400xi32, #tpu.memory_space<vmem>>
      %dma_start3A_13 = tpu.memref_slice %arg2[%add3A_11] : memref<320000xi32, #tpu.memory_space<hbm>> -> memref<400xi32, #tpu.memory_space<hbm>>
      %dma_start3A_14 = arith.constant 0 : i32
      %dma_start3A_15 = tpu.memref_slice %run_scoped3A_5[%dma_start3A_14] : memref<800xi32, #tpu.memory_space<vmem>> -> memref<400xi32, #tpu.memory_space<vmem>>
      %dma_start3A_16 = tpu.memref_slice %arg2[%add3A_11] : memref<320000xi32, #tpu.memory_space<hbm>> -> memref<400xi32, #tpu.memory_space<hbm>>
      tpu.enqueue_dma source(%dma_start3A_16 : memref<400xi32, #tpu.memory_space<hbm>>) target(%dma_start3A_15 : memref<400xi32, #tpu.memory_space<vmem>>) target_semaphore(%arg14 : memref<!tpu.dma_semaphore, #tpu.memory_space<semaphore_mem>>)
      %dma_start3A_17 = arith.constant 0 : i32
      %dma_start3A_18 = tpu.memref_slice %run_scoped3A_6[%dma_start3A_17] : memref<800xi32, #tpu.memory_space<vmem>> -> memref<400xi32, #tpu.memory_space<vmem>>
      %dma_start3A_19 = tpu.memref_slice %arg3[%add3A_11] : memref<320000xi32, #tpu.memory_space<hbm>> -> memref<400xi32, #tpu.memory_space<hbm>>
      %dma_start3A_20 = arith.constant 0 : i32
      %dma_start3A_21 = tpu.memref_slice %run_scoped3A_6[%dma_start3A_20] : memref<800xi32, #tpu.memory_space<vmem>> -> memref<400xi32, #tpu.memory_space<vmem>>
      %dma_start3A_22 = tpu.memref_slice %arg3[%add3A_11] : memref<320000xi32, #tpu.memory_space<hbm>> -> memref<400xi32, #tpu.memory_space<hbm>>
      tpu.enqueue_dma source(%dma_start3A_22 : memref<400xi32, #tpu.memory_space<hbm>>) target(%dma_start3A_21 : memref<400xi32, #tpu.memory_space<vmem>>) target_semaphore(%arg14 : memref<!tpu.dma_semaphore, #tpu.memory_space<semaphore_mem>>)
      %dma_start3A_23 = arith.constant 0 : i32
      %dma_start3A_24 = tpu.memref_slice %run_scoped3A_7[%dma_start3A_23] : memref<1600xf32, #tpu.memory_space<vmem>> -> memref<400xf32, #tpu.memory_space<vmem>>
      %dma_start3A_25 = tpu.memref_slice %arg4[%add3A_11] : memref<640000xf32, #tpu.memory_space<hbm>> -> memref<400xf32, #tpu.memory_space<hbm>>
      %dma_start3A_26 = arith.constant 0 : i32
      %dma_start3A_27 = tpu.memref_slice %run_scoped3A_7[%dma_start3A_26] : memref<1600xf32, #tpu.memory_space<vmem>> -> memref<400xf32, #tpu.memory_space<vmem>>
      %dma_start3A_28 = tpu.memref_slice %arg4[%add3A_11] : memref<640000xf32, #tpu.memory_space<hbm>> -> memref<400xf32, #tpu.memory_space<hbm>>
      tpu.enqueue_dma source(%dma_start3A_28 : memref<400xf32, #tpu.memory_space<hbm>>) target(%dma_start3A_27 : memref<400xf32, #tpu.memory_space<vmem>>) target_semaphore(%arg14 : memref<!tpu.dma_semaphore, #tpu.memory_space<semaphore_mem>>)
      %add3A_29 = arith.constant 320000 : i32
      %add3A_30 = arith.addi %add3A_29, %add3A_11 : i32
      %dma_start3A_31 = arith.constant 400 : i32
      %dma_start3A_32 = tpu.memref_slice %run_scoped3A_7[%dma_start3A_31] : memref<1600xf32, #tpu.memory_space<vmem>> -> memref<400xf32, #tpu.memory_space<vmem>>
      %dma_start3A_33 = tpu.memref_slice %arg4[%add3A_30] : memref<640000xf32, #tpu.memory_space<hbm>> -> memref<400xf32, #tpu.memory_space<hbm>>
      %dma_start3A_34 = arith.constant 400 : i32
      %dma_start3A_35 = tpu.memref_slice %run_scoped3A_7[%dma_start3A_34] : memref<1600xf32, #tpu.memory_space<vmem>> -> memref<400xf32, #tpu.memory_space<vmem>>
      %dma_start3A_36 = tpu.memref_slice %arg4[%add3A_30] : memref<640000xf32, #tpu.memory_space<hbm>> -> memref<400xf32, #tpu.memory_space<hbm>>
      tpu.enqueue_dma source(%dma_start3A_36 : memref<400xf32, #tpu.memory_space<hbm>>) target(%dma_start3A_35 : memref<400xf32, #tpu.memory_space<vmem>>) target_semaphore(%arg14 : memref<!tpu.dma_semaphore, #tpu.memory_space<semaphore_mem>>)
      %scan3A = arith.constant 0 : i32
      %scan3A_37 = arith.constant 0 : i32
      %scan3A_38 = arith.constant 25 : i32
      %scan3A_39 = arith.addi %scan3A_37, %scan3A_38 : i32
      %scan3A_40 = arith.constant 1 : i32
      %scan3A_41 = scf.for %scan3A_74 = %scan3A_37 to %scan3A_39 step %scan3A_40 iter_args(%scan3A_75 = %scan3A) -> (i32)  : i32 {
        %rem3A = arith.constant 2 : i32
        %rem3A_76 = arith.remsi %scan3A_74, %rem3A : i32
        %dma_wait3A_77 = arith.constant 0 : i32
        %dma_wait3A_78 = tpu.memref_slice %run_scoped3A_5[%dma_wait3A_77] : memref<800xi32, #tpu.memory_space<vmem>> -> memref<400xi32, #tpu.memory_space<vmem>>
        %dma_wait3A_79 = arith.constant 0 : i32
        %dma_wait3A_80 = tpu.memref_slice %arg2[%dma_wait3A_79] : memref<320000xi32, #tpu.memory_space<hbm>> -> memref<400xi32, #tpu.memory_space<hbm>>
        %dma_wait3A_81 = arith.constant 0 : i32
        %dma_wait3A_82 = tpu.memref_slice %run_scoped3A_5[%dma_wait3A_81] : memref<800xi32, #tpu.memory_space<vmem>> -> memref<400xi32, #tpu.memory_space<vmem>>
        %dma_wait3A_83 = arith.constant 0 : i32
        %dma_wait3A_84 = tpu.memref_slice %arg2[%dma_wait3A_83] : memref<320000xi32, #tpu.memory_space<hbm>> -> memref<400xi32, #tpu.memory_space<hbm>>
        tpu.wait_dma2 semaphore(%arg14 : memref<!tpu.dma_semaphore, #tpu.memory_space<semaphore_mem>>) src(%dma_wait3A_84 : memref<400xi32, #tpu.memory_space<hbm>>) dst(%dma_wait3A_82 : memref<400xi32, #tpu.memory_space<vmem>>)
        %dma_wait3A_85 = arith.constant 0 : i32
        %dma_wait3A_86 = tpu.memref_slice %run_scoped3A_6[%dma_wait3A_85] : memref<800xi32, #tpu.memory_space<vmem>> -> memref<400xi32, #tpu.memory_space<vmem>>
        %dma_wait3A_87 = arith.constant 0 : i32
        %dma_wait3A_88 = tpu.memref_slice %arg3[%dma_wait3A_87] : memref<320000xi32, #tpu.memory_space<hbm>> -> memref<400xi32, #tpu.memory_space<hbm>>
        %dma_wait3A_89 = arith.constant 0 : i32
        %dma_wait3A_90 = tpu.memref_slice %run_scoped3A_6[%dma_wait3A_89] : memref<800xi32, #tpu.memory_space<vmem>> -> memref<400xi32, #tpu.memory_space<vmem>>
        %dma_wait3A_91 = arith.constant 0 : i32
        %dma_wait3A_92 = tpu.memref_slice %arg3[%dma_wait3A_91] : memref<320000xi32, #tpu.memory_space<hbm>> -> memref<400xi32, #tpu.memory_space<hbm>>
        tpu.wait_dma2 semaphore(%arg14 : memref<!tpu.dma_semaphore, #tpu.memory_space<semaphore_mem>>) src(%dma_wait3A_92 : memref<400xi32, #tpu.memory_space<hbm>>) dst(%dma_wait3A_90 : memref<400xi32, #tpu.memory_space<vmem>>)
        %dma_wait3A_93 = arith.constant 0 : i32
        %dma_wait3A_94 = tpu.memref_slice %run_scoped3A_7[%dma_wait3A_93] : memref<1600xf32, #tpu.memory_space<vmem>> -> memref<800xf32, #tpu.memory_space<vmem>>
        %dma_wait3A_95 = arith.constant 0 : i32
        %dma_wait3A_96 = tpu.memref_slice %arg4[%dma_wait3A_95] : memref<640000xf32, #tpu.memory_space<hbm>> -> memref<800xf32, #tpu.memory_space<hbm>>
        %dma_wait3A_97 = arith.constant 0 : i32
        %dma_wait3A_98 = tpu.memref_slice %run_scoped3A_7[%dma_wait3A_97] : memref<1600xf32, #tpu.memory_space<vmem>> -> memref<800xf32, #tpu.memory_space<vmem>>
        %dma_wait3A_99 = arith.constant 0 : i32
        %dma_wait3A_100 = tpu.memref_slice %arg4[%dma_wait3A_99] : memref<640000xf32, #tpu.memory_space<hbm>> -> memref<800xf32, #tpu.memory_space<hbm>>
        tpu.wait_dma2 semaphore(%arg14 : memref<!tpu.dma_semaphore, #tpu.memory_space<semaphore_mem>>) src(%dma_wait3A_100 : memref<800xf32, #tpu.memory_space<hbm>>) dst(%dma_wait3A_98 : memref<800xf32, #tpu.memory_space<vmem>>)
        %lt3A = arith.constant 24 : i32
        %lt3A_101 = arith.cmpi slt, %scan3A_74, %lt3A : i32
        %convert_element_type3A = arith.extui %lt3A_101 : i1 to i32
        %cond3A = arith.constant 0 : i32
        %cond3A_102 = arith.cmpi ne, %convert_element_type3A, %cond3A : i32
        scf.if %cond3A_102 {
          %add3A_130 = arith.constant 1 : i32
          %add3A_131 = arith.addi %scan3A_74, %add3A_130 : i32
          %sub3A = arith.constant 1 : i32
          %sub3A_132 = arith.subi %sub3A, %rem3A_76 : i32
          %mul3A_133 = arith.constant 400 : i32
          %mul3A_134 = arith.muli %add3A_131, %mul3A_133 : i32
          %add3A_135 = arith.addi %mul3A_2, %mul3A_134 : i32
          %mul3A_136 = arith.constant 400 : i32
          %mul3A_137 = arith.muli %sub3A_132, %mul3A_136 : i32
          %dma_start3A_138 = tpu.memref_slice %run_scoped3A_5[%mul3A_137] : memref<800xi32, #tpu.memory_space<vmem>> -> memref<400xi32, #tpu.memory_space<vmem>>
          %dma_start3A_139 = tpu.memref_slice %arg2[%add3A_135] : memref<320000xi32, #tpu.memory_space<hbm>> -> memref<400xi32, #tpu.memory_space<hbm>>
          %dma_start3A_140 = tpu.memref_slice %run_scoped3A_5[%mul3A_137] : memref<800xi32, #tpu.memory_space<vmem>> -> memref<400xi32, #tpu.memory_space<vmem>>
          %dma_start3A_141 = tpu.memref_slice %arg2[%add3A_135] : memref<320000xi32, #tpu.memory_space<hbm>> -> memref<400xi32, #tpu.memory_space<hbm>>
          tpu.enqueue_dma source(%dma_start3A_141 : memref<400xi32, #tpu.memory_space<hbm>>) target(%dma_start3A_140 : memref<400xi32, #tpu.memory_space<vmem>>) target_semaphore(%arg14 : memref<!tpu.dma_semaphore, #tpu.memory_space<semaphore_mem>>)
          %mul3A_142 = arith.constant 400 : i32
          %mul3A_143 = arith.muli %sub3A_132, %mul3A_142 : i32
          %dma_start3A_144 = tpu.memref_slice %run_scoped3A_6[%mul3A_143] : memref<800xi32, #tpu.memory_space<vmem>> -> memref<400xi32, #tpu.memory_space<vmem>>
          %dma_start3A_145 = tpu.memref_slice %arg3[%add3A_135] : memref<320000xi32, #tpu.memory_space<hbm>> -> memref<400xi32, #tpu.memory_space<hbm>>
          %dma_start3A_146 = tpu.memref_slice %run_scoped3A_6[%mul3A_143] : memref<800xi32, #tpu.memory_space<vmem>> -> memref<400xi32, #tpu.memory_space<vmem>>
          %dma_start3A_147 = tpu.memref_slice %arg3[%add3A_135] : memref<320000xi32, #tpu.memory_space<hbm>> -> memref<400xi32, #tpu.memory_space<hbm>>
          tpu.enqueue_dma source(%dma_start3A_147 : memref<400xi32, #tpu.memory_space<hbm>>) target(%dma_start3A_146 : memref<400xi32, #tpu.memory_space<vmem>>) target_semaphore(%arg14 : memref<!tpu.dma_semaphore, #tpu.memory_space<semaphore_mem>>)
          %mul3A_148 = arith.constant 2 : i32
          %mul3A_149 = arith.muli %sub3A_132, %mul3A_148 : i32
          %mul3A_150 = arith.constant 400 : i32
          %mul3A_151 = arith.muli %mul3A_149, %mul3A_150 : i32
          %dma_start3A_152 = tpu.memref_slice %run_scoped3A_7[%mul3A_151] : memref<1600xf32, #tpu.memory_space<vmem>> -> memref<400xf32, #tpu.memory_space<vmem>>
          %dma_start3A_153 = tpu.memref_slice %arg4[%add3A_135] : memref<640000xf32, #tpu.memory_space<hbm>> -> memref<400xf32, #tpu.memory_space<hbm>>
          %dma_start3A_154 = tpu.memref_slice %run_scoped3A_7[%mul3A_151] : memref<1600xf32, #tpu.memory_space<vmem>> -> memref<400xf32, #tpu.memory_space<vmem>>
          %dma_start3A_155 = tpu.memref_slice %arg4[%add3A_135] : memref<640000xf32, #tpu.memory_space<hbm>> -> memref<400xf32, #tpu.memory_space<hbm>>
          tpu.enqueue_dma source(%dma_start3A_155 : memref<400xf32, #tpu.memory_space<hbm>>) target(%dma_start3A_154 : memref<400xf32, #tpu.memory_space<vmem>>) target_semaphore(%arg14 : memref<!tpu.dma_semaphore, #tpu.memory_space<semaphore_mem>>)
          %add3A_156 = arith.constant 320000 : i32
          %add3A_157 = arith.addi %add3A_156, %add3A_135 : i32
          %mul3A_158 = arith.constant 2 : i32
          %mul3A_159 = arith.muli %sub3A_132, %mul3A_158 : i32
          %mul3A_160 = arith.constant 400 : i32
          %mul3A_161 = arith.muli %mul3A_159, %mul3A_160 : i32
          %add3A_162 = arith.constant 400 : i32
          %add3A_163 = arith.addi %mul3A_161, %add3A_162 : i32
          %dma_start3A_164 = tpu.memref_slice %run_scoped3A_7[%add3A_163] : memref<1600xf32, #tpu.memory_space<vmem>> -> memref<400xf32, #tpu.memory_space<vmem>>
          %dma_start3A_165 = tpu.memref_slice %arg4[%add3A_157] : memref<640000xf32, #tpu.memory_space<hbm>> -> memref<400xf32, #tpu.memory_space<hbm>>
          %dma_start3A_166 = tpu.memref_slice %run_scoped3A_7[%add3A_163] : memref<1600xf32, #tpu.memory_space<vmem>> -> memref<400xf32, #tpu.memory_space<vmem>>
          %dma_start3A_167 = tpu.memref_slice %arg4[%add3A_157] : memref<640000xf32, #tpu.memory_space<hbm>> -> memref<400xf32, #tpu.memory_space<hbm>>
          tpu.enqueue_dma source(%dma_start3A_167 : memref<400xf32, #tpu.memory_space<hbm>>) target(%dma_start3A_166 : memref<400xf32, #tpu.memory_space<vmem>>) target_semaphore(%arg14 : memref<!tpu.dma_semaphore, #tpu.memory_space<semaphore_mem>>)
        } else {
        }
        %ge3A = arith.constant 2 : i32
        %ge3A_103 = arith.cmpi sge, %scan3A_74, %ge3A : i32
        %convert_element_type3A_104 = arith.extui %ge3A_103 : i1 to i32
        %cond3A_105 = arith.constant 0 : i32
        %cond3A_106 = arith.cmpi ne, %convert_element_type3A_104, %cond3A_105 : i32
        scf.if %cond3A_106 {
          %dma_wait3A_130 = arith.constant 0 : i32
          %dma_wait3A_131 = tpu.memref_slice %run_scoped3A_8[%dma_wait3A_130] : memref<800xf32, #tpu.memory_space<vmem>> -> memref<400xf32, #tpu.memory_space<vmem>>
          %dma_wait3A_132 = arith.constant 0 : i32
          %dma_wait3A_133 = tpu.memref_slice %arg9[%dma_wait3A_132] : memref<320000xf32, #tpu.memory_space<hbm>> -> memref<400xf32, #tpu.memory_space<hbm>>
          %dma_wait3A_134 = arith.constant 0 : i32
          %dma_wait3A_135 = tpu.memref_slice %arg9[%dma_wait3A_134] : memref<320000xf32, #tpu.memory_space<hbm>> -> memref<400xf32, #tpu.memory_space<hbm>>
          %dma_wait3A_136 = arith.constant 0 : i32
          %dma_wait3A_137 = tpu.memref_slice %run_scoped3A_8[%dma_wait3A_136] : memref<800xf32, #tpu.memory_space<vmem>> -> memref<400xf32, #tpu.memory_space<vmem>>
          tpu.wait_dma2 semaphore(%arg15 : memref<!tpu.dma_semaphore, #tpu.memory_space<semaphore_mem>>) src(%dma_wait3A_137 : memref<400xf32, #tpu.memory_space<vmem>>) dst(%dma_wait3A_135 : memref<400xf32, #tpu.memory_space<hbm>>)
          %dma_wait3A_138 = arith.constant 0 : i32
          %dma_wait3A_139 = tpu.memref_slice %run_scoped3A_9[%dma_wait3A_138] : memref<800xi32, #tpu.memory_space<vmem>> -> memref<400xi32, #tpu.memory_space<vmem>>
          %dma_wait3A_140 = arith.constant 0 : i32
          %dma_wait3A_141 = tpu.memref_slice %arg10[%dma_wait3A_140] : memref<320000xi32, #tpu.memory_space<hbm>> -> memref<400xi32, #tpu.memory_space<hbm>>
          %dma_wait3A_142 = arith.constant 0 : i32
          %dma_wait3A_143 = tpu.memref_slice %arg10[%dma_wait3A_142] : memref<320000xi32, #tpu.memory_space<hbm>> -> memref<400xi32, #tpu.memory_space<hbm>>
          %dma_wait3A_144 = arith.constant 0 : i32
          %dma_wait3A_145 = tpu.memref_slice %run_scoped3A_9[%dma_wait3A_144] : memref<800xi32, #tpu.memory_space<vmem>> -> memref<400xi32, #tpu.memory_space<vmem>>
          tpu.wait_dma2 semaphore(%arg15 : memref<!tpu.dma_semaphore, #tpu.memory_space<semaphore_mem>>) src(%dma_wait3A_145 : memref<400xi32, #tpu.memory_space<vmem>>) dst(%dma_wait3A_143 : memref<400xi32, #tpu.memory_space<hbm>>)
        } else {
        }
        %scan3A_107 = arith.constant 0 : i32
        %scan3A_108 = arith.constant 0 : i32
        %scan3A_109 = arith.constant 25 : i32
        %scan3A_110 = arith.addi %scan3A_108, %scan3A_109 : i32
        %scan3A_111 = arith.constant 1 : i32
        %scan3A_112 = scf.for %scan3A_130 = %scan3A_108 to %scan3A_110 step %scan3A_111 iter_args(%scan3A_131 = %scan3A_107) -> (i32)  : i32 {
          %mul3A_132 = arith.constant 400 : i32
          %mul3A_133 = arith.muli %rem3A_76, %mul3A_132 : i32
          %mul3A_134 = arith.constant 16 : i32
          %mul3A_135 = arith.muli %scan3A_130, %mul3A_134 : i32
          %add3A_136 = arith.addi %mul3A_133, %mul3A_135 : i32
          %get3A = arith.index_cast %add3A_136 : i32 to index
          %get3A_137 = tpu.vector_load %run_scoped3A_5[%get3A] {strides = array<i32>} : memref<800xi32, #tpu.memory_space<vmem>>, vector<16xi32>,
          %mul3A_138 = arith.constant 400 : i32
          %mul3A_139 = arith.muli %rem3A_76, %mul3A_138 : i32
          %mul3A_140 = arith.constant 16 : i32
          %mul3A_141 = arith.muli %scan3A_130, %mul3A_140 : i32
          %add3A_142 = arith.addi %mul3A_139, %mul3A_141 : i32
          %get3A_143 = arith.index_cast %add3A_142 : i32 to index
          %get3A_144 = tpu.vector_load %run_scoped3A_6[%get3A_143] {strides = array<i32>} : memref<800xi32, #tpu.memory_space<vmem>>, vector<16xi32>,
          %gather3A = tpu.vector_load_idx %run_scoped3A[%get3A_144] : memref<10000xi32, #tpu.memory_space<vmem>>[vector<16xi32>], vector<16xi32>,
          %mul3A_145 = arith.constant 10000 : i32
          %mul3A_146 = vector.broadcast %mul3A_145 : i32 to vector<16xi32>
          %mul3A_147 = arith.muli %gather3A, %mul3A_146 : vector<16xi32>
          %add3A_148 = arith.addi %get3A_137, %mul3A_147 : vector<16xi32>
          %gather3A_149 = tpu.vector_load_idx %run_scoped3A_3[%add3A_148] : memref<20000xf32, #tpu.memory_space<vmem>>[vector<16xi32>], vector<16xf32>,
          %gather3A_150 = tpu.vector_load_idx %run_scoped3A_4[%get3A_144] : memref<10000xf32, #tpu.memory_space<vmem>>[vector<16xi32>], vector<16xf32>,
          %mul3A_151 = arith.constant 2 : i32
          %mul3A_152 = arith.muli %rem3A_76, %mul3A_151 : i32
          %mul3A_153 = arith.constant 400 : i32
          %mul3A_154 = arith.muli %mul3A_152, %mul3A_153 : i32
          %mul3A_155 = arith.constant 400 : i32
          %mul3A_156 = vector.broadcast %mul3A_155 : i32 to vector<16xi32>
          %mul3A_157 = arith.muli %gather3A, %mul3A_156 : vector<16xi32>
          %add3A_158 = vector.broadcast %mul3A_154 : i32 to vector<16xi32>
          %add3A_159 = arith.addi %add3A_158, %mul3A_157 : vector<16xi32>
          %mul3A_160 = arith.constant 16 : i32
          %mul3A_161 = arith.muli %scan3A_130, %mul3A_160 : i32
          %add3A_162 = vector.broadcast %mul3A_161 : i32 to vector<16xi32>
          %add3A_163 = arith.addi %add3A_159, %add3A_162 : vector<16xi32>
          %add3A_164 = arith.addi %add3A_163, %iota3A : vector<16xi32>
          %gather3A_165 = tpu.vector_load_idx %run_scoped3A_7[%add3A_164] : memref<1600xf32, #tpu.memory_space<vmem>>[vector<16xi32>], vector<16xf32>,
          %add3A_166 = arith.addf %gather3A_149, %gather3A_150 : vector<16xf32>
          %add3A_167 = arith.addf %add3A_166, %gather3A_165 : vector<16xf32>
          %gt3A = arith.constant 0.000000e+00 : f32
          %gt3A_168 = vector.broadcast %gt3A : f32 to vector<16xf32>
          %gt3A_169 = arith.cmpf ogt, %add3A_167, %gt3A_168 : vector<16xf32>
          %mul3A_170 = arith.constant 2.000000e-01 : f32
          %mul3A_171 = vector.broadcast %mul3A_170 : f32 to vector<16xf32>
          %mul3A_172 = arith.mulf %mul3A_171, %add3A_167 : vector<16xf32>
          %select_n3A = arith.select %gt3A_169, %add3A_167, %mul3A_172 : vector<16xi1>, vector<16xf32>
          %exp3A = math.exp %select_n3A : vector<16xf32>
          %mul3A_173 = arith.constant 400 : i32
          %mul3A_174 = arith.muli %rem3A_76, %mul3A_173 : i32
          %mul3A_175 = arith.constant 16 : i32
          %mul3A_176 = arith.muli %scan3A_130, %mul3A_175 : i32
          %add3A_177 = arith.addi %mul3A_174, %mul3A_176 : i32
          %swap3A = arith.index_cast %add3A_177 : i32 to index
          %swap3A_178 = tpu.vector_load %run_scoped3A_8[%swap3A] {strides = array<i32>} : memref<800xf32, #tpu.memory_space<vmem>>, vector<16xf32>,
          tpu.vector_store %run_scoped3A_8[%swap3A], %exp3A {strides = array<i32>} : memref<800xf32, #tpu.memory_space<vmem>>, vector<16xf32>,
          %mul3A_179 = arith.constant 10000 : i32
          %mul3A_180 = vector.broadcast %mul3A_179 : i32 to vector<16xi32>
          %mul3A_181 = arith.muli %gather3A, %mul3A_180 : vector<16xi32>
          %add3A_182 = arith.addi %get3A_137, %mul3A_181 : vector<16xi32>
          %mul3A_183 = arith.constant 400 : i32
          %mul3A_184 = arith.muli %rem3A_76, %mul3A_183 : i32
          %mul3A_185 = arith.constant 16 : i32
          %mul3A_186 = arith.muli %scan3A_130, %mul3A_185 : i32
          %add3A_187 = arith.addi %mul3A_184, %mul3A_186 : i32
          %swap3A_188 = arith.index_cast %add3A_187 : i32 to index
          %swap3A_189 = tpu.vector_load %run_scoped3A_9[%swap3A_188] {strides = array<i32>} : memref<800xi32, #tpu.memory_space<vmem>>, vector<16xi32>,
          tpu.vector_store %run_scoped3A_9[%swap3A_188], %add3A_182 {strides = array<i32>} : memref<800xi32, #tpu.memory_space<vmem>>, vector<16xi32>,
          %scan3A_190 = arith.constant 0 : i32
          scf.yield %scan3A_190 : i32
        }
        %scan3A_113 = arith.constant 25 : i32
        %mul3A_114 = arith.constant 400 : i32
        %mul3A_115 = arith.muli %scan3A_74, %mul3A_114 : i32
        %add3A_116 = arith.addi %mul3A_2, %mul3A_115 : i32
        %mul3A_117 = arith.constant 400 : i32
        %mul3A_118 = arith.muli %rem3A_76, %mul3A_117 : i32
        %dma_start3A_119 = tpu.memref_slice %run_scoped3A_8[%mul3A_118] : memref<800xf32, #tpu.memory_space<vmem>> -> memref<400xf32, #tpu.memory_space<vmem>>
        %dma_start3A_120 = tpu.memref_slice %arg9[%add3A_116] : memref<320000xf32, #tpu.memory_space<hbm>> -> memref<400xf32, #tpu.memory_space<hbm>>
        %dma_start3A_121 = tpu.memref_slice %arg9[%add3A_116] : memref<320000xf32, #tpu.memory_space<hbm>> -> memref<400xf32, #tpu.memory_space<hbm>>
        %dma_start3A_122 = tpu.memref_slice %run_scoped3A_8[%mul3A_118] : memref<800xf32, #tpu.memory_space<vmem>> -> memref<400xf32, #tpu.memory_space<vmem>>
        tpu.enqueue_dma source(%dma_start3A_122 : memref<400xf32, #tpu.memory_space<vmem>>) target(%dma_start3A_121 : memref<400xf32, #tpu.memory_space<hbm>>) target_semaphore(%arg15 : memref<!tpu.dma_semaphore, #tpu.memory_space<semaphore_mem>>)
        %mul3A_123 = arith.constant 400 : i32
        %mul3A_124 = arith.muli %rem3A_76, %mul3A_123 : i32
        %dma_start3A_125 = tpu.memref_slice %run_scoped3A_9[%mul3A_124] : memref<800xi32, #tpu.memory_space<vmem>> -> memref<400xi32, #tpu.memory_space<vmem>>
        %dma_start3A_126 = tpu.memref_slice %arg10[%add3A_116] : memref<320000xi32, #tpu.memory_space<hbm>> -> memref<400xi32, #tpu.memory_space<hbm>>
        %dma_start3A_127 = tpu.memref_slice %arg10[%add3A_116] : memref<320000xi32, #tpu.memory_space<hbm>> -> memref<400xi32, #tpu.memory_space<hbm>>
        %dma_start3A_128 = tpu.memref_slice %run_scoped3A_9[%mul3A_124] : memref<800xi32, #tpu.memory_space<vmem>> -> memref<400xi32, #tpu.memory_space<vmem>>
        tpu.enqueue_dma source(%dma_start3A_128 : memref<400xi32, #tpu.memory_space<vmem>>) target(%dma_start3A_127 : memref<400xi32, #tpu.memory_space<hbm>>) target_semaphore(%arg15 : memref<!tpu.dma_semaphore, #tpu.memory_space<semaphore_mem>>)
        %scan3A_129 = arith.constant 0 : i32
        scf.yield %scan3A_129 : i32
      }
      %scan3A_42 = arith.constant 25 : i32
      %dma_wait3A = arith.constant 0 : i32
      %dma_wait3A_43 = tpu.memref_slice %run_scoped3A_8[%dma_wait3A] : memref<800xf32, #tpu.memory_space<vmem>> -> memref<400xf32, #tpu.memory_space<vmem>>
      %dma_wait3A_44 = arith.constant 0 : i32
      %dma_wait3A_45 = tpu.memref_slice %arg9[%dma_wait3A_44] : memref<320000xf32, #tpu.memory_space<hbm>> -> memref<400xf32, #tpu.memory_space<hbm>>
      %dma_wait3A_46 = arith.constant 0 : i32
      %dma_wait3A_47 = tpu.memref_slice %arg9[%dma_wait3A_46] : memref<320000xf32, #tpu.memory_space<hbm>> -> memref<400xf32, #tpu.memory_space<hbm>>
      %dma_wait3A_48 = arith.constant 0 : i32
      %dma_wait3A_49 = tpu.memref_slice %run_scoped3A_8[%dma_wait3A_48] : memref<800xf32, #tpu.memory_space<vmem>> -> memref<400xf32, #tpu.memory_space<vmem>>
      tpu.wait_dma2 semaphore(%arg15 : memref<!tpu.dma_semaphore, #tpu.memory_space<semaphore_mem>>) src(%dma_wait3A_49 : memref<400xf32, #tpu.memory_space<vmem>>) dst(%dma_wait3A_47 : memref<400xf32, #tpu.memory_space<hbm>>)
      %dma_wait3A_50 = arith.constant 0 : i32
      %dma_wait3A_51 = tpu.memref_slice %run_scoped3A_8[%dma_wait3A_50] : memref<800xf32, #tpu.memory_space<vmem>> -> memref<400xf32, #tpu.memory_space<vmem>>
      %dma_wait3A_52 = arith.constant 0 : i32
      %dma_wait3A_53 = tpu.memref_slice %arg9[%dma_wait3A_52] : memref<320000xf32, #tpu.memory_space<hbm>> -> memref<400xf32, #tpu.memory_space<hbm>>
      %dma_wait3A_54 = arith.constant 0 : i32
      %dma_wait3A_55 = tpu.memref_slice %arg9[%dma_wait3A_54] : memref<320000xf32, #tpu.memory_space<hbm>> -> memref<400xf32, #tpu.memory_space<hbm>>
      %dma_wait3A_56 = arith.constant 0 : i32
      %dma_wait3A_57 = tpu.memref_slice %run_scoped3A_8[%dma_wait3A_56] : memref<800xf32, #tpu.memory_space<vmem>> -> memref<400xf32, #tpu.memory_space<vmem>>
      tpu.wait_dma2 semaphore(%arg15 : memref<!tpu.dma_semaphore, #tpu.memory_space<semaphore_mem>>) src(%dma_wait3A_57 : memref<400xf32, #tpu.memory_space<vmem>>) dst(%dma_wait3A_55 : memref<400xf32, #tpu.memory_space<hbm>>)
      %dma_wait3A_58 = arith.constant 0 : i32
      %dma_wait3A_59 = tpu.memref_slice %run_scoped3A_8[%dma_wait3A_58] : memref<800xf32, #tpu.memory_space<vmem>> -> memref<400xf32, #tpu.memory_space<vmem>>
      %dma_wait3A_60 = arith.constant 0 : i32
      %dma_wait3A_61 = tpu.memref_slice %arg9[%dma_wait3A_60] : memref<320000xf32, #tpu.memory_space<hbm>> -> memref<400xf32, #tpu.memory_space<hbm>>
      %dma_wait3A_62 = arith.constant 0 : i32
      %dma_wait3A_63 = tpu.memref_slice %arg9[%dma_wait3A_62] : memref<320000xf32, #tpu.memory_space<hbm>> -> memref<400xf32, #tpu.memory_space<hbm>>
      %dma_wait3A_64 = arith.constant 0 : i32
      %dma_wait3A_65 = tpu.memref_slice %run_scoped3A_8[%dma_wait3A_64] : memref<800xf32, #tpu.memory_space<vmem>> -> memref<400xf32, #tpu.memory_space<vmem>>
      tpu.wait_dma2 semaphore(%arg15 : memref<!tpu.dma_semaphore, #tpu.memory_space<semaphore_mem>>) src(%dma_wait3A_65 : memref<400xf32, #tpu.memory_space<vmem>>) dst(%dma_wait3A_63 : memref<400xf32, #tpu.memory_space<hbm>>)
      %dma_wait3A_66 = arith.constant 0 : i32
      %dma_wait3A_67 = tpu.memref_slice %run_scoped3A_8[%dma_wait3A_66] : memref<800xf32, #tpu.memory_space<vmem>> -> memref<400xf32, #tpu.memory_space<vmem>>
      %dma_wait3A_68 = arith.constant 0 : i32
      %dma_wait3A_69 = tpu.memref_slice %arg9[%dma_wait3A_68] : memref<320000xf32, #tpu.memory_space<hbm>> -> memref<400xf32, #tpu.memory_space<hbm>>
      %dma_wait3A_70 = arith.constant 0 : i32
      %dma_wait3A_71 = tpu.memref_slice %arg9[%dma_wait3A_70] : memref<320000xf32, #tpu.memory_space<hbm>> -> memref<400xf32, #tpu.memory_space<hbm>>
      %dma_wait3A_72 = arith.constant 0 : i32
      %dma_wait3A_73 = tpu.memref_slice %run_scoped3A_8[%dma_wait3A_72] : memref<800xf32, #tpu.memory_space<vmem>> -> memref<400xf32, #tpu.memory_space<vmem>>
      tpu.wait_dma2 semaphore(%arg15 : memref<!tpu.dma_semaphore, #tpu.memory_space<semaphore_mem>>) src(%dma_wait3A_73 : memref<400xf32, #tpu.memory_space<vmem>>) dst(%dma_wait3A_71 : memref<400xf32, #tpu.memory_space<hbm>>)
      tpu.yield
    }) : () -> ()
    "tpu.region"() ({
      %run_scoped3A = memref.alloca() : memref<800xi32, #tpu.memory_space<vmem>>
      %run_scoped3A_3 = memref.alloca() : memref<800xi32, #tpu.memory_space<vmem>>
      %run_scoped3A_4 = memref.alloca() : memref<800xf32, #tpu.memory_space<vmem>>
      %run_scoped3A_5 = memref.alloca() : memref<3x80xi32, #tpu.memory_space<vmem>>
      %run_scoped3A_6 = memref.alloca() : memref<240x128xf32, #tpu.memory_space<vmem>>
      %run_scoped3A_7 = memref.alloca() : memref<48x128xf32, #tpu.memory_space<vmem>>
      %run_scoped3A_8 = memref.alloca() : memref<10000xf32, #tpu.memory_space<vmem>>
      %scan3A = arith.constant 0 : i32
      %scan3A_9 = arith.constant 0 : i32
      %scan3A_10 = arith.constant 625 : i32
      %scan3A_11 = arith.addi %scan3A_9, %scan3A_10 : i32
      %scan3A_12 = arith.constant 1 : i32
      %scan3A_13 = scf.for %scan3A_135 = %scan3A_9 to %scan3A_11 step %scan3A_12 iter_args(%scan3A_136 = %scan3A) -> (i32)  : i32 {
        %broadcast_in_dim3A = arith.constant 0.000000e+00 : f32
        %broadcast_in_dim3A_137 = vector.broadcast %broadcast_in_dim3A : f32 to vector<16xf32>
        %mul3A_138 = arith.constant 16 : i32
        %mul3A_139 = arith.muli %scan3A_135, %mul3A_138 : i32
        %swap3A = arith.index_cast %mul3A_139 : i32 to index
        %swap3A_140 = tpu.vector_load %run_scoped3A_8[%swap3A] {strides = array<i32>} : memref<10000xf32, #tpu.memory_space<vmem>>, vector<16xf32>,
        tpu.vector_store %run_scoped3A_8[%swap3A], %broadcast_in_dim3A_137 {strides = array<i32>} : memref<10000xf32, #tpu.memory_space<vmem>>, vector<16xf32>,
        %scan3A_141 = arith.constant 0 : i32
        scf.yield %scan3A_141 : i32
      }
      %scan3A_14 = arith.constant 625 : i32
      %scan3A_15 = arith.constant 0 : i32
      %scan3A_16 = arith.constant 0 : i32
      %scan3A_17 = arith.constant 48 : i32
      %scan3A_18 = arith.addi %scan3A_16, %scan3A_17 : i32
      %scan3A_19 = arith.constant 1 : i32
      %scan3A_20 = scf.for %scan3A_135 = %scan3A_16 to %scan3A_18 step %scan3A_19 iter_args(%scan3A_136 = %scan3A_15) -> (i32)  : i32 {
        %broadcast_in_dim3A = arith.constant 0.000000e+00 : f32
        %broadcast_in_dim3A_137 = vector.broadcast %broadcast_in_dim3A : f32 to vector<16xf32>
        %swap3A = arith.index_cast %scan3A_135 : i32 to index
        %swap3A_138 = arith.constant 0 : index
        %swap3A_139 = tpu.vector_load %run_scoped3A_7[%swap3A, %swap3A_138] {strides = array<i32>} : memref<48x128xf32, #tpu.memory_space<vmem>>, vector<16xf32>,
        tpu.vector_store %run_scoped3A_7[%swap3A, %swap3A_138], %broadcast_in_dim3A_137 {strides = array<i32>} : memref<48x128xf32, #tpu.memory_space<vmem>>, vector<16xf32>,
        %broadcast_in_dim3A_140 = arith.constant 0.000000e+00 : f32
        %broadcast_in_dim3A_141 = vector.broadcast %broadcast_in_dim3A_140 : f32 to vector<16xf32>
        %swap3A_142 = arith.index_cast %scan3A_135 : i32 to index
        %swap3A_143 = arith.constant 16 : index
        %swap3A_144 = tpu.vector_load %run_scoped3A_7[%swap3A_142, %swap3A_143] {strides = array<i32>} : memref<48x128xf32, #tpu.memory_space<vmem>>, vector<16xf32>,
        tpu.vector_store %run_scoped3A_7[%swap3A_142, %swap3A_143], %broadcast_in_dim3A_141 {strides = array<i32>} : memref<48x128xf32, #tpu.memory_space<vmem>>, vector<16xf32>,
        %broadcast_in_dim3A_145 = arith.constant 0.000000e+00 : f32
        %broadcast_in_dim3A_146 = vector.broadcast %broadcast_in_dim3A_145 : f32 to vector<16xf32>
        %swap3A_147 = arith.index_cast %scan3A_135 : i32 to index
        %swap3A_148 = arith.constant 32 : index
        %swap3A_149 = tpu.vector_load %run_scoped3A_7[%swap3A_147, %swap3A_148] {strides = array<i32>} : memref<48x128xf32, #tpu.memory_space<vmem>>, vector<16xf32>,
        tpu.vector_store %run_scoped3A_7[%swap3A_147, %swap3A_148], %broadcast_in_dim3A_146 {strides = array<i32>} : memref<48x128xf32, #tpu.memory_space<vmem>>, vector<16xf32>,
        %broadcast_in_dim3A_150 = arith.constant 0.000000e+00 : f32
        %broadcast_in_dim3A_151 = vector.broadcast %broadcast_in_dim3A_150 : f32 to vector<16xf32>
        %swap3A_152 = arith.index_cast %scan3A_135 : i32 to index
        %swap3A_153 = arith.constant 48 : index
        %swap3A_154 = tpu.vector_load %run_scoped3A_7[%swap3A_152, %swap3A_153] {strides = array<i32>} : memref<48x128xf32, #tpu.memory_space<vmem>>, vector<16xf32>,
        tpu.vector_store %run_scoped3A_7[%swap3A_152, %swap3A_153], %broadcast_in_dim3A_151 {strides = array<i32>} : memref<48x128xf32, #tpu.memory_space<vmem>>, vector<16xf32>,
        %broadcast_in_dim3A_155 = arith.constant 0.000000e+00 : f32
        %broadcast_in_dim3A_156 = vector.broadcast %broadcast_in_dim3A_155 : f32 to vector<16xf32>
        %swap3A_157 = arith.index_cast %scan3A_135 : i32 to index
        %swap3A_158 = arith.constant 64 : index
        %swap3A_159 = tpu.vector_load %run_scoped3A_7[%swap3A_157, %swap3A_158] {strides = array<i32>} : memref<48x128xf32, #tpu.memory_space<vmem>>, vector<16xf32>,
        tpu.vector_store %run_scoped3A_7[%swap3A_157, %swap3A_158], %broadcast_in_dim3A_156 {strides = array<i32>} : memref<48x128xf32, #tpu.memory_space<vmem>>, vector<16xf32>,
        %broadcast_in_dim3A_160 = arith.constant 0.000000e+00 : f32
        %broadcast_in_dim3A_161 = vector.broadcast %broadcast_in_dim3A_160 : f32 to vector<16xf32>
        %swap3A_162 = arith.index_cast %scan3A_135 : i32 to index
        %swap3A_163 = arith.constant 80 : index
        %swap3A_164 = tpu.vector_load %run_scoped3A_7[%swap3A_162, %swap3A_163] {strides = array<i32>} : memref<48x128xf32, #tpu.memory_space<vmem>>, vector<16xf32>,
        tpu.vector_store %run_scoped3A_7[%swap3A_162, %swap3A_163], %broadcast_in_dim3A_161 {strides = array<i32>} : memref<48x128xf32, #tpu.memory_space<vmem>>, vector<16xf32>,
        %broadcast_in_dim3A_165 = arith.constant 0.000000e+00 : f32
        %broadcast_in_dim3A_166 = vector.broadcast %broadcast_in_dim3A_165 : f32 to vector<16xf32>
        %swap3A_167 = arith.index_cast %scan3A_135 : i32 to index
        %swap3A_168 = arith.constant 96 : index
        %swap3A_169 = tpu.vector_load %run_scoped3A_7[%swap3A_167, %swap3A_168] {strides = array<i32>} : memref<48x128xf32, #tpu.memory_space<vmem>>, vector<16xf32>,
        tpu.vector_store %run_scoped3A_7[%swap3A_167, %swap3A_168], %broadcast_in_dim3A_166 {strides = array<i32>} : memref<48x128xf32, #tpu.memory_space<vmem>>, vector<16xf32>,
        %broadcast_in_dim3A_170 = arith.constant 0.000000e+00 : f32
        %broadcast_in_dim3A_171 = vector.broadcast %broadcast_in_dim3A_170 : f32 to vector<16xf32>
        %swap3A_172 = arith.index_cast %scan3A_135 : i32 to index
        %swap3A_173 = arith.constant 112 : index
        %swap3A_174 = tpu.vector_load %run_scoped3A_7[%swap3A_172, %swap3A_173] {strides = array<i32>} : memref<48x128xf32, #tpu.memory_space<vmem>>, vector<16xf32>,
        tpu.vector_store %run_scoped3A_7[%swap3A_172, %swap3A_173], %broadcast_in_dim3A_171 {strides = array<i32>} : memref<48x128xf32, #tpu.memory_space<vmem>>, vector<16xf32>,
        %scan3A_175 = arith.constant 0 : i32
        scf.yield %scan3A_175 : i32
      }
      %scan3A_21 = arith.constant 48 : i32
      %mul3A_22 = arith.constant 624 : i32
      %mul3A_23 = arith.muli %arg1, %mul3A_22 : i32
      %add3A_24 = arith.constant 0 : i32
      %add3A_25 = arith.addi %mul3A_23, %add3A_24 : i32
      "tpu.region"() ({
        %run_scoped3A_135 = tpu.sem_alloc : memref<!tpu.dma_semaphore, #tpu.memory_space<semaphore_mem>>
        %dma_start3A_136 = arith.constant 0 : i32
        %dma_start3A_137 = tpu.memref_slice %arg13[%add3A_25, %dma_start3A_136] : memref<10000x128xf32, #tpu.memory_space<vmem_shared>> -> memref<48x128xf32, #tpu.memory_space<vmem_shared>>
        %dma_start3A_138 = arith.constant 0 : i32
        %dma_start3A_139 = tpu.memref_slice %arg13[%add3A_25, %dma_start3A_138] : memref<10000x128xf32, #tpu.memory_space<vmem_shared>> -> memref<48x128xf32, #tpu.memory_space<vmem_shared>>
        tpu.enqueue_dma source(%run_scoped3A_7 : memref<48x128xf32, #tpu.memory_space<vmem>>) target(%dma_start3A_139 : memref<48x128xf32, #tpu.memory_space<vmem_shared>>) target_semaphore(%run_scoped3A_135 : memref<!tpu.dma_semaphore, #tpu.memory_space<semaphore_mem>>)
        %dma_wait3A_140 = arith.constant 0 : i32
        %dma_wait3A_141 = tpu.memref_slice %arg13[%add3A_25, %dma_wait3A_140] : memref<10000x128xf32, #tpu.memory_space<vmem_shared>> -> memref<48x128xf32, #tpu.memory_space<vmem_shared>>
        %dma_wait3A_142 = arith.constant 0 : i32
        %dma_wait3A_143 = tpu.memref_slice %arg13[%add3A_25, %dma_wait3A_142] : memref<10000x128xf32, #tpu.memory_space<vmem_shared>> -> memref<48x128xf32, #tpu.memory_space<vmem_shared>>
        tpu.wait_dma2 semaphore(%run_scoped3A_135 : memref<!tpu.dma_semaphore, #tpu.memory_space<semaphore_mem>>) src(%run_scoped3A_7 : memref<48x128xf32, #tpu.memory_space<vmem>>) dst(%dma_wait3A_143 : memref<48x128xf32, #tpu.memory_space<vmem_shared>>)
        tpu.yield
      }) : () -> ()
      %mul3A_26 = arith.constant 624 : i32
      %mul3A_27 = arith.muli %arg1, %mul3A_26 : i32
      %add3A_28 = arith.constant 48 : i32
      %add3A_29 = arith.addi %mul3A_27, %add3A_28 : i32
      "tpu.region"() ({
        %run_scoped3A_135 = tpu.sem_alloc : memref<!tpu.dma_semaphore, #tpu.memory_space<semaphore_mem>>
        %dma_start3A_136 = arith.constant 0 : i32
        %dma_start3A_137 = tpu.memref_slice %arg13[%add3A_29, %dma_start3A_136] : memref<10000x128xf32, #tpu.memory_space<vmem_shared>> -> memref<48x128xf32, #tpu.memory_space<vmem_shared>>
        %dma_start3A_138 = arith.constant 0 : i32
        %dma_start3A_139 = tpu.memref_slice %arg13[%add3A_29, %dma_start3A_138] : memref<10000x128xf32, #tpu.memory_space<vmem_shared>> -> memref<48x128xf32, #tpu.memory_space<vmem_shared>>
        tpu.enqueue_dma source(%run_scoped3A_7 : memref<48x128xf32, #tpu.memory_space<vmem>>) target(%dma_start3A_139 : memref<48x128xf32, #tpu.memory_space<vmem_shared>>) target_semaphore(%run_scoped3A_135 : memref<!tpu.dma_semaphore, #tpu.memory_space<semaphore_mem>>)
        %dma_wait3A_140 = arith.constant 0 : i32
        %dma_wait3A_141 = tpu.memref_slice %arg13[%add3A_29, %dma_wait3A_140] : memref<10000x128xf32, #tpu.memory_space<vmem_shared>> -> memref<48x128xf32, #tpu.memory_space<vmem_shared>>
        %dma_wait3A_142 = arith.constant 0 : i32
        %dma_wait3A_143 = tpu.memref_slice %arg13[%add3A_29, %dma_wait3A_142] : memref<10000x128xf32, #tpu.memory_space<vmem_shared>> -> memref<48x128xf32, #tpu.memory_space<vmem_shared>>
        tpu.wait_dma2 semaphore(%run_scoped3A_135 : memref<!tpu.dma_semaphore, #tpu.memory_space<semaphore_mem>>) src(%run_scoped3A_7 : memref<48x128xf32, #tpu.memory_space<vmem>>) dst(%dma_wait3A_143 : memref<48x128xf32, #tpu.memory_space<vmem_shared>>)
        tpu.yield
      }) : () -> ()
      %mul3A_30 = arith.constant 624 : i32
      %mul3A_31 = arith.muli %arg1, %mul3A_30 : i32
      %add3A_32 = arith.constant 96 : i32
      %add3A_33 = arith.addi %mul3A_31, %add3A_32 : i32
      "tpu.region"() ({
        %run_scoped3A_135 = tpu.sem_alloc : memref<!tpu.dma_semaphore, #tpu.memory_space<semaphore_mem>>
        %dma_start3A_136 = arith.constant 0 : i32
        %dma_start3A_137 = tpu.memref_slice %arg13[%add3A_33, %dma_start3A_136] : memref<10000x128xf32, #tpu.memory_space<vmem_shared>> -> memref<48x128xf32, #tpu.memory_space<vmem_shared>>
        %dma_start3A_138 = arith.constant 0 : i32
        %dma_start3A_139 = tpu.memref_slice %arg13[%add3A_33, %dma_start3A_138] : memref<10000x128xf32, #tpu.memory_space<vmem_shared>> -> memref<48x128xf32, #tpu.memory_space<vmem_shared>>
        tpu.enqueue_dma source(%run_scoped3A_7 : memref<48x128xf32, #tpu.memory_space<vmem>>) target(%dma_start3A_139 : memref<48x128xf32, #tpu.memory_space<vmem_shared>>) target_semaphore(%run_scoped3A_135 : memref<!tpu.dma_semaphore, #tpu.memory_space<semaphore_mem>>)
        %dma_wait3A_140 = arith.constant 0 : i32
        %dma_wait3A_141 = tpu.memref_slice %arg13[%add3A_33, %dma_wait3A_140] : memref<10000x128xf32, #tpu.memory_space<vmem_shared>> -> memref<48x128xf32, #tpu.memory_space<vmem_shared>>
        %dma_wait3A_142 = arith.constant 0 : i32
        %dma_wait3A_143 = tpu.memref_slice %arg13[%add3A_33, %dma_wait3A_142] : memref<10000x128xf32, #tpu.memory_space<vmem_shared>> -> memref<48x128xf32, #tpu.memory_space<vmem_shared>>
        tpu.wait_dma2 semaphore(%run_scoped3A_135 : memref<!tpu.dma_semaphore, #tpu.memory_space<semaphore_mem>>) src(%run_scoped3A_7 : memref<48x128xf32, #tpu.memory_space<vmem>>) dst(%dma_wait3A_143 : memref<48x128xf32, #tpu.memory_space<vmem_shared>>)
        tpu.yield
      }) : () -> ()
      %mul3A_34 = arith.constant 624 : i32
      %mul3A_35 = arith.muli %arg1, %mul3A_34 : i32
      %add3A_36 = arith.constant 144 : i32
      %add3A_37 = arith.addi %mul3A_35, %add3A_36 : i32
      "tpu.region"() ({
        %run_scoped3A_135 = tpu.sem_alloc : memref<!tpu.dma_semaphore, #tpu.memory_space<semaphore_mem>>
        %dma_start3A_136 = arith.constant 0 : i32
        %dma_start3A_137 = tpu.memref_slice %arg13[%add3A_37, %dma_start3A_136] : memref<10000x128xf32, #tpu.memory_space<vmem_shared>> -> memref<48x128xf32, #tpu.memory_space<vmem_shared>>
        %dma_start3A_138 = arith.constant 0 : i32
        %dma_start3A_139 = tpu.memref_slice %arg13[%add3A_37, %dma_start3A_138] : memref<10000x128xf32, #tpu.memory_space<vmem_shared>> -> memref<48x128xf32, #tpu.memory_space<vmem_shared>>
        tpu.enqueue_dma source(%run_scoped3A_7 : memref<48x128xf32, #tpu.memory_space<vmem>>) target(%dma_start3A_139 : memref<48x128xf32, #tpu.memory_space<vmem_shared>>) target_semaphore(%run_scoped3A_135 : memref<!tpu.dma_semaphore, #tpu.memory_space<semaphore_mem>>)
        %dma_wait3A_140 = arith.constant 0 : i32
        %dma_wait3A_141 = tpu.memref_slice %arg13[%add3A_37, %dma_wait3A_140] : memref<10000x128xf32, #tpu.memory_space<vmem_shared>> -> memref<48x128xf32, #tpu.memory_space<vmem_shared>>
        %dma_wait3A_142 = arith.constant 0 : i32
        %dma_wait3A_143 = tpu.memref_slice %arg13[%add3A_37, %dma_wait3A_142] : memref<10000x128xf32, #tpu.memory_space<vmem_shared>> -> memref<48x128xf32, #tpu.memory_space<vmem_shared>>
        tpu.wait_dma2 semaphore(%run_scoped3A_135 : memref<!tpu.dma_semaphore, #tpu.memory_space<semaphore_mem>>) src(%run_scoped3A_7 : memref<48x128xf32, #tpu.memory_space<vmem>>) dst(%dma_wait3A_143 : memref<48x128xf32, #tpu.memory_space<vmem_shared>>)
        tpu.yield
      }) : () -> ()
      %mul3A_38 = arith.constant 624 : i32
      %mul3A_39 = arith.muli %arg1, %mul3A_38 : i32
      %add3A_40 = arith.constant 192 : i32
      %add3A_41 = arith.addi %mul3A_39, %add3A_40 : i32
      "tpu.region"() ({
        %run_scoped3A_135 = tpu.sem_alloc : memref<!tpu.dma_semaphore, #tpu.memory_space<semaphore_mem>>
        %dma_start3A_136 = arith.constant 0 : i32
        %dma_start3A_137 = tpu.memref_slice %arg13[%add3A_41, %dma_start3A_136] : memref<10000x128xf32, #tpu.memory_space<vmem_shared>> -> memref<48x128xf32, #tpu.memory_space<vmem_shared>>
        %dma_start3A_138 = arith.constant 0 : i32
        %dma_start3A_139 = tpu.memref_slice %arg13[%add3A_41, %dma_start3A_138] : memref<10000x128xf32, #tpu.memory_space<vmem_shared>> -> memref<48x128xf32, #tpu.memory_space<vmem_shared>>
        tpu.enqueue_dma source(%run_scoped3A_7 : memref<48x128xf32, #tpu.memory_space<vmem>>) target(%dma_start3A_139 : memref<48x128xf32, #tpu.memory_space<vmem_shared>>) target_semaphore(%run_scoped3A_135 : memref<!tpu.dma_semaphore, #tpu.memory_space<semaphore_mem>>)
        %dma_wait3A_140 = arith.constant 0 : i32
        %dma_wait3A_141 = tpu.memref_slice %arg13[%add3A_41, %dma_wait3A_140] : memref<10000x128xf32, #tpu.memory_space<vmem_shared>> -> memref<48x128xf32, #tpu.memory_space<vmem_shared>>
        %dma_wait3A_142 = arith.constant 0 : i32
        %dma_wait3A_143 = tpu.memref_slice %arg13[%add3A_41, %dma_wait3A_142] : memref<10000x128xf32, #tpu.memory_space<vmem_shared>> -> memref<48x128xf32, #tpu.memory_space<vmem_shared>>
        tpu.wait_dma2 semaphore(%run_scoped3A_135 : memref<!tpu.dma_semaphore, #tpu.memory_space<semaphore_mem>>) src(%run_scoped3A_7 : memref<48x128xf32, #tpu.memory_space<vmem>>) dst(%dma_wait3A_143 : memref<48x128xf32, #tpu.memory_space<vmem_shared>>)
        tpu.yield
      }) : () -> ()
      %mul3A_42 = arith.constant 624 : i32
      %mul3A_43 = arith.muli %arg1, %mul3A_42 : i32
      %add3A_44 = arith.constant 240 : i32
      %add3A_45 = arith.addi %mul3A_43, %add3A_44 : i32
      "tpu.region"() ({
        %run_scoped3A_135 = tpu.sem_alloc : memref<!tpu.dma_semaphore, #tpu.memory_space<semaphore_mem>>
        %dma_start3A_136 = arith.constant 0 : i32
        %dma_start3A_137 = tpu.memref_slice %arg13[%add3A_45, %dma_start3A_136] : memref<10000x128xf32, #tpu.memory_space<vmem_shared>> -> memref<48x128xf32, #tpu.memory_space<vmem_shared>>
        %dma_start3A_138 = arith.constant 0 : i32
        %dma_start3A_139 = tpu.memref_slice %arg13[%add3A_45, %dma_start3A_138] : memref<10000x128xf32, #tpu.memory_space<vmem_shared>> -> memref<48x128xf32, #tpu.memory_space<vmem_shared>>
        tpu.enqueue_dma source(%run_scoped3A_7 : memref<48x128xf32, #tpu.memory_space<vmem>>) target(%dma_start3A_139 : memref<48x128xf32, #tpu.memory_space<vmem_shared>>) target_semaphore(%run_scoped3A_135 : memref<!tpu.dma_semaphore, #tpu.memory_space<semaphore_mem>>)
        %dma_wait3A_140 = arith.constant 0 : i32
        %dma_wait3A_141 = tpu.memref_slice %arg13[%add3A_45, %dma_wait3A_140] : memref<10000x128xf32, #tpu.memory_space<vmem_shared>> -> memref<48x128xf32, #tpu.memory_space<vmem_shared>>
        %dma_wait3A_142 = arith.constant 0 : i32
        %dma_wait3A_143 = tpu.memref_slice %arg13[%add3A_45, %dma_wait3A_142] : memref<10000x128xf32, #tpu.memory_space<vmem_shared>> -> memref<48x128xf32, #tpu.memory_space<vmem_shared>>
        tpu.wait_dma2 semaphore(%run_scoped3A_135 : memref<!tpu.dma_semaphore, #tpu.memory_space<semaphore_mem>>) src(%run_scoped3A_7 : memref<48x128xf32, #tpu.memory_space<vmem>>) dst(%dma_wait3A_143 : memref<48x128xf32, #tpu.memory_space<vmem_shared>>)
        tpu.yield
      }) : () -> ()
      %mul3A_46 = arith.constant 624 : i32
      %mul3A_47 = arith.muli %arg1, %mul3A_46 : i32
      %add3A_48 = arith.constant 288 : i32
      %add3A_49 = arith.addi %mul3A_47, %add3A_48 : i32
      "tpu.region"() ({
        %run_scoped3A_135 = tpu.sem_alloc : memref<!tpu.dma_semaphore, #tpu.memory_space<semaphore_mem>>
        %dma_start3A_136 = arith.constant 0 : i32
        %dma_start3A_137 = tpu.memref_slice %arg13[%add3A_49, %dma_start3A_136] : memref<10000x128xf32, #tpu.memory_space<vmem_shared>> -> memref<48x128xf32, #tpu.memory_space<vmem_shared>>
        %dma_start3A_138 = arith.constant 0 : i32
        %dma_start3A_139 = tpu.memref_slice %arg13[%add3A_49, %dma_start3A_138] : memref<10000x128xf32, #tpu.memory_space<vmem_shared>> -> memref<48x128xf32, #tpu.memory_space<vmem_shared>>
        tpu.enqueue_dma source(%run_scoped3A_7 : memref<48x128xf32, #tpu.memory_space<vmem>>) target(%dma_start3A_139 : memref<48x128xf32, #tpu.memory_space<vmem_shared>>) target_semaphore(%run_scoped3A_135 : memref<!tpu.dma_semaphore, #tpu.memory_space<semaphore_mem>>)
        %dma_wait3A_140 = arith.constant 0 : i32
        %dma_wait3A_141 = tpu.memref_slice %arg13[%add3A_49, %dma_wait3A_140] : memref<10000x128xf32, #tpu.memory_space<vmem_shared>> -> memref<48x128xf32, #tpu.memory_space<vmem_shared>>
        %dma_wait3A_142 = arith.constant 0 : i32
        %dma_wait3A_143 = tpu.memref_slice %arg13[%add3A_49, %dma_wait3A_142] : memref<10000x128xf32, #tpu.memory_space<vmem_shared>> -> memref<48x128xf32, #tpu.memory_space<vmem_shared>>
        tpu.wait_dma2 semaphore(%run_scoped3A_135 : memref<!tpu.dma_semaphore, #tpu.memory_space<semaphore_mem>>) src(%run_scoped3A_7 : memref<48x128xf32, #tpu.memory_space<vmem>>) dst(%dma_wait3A_143 : memref<48x128xf32, #tpu.memory_space<vmem_shared>>)
        tpu.yield
      }) : () -> ()
      %mul3A_50 = arith.constant 624 : i32
      %mul3A_51 = arith.muli %arg1, %mul3A_50 : i32
      %add3A_52 = arith.constant 336 : i32
      %add3A_53 = arith.addi %mul3A_51, %add3A_52 : i32
      "tpu.region"() ({
        %run_scoped3A_135 = tpu.sem_alloc : memref<!tpu.dma_semaphore, #tpu.memory_space<semaphore_mem>>
        %dma_start3A_136 = arith.constant 0 : i32
        %dma_start3A_137 = tpu.memref_slice %arg13[%add3A_53, %dma_start3A_136] : memref<10000x128xf32, #tpu.memory_space<vmem_shared>> -> memref<48x128xf32, #tpu.memory_space<vmem_shared>>
        %dma_start3A_138 = arith.constant 0 : i32
        %dma_start3A_139 = tpu.memref_slice %arg13[%add3A_53, %dma_start3A_138] : memref<10000x128xf32, #tpu.memory_space<vmem_shared>> -> memref<48x128xf32, #tpu.memory_space<vmem_shared>>
        tpu.enqueue_dma source(%run_scoped3A_7 : memref<48x128xf32, #tpu.memory_space<vmem>>) target(%dma_start3A_139 : memref<48x128xf32, #tpu.memory_space<vmem_shared>>) target_semaphore(%run_scoped3A_135 : memref<!tpu.dma_semaphore, #tpu.memory_space<semaphore_mem>>)
        %dma_wait3A_140 = arith.constant 0 : i32
        %dma_wait3A_141 = tpu.memref_slice %arg13[%add3A_53, %dma_wait3A_140] : memref<10000x128xf32, #tpu.memory_space<vmem_shared>> -> memref<48x128xf32, #tpu.memory_space<vmem_shared>>
        %dma_wait3A_142 = arith.constant 0 : i32
        %dma_wait3A_143 = tpu.memref_slice %arg13[%add3A_53, %dma_wait3A_142] : memref<10000x128xf32, #tpu.memory_space<vmem_shared>> -> memref<48x128xf32, #tpu.memory_space<vmem_shared>>
        tpu.wait_dma2 semaphore(%run_scoped3A_135 : memref<!tpu.dma_semaphore, #tpu.memory_space<semaphore_mem>>) src(%run_scoped3A_7 : memref<48x128xf32, #tpu.memory_space<vmem>>) dst(%dma_wait3A_143 : memref<48x128xf32, #tpu.memory_space<vmem_shared>>)
        tpu.yield
      }) : () -> ()
      %mul3A_54 = arith.constant 624 : i32
      %mul3A_55 = arith.muli %arg1, %mul3A_54 : i32
      %add3A_56 = arith.constant 384 : i32
      %add3A_57 = arith.addi %mul3A_55, %add3A_56 : i32
      "tpu.region"() ({
        %run_scoped3A_135 = tpu.sem_alloc : memref<!tpu.dma_semaphore, #tpu.memory_space<semaphore_mem>>
        %dma_start3A_136 = arith.constant 0 : i32
        %dma_start3A_137 = tpu.memref_slice %arg13[%add3A_57, %dma_start3A_136] : memref<10000x128xf32, #tpu.memory_space<vmem_shared>> -> memref<48x128xf32, #tpu.memory_space<vmem_shared>>
        %dma_start3A_138 = arith.constant 0 : i32
        %dma_start3A_139 = tpu.memref_slice %arg13[%add3A_57, %dma_start3A_138] : memref<10000x128xf32, #tpu.memory_space<vmem_shared>> -> memref<48x128xf32, #tpu.memory_space<vmem_shared>>
        tpu.enqueue_dma source(%run_scoped3A_7 : memref<48x128xf32, #tpu.memory_space<vmem>>) target(%dma_start3A_139 : memref<48x128xf32, #tpu.memory_space<vmem_shared>>) target_semaphore(%run_scoped3A_135 : memref<!tpu.dma_semaphore, #tpu.memory_space<semaphore_mem>>)
        %dma_wait3A_140 = arith.constant 0 : i32
        %dma_wait3A_141 = tpu.memref_slice %arg13[%add3A_57, %dma_wait3A_140] : memref<10000x128xf32, #tpu.memory_space<vmem_shared>> -> memref<48x128xf32, #tpu.memory_space<vmem_shared>>
        %dma_wait3A_142 = arith.constant 0 : i32
        %dma_wait3A_143 = tpu.memref_slice %arg13[%add3A_57, %dma_wait3A_142] : memref<10000x128xf32, #tpu.memory_space<vmem_shared>> -> memref<48x128xf32, #tpu.memory_space<vmem_shared>>
        tpu.wait_dma2 semaphore(%run_scoped3A_135 : memref<!tpu.dma_semaphore, #tpu.memory_space<semaphore_mem>>) src(%run_scoped3A_7 : memref<48x128xf32, #tpu.memory_space<vmem>>) dst(%dma_wait3A_143 : memref<48x128xf32, #tpu.memory_space<vmem_shared>>)
        tpu.yield
      }) : () -> ()
      %mul3A_58 = arith.constant 624 : i32
      %mul3A_59 = arith.muli %arg1, %mul3A_58 : i32
      %add3A_60 = arith.constant 432 : i32
      %add3A_61 = arith.addi %mul3A_59, %add3A_60 : i32
      "tpu.region"() ({
        %run_scoped3A_135 = tpu.sem_alloc : memref<!tpu.dma_semaphore, #tpu.memory_space<semaphore_mem>>
        %dma_start3A_136 = arith.constant 0 : i32
        %dma_start3A_137 = tpu.memref_slice %arg13[%add3A_61, %dma_start3A_136] : memref<10000x128xf32, #tpu.memory_space<vmem_shared>> -> memref<48x128xf32, #tpu.memory_space<vmem_shared>>
        %dma_start3A_138 = arith.constant 0 : i32
        %dma_start3A_139 = tpu.memref_slice %arg13[%add3A_61, %dma_start3A_138] : memref<10000x128xf32, #tpu.memory_space<vmem_shared>> -> memref<48x128xf32, #tpu.memory_space<vmem_shared>>
        tpu.enqueue_dma source(%run_scoped3A_7 : memref<48x128xf32, #tpu.memory_space<vmem>>) target(%dma_start3A_139 : memref<48x128xf32, #tpu.memory_space<vmem_shared>>) target_semaphore(%run_scoped3A_135 : memref<!tpu.dma_semaphore, #tpu.memory_space<semaphore_mem>>)
        %dma_wait3A_140 = arith.constant 0 : i32
        %dma_wait3A_141 = tpu.memref_slice %arg13[%add3A_61, %dma_wait3A_140] : memref<10000x128xf32, #tpu.memory_space<vmem_shared>> -> memref<48x128xf32, #tpu.memory_space<vmem_shared>>
        %dma_wait3A_142 = arith.constant 0 : i32
        %dma_wait3A_143 = tpu.memref_slice %arg13[%add3A_61, %dma_wait3A_142] : memref<10000x128xf32, #tpu.memory_space<vmem_shared>> -> memref<48x128xf32, #tpu.memory_space<vmem_shared>>
        tpu.wait_dma2 semaphore(%run_scoped3A_135 : memref<!tpu.dma_semaphore, #tpu.memory_space<semaphore_mem>>) src(%run_scoped3A_7 : memref<48x128xf32, #tpu.memory_space<vmem>>) dst(%dma_wait3A_143 : memref<48x128xf32, #tpu.memory_space<vmem_shared>>)
        tpu.yield
      }) : () -> ()
      %mul3A_62 = arith.constant 624 : i32
      %mul3A_63 = arith.muli %arg1, %mul3A_62 : i32
      %add3A_64 = arith.constant 480 : i32
      %add3A_65 = arith.addi %mul3A_63, %add3A_64 : i32
      "tpu.region"() ({
        %run_scoped3A_135 = tpu.sem_alloc : memref<!tpu.dma_semaphore, #tpu.memory_space<semaphore_mem>>
        %dma_start3A_136 = arith.constant 0 : i32
        %dma_start3A_137 = tpu.memref_slice %arg13[%add3A_65, %dma_start3A_136] : memref<10000x128xf32, #tpu.memory_space<vmem_shared>> -> memref<48x128xf32, #tpu.memory_space<vmem_shared>>
        %dma_start3A_138 = arith.constant 0 : i32
        %dma_start3A_139 = tpu.memref_slice %arg13[%add3A_65, %dma_start3A_138] : memref<10000x128xf32, #tpu.memory_space<vmem_shared>> -> memref<48x128xf32, #tpu.memory_space<vmem_shared>>
        tpu.enqueue_dma source(%run_scoped3A_7 : memref<48x128xf32, #tpu.memory_space<vmem>>) target(%dma_start3A_139 : memref<48x128xf32, #tpu.memory_space<vmem_shared>>) target_semaphore(%run_scoped3A_135 : memref<!tpu.dma_semaphore, #tpu.memory_space<semaphore_mem>>)
        %dma_wait3A_140 = arith.constant 0 : i32
        %dma_wait3A_141 = tpu.memref_slice %arg13[%add3A_65, %dma_wait3A_140] : memref<10000x128xf32, #tpu.memory_space<vmem_shared>> -> memref<48x128xf32, #tpu.memory_space<vmem_shared>>
        %dma_wait3A_142 = arith.constant 0 : i32
        %dma_wait3A_143 = tpu.memref_slice %arg13[%add3A_65, %dma_wait3A_142] : memref<10000x128xf32, #tpu.memory_space<vmem_shared>> -> memref<48x128xf32, #tpu.memory_space<vmem_shared>>
        tpu.wait_dma2 semaphore(%run_scoped3A_135 : memref<!tpu.dma_semaphore, #tpu.memory_space<semaphore_mem>>) src(%run_scoped3A_7 : memref<48x128xf32, #tpu.memory_space<vmem>>) dst(%dma_wait3A_143 : memref<48x128xf32, #tpu.memory_space<vmem_shared>>)
        tpu.yield
      }) : () -> ()
      %mul3A_66 = arith.constant 624 : i32
      %mul3A_67 = arith.muli %arg1, %mul3A_66 : i32
      %add3A_68 = arith.constant 528 : i32
      %add3A_69 = arith.addi %mul3A_67, %add3A_68 : i32
      "tpu.region"() ({
        %run_scoped3A_135 = tpu.sem_alloc : memref<!tpu.dma_semaphore, #tpu.memory_space<semaphore_mem>>
        %dma_start3A_136 = arith.constant 0 : i32
        %dma_start3A_137 = tpu.memref_slice %arg13[%add3A_69, %dma_start3A_136] : memref<10000x128xf32, #tpu.memory_space<vmem_shared>> -> memref<48x128xf32, #tpu.memory_space<vmem_shared>>
        %dma_start3A_138 = arith.constant 0 : i32
        %dma_start3A_139 = tpu.memref_slice %arg13[%add3A_69, %dma_start3A_138] : memref<10000x128xf32, #tpu.memory_space<vmem_shared>> -> memref<48x128xf32, #tpu.memory_space<vmem_shared>>
        tpu.enqueue_dma source(%run_scoped3A_7 : memref<48x128xf32, #tpu.memory_space<vmem>>) target(%dma_start3A_139 : memref<48x128xf32, #tpu.memory_space<vmem_shared>>) target_semaphore(%run_scoped3A_135 : memref<!tpu.dma_semaphore, #tpu.memory_space<semaphore_mem>>)
        %dma_wait3A_140 = arith.constant 0 : i32
        %dma_wait3A_141 = tpu.memref_slice %arg13[%add3A_69, %dma_wait3A_140] : memref<10000x128xf32, #tpu.memory_space<vmem_shared>> -> memref<48x128xf32, #tpu.memory_space<vmem_shared>>
        %dma_wait3A_142 = arith.constant 0 : i32
        %dma_wait3A_143 = tpu.memref_slice %arg13[%add3A_69, %dma_wait3A_142] : memref<10000x128xf32, #tpu.memory_space<vmem_shared>> -> memref<48x128xf32, #tpu.memory_space<vmem_shared>>
        tpu.wait_dma2 semaphore(%run_scoped3A_135 : memref<!tpu.dma_semaphore, #tpu.memory_space<semaphore_mem>>) src(%run_scoped3A_7 : memref<48x128xf32, #tpu.memory_space<vmem>>) dst(%dma_wait3A_143 : memref<48x128xf32, #tpu.memory_space<vmem_shared>>)
        tpu.yield
      }) : () -> ()
      %mul3A_70 = arith.constant 624 : i32
      %mul3A_71 = arith.muli %arg1, %mul3A_70 : i32
      %add3A_72 = arith.constant 576 : i32
      %add3A_73 = arith.addi %mul3A_71, %add3A_72 : i32
      "tpu.region"() ({
        %run_scoped3A_135 = tpu.sem_alloc : memref<!tpu.dma_semaphore, #tpu.memory_space<semaphore_mem>>
        %dma_start3A_136 = arith.constant 0 : i32
        %dma_start3A_137 = tpu.memref_slice %arg13[%add3A_73, %dma_start3A_136] : memref<10000x128xf32, #tpu.memory_space<vmem_shared>> -> memref<48x128xf32, #tpu.memory_space<vmem_shared>>
        %dma_start3A_138 = arith.constant 0 : i32
        %dma_start3A_139 = tpu.memref_slice %arg13[%add3A_73, %dma_start3A_138] : memref<10000x128xf32, #tpu.memory_space<vmem_shared>> -> memref<48x128xf32, #tpu.memory_space<vmem_shared>>
        tpu.enqueue_dma source(%run_scoped3A_7 : memref<48x128xf32, #tpu.memory_space<vmem>>) target(%dma_start3A_139 : memref<48x128xf32, #tpu.memory_space<vmem_shared>>) target_semaphore(%run_scoped3A_135 : memref<!tpu.dma_semaphore, #tpu.memory_space<semaphore_mem>>)
        %dma_wait3A_140 = arith.constant 0 : i32
        %dma_wait3A_141 = tpu.memref_slice %arg13[%add3A_73, %dma_wait3A_140] : memref<10000x128xf32, #tpu.memory_space<vmem_shared>> -> memref<48x128xf32, #tpu.memory_space<vmem_shared>>
        %dma_wait3A_142 = arith.constant 0 : i32
        %dma_wait3A_143 = tpu.memref_slice %arg13[%add3A_73, %dma_wait3A_142] : memref<10000x128xf32, #tpu.memory_space<vmem_shared>> -> memref<48x128xf32, #tpu.memory_space<vmem_shared>>
        tpu.wait_dma2 semaphore(%run_scoped3A_135 : memref<!tpu.dma_semaphore, #tpu.memory_space<semaphore_mem>>) src(%run_scoped3A_7 : memref<48x128xf32, #tpu.memory_space<vmem>>) dst(%dma_wait3A_143 : memref<48x128xf32, #tpu.memory_space<vmem_shared>>)
        tpu.yield
      }) : () -> ()
      %eq3A = arith.constant 15 : i32
      %eq3A_74 = arith.cmpi eq, %arg1, %eq3A : i32
      %convert_element_type3A = arith.extui %eq3A_74 : i1 to i32
      %cond3A = arith.constant 0 : i32
      %cond3A_75 = arith.cmpi ne, %convert_element_type3A, %cond3A : i32
      scf.if %cond3A_75 {
        "tpu.region"() ({
          %run_scoped3A_135 = tpu.sem_alloc : memref<!tpu.dma_semaphore, #tpu.memory_space<semaphore_mem>>
          %dma_start3A_136 = arith.constant 0 : i32
          %dma_start3A_137 = arith.constant 0 : i32
          %dma_start3A_138 = tpu.memref_slice %run_scoped3A_7[%dma_start3A_136, %dma_start3A_137] : memref<48x128xf32, #tpu.memory_space<vmem>> -> memref<16x128xf32, #tpu.memory_space<vmem>>
          %dma_start3A_139 = arith.constant 9984 : i32
          %dma_start3A_140 = arith.constant 0 : i32
          %dma_start3A_141 = tpu.memref_slice %arg13[%dma_start3A_139, %dma_start3A_140] : memref<10000x128xf32, #tpu.memory_space<vmem_shared>> -> memref<16x128xf32, #tpu.memory_space<vmem_shared>>
          %dma_start3A_142 = arith.constant 9984 : i32
          %dma_start3A_143 = arith.constant 0 : i32
          %dma_start3A_144 = tpu.memref_slice %arg13[%dma_start3A_142, %dma_start3A_143] : memref<10000x128xf32, #tpu.memory_space<vmem_shared>> -> memref<16x128xf32, #tpu.memory_space<vmem_shared>>
          %dma_start3A_145 = arith.constant 0 : i32
          %dma_start3A_146 = arith.constant 0 : i32
          %dma_start3A_147 = tpu.memref_slice %run_scoped3A_7[%dma_start3A_145, %dma_start3A_146] : memref<48x128xf32, #tpu.memory_space<vmem>> -> memref<16x128xf32, #tpu.memory_space<vmem>>
          tpu.enqueue_dma source(%dma_start3A_147 : memref<16x128xf32, #tpu.memory_space<vmem>>) target(%dma_start3A_144 : memref<16x128xf32, #tpu.memory_space<vmem_shared>>) target_semaphore(%run_scoped3A_135 : memref<!tpu.dma_semaphore, #tpu.memory_space<semaphore_mem>>)
          %dma_wait3A_148 = arith.constant 0 : i32
          %dma_wait3A_149 = arith.constant 0 : i32
          %dma_wait3A_150 = tpu.memref_slice %run_scoped3A_7[%dma_wait3A_148, %dma_wait3A_149] : memref<48x128xf32, #tpu.memory_space<vmem>> -> memref<16x128xf32, #tpu.memory_space<vmem>>
          %dma_wait3A_151 = arith.constant 9984 : i32
          %dma_wait3A_152 = arith.constant 0 : i32
          %dma_wait3A_153 = tpu.memref_slice %arg13[%dma_wait3A_151, %dma_wait3A_152] : memref<10000x128xf32, #tpu.memory_space<vmem_shared>> -> memref<16x128xf32, #tpu.memory_space<vmem_shared>>
          %dma_wait3A_154 = arith.constant 9984 : i32
          %dma_wait3A_155 = arith.constant 0 : i32
          %dma_wait3A_156 = tpu.memref_slice %arg13[%dma_wait3A_154, %dma_wait3A_155] : memref<10000x128xf32, #tpu.memory_space<vmem_shared>> -> memref<16x128xf32, #tpu.memory_space<vmem_shared>>
          %dma_wait3A_157 = arith.constant 0 : i32
          %dma_wait3A_158 = arith.constant 0 : i32
          %dma_wait3A_159 = tpu.memref_slice %run_scoped3A_7[%dma_wait3A_157, %dma_wait3A_158] : memref<48x128xf32, #tpu.memory_space<vmem>> -> memref<16x128xf32, #tpu.memory_space<vmem>>
          tpu.wait_dma2 semaphore(%run_scoped3A_135 : memref<!tpu.dma_semaphore, #tpu.memory_space<semaphore_mem>>) src(%dma_wait3A_159 : memref<16x128xf32, #tpu.memory_space<vmem>>) dst(%dma_wait3A_156 : memref<16x128xf32, #tpu.memory_space<vmem_shared>>)
          tpu.yield
        }) : () -> ()
      } else {
      }
      %add3A_76 = arith.constant 0 : i32
      %add3A_77 = arith.addi %mul3A_2, %add3A_76 : i32
      %dma_start3A = arith.constant 0 : i32
      %dma_start3A_78 = tpu.memref_slice %run_scoped3A[%dma_start3A] : memref<800xi32, #tpu.memory_space<vmem>> -> memref<400xi32, #tpu.memory_space<vmem>>
      %dma_start3A_79 = tpu.memref_slice %arg10[%add3A_77] : memref<320000xi32, #tpu.memory_space<hbm>> -> memref<400xi32, #tpu.memory_space<hbm>>
      %dma_start3A_80 = arith.constant 0 : i32
      %dma_start3A_81 = tpu.memref_slice %run_scoped3A[%dma_start3A_80] : memref<800xi32, #tpu.memory_space<vmem>> -> memref<400xi32, #tpu.memory_space<vmem>>
      %dma_start3A_82 = tpu.memref_slice %arg10[%add3A_77] : memref<320000xi32, #tpu.memory_space<hbm>> -> memref<400xi32, #tpu.memory_space<hbm>>
      tpu.enqueue_dma source(%dma_start3A_82 : memref<400xi32, #tpu.memory_space<hbm>>) target(%dma_start3A_81 : memref<400xi32, #tpu.memory_space<vmem>>) target_semaphore(%arg16 : memref<!tpu.dma_semaphore, #tpu.memory_space<semaphore_mem>>)
      %dma_start3A_83 = arith.constant 0 : i32
      %dma_start3A_84 = tpu.memref_slice %run_scoped3A_3[%dma_start3A_83] : memref<800xi32, #tpu.memory_space<vmem>> -> memref<400xi32, #tpu.memory_space<vmem>>
      %dma_start3A_85 = tpu.memref_slice %arg3[%add3A_77] : memref<320000xi32, #tpu.memory_space<hbm>> -> memref<400xi32, #tpu.memory_space<hbm>>
      %dma_start3A_86 = arith.constant 0 : i32
      %dma_start3A_87 = tpu.memref_slice %run_scoped3A_3[%dma_start3A_86] : memref<800xi32, #tpu.memory_space<vmem>> -> memref<400xi32, #tpu.memory_space<vmem>>
      %dma_start3A_88 = tpu.memref_slice %arg3[%add3A_77] : memref<320000xi32, #tpu.memory_space<hbm>> -> memref<400xi32, #tpu.memory_space<hbm>>
      tpu.enqueue_dma source(%dma_start3A_88 : memref<400xi32, #tpu.memory_space<hbm>>) target(%dma_start3A_87 : memref<400xi32, #tpu.memory_space<vmem>>) target_semaphore(%arg16 : memref<!tpu.dma_semaphore, #tpu.memory_space<semaphore_mem>>)
      %dma_start3A_89 = arith.constant 0 : i32
      %dma_start3A_90 = tpu.memref_slice %run_scoped3A_4[%dma_start3A_89] : memref<800xf32, #tpu.memory_space<vmem>> -> memref<400xf32, #tpu.memory_space<vmem>>
      %dma_start3A_91 = tpu.memref_slice %arg9[%add3A_77] : memref<320000xf32, #tpu.memory_space<hbm>> -> memref<400xf32, #tpu.memory_space<hbm>>
      %dma_start3A_92 = arith.constant 0 : i32
      %dma_start3A_93 = tpu.memref_slice %run_scoped3A_4[%dma_start3A_92] : memref<800xf32, #tpu.memory_space<vmem>> -> memref<400xf32, #tpu.memory_space<vmem>>
      %dma_start3A_94 = tpu.memref_slice %arg9[%add3A_77] : memref<320000xf32, #tpu.memory_space<hbm>> -> memref<400xf32, #tpu.memory_space<hbm>>
      tpu.enqueue_dma source(%dma_start3A_94 : memref<400xf32, #tpu.memory_space<hbm>>) target(%dma_start3A_93 : memref<400xf32, #tpu.memory_space<vmem>>) target_semaphore(%arg16 : memref<!tpu.dma_semaphore, #tpu.memory_space<semaphore_mem>>)
      %barrier3A = arith.constant 0 : index
      tpu.barrier barrier_id(%barrier3A)
      %scan3A_95 = arith.constant 0 : i32
      %scan3A_96 = arith.constant 0 : i32
      %scan3A_97 = arith.constant 125 : i32
      %scan3A_98 = arith.addi %scan3A_96, %scan3A_97 : i32
      %scan3A_99 = arith.constant 1 : i32
      %scan3A_100 = scf.for %scan3A_135 = %scan3A_96 to %scan3A_98 step %scan3A_99 iter_args(%scan3A_136 = %scan3A_95) -> (i32)  : i32 {
        %rem3A = arith.constant 3 : i32
        %rem3A_137 = arith.remsi %scan3A_135, %rem3A : i32
        %jit3A = arith.constant 5 : i32
        %div3A = arith.divsi %scan3A_135, %jit3A : i32
        %sign3A = arith.constant 0 : i32
        %sign3A_138 = arith.cmpi sgt, %scan3A_135, %sign3A : i32
        %sign3A_139 = arith.extui %sign3A_138 : i1 to i32
        %sign3A_140 = arith.constant 0 : i32
        %sign3A_141 = arith.cmpi slt, %scan3A_135, %sign3A_140 : i32
        %sign3A_142 = arith.extui %sign3A_141 : i1 to i32
        %sign3A_143 = arith.subi %sign3A_139, %sign3A_142 : i32
        %sign3A_144 = arith.constant 0 : i32
        %sign3A_145 = arith.cmpi sgt, %jit3A, %sign3A_144 : i32
        %sign3A_146 = arith.extui %sign3A_145 : i1 to i32
        %sign3A_147 = arith.constant 0 : i32
        %sign3A_148 = arith.cmpi slt, %jit3A, %sign3A_147 : i32
        %sign3A_149 = arith.extui %sign3A_148 : i1 to i32
        %sign3A_150 = arith.subi %sign3A_146, %sign3A_149 : i32
        %ne3A = arith.cmpi ne, %sign3A_143, %sign3A_150 : i32
        %rem3A_151 = arith.remsi %scan3A_135, %jit3A : i32
        %ne3A_152 = arith.constant 0 : i32
        %ne3A_153 = arith.cmpi ne, %rem3A_151, %ne3A_152 : i32
        %and3A = arith.andi %ne3A, %ne3A_153 : i1
        %sub3A = arith.constant 1 : i32
        %sub3A_154 = arith.subi %div3A, %sub3A : i32
        %select_n3A = arith.select %and3A, %sub3A_154, %div3A : i32
        %rem3A_155 = arith.constant 2 : i32
        %rem3A_156 = arith.remsi %select_n3A, %rem3A_155 : i32
        %rem3A_157 = arith.constant 5 : i32
        %rem3A_158 = arith.remsi %scan3A_135, %rem3A_157 : i32
        %mul3A_159 = arith.constant 80 : i32
        %mul3A_160 = arith.muli %rem3A_158, %mul3A_159 : i32
        %eq3A_161 = arith.constant 0 : i32
        %eq3A_162 = arith.cmpi eq, %scan3A_135, %eq3A_161 : i32
        %convert_element_type3A_163 = arith.extui %eq3A_162 : i1 to i32
        %cond3A_164 = arith.constant 0 : i32
        %cond3A_165 = arith.cmpi ne, %convert_element_type3A_163, %cond3A_164 : i32
        scf.if %cond3A_165 {
          %dma_wait3A_321 = arith.constant 0 : i32
          %dma_wait3A_322 = tpu.memref_slice %run_scoped3A[%dma_wait3A_321] : memref<800xi32, #tpu.memory_space<vmem>> -> memref<400xi32, #tpu.memory_space<vmem>>
          %dma_wait3A_323 = arith.constant 0 : i32
          %dma_wait3A_324 = tpu.memref_slice %arg10[%dma_wait3A_323] : memref<320000xi32, #tpu.memory_space<hbm>> -> memref<400xi32, #tpu.memory_space<hbm>>
          %dma_wait3A_325 = arith.constant 0 : i32
          %dma_wait3A_326 = tpu.memref_slice %run_scoped3A[%dma_wait3A_325] : memref<800xi32, #tpu.memory_space<vmem>> -> memref<400xi32, #tpu.memory_space<vmem>>
          %dma_wait3A_327 = arith.constant 0 : i32
          %dma_wait3A_328 = tpu.memref_slice %arg10[%dma_wait3A_327] : memref<320000xi32, #tpu.memory_space<hbm>> -> memref<400xi32, #tpu.memory_space<hbm>>
          tpu.wait_dma2 semaphore(%arg16 : memref<!tpu.dma_semaphore, #tpu.memory_space<semaphore_mem>>) src(%dma_wait3A_328 : memref<400xi32, #tpu.memory_space<hbm>>) dst(%dma_wait3A_326 : memref<400xi32, #tpu.memory_space<vmem>>)
          %dma_wait3A_329 = arith.constant 0 : i32
          %dma_wait3A_330 = tpu.memref_slice %run_scoped3A_3[%dma_wait3A_329] : memref<800xi32, #tpu.memory_space<vmem>> -> memref<400xi32, #tpu.memory_space<vmem>>
          %dma_wait3A_331 = arith.constant 0 : i32
          %dma_wait3A_332 = tpu.memref_slice %arg3[%dma_wait3A_331] : memref<320000xi32, #tpu.memory_space<hbm>> -> memref<400xi32, #tpu.memory_space<hbm>>
          %dma_wait3A_333 = arith.constant 0 : i32
          %dma_wait3A_334 = tpu.memref_slice %run_scoped3A_3[%dma_wait3A_333] : memref<800xi32, #tpu.memory_space<vmem>> -> memref<400xi32, #tpu.memory_space<vmem>>
          %dma_wait3A_335 = arith.constant 0 : i32
          %dma_wait3A_336 = tpu.memref_slice %arg3[%dma_wait3A_335] : memref<320000xi32, #tpu.memory_space<hbm>> -> memref<400xi32, #tpu.memory_space<hbm>>
          tpu.wait_dma2 semaphore(%arg16 : memref<!tpu.dma_semaphore, #tpu.memory_space<semaphore_mem>>) src(%dma_wait3A_336 : memref<400xi32, #tpu.memory_space<hbm>>) dst(%dma_wait3A_334 : memref<400xi32, #tpu.memory_space<vmem>>)
          %dma_wait3A_337 = arith.constant 0 : i32
          %dma_wait3A_338 = tpu.memref_slice %run_scoped3A_4[%dma_wait3A_337] : memref<800xf32, #tpu.memory_space<vmem>> -> memref<400xf32, #tpu.memory_space<vmem>>
          %dma_wait3A_339 = arith.constant 0 : i32
          %dma_wait3A_340 = tpu.memref_slice %arg9[%dma_wait3A_339] : memref<320000xf32, #tpu.memory_space<hbm>> -> memref<400xf32, #tpu.memory_space<hbm>>
          %dma_wait3A_341 = arith.constant 0 : i32
          %dma_wait3A_342 = tpu.memref_slice %run_scoped3A_4[%dma_wait3A_341] : memref<800xf32, #tpu.memory_space<vmem>> -> memref<400xf32, #tpu.memory_space<vmem>>
          %dma_wait3A_343 = arith.constant 0 : i32
          %dma_wait3A_344 = tpu.memref_slice %arg9[%dma_wait3A_343] : memref<320000xf32, #tpu.memory_space<hbm>> -> memref<400xf32, #tpu.memory_space<hbm>>
          tpu.wait_dma2 semaphore(%arg16 : memref<!tpu.dma_semaphore, #tpu.memory_space<semaphore_mem>>) src(%dma_wait3A_344 : memref<400xf32, #tpu.memory_space<hbm>>) dst(%dma_wait3A_342 : memref<400xf32, #tpu.memory_space<vmem>>)
          %rem3A_345 = arith.constant 0 : i32
          %rem3A_346 = arith.constant 3 : i32
          %rem3A_347 = arith.remsi %rem3A_345, %rem3A_346 : i32
          %rem3A_348 = arith.constant 0 : i32
          %rem3A_349 = arith.constant 2 : i32
          %rem3A_350 = arith.remsi %rem3A_348, %rem3A_349 : i32
          %rem3A_351 = arith.constant 0 : i32
          %rem3A_352 = arith.constant 5 : i32
          %rem3A_353 = arith.remsi %rem3A_351, %rem3A_352 : i32
          %mul3A_354 = arith.constant 80 : i32
          %mul3A_355 = arith.muli %rem3A_353, %mul3A_354 : i32
          %mul3A_356 = arith.constant 400 : i32
          %mul3A_357 = arith.muli %rem3A_350, %mul3A_356 : i32
          %add3A_358 = arith.addi %mul3A_357, %mul3A_355 : i32
          %mul3A_359 = arith.constant 80 : i32
          %mul3A_360 = arith.muli %rem3A_347, %mul3A_359 : i32
          %dma_start3A_361 = arith.constant 0 : i32
          %dma_start3A_362 = tpu.memref_slice %run_scoped3A_6[%mul3A_360, %dma_start3A_361] : memref<240x128xf32, #tpu.memory_space<vmem>> -> memref<80x128xf32, #tpu.memory_space<vmem>>
          %dma_start3A_363 = tpu.memref_slice %run_scoped3A[%add3A_358] : memref<800xi32, #tpu.memory_space<vmem>> -> memref<80xi32, #tpu.memory_space<vmem>>
          %dma_start3A_364 = arith.constant 0 : i32
          %dma_start3A_365 = arith.constant 0 : i32
          %dma_start3A_366 = tpu.memref_slice %arg8[%dma_start3A_364, %dma_start3A_365] : memref<20000x128xf32, #tpu.memory_space<hbm>> -> memref<20000x128xf32, #tpu.memory_space<hbm>>
          tpu.enqueue_indirect_dma source(%dma_start3A_366 : memref<20000x128xf32, #tpu.memory_space<hbm>>) target(%dma_start3A_362 : memref<80x128xf32, #tpu.memory_space<vmem>>) offsets(%dma_start3A_363 : memref<80xi32, #tpu.memory_space<vmem>>) semaphore(%arg17 : memref<!tpu.dma_semaphore, #tpu.memory_space<semaphore_mem>>)
        } else {
        }
        %rem3A_166 = arith.constant 5 : i32
        %rem3A_167 = arith.remsi %scan3A_135, %rem3A_166 : i32
        %eq3A_168 = arith.constant 0 : i32
        %eq3A_169 = arith.cmpi eq, %rem3A_167, %eq3A_168 : i32
        %jit3A_170 = arith.constant 5 : i32
        %div3A_171 = arith.divsi %scan3A_135, %jit3A_170 : i32
        %sign3A_172 = arith.constant 0 : i32
        %sign3A_173 = arith.cmpi sgt, %scan3A_135, %sign3A_172 : i32
        %sign3A_174 = arith.extui %sign3A_173 : i1 to i32
        %sign3A_175 = arith.constant 0 : i32
        %sign3A_176 = arith.cmpi slt, %scan3A_135, %sign3A_175 : i32
        %sign3A_177 = arith.extui %sign3A_176 : i1 to i32
        %sign3A_178 = arith.subi %sign3A_174, %sign3A_177 : i32
        %sign3A_179 = arith.constant 0 : i32
        %sign3A_180 = arith.cmpi sgt, %jit3A_170, %sign3A_179 : i32
        %sign3A_181 = arith.extui %sign3A_180 : i1 to i32
        %sign3A_182 = arith.constant 0 : i32
        %sign3A_183 = arith.cmpi slt, %jit3A_170, %sign3A_182 : i32
        %sign3A_184 = arith.extui %sign3A_183 : i1 to i32
        %sign3A_185 = arith.subi %sign3A_181, %sign3A_184 : i32
        %ne3A_186 = arith.cmpi ne, %sign3A_178, %sign3A_185 : i32
        %rem3A_187 = arith.remsi %scan3A_135, %jit3A_170 : i32
        %ne3A_188 = arith.constant 0 : i32
        %ne3A_189 = arith.cmpi ne, %rem3A_187, %ne3A_188 : i32
        %and3A_190 = arith.andi %ne3A_186, %ne3A_189 : i1
        %sub3A_191 = arith.constant 1 : i32
        %sub3A_192 = arith.subi %div3A_171, %sub3A_191 : i32
        %select_n3A_193 = arith.select %and3A_190, %sub3A_192, %div3A_171 : i32
        %lt3A = arith.constant 24 : i32
        %lt3A_194 = arith.cmpi slt, %select_n3A_193, %lt3A : i32
        %and3A_195 = arith.andi %eq3A_169, %lt3A_194 : i1
        %convert_element_type3A_196 = arith.extui %and3A_195 : i1 to i32
        %cond3A_197 = arith.constant 0 : i32
        %cond3A_198 = arith.cmpi ne, %convert_element_type3A_196, %cond3A_197 : i32
        scf.if %cond3A_198 {
          %jit3A_321 = arith.constant 5 : i32
          %div3A_322 = arith.divsi %scan3A_135, %jit3A_321 : i32
          %sign3A_323 = arith.constant 0 : i32
          %sign3A_324 = arith.cmpi sgt, %scan3A_135, %sign3A_323 : i32
          %sign3A_325 = arith.extui %sign3A_324 : i1 to i32
          %sign3A_326 = arith.constant 0 : i32
          %sign3A_327 = arith.cmpi slt, %scan3A_135, %sign3A_326 : i32
          %sign3A_328 = arith.extui %sign3A_327 : i1 to i32
          %sign3A_329 = arith.subi %sign3A_325, %sign3A_328 : i32
          %sign3A_330 = arith.constant 0 : i32
          %sign3A_331 = arith.cmpi sgt, %jit3A_321, %sign3A_330 : i32
          %sign3A_332 = arith.extui %sign3A_331 : i1 to i32
          %sign3A_333 = arith.constant 0 : i32
          %sign3A_334 = arith.cmpi slt, %jit3A_321, %sign3A_333 : i32
          %sign3A_335 = arith.extui %sign3A_334 : i1 to i32
          %sign3A_336 = arith.subi %sign3A_332, %sign3A_335 : i32
          %ne3A_337 = arith.cmpi ne, %sign3A_329, %sign3A_336 : i32
          %rem3A_338 = arith.remsi %scan3A_135, %jit3A_321 : i32
          %ne3A_339 = arith.constant 0 : i32
          %ne3A_340 = arith.cmpi ne, %rem3A_338, %ne3A_339 : i32
          %and3A_341 = arith.andi %ne3A_337, %ne3A_340 : i1
          %sub3A_342 = arith.constant 1 : i32
          %sub3A_343 = arith.subi %div3A_322, %sub3A_342 : i32
          %select_n3A_344 = arith.select %and3A_341, %sub3A_343, %div3A_322 : i32
          %add3A_345 = arith.constant 1 : i32
          %add3A_346 = arith.addi %select_n3A_344, %add3A_345 : i32
          %sub3A_347 = arith.constant 1 : i32
          %sub3A_348 = arith.subi %sub3A_347, %rem3A_156 : i32
          %mul3A_349 = arith.constant 400 : i32
          %mul3A_350 = arith.muli %add3A_346, %mul3A_349 : i32
          %add3A_351 = arith.addi %mul3A_2, %mul3A_350 : i32
          %mul3A_352 = arith.constant 400 : i32
          %mul3A_353 = arith.muli %sub3A_348, %mul3A_352 : i32
          %dma_start3A_354 = tpu.memref_slice %run_scoped3A[%mul3A_353] : memref<800xi32, #tpu.memory_space<vmem>> -> memref<400xi32, #tpu.memory_space<vmem>>
          %dma_start3A_355 = tpu.memref_slice %arg10[%add3A_351] : memref<320000xi32, #tpu.memory_space<hbm>> -> memref<400xi32, #tpu.memory_space<hbm>>
          %dma_start3A_356 = tpu.memref_slice %run_scoped3A[%mul3A_353] : memref<800xi32, #tpu.memory_space<vmem>> -> memref<400xi32, #tpu.memory_space<vmem>>
          %dma_start3A_357 = tpu.memref_slice %arg10[%add3A_351] : memref<320000xi32, #tpu.memory_space<hbm>> -> memref<400xi32, #tpu.memory_space<hbm>>
          tpu.enqueue_dma source(%dma_start3A_357 : memref<400xi32, #tpu.memory_space<hbm>>) target(%dma_start3A_356 : memref<400xi32, #tpu.memory_space<vmem>>) target_semaphore(%arg16 : memref<!tpu.dma_semaphore, #tpu.memory_space<semaphore_mem>>)
          %mul3A_358 = arith.constant 400 : i32
          %mul3A_359 = arith.muli %sub3A_348, %mul3A_358 : i32
          %dma_start3A_360 = tpu.memref_slice %run_scoped3A_3[%mul3A_359] : memref<800xi32, #tpu.memory_space<vmem>> -> memref<400xi32, #tpu.memory_space<vmem>>
          %dma_start3A_361 = tpu.memref_slice %arg3[%add3A_351] : memref<320000xi32, #tpu.memory_space<hbm>> -> memref<400xi32, #tpu.memory_space<hbm>>
          %dma_start3A_362 = tpu.memref_slice %run_scoped3A_3[%mul3A_359] : memref<800xi32, #tpu.memory_space<vmem>> -> memref<400xi32, #tpu.memory_space<vmem>>
          %dma_start3A_363 = tpu.memref_slice %arg3[%add3A_351] : memref<320000xi32, #tpu.memory_space<hbm>> -> memref<400xi32, #tpu.memory_space<hbm>>
          tpu.enqueue_dma source(%dma_start3A_363 : memref<400xi32, #tpu.memory_space<hbm>>) target(%dma_start3A_362 : memref<400xi32, #tpu.memory_space<vmem>>) target_semaphore(%arg16 : memref<!tpu.dma_semaphore, #tpu.memory_space<semaphore_mem>>)
          %mul3A_364 = arith.constant 400 : i32
          %mul3A_365 = arith.muli %sub3A_348, %mul3A_364 : i32
          %dma_start3A_366 = tpu.memref_slice %run_scoped3A_4[%mul3A_365] : memref<800xf32, #tpu.memory_space<vmem>> -> memref<400xf32, #tpu.memory_space<vmem>>
          %dma_start3A_367 = tpu.memref_slice %arg9[%add3A_351] : memref<320000xf32, #tpu.memory_space<hbm>> -> memref<400xf32, #tpu.memory_space<hbm>>
          %dma_start3A_368 = tpu.memref_slice %run_scoped3A_4[%mul3A_365] : memref<800xf32, #tpu.memory_space<vmem>> -> memref<400xf32, #tpu.memory_space<vmem>>
          %dma_start3A_369 = tpu.memref_slice %arg9[%add3A_351] : memref<320000xf32, #tpu.memory_space<hbm>> -> memref<400xf32, #tpu.memory_space<hbm>>
          tpu.enqueue_dma source(%dma_start3A_369 : memref<400xf32, #tpu.memory_space<hbm>>) target(%dma_start3A_368 : memref<400xf32, #tpu.memory_space<vmem>>) target_semaphore(%arg16 : memref<!tpu.dma_semaphore, #tpu.memory_space<semaphore_mem>>)
        } else {
        }
        %mul3A_199 = arith.constant 80 : i32
        %mul3A_200 = arith.muli %rem3A_137, %mul3A_199 : i32
        %dma_wait3A_201 = arith.constant 0 : i32
        %dma_wait3A_202 = tpu.memref_slice %run_scoped3A_6[%mul3A_200, %dma_wait3A_201] : memref<240x128xf32, #tpu.memory_space<vmem>> -> memref<80x128xf32, #tpu.memory_space<vmem>>
        %dma_wait3A_203 = arith.constant 0 : i32
        %dma_wait3A_204 = arith.constant 0 : i32
        %dma_wait3A_205 = tpu.memref_slice %arg8[%dma_wait3A_203, %dma_wait3A_204] : memref<20000x128xf32, #tpu.memory_space<hbm>> -> memref<80x128xf32, #tpu.memory_space<hbm>>
        %dma_wait3A_206 = arith.constant 0 : i32
        %dma_wait3A_207 = tpu.memref_slice %run_scoped3A_6[%mul3A_200, %dma_wait3A_206] : memref<240x128xf32, #tpu.memory_space<vmem>> -> memref<80x128xf32, #tpu.memory_space<vmem>>
        %dma_wait3A_208 = arith.constant 0 : i32
        %dma_wait3A_209 = arith.constant 0 : i32
        %dma_wait3A_210 = tpu.memref_slice %arg8[%dma_wait3A_208, %dma_wait3A_209] : memref<20000x128xf32, #tpu.memory_space<hbm>> -> memref<80x128xf32, #tpu.memory_space<hbm>>
        tpu.wait_dma2 semaphore(%arg17 : memref<!tpu.dma_semaphore, #tpu.memory_space<semaphore_mem>>) src(%dma_wait3A_210 : memref<80x128xf32, #tpu.memory_space<hbm>>) dst(%dma_wait3A_207 : memref<80x128xf32, #tpu.memory_space<vmem>>)
        %ge3A = arith.constant 2 : i32
        %ge3A_211 = arith.cmpi sge, %scan3A_135, %ge3A : i32
        %convert_element_type3A_212 = arith.extui %ge3A_211 : i1 to i32
        %cond3A_213 = arith.constant 0 : i32
        %cond3A_214 = arith.cmpi ne, %convert_element_type3A_212, %cond3A_213 : i32
        scf.if %cond3A_214 {
          %dma_wait3A_321 = arith.constant 0 : i32
          %dma_wait3A_322 = arith.constant 0 : i32
          %dma_wait3A_323 = tpu.memref_slice %run_scoped3A_6[%dma_wait3A_321, %dma_wait3A_322] : memref<240x128xf32, #tpu.memory_space<vmem>> -> memref<80x128xf32, #tpu.memory_space<vmem>>
          %dma_wait3A_324 = arith.constant 0 : i32
          %dma_wait3A_325 = arith.constant 0 : i32
          %dma_wait3A_326 = tpu.memref_slice %arg13[%dma_wait3A_324, %dma_wait3A_325] : memref<10000x128xf32, #tpu.memory_space<vmem_shared>> -> memref<80x128xf32, #tpu.memory_space<vmem_shared>>
          %dma_wait3A_327 = arith.constant 0 : i32
          %dma_wait3A_328 = arith.constant 0 : i32
          %dma_wait3A_329 = tpu.memref_slice %arg13[%dma_wait3A_327, %dma_wait3A_328] : memref<10000x128xf32, #tpu.memory_space<vmem_shared>> -> memref<80x128xf32, #tpu.memory_space<vmem_shared>>
          %dma_wait3A_330 = arith.constant 0 : i32
          %dma_wait3A_331 = arith.constant 0 : i32
          %dma_wait3A_332 = tpu.memref_slice %run_scoped3A_6[%dma_wait3A_330, %dma_wait3A_331] : memref<240x128xf32, #tpu.memory_space<vmem>> -> memref<80x128xf32, #tpu.memory_space<vmem>>
          tpu.wait_dma2 semaphore(%arg18 : memref<!tpu.dma_semaphore, #tpu.memory_space<semaphore_mem>>) src(%dma_wait3A_332 : memref<80x128xf32, #tpu.memory_space<vmem>>) dst(%dma_wait3A_329 : memref<80x128xf32, #tpu.memory_space<vmem_shared>>)
        } else {
        }
        %lt3A_215 = arith.constant 124 : i32
        %lt3A_216 = arith.cmpi slt, %scan3A_135, %lt3A_215 : i32
        %convert_element_type3A_217 = arith.extui %lt3A_216 : i1 to i32
        %cond3A_218 = arith.constant 0 : i32
        %cond3A_219 = arith.cmpi ne, %convert_element_type3A_217, %cond3A_218 : i32
        scf.if %cond3A_219 {
          %rem3A_321 = arith.constant 5 : i32
          %rem3A_322 = arith.remsi %scan3A_135, %rem3A_321 : i32
          %eq3A_323 = arith.constant 4 : i32
          %eq3A_324 = arith.cmpi eq, %rem3A_322, %eq3A_323 : i32
          %convert_element_type3A_325 = arith.extui %eq3A_324 : i1 to i32
          %cond3A_326 = arith.constant 0 : i32
          %cond3A_327 = arith.cmpi ne, %convert_element_type3A_325, %cond3A_326 : i32
          scf.if %cond3A_327 {
            %dma_wait3A_373 = arith.constant 0 : i32
            %dma_wait3A_374 = tpu.memref_slice %run_scoped3A[%dma_wait3A_373] : memref<800xi32, #tpu.memory_space<vmem>> -> memref<400xi32, #tpu.memory_space<vmem>>
            %dma_wait3A_375 = arith.constant 0 : i32
            %dma_wait3A_376 = tpu.memref_slice %arg10[%dma_wait3A_375] : memref<320000xi32, #tpu.memory_space<hbm>> -> memref<400xi32, #tpu.memory_space<hbm>>
            %dma_wait3A_377 = arith.constant 0 : i32
            %dma_wait3A_378 = tpu.memref_slice %run_scoped3A[%dma_wait3A_377] : memref<800xi32, #tpu.memory_space<vmem>> -> memref<400xi32, #tpu.memory_space<vmem>>
            %dma_wait3A_379 = arith.constant 0 : i32
            %dma_wait3A_380 = tpu.memref_slice %arg10[%dma_wait3A_379] : memref<320000xi32, #tpu.memory_space<hbm>> -> memref<400xi32, #tpu.memory_space<hbm>>
            tpu.wait_dma2 semaphore(%arg16 : memref<!tpu.dma_semaphore, #tpu.memory_space<semaphore_mem>>) src(%dma_wait3A_380 : memref<400xi32, #tpu.memory_space<hbm>>) dst(%dma_wait3A_378 : memref<400xi32, #tpu.memory_space<vmem>>)
            %dma_wait3A_381 = arith.constant 0 : i32
            %dma_wait3A_382 = tpu.memref_slice %run_scoped3A_3[%dma_wait3A_381] : memref<800xi32, #tpu.memory_space<vmem>> -> memref<400xi32, #tpu.memory_space<vmem>>
            %dma_wait3A_383 = arith.constant 0 : i32
            %dma_wait3A_384 = tpu.memref_slice %arg3[%dma_wait3A_383] : memref<320000xi32, #tpu.memory_space<hbm>> -> memref<400xi32, #tpu.memory_space<hbm>>
            %dma_wait3A_385 = arith.constant 0 : i32
            %dma_wait3A_386 = tpu.memref_slice %run_scoped3A_3[%dma_wait3A_385] : memref<800xi32, #tpu.memory_space<vmem>> -> memref<400xi32, #tpu.memory_space<vmem>>
            %dma_wait3A_387 = arith.constant 0 : i32
            %dma_wait3A_388 = tpu.memref_slice %arg3[%dma_wait3A_387] : memref<320000xi32, #tpu.memory_space<hbm>> -> memref<400xi32, #tpu.memory_space<hbm>>
            tpu.wait_dma2 semaphore(%arg16 : memref<!tpu.dma_semaphore, #tpu.memory_space<semaphore_mem>>) src(%dma_wait3A_388 : memref<400xi32, #tpu.memory_space<hbm>>) dst(%dma_wait3A_386 : memref<400xi32, #tpu.memory_space<vmem>>)
            %dma_wait3A_389 = arith.constant 0 : i32
            %dma_wait3A_390 = tpu.memref_slice %run_scoped3A_4[%dma_wait3A_389] : memref<800xf32, #tpu.memory_space<vmem>> -> memref<400xf32, #tpu.memory_space<vmem>>
            %dma_wait3A_391 = arith.constant 0 : i32
            %dma_wait3A_392 = tpu.memref_slice %arg9[%dma_wait3A_391] : memref<320000xf32, #tpu.memory_space<hbm>> -> memref<400xf32, #tpu.memory_space<hbm>>
            %dma_wait3A_393 = arith.constant 0 : i32
            %dma_wait3A_394 = tpu.memref_slice %run_scoped3A_4[%dma_wait3A_393] : memref<800xf32, #tpu.memory_space<vmem>> -> memref<400xf32, #tpu.memory_space<vmem>>
            %dma_wait3A_395 = arith.constant 0 : i32
            %dma_wait3A_396 = tpu.memref_slice %arg9[%dma_wait3A_395] : memref<320000xf32, #tpu.memory_space<hbm>> -> memref<400xf32, #tpu.memory_space<hbm>>
            tpu.wait_dma2 semaphore(%arg16 : memref<!tpu.dma_semaphore, #tpu.memory_space<semaphore_mem>>) src(%dma_wait3A_396 : memref<400xf32, #tpu.memory_space<hbm>>) dst(%dma_wait3A_394 : memref<400xf32, #tpu.memory_space<vmem>>)
          } else {
          }
          %add3A_328 = arith.constant 1 : i32
          %add3A_329 = arith.addi %scan3A_135, %add3A_328 : i32
          %rem3A_330 = arith.constant 3 : i32
          %rem3A_331 = arith.remsi %add3A_329, %rem3A_330 : i32
          %jit3A_332 = arith.constant 5 : i32
          %div3A_333 = arith.divsi %add3A_329, %jit3A_332 : i32
          %sign3A_334 = arith.constant 0 : i32
          %sign3A_335 = arith.cmpi sgt, %add3A_329, %sign3A_334 : i32
          %sign3A_336 = arith.extui %sign3A_335 : i1 to i32
          %sign3A_337 = arith.constant 0 : i32
          %sign3A_338 = arith.cmpi slt, %add3A_329, %sign3A_337 : i32
          %sign3A_339 = arith.extui %sign3A_338 : i1 to i32
          %sign3A_340 = arith.subi %sign3A_336, %sign3A_339 : i32
          %sign3A_341 = arith.constant 0 : i32
          %sign3A_342 = arith.cmpi sgt, %jit3A_332, %sign3A_341 : i32
          %sign3A_343 = arith.extui %sign3A_342 : i1 to i32
          %sign3A_344 = arith.constant 0 : i32
          %sign3A_345 = arith.cmpi slt, %jit3A_332, %sign3A_344 : i32
          %sign3A_346 = arith.extui %sign3A_345 : i1 to i32
          %sign3A_347 = arith.subi %sign3A_343, %sign3A_346 : i32
          %ne3A_348 = arith.cmpi ne, %sign3A_340, %sign3A_347 : i32
          %rem3A_349 = arith.remsi %add3A_329, %jit3A_332 : i32
          %ne3A_350 = arith.constant 0 : i32
          %ne3A_351 = arith.cmpi ne, %rem3A_349, %ne3A_350 : i32
          %and3A_352 = arith.andi %ne3A_348, %ne3A_351 : i1
          %sub3A_353 = arith.constant 1 : i32
          %sub3A_354 = arith.subi %div3A_333, %sub3A_353 : i32
          %select_n3A_355 = arith.select %and3A_352, %sub3A_354, %div3A_333 : i32
          %rem3A_356 = arith.constant 2 : i32
          %rem3A_357 = arith.remsi %select_n3A_355, %rem3A_356 : i32
          %rem3A_358 = arith.constant 5 : i32
          %rem3A_359 = arith.remsi %add3A_329, %rem3A_358 : i32
          %mul3A_360 = arith.constant 80 : i32
          %mul3A_361 = arith.muli %rem3A_359, %mul3A_360 : i32
          %mul3A_362 = arith.constant 400 : i32
          %mul3A_363 = arith.muli %rem3A_357, %mul3A_362 : i32
          %add3A_364 = arith.addi %mul3A_363, %mul3A_361 : i32
          %mul3A_365 = arith.constant 80 : i32
          %mul3A_366 = arith.muli %rem3A_331, %mul3A_365 : i32
          %dma_start3A_367 = arith.constant 0 : i32
          %dma_start3A_368 = tpu.memref_slice %run_scoped3A_6[%mul3A_366, %dma_start3A_367] : memref<240x128xf32, #tpu.memory_space<vmem>> -> memref<80x128xf32, #tpu.memory_space<vmem>>
          %dma_start3A_369 = tpu.memref_slice %run_scoped3A[%add3A_364] : memref<800xi32, #tpu.memory_space<vmem>> -> memref<80xi32, #tpu.memory_space<vmem>>
          %dma_start3A_370 = arith.constant 0 : i32
          %dma_start3A_371 = arith.constant 0 : i32
          %dma_start3A_372 = tpu.memref_slice %arg8[%dma_start3A_370, %dma_start3A_371] : memref<20000x128xf32, #tpu.memory_space<hbm>> -> memref<20000x128xf32, #tpu.memory_space<hbm>>
          tpu.enqueue_indirect_dma source(%dma_start3A_372 : memref<20000x128xf32, #tpu.memory_space<hbm>>) target(%dma_start3A_368 : memref<80x128xf32, #tpu.memory_space<vmem>>) offsets(%dma_start3A_369 : memref<80xi32, #tpu.memory_space<vmem>>) semaphore(%arg17 : memref<!tpu.dma_semaphore, #tpu.memory_space<semaphore_mem>>)
        } else {
        }
        %mul3A_220 = arith.constant 400 : i32
        %mul3A_221 = arith.muli %rem3A_156, %mul3A_220 : i32
        %add3A_222 = arith.addi %mul3A_221, %mul3A_160 : i32
        %add3A_223 = arith.constant 0 : i32
        %add3A_224 = arith.addi %add3A_222, %add3A_223 : i32
        %get3A = arith.index_cast %add3A_224 : i32 to index
        %get3A_225 = tpu.vector_load %run_scoped3A_3[%get3A] {strides = array<i32>} : memref<800xi32, #tpu.memory_space<vmem>>, vector<16xi32>,
        %swap3A = arith.index_cast %rem3A_137 : i32 to index
        %swap3A_226 = arith.constant 0 : index
        %swap3A_227 = tpu.vector_load %run_scoped3A_5[%swap3A, %swap3A_226] {strides = array<i32>} : memref<3x80xi32, #tpu.memory_space<vmem>>, vector<16xi32>,
        tpu.vector_store %run_scoped3A_5[%swap3A, %swap3A_226], %get3A_225 {strides = array<i32>} : memref<3x80xi32, #tpu.memory_space<vmem>>, vector<16xi32>,
        %mul3A_228 = arith.constant 400 : i32
        %mul3A_229 = arith.muli %rem3A_156, %mul3A_228 : i32
        %add3A_230 = arith.addi %mul3A_229, %mul3A_160 : i32
        %add3A_231 = arith.constant 0 : i32
        %add3A_232 = arith.addi %add3A_230, %add3A_231 : i32
        %get3A_233 = arith.index_cast %add3A_232 : i32 to index
        %get3A_234 = tpu.vector_load %run_scoped3A_4[%get3A_233] {strides = array<i32>} : memref<800xf32, #tpu.memory_space<vmem>>, vector<16xf32>,
        tpu.vector_store_idx %run_scoped3A_8[%get3A_225], %get3A_234 {add = true} : memref<10000xf32, #tpu.memory_space<vmem>>[vector<16xi32>], vector<16xf32>,
        %mul3A_235 = arith.constant 400 : i32
        %mul3A_236 = arith.muli %rem3A_156, %mul3A_235 : i32
        %add3A_237 = arith.addi %mul3A_236, %mul3A_160 : i32
        %add3A_238 = arith.constant 16 : i32
        %add3A_239 = arith.addi %add3A_237, %add3A_238 : i32
        %get3A_240 = arith.index_cast %add3A_239 : i32 to index
        %get3A_241 = tpu.vector_load %run_scoped3A_3[%get3A_240] {strides = array<i32>} : memref<800xi32, #tpu.memory_space<vmem>>, vector<16xi32>,
        %swap3A_242 = arith.index_cast %rem3A_137 : i32 to index
        %swap3A_243 = arith.constant 16 : index
        %swap3A_244 = tpu.vector_load %run_scoped3A_5[%swap3A_242, %swap3A_243] {strides = array<i32>} : memref<3x80xi32, #tpu.memory_space<vmem>>, vector<16xi32>,
        tpu.vector_store %run_scoped3A_5[%swap3A_242, %swap3A_243], %get3A_241 {strides = array<i32>} : memref<3x80xi32, #tpu.memory_space<vmem>>, vector<16xi32>,
        %mul3A_245 = arith.constant 400 : i32
        %mul3A_246 = arith.muli %rem3A_156, %mul3A_245 : i32
        %add3A_247 = arith.addi %mul3A_246, %mul3A_160 : i32
        %add3A_248 = arith.constant 16 : i32
        %add3A_249 = arith.addi %add3A_247, %add3A_248 : i32
        %get3A_250 = arith.index_cast %add3A_249 : i32 to index
        %get3A_251 = tpu.vector_load %run_scoped3A_4[%get3A_250] {strides = array<i32>} : memref<800xf32, #tpu.memory_space<vmem>>, vector<16xf32>,
        tpu.vector_store_idx %run_scoped3A_8[%get3A_241], %get3A_251 {add = true} : memref<10000xf32, #tpu.memory_space<vmem>>[vector<16xi32>], vector<16xf32>,
        %mul3A_252 = arith.constant 400 : i32
        %mul3A_253 = arith.muli %rem3A_156, %mul3A_252 : i32
        %add3A_254 = arith.addi %mul3A_253, %mul3A_160 : i32
        %add3A_255 = arith.constant 32 : i32
        %add3A_256 = arith.addi %add3A_254, %add3A_255 : i32
        %get3A_257 = arith.index_cast %add3A_256 : i32 to index
        %get3A_258 = tpu.vector_load %run_scoped3A_3[%get3A_257] {strides = array<i32>} : memref<800xi32, #tpu.memory_space<vmem>>, vector<16xi32>,
        %swap3A_259 = arith.index_cast %rem3A_137 : i32 to index
        %swap3A_260 = arith.constant 32 : index
        %swap3A_261 = tpu.vector_load %run_scoped3A_5[%swap3A_259, %swap3A_260] {strides = array<i32>} : memref<3x80xi32, #tpu.memory_space<vmem>>, vector<16xi32>,
        tpu.vector_store %run_scoped3A_5[%swap3A_259, %swap3A_260], %get3A_258 {strides = array<i32>} : memref<3x80xi32, #tpu.memory_space<vmem>>, vector<16xi32>,
        %mul3A_262 = arith.constant 400 : i32
        %mul3A_263 = arith.muli %rem3A_156, %mul3A_262 : i32
        %add3A_264 = arith.addi %mul3A_263, %mul3A_160 : i32
        %add3A_265 = arith.constant 32 : i32
        %add3A_266 = arith.addi %add3A_264, %add3A_265 : i32
        %get3A_267 = arith.index_cast %add3A_266 : i32 to index
        %get3A_268 = tpu.vector_load %run_scoped3A_4[%get3A_267] {strides = array<i32>} : memref<800xf32, #tpu.memory_space<vmem>>, vector<16xf32>,
        tpu.vector_store_idx %run_scoped3A_8[%get3A_258], %get3A_268 {add = true} : memref<10000xf32, #tpu.memory_space<vmem>>[vector<16xi32>], vector<16xf32>,
        %mul3A_269 = arith.constant 400 : i32
        %mul3A_270 = arith.muli %rem3A_156, %mul3A_269 : i32
        %add3A_271 = arith.addi %mul3A_270, %mul3A_160 : i32
        %add3A_272 = arith.constant 48 : i32
        %add3A_273 = arith.addi %add3A_271, %add3A_272 : i32
        %get3A_274 = arith.index_cast %add3A_273 : i32 to index
        %get3A_275 = tpu.vector_load %run_scoped3A_3[%get3A_274] {strides = array<i32>} : memref<800xi32, #tpu.memory_space<vmem>>, vector<16xi32>,
        %swap3A_276 = arith.index_cast %rem3A_137 : i32 to index
        %swap3A_277 = arith.constant 48 : index
        %swap3A_278 = tpu.vector_load %run_scoped3A_5[%swap3A_276, %swap3A_277] {strides = array<i32>} : memref<3x80xi32, #tpu.memory_space<vmem>>, vector<16xi32>,
        tpu.vector_store %run_scoped3A_5[%swap3A_276, %swap3A_277], %get3A_275 {strides = array<i32>} : memref<3x80xi32, #tpu.memory_space<vmem>>, vector<16xi32>,
        %mul3A_279 = arith.constant 400 : i32
        %mul3A_280 = arith.muli %rem3A_156, %mul3A_279 : i32
        %add3A_281 = arith.addi %mul3A_280, %mul3A_160 : i32
        %add3A_282 = arith.constant 48 : i32
        %add3A_283 = arith.addi %add3A_281, %add3A_282 : i32
        %get3A_284 = arith.index_cast %add3A_283 : i32 to index
        %get3A_285 = tpu.vector_load %run_scoped3A_4[%get3A_284] {strides = array<i32>} : memref<800xf32, #tpu.memory_space<vmem>>, vector<16xf32>,
        tpu.vector_store_idx %run_scoped3A_8[%get3A_275], %get3A_285 {add = true} : memref<10000xf32, #tpu.memory_space<vmem>>[vector<16xi32>], vector<16xf32>,
        %mul3A_286 = arith.constant 400 : i32
        %mul3A_287 = arith.muli %rem3A_156, %mul3A_286 : i32
        %add3A_288 = arith.addi %mul3A_287, %mul3A_160 : i32
        %add3A_289 = arith.constant 64 : i32
        %add3A_290 = arith.addi %add3A_288, %add3A_289 : i32
        %get3A_291 = arith.index_cast %add3A_290 : i32 to index
        %get3A_292 = tpu.vector_load %run_scoped3A_3[%get3A_291] {strides = array<i32>} : memref<800xi32, #tpu.memory_space<vmem>>, vector<16xi32>,
        %swap3A_293 = arith.index_cast %rem3A_137 : i32 to index
        %swap3A_294 = arith.constant 64 : index
        %swap3A_295 = tpu.vector_load %run_scoped3A_5[%swap3A_293, %swap3A_294] {strides = array<i32>} : memref<3x80xi32, #tpu.memory_space<vmem>>, vector<16xi32>,
        tpu.vector_store %run_scoped3A_5[%swap3A_293, %swap3A_294], %get3A_292 {strides = array<i32>} : memref<3x80xi32, #tpu.memory_space<vmem>>, vector<16xi32>,
        %mul3A_296 = arith.constant 400 : i32
        %mul3A_297 = arith.muli %rem3A_156, %mul3A_296 : i32
        %add3A_298 = arith.addi %mul3A_297, %mul3A_160 : i32
        %add3A_299 = arith.constant 64 : i32
        %add3A_300 = arith.addi %add3A_298, %add3A_299 : i32
        %get3A_301 = arith.index_cast %add3A_300 : i32 to index
        %get3A_302 = tpu.vector_load %run_scoped3A_4[%get3A_301] {strides = array<i32>} : memref<800xf32, #tpu.memory_space<vmem>>, vector<16xf32>,
        tpu.vector_store_idx %run_scoped3A_8[%get3A_292], %get3A_302 {add = true} : memref<10000xf32, #tpu.memory_space<vmem>>[vector<16xi32>], vector<16xf32>,
        %scan3A_303 = arith.constant 0 : i32
        %scan3A_304 = arith.constant 0 : i32
        %scan3A_305 = arith.constant 5 : i32
        %scan3A_306 = arith.addi %scan3A_304, %scan3A_305 : i32
        %scan3A_307 = arith.constant 1 : i32
        %scan3A_308 = scf.for %scan3A_321 = %scan3A_304 to %scan3A_306 step %scan3A_307 iter_args(%scan3A_322 = %scan3A_303) -> (i32)  : i32 {
          %mul3A_323 = arith.constant 400 : i32
          %mul3A_324 = arith.muli %rem3A_156, %mul3A_323 : i32
          %add3A_325 = arith.addi %mul3A_324, %mul3A_160 : i32
          %mul3A_326 = arith.constant 16 : i32
          %mul3A_327 = arith.muli %scan3A_321, %mul3A_326 : i32
          %add3A_328 = arith.addi %add3A_325, %mul3A_327 : i32
          %get3A_329 = arith.index_cast %add3A_328 : i32 to index
          %get3A_330 = tpu.vector_load %run_scoped3A_4[%get3A_329] {strides = array<i32>} : memref<800xf32, #tpu.memory_space<vmem>>, vector<16xf32>,
          %mul3A_331 = arith.constant 80 : i32
          %mul3A_332 = arith.muli %rem3A_137, %mul3A_331 : i32
          %mul3A_333 = arith.constant 16 : i32
          %mul3A_334 = arith.muli %scan3A_321, %mul3A_333 : i32
          %add3A_335 = arith.addi %mul3A_332, %mul3A_334 : i32
          %add3A_336 = arith.constant 0 : i32
          %add3A_337 = arith.addi %add3A_335, %add3A_336 : i32
          %slice3A = vector.extract_strided_slice %get3A_330 {offsets = [0], sizes = [1], strides = [1]} : vector<16xf32> to vector<1xf32>
          %squeeze3A = vector.extract %slice3A[0] : f32 from vector<1xf32>
          %get3A_338 = arith.index_cast %add3A_337 : i32 to index
          %get3A_339 = arith.constant 0 : index
          %get3A_340 = tpu.vector_load %run_scoped3A_6[%get3A_338, %get3A_339] {strides = array<i32>} : memref<240x128xf32, #tpu.memory_space<vmem>>, vector<16xf32>,
          %mul3A_341 = vector.broadcast %squeeze3A : f32 to vector<16xf32>
          %mul3A_342 = arith.mulf %get3A_340, %mul3A_341 : vector<16xf32>
          %swap3A_343 = arith.index_cast %add3A_337 : i32 to index
          %swap3A_344 = arith.constant 0 : index
          %swap3A_345 = tpu.vector_load %run_scoped3A_6[%swap3A_343, %swap3A_344] {strides = array<i32>} : memref<240x128xf32, #tpu.memory_space<vmem>>, vector<16xf32>,
          tpu.vector_store %run_scoped3A_6[%swap3A_343, %swap3A_344], %mul3A_342 {strides = array<i32>} : memref<240x128xf32, #tpu.memory_space<vmem>>, vector<16xf32>,
          %get3A_346 = arith.index_cast %add3A_337 : i32 to index
          %get3A_347 = arith.constant 16 : index
          %get3A_348 = tpu.vector_load %run_scoped3A_6[%get3A_346, %get3A_347] {strides = array<i32>} : memref<240x128xf32, #tpu.memory_space<vmem>>, vector<16xf32>,
          %mul3A_349 = vector.broadcast %squeeze3A : f32 to vector<16xf32>
          %mul3A_350 = arith.mulf %get3A_348, %mul3A_349 : vector<16xf32>
          %swap3A_351 = arith.index_cast %add3A_337 : i32 to index
          %swap3A_352 = arith.constant 16 : index
          %swap3A_353 = tpu.vector_load %run_scoped3A_6[%swap3A_351, %swap3A_352] {strides = array<i32>} : memref<240x128xf32, #tpu.memory_space<vmem>>, vector<16xf32>,
          tpu.vector_store %run_scoped3A_6[%swap3A_351, %swap3A_352], %mul3A_350 {strides = array<i32>} : memref<240x128xf32, #tpu.memory_space<vmem>>, vector<16xf32>,
          %get3A_354 = arith.index_cast %add3A_337 : i32 to index
          %get3A_355 = arith.constant 32 : index
          %get3A_356 = tpu.vector_load %run_scoped3A_6[%get3A_354, %get3A_355] {strides = array<i32>} : memref<240x128xf32, #tpu.memory_space<vmem>>, vector<16xf32>,
          %mul3A_357 = vector.broadcast %squeeze3A : f32 to vector<16xf32>
          %mul3A_358 = arith.mulf %get3A_356, %mul3A_357 : vector<16xf32>
          %swap3A_359 = arith.index_cast %add3A_337 : i32 to index
          %swap3A_360 = arith.constant 32 : index
          %swap3A_361 = tpu.vector_load %run_scoped3A_6[%swap3A_359, %swap3A_360] {strides = array<i32>} : memref<240x128xf32, #tpu.memory_space<vmem>>, vector<16xf32>,
          tpu.vector_store %run_scoped3A_6[%swap3A_359, %swap3A_360], %mul3A_358 {strides = array<i32>} : memref<240x128xf32, #tpu.memory_space<vmem>>, vector<16xf32>,
          %get3A_362 = arith.index_cast %add3A_337 : i32 to index
          %get3A_363 = arith.constant 48 : index
          %get3A_364 = tpu.vector_load %run_scoped3A_6[%get3A_362, %get3A_363] {strides = array<i32>} : memref<240x128xf32, #tpu.memory_space<vmem>>, vector<16xf32>,
          %mul3A_365 = vector.broadcast %squeeze3A : f32 to vector<16xf32>
          %mul3A_366 = arith.mulf %get3A_364, %mul3A_365 : vector<16xf32>
          %swap3A_367 = arith.index_cast %add3A_337 : i32 to index
          %swap3A_368 = arith.constant 48 : index
          %swap3A_369 = tpu.vector_load %run_scoped3A_6[%swap3A_367, %swap3A_368] {strides = array<i32>} : memref<240x128xf32, #tpu.memory_space<vmem>>, vector<16xf32>,
          tpu.vector_store %run_scoped3A_6[%swap3A_367, %swap3A_368], %mul3A_366 {strides = array<i32>} : memref<240x128xf32, #tpu.memory_space<vmem>>, vector<16xf32>,
          %get3A_370 = arith.index_cast %add3A_337 : i32 to index
          %get3A_371 = arith.constant 64 : index
          %get3A_372 = tpu.vector_load %run_scoped3A_6[%get3A_370, %get3A_371] {strides = array<i32>} : memref<240x128xf32, #tpu.memory_space<vmem>>, vector<16xf32>,
          %mul3A_373 = vector.broadcast %squeeze3A : f32 to vector<16xf32>
          %mul3A_374 = arith.mulf %get3A_372, %mul3A_373 : vector<16xf32>
          %swap3A_375 = arith.index_cast %add3A_337 : i32 to index
          %swap3A_376 = arith.constant 64 : index
          %swap3A_377 = tpu.vector_load %run_scoped3A_6[%swap3A_375, %swap3A_376] {strides = array<i32>} : memref<240x128xf32, #tpu.memory_space<vmem>>, vector<16xf32>,
          tpu.vector_store %run_scoped3A_6[%swap3A_375, %swap3A_376], %mul3A_374 {strides = array<i32>} : memref<240x128xf32, #tpu.memory_space<vmem>>, vector<16xf32>,
          %get3A_378 = arith.index_cast %add3A_337 : i32 to index
          %get3A_379 = arith.constant 80 : index
          %get3A_380 = tpu.vector_load %run_scoped3A_6[%get3A_378, %get3A_379] {strides = array<i32>} : memref<240x128xf32, #tpu.memory_space<vmem>>, vector<16xf32>,
          %mul3A_381 = vector.broadcast %squeeze3A : f32 to vector<16xf32>
          %mul3A_382 = arith.mulf %get3A_380, %mul3A_381 : vector<16xf32>
          %swap3A_383 = arith.index_cast %add3A_337 : i32 to index
          %swap3A_384 = arith.constant 80 : index
          %swap3A_385 = tpu.vector_load %run_scoped3A_6[%swap3A_383, %swap3A_384] {strides = array<i32>} : memref<240x128xf32, #tpu.memory_space<vmem>>, vector<16xf32>,
          tpu.vector_store %run_scoped3A_6[%swap3A_383, %swap3A_384], %mul3A_382 {strides = array<i32>} : memref<240x128xf32, #tpu.memory_space<vmem>>, vector<16xf32>,
          %get3A_386 = arith.index_cast %add3A_337 : i32 to index
          %get3A_387 = arith.constant 96 : index
          %get3A_388 = tpu.vector_load %run_scoped3A_6[%get3A_386, %get3A_387] {strides = array<i32>} : memref<240x128xf32, #tpu.memory_space<vmem>>, vector<16xf32>,
          %mul3A_389 = vector.broadcast %squeeze3A : f32 to vector<16xf32>
          %mul3A_390 = arith.mulf %get3A_388, %mul3A_389 : vector<16xf32>
          %swap3A_391 = arith.index_cast %add3A_337 : i32 to index
          %swap3A_392 = arith.constant 96 : index
          %swap3A_393 = tpu.vector_load %run_scoped3A_6[%swap3A_391, %swap3A_392] {strides = array<i32>} : memref<240x128xf32, #tpu.memory_space<vmem>>, vector<16xf32>,
          tpu.vector_store %run_scoped3A_6[%swap3A_391, %swap3A_392], %mul3A_390 {strides = array<i32>} : memref<240x128xf32, #tpu.memory_space<vmem>>, vector<16xf32>,
          %get3A_394 = arith.index_cast %add3A_337 : i32 to index
          %get3A_395 = arith.constant 112 : index
          %get3A_396 = tpu.vector_load %run_scoped3A_6[%get3A_394, %get3A_395] {strides = array<i32>} : memref<240x128xf32, #tpu.memory_space<vmem>>, vector<16xf32>,
          %mul3A_397 = vector.broadcast %squeeze3A : f32 to vector<16xf32>
          %mul3A_398 = arith.mulf %get3A_396, %mul3A_397 : vector<16xf32>
          %swap3A_399 = arith.index_cast %add3A_337 : i32 to index
          %swap3A_400 = arith.constant 112 : index
          %swap3A_401 = tpu.vector_load %run_scoped3A_6[%swap3A_399, %swap3A_400] {strides = array<i32>} : memref<240x128xf32, #tpu.memory_space<vmem>>, vector<16xf32>,
          tpu.vector_store %run_scoped3A_6[%swap3A_399, %swap3A_400], %mul3A_398 {strides = array<i32>} : memref<240x128xf32, #tpu.memory_space<vmem>>, vector<16xf32>,
          %mul3A_402 = arith.constant 80 : i32
          %mul3A_403 = arith.muli %rem3A_137, %mul3A_402 : i32
          %mul3A_404 = arith.constant 16 : i32
          %mul3A_405 = arith.muli %scan3A_321, %mul3A_404 : i32
          %add3A_406 = arith.addi %mul3A_403, %mul3A_405 : i32
          %add3A_407 = arith.constant 1 : i32
          %add3A_408 = arith.addi %add3A_406, %add3A_407 : i32
          %slice3A_409 = vector.extract_strided_slice %get3A_330 {offsets = [1], sizes = [1], strides = [1]} : vector<16xf32> to vector<1xf32>
          %squeeze3A_410 = vector.extract %slice3A_409[0] : f32 from vector<1xf32>
          %get3A_411 = arith.index_cast %add3A_408 : i32 to index
          %get3A_412 = arith.constant 0 : index
          %get3A_413 = tpu.vector_load %run_scoped3A_6[%get3A_411, %get3A_412] {strides = array<i32>} : memref<240x128xf32, #tpu.memory_space<vmem>>, vector<16xf32>,
          %mul3A_414 = vector.broadcast %squeeze3A_410 : f32 to vector<16xf32>
          %mul3A_415 = arith.mulf %get3A_413, %mul3A_414 : vector<16xf32>
          %swap3A_416 = arith.index_cast %add3A_408 : i32 to index
          %swap3A_417 = arith.constant 0 : index
          %swap3A_418 = tpu.vector_load %run_scoped3A_6[%swap3A_416, %swap3A_417] {strides = array<i32>} : memref<240x128xf32, #tpu.memory_space<vmem>>, vector<16xf32>,
          tpu.vector_store %run_scoped3A_6[%swap3A_416, %swap3A_417], %mul3A_415 {strides = array<i32>} : memref<240x128xf32, #tpu.memory_space<vmem>>, vector<16xf32>,
          %get3A_419 = arith.index_cast %add3A_408 : i32 to index
          %get3A_420 = arith.constant 16 : index
          %get3A_421 = tpu.vector_load %run_scoped3A_6[%get3A_419, %get3A_420] {strides = array<i32>} : memref<240x128xf32, #tpu.memory_space<vmem>>, vector<16xf32>,
          %mul3A_422 = vector.broadcast %squeeze3A_410 : f32 to vector<16xf32>
          %mul3A_423 = arith.mulf %get3A_421, %mul3A_422 : vector<16xf32>
          %swap3A_424 = arith.index_cast %add3A_408 : i32 to index
          %swap3A_425 = arith.constant 16 : index
          %swap3A_426 = tpu.vector_load %run_scoped3A_6[%swap3A_424, %swap3A_425] {strides = array<i32>} : memref<240x128xf32, #tpu.memory_space<vmem>>, vector<16xf32>,
          tpu.vector_store %run_scoped3A_6[%swap3A_424, %swap3A_425], %mul3A_423 {strides = array<i32>} : memref<240x128xf32, #tpu.memory_space<vmem>>, vector<16xf32>,
          %get3A_427 = arith.index_cast %add3A_408 : i32 to index
          %get3A_428 = arith.constant 32 : index
          %get3A_429 = tpu.vector_load %run_scoped3A_6[%get3A_427, %get3A_428] {strides = array<i32>} : memref<240x128xf32, #tpu.memory_space<vmem>>, vector<16xf32>,
          %mul3A_430 = vector.broadcast %squeeze3A_410 : f32 to vector<16xf32>
          %mul3A_431 = arith.mulf %get3A_429, %mul3A_430 : vector<16xf32>
          %swap3A_432 = arith.index_cast %add3A_408 : i32 to index
          %swap3A_433 = arith.constant 32 : index
          %swap3A_434 = tpu.vector_load %run_scoped3A_6[%swap3A_432, %swap3A_433] {strides = array<i32>} : memref<240x128xf32, #tpu.memory_space<vmem>>, vector<16xf32>,
          tpu.vector_store %run_scoped3A_6[%swap3A_432, %swap3A_433], %mul3A_431 {strides = array<i32>} : memref<240x128xf32, #tpu.memory_space<vmem>>, vector<16xf32>,
          %get3A_435 = arith.index_cast %add3A_408 : i32 to index
          %get3A_436 = arith.constant 48 : index
          %get3A_437 = tpu.vector_load %run_scoped3A_6[%get3A_435, %get3A_436] {strides = array<i32>} : memref<240x128xf32, #tpu.memory_space<vmem>>, vector<16xf32>,
          %mul3A_438 = vector.broadcast %squeeze3A_410 : f32 to vector<16xf32>
          %mul3A_439 = arith.mulf %get3A_437, %mul3A_438 : vector<16xf32>
          %swap3A_440 = arith.index_cast %add3A_408 : i32 to index
          %swap3A_441 = arith.constant 48 : index
          %swap3A_442 = tpu.vector_load %run_scoped3A_6[%swap3A_440, %swap3A_441] {strides = array<i32>} : memref<240x128xf32, #tpu.memory_space<vmem>>, vector<16xf32>,
          tpu.vector_store %run_scoped3A_6[%swap3A_440, %swap3A_441], %mul3A_439 {strides = array<i32>} : memref<240x128xf32, #tpu.memory_space<vmem>>, vector<16xf32>,
          %get3A_443 = arith.index_cast %add3A_408 : i32 to index
          %get3A_444 = arith.constant 64 : index
          %get3A_445 = tpu.vector_load %run_scoped3A_6[%get3A_443, %get3A_444] {strides = array<i32>} : memref<240x128xf32, #tpu.memory_space<vmem>>, vector<16xf32>,
          %mul3A_446 = vector.broadcast %squeeze3A_410 : f32 to vector<16xf32>
          %mul3A_447 = arith.mulf %get3A_445, %mul3A_446 : vector<16xf32>
          %swap3A_448 = arith.index_cast %add3A_408 : i32 to index
          %swap3A_449 = arith.constant 64 : index
          %swap3A_450 = tpu.vector_load %run_scoped3A_6[%swap3A_448, %swap3A_449] {strides = array<i32>} : memref<240x128xf32, #tpu.memory_space<vmem>>, vector<16xf32>,
          tpu.vector_store %run_scoped3A_6[%swap3A_448, %swap3A_449], %mul3A_447 {strides = array<i32>} : memref<240x128xf32, #tpu.memory_space<vmem>>, vector<16xf32>,
          %get3A_451 = arith.index_cast %add3A_408 : i32 to index
          %get3A_452 = arith.constant 80 : index
          %get3A_453 = tpu.vector_load %run_scoped3A_6[%get3A_451, %get3A_452] {strides = array<i32>} : memref<240x128xf32, #tpu.memory_space<vmem>>, vector<16xf32>,
          %mul3A_454 = vector.broadcast %squeeze3A_410 : f32 to vector<16xf32>
          %mul3A_455 = arith.mulf %get3A_453, %mul3A_454 : vector<16xf32>
          %swap3A_456 = arith.index_cast %add3A_408 : i32 to index
          %swap3A_457 = arith.constant 80 : index
          %swap3A_458 = tpu.vector_load %run_scoped3A_6[%swap3A_456, %swap3A_457] {strides = array<i32>} : memref<240x128xf32, #tpu.memory_space<vmem>>, vector<16xf32>,
          tpu.vector_store %run_scoped3A_6[%swap3A_456, %swap3A_457], %mul3A_455 {strides = array<i32>} : memref<240x128xf32, #tpu.memory_space<vmem>>, vector<16xf32>,
          %get3A_459 = arith.index_cast %add3A_408 : i32 to index
          %get3A_460 = arith.constant 96 : index
          %get3A_461 = tpu.vector_load %run_scoped3A_6[%get3A_459, %get3A_460] {strides = array<i32>} : memref<240x128xf32, #tpu.memory_space<vmem>>, vector<16xf32>,
          %mul3A_462 = vector.broadcast %squeeze3A_410 : f32 to vector<16xf32>
          %mul3A_463 = arith.mulf %get3A_461, %mul3A_462 : vector<16xf32>
          %swap3A_464 = arith.index_cast %add3A_408 : i32 to index
          %swap3A_465 = arith.constant 96 : index
          %swap3A_466 = tpu.vector_load %run_scoped3A_6[%swap3A_464, %swap3A_465] {strides = array<i32>} : memref<240x128xf32, #tpu.memory_space<vmem>>, vector<16xf32>,
          tpu.vector_store %run_scoped3A_6[%swap3A_464, %swap3A_465], %mul3A_463 {strides = array<i32>} : memref<240x128xf32, #tpu.memory_space<vmem>>, vector<16xf32>,
          %get3A_467 = arith.index_cast %add3A_408 : i32 to index
          %get3A_468 = arith.constant 112 : index
          %get3A_469 = tpu.vector_load %run_scoped3A_6[%get3A_467, %get3A_468] {strides = array<i32>} : memref<240x128xf32, #tpu.memory_space<vmem>>, vector<16xf32>,
          %mul3A_470 = vector.broadcast %squeeze3A_410 : f32 to vector<16xf32>
          %mul3A_471 = arith.mulf %get3A_469, %mul3A_470 : vector<16xf32>
          %swap3A_472 = arith.index_cast %add3A_408 : i32 to index
          %swap3A_473 = arith.constant 112 : index
          %swap3A_474 = tpu.vector_load %run_scoped3A_6[%swap3A_472, %swap3A_473] {strides = array<i32>} : memref<240x128xf32, #tpu.memory_space<vmem>>, vector<16xf32>,
          tpu.vector_store %run_scoped3A_6[%swap3A_472, %swap3A_473], %mul3A_471 {strides = array<i32>} : memref<240x128xf32, #tpu.memory_space<vmem>>, vector<16xf32>,
          %mul3A_475 = arith.constant 80 : i32
          %mul3A_476 = arith.muli %rem3A_137, %mul3A_475 : i32
          %mul3A_477 = arith.constant 16 : i32
          %mul3A_478 = arith.muli %scan3A_321, %mul3A_477 : i32
          %add3A_479 = arith.addi %mul3A_476, %mul3A_478 : i32
          %add3A_480 = arith.constant 2 : i32
          %add3A_481 = arith.addi %add3A_479, %add3A_480 : i32
          %slice3A_482 = vector.extract_strided_slice %get3A_330 {offsets = [2], sizes = [1], strides = [1]} : vector<16xf32> to vector<1xf32>
          %squeeze3A_483 = vector.extract %slice3A_482[0] : f32 from vector<1xf32>
          %get3A_484 = arith.index_cast %add3A_481 : i32 to index
          %get3A_485 = arith.constant 0 : index
          %get3A_486 = tpu.vector_load %run_scoped3A_6[%get3A_484, %get3A_485] {strides = array<i32>} : memref<240x128xf32, #tpu.memory_space<vmem>>, vector<16xf32>,
          %mul3A_487 = vector.broadcast %squeeze3A_483 : f32 to vector<16xf32>
          %mul3A_488 = arith.mulf %get3A_486, %mul3A_487 : vector<16xf32>
          %swap3A_489 = arith.index_cast %add3A_481 : i32 to index
          %swap3A_490 = arith.constant 0 : index
          %swap3A_491 = tpu.vector_load %run_scoped3A_6[%swap3A_489, %swap3A_490] {strides = array<i32>} : memref<240x128xf32, #tpu.memory_space<vmem>>, vector<16xf32>,
          tpu.vector_store %run_scoped3A_6[%swap3A_489, %swap3A_490], %mul3A_488 {strides = array<i32>} : memref<240x128xf32, #tpu.memory_space<vmem>>, vector<16xf32>,
          %get3A_492 = arith.index_cast %add3A_481 : i32 to index
          %get3A_493 = arith.constant 16 : index
          %get3A_494 = tpu.vector_load %run_scoped3A_6[%get3A_492, %get3A_493] {strides = array<i32>} : memref<240x128xf32, #tpu.memory_space<vmem>>, vector<16xf32>,
          %mul3A_495 = vector.broadcast %squeeze3A_483 : f32 to vector<16xf32>
          %mul3A_496 = arith.mulf %get3A_494, %mul3A_495 : vector<16xf32>
          %swap3A_497 = arith.index_cast %add3A_481 : i32 to index
          %swap3A_498 = arith.constant 16 : index
          %swap3A_499 = tpu.vector_load %run_scoped3A_6[%swap3A_497, %swap3A_498] {strides = array<i32>} : memref<240x128xf32, #tpu.memory_space<vmem>>, vector<16xf32>,
          tpu.vector_store %run_scoped3A_6[%swap3A_497, %swap3A_498], %mul3A_496 {strides = array<i32>} : memref<240x128xf32, #tpu.memory_space<vmem>>, vector<16xf32>,
          %get3A_500 = arith.index_cast %add3A_481 : i32 to index
          %get3A_501 = arith.constant 32 : index
          %get3A_502 = tpu.vector_load %run_scoped3A_6[%get3A_500, %get3A_501] {strides = array<i32>} : memref<240x128xf32, #tpu.memory_space<vmem>>, vector<16xf32>,
          %mul3A_503 = vector.broadcast %squeeze3A_483 : f32 to vector<16xf32>
          %mul3A_504 = arith.mulf %get3A_502, %mul3A_503 : vector<16xf32>
          %swap3A_505 = arith.index_cast %add3A_481 : i32 to index
          %swap3A_506 = arith.constant 32 : index
          %swap3A_507 = tpu.vector_load %run_scoped3A_6[%swap3A_505, %swap3A_506] {strides = array<i32>} : memref<240x128xf32, #tpu.memory_space<vmem>>, vector<16xf32>,
          tpu.vector_store %run_scoped3A_6[%swap3A_505, %swap3A_506], %mul3A_504 {strides = array<i32>} : memref<240x128xf32, #tpu.memory_space<vmem>>, vector<16xf32>,
          %get3A_508 = arith.index_cast %add3A_481 : i32 to index
          %get3A_509 = arith.constant 48 : index
          %get3A_510 = tpu.vector_load %run_scoped3A_6[%get3A_508, %get3A_509] {strides = array<i32>} : memref<240x128xf32, #tpu.memory_space<vmem>>, vector<16xf32>,
          %mul3A_511 = vector.broadcast %squeeze3A_483 : f32 to vector<16xf32>
          %mul3A_512 = arith.mulf %get3A_510, %mul3A_511 : vector<16xf32>
          %swap3A_513 = arith.index_cast %add3A_481 : i32 to index
          %swap3A_514 = arith.constant 48 : index
          %swap3A_515 = tpu.vector_load %run_scoped3A_6[%swap3A_513, %swap3A_514] {strides = array<i32>} : memref<240x128xf32, #tpu.memory_space<vmem>>, vector<16xf32>,
          tpu.vector_store %run_scoped3A_6[%swap3A_513, %swap3A_514], %mul3A_512 {strides = array<i32>} : memref<240x128xf32, #tpu.memory_space<vmem>>, vector<16xf32>,
          %get3A_516 = arith.index_cast %add3A_481 : i32 to index
          %get3A_517 = arith.constant 64 : index
          %get3A_518 = tpu.vector_load %run_scoped3A_6[%get3A_516, %get3A_517] {strides = array<i32>} : memref<240x128xf32, #tpu.memory_space<vmem>>, vector<16xf32>,
          %mul3A_519 = vector.broadcast %squeeze3A_483 : f32 to vector<16xf32>
          %mul3A_520 = arith.mulf %get3A_518, %mul3A_519 : vector<16xf32>
          %swap3A_521 = arith.index_cast %add3A_481 : i32 to index
          %swap3A_522 = arith.constant 64 : index
          %swap3A_523 = tpu.vector_load %run_scoped3A_6[%swap3A_521, %swap3A_522] {strides = array<i32>} : memref<240x128xf32, #tpu.memory_space<vmem>>, vector<16xf32>,
          tpu.vector_store %run_scoped3A_6[%swap3A_521, %swap3A_522], %mul3A_520 {strides = array<i32>} : memref<240x128xf32, #tpu.memory_space<vmem>>, vector<16xf32>,
          %get3A_524 = arith.index_cast %add3A_481 : i32 to index
          %get3A_525 = arith.constant 80 : index
          %get3A_526 = tpu.vector_load %run_scoped3A_6[%get3A_524, %get3A_525] {strides = array<i32>} : memref<240x128xf32, #tpu.memory_space<vmem>>, vector<16xf32>,
          %mul3A_527 = vector.broadcast %squeeze3A_483 : f32 to vector<16xf32>
          %mul3A_528 = arith.mulf %get3A_526, %mul3A_527 : vector<16xf32>
          %swap3A_529 = arith.index_cast %add3A_481 : i32 to index
          %swap3A_530 = arith.constant 80 : index
          %swap3A_531 = tpu.vector_load %run_scoped3A_6[%swap3A_529, %swap3A_530] {strides = array<i32>} : memref<240x128xf32, #tpu.memory_space<vmem>>, vector<16xf32>,
          tpu.vector_store %run_scoped3A_6[%swap3A_529, %swap3A_530], %mul3A_528 {strides = array<i32>} : memref<240x128xf32, #tpu.memory_space<vmem>>, vector<16xf32>,
          %get3A_532 = arith.index_cast %add3A_481 : i32 to index
          %get3A_533 = arith.constant 96 : index
          %get3A_534 = tpu.vector_load %run_scoped3A_6[%get3A_532, %get3A_533] {strides = array<i32>} : memref<240x128xf32, #tpu.memory_space<vmem>>, vector<16xf32>,
          %mul3A_535 = vector.broadcast %squeeze3A_483 : f32 to vector<16xf32>
          %mul3A_536 = arith.mulf %get3A_534, %mul3A_535 : vector<16xf32>
          %swap3A_537 = arith.index_cast %add3A_481 : i32 to index
          %swap3A_538 = arith.constant 96 : index
          %swap3A_539 = tpu.vector_load %run_scoped3A_6[%swap3A_537, %swap3A_538] {strides = array<i32>} : memref<240x128xf32, #tpu.memory_space<vmem>>, vector<16xf32>,
          tpu.vector_store %run_scoped3A_6[%swap3A_537, %swap3A_538], %mul3A_536 {strides = array<i32>} : memref<240x128xf32, #tpu.memory_space<vmem>>, vector<16xf32>,
          %get3A_540 = arith.index_cast %add3A_481 : i32 to index
          %get3A_541 = arith.constant 112 : index
          %get3A_542 = tpu.vector_load %run_scoped3A_6[%get3A_540, %get3A_541] {strides = array<i32>} : memref<240x128xf32, #tpu.memory_space<vmem>>, vector<16xf32>,
          %mul3A_543 = vector.broadcast %squeeze3A_483 : f32 to vector<16xf32>
          %mul3A_544 = arith.mulf %get3A_542, %mul3A_543 : vector<16xf32>
          %swap3A_545 = arith.index_cast %add3A_481 : i32 to index
          %swap3A_546 = arith.constant 112 : index
          %swap3A_547 = tpu.vector_load %run_scoped3A_6[%swap3A_545, %swap3A_546] {strides = array<i32>} : memref<240x128xf32, #tpu.memory_space<vmem>>, vector<16xf32>,
          tpu.vector_store %run_scoped3A_6[%swap3A_545, %swap3A_546], %mul3A_544 {strides = array<i32>} : memref<240x128xf32, #tpu.memory_space<vmem>>, vector<16xf32>,
          %mul3A_548 = arith.constant 80 : i32
          %mul3A_549 = arith.muli %rem3A_137, %mul3A_548 : i32
          %mul3A_550 = arith.constant 16 : i32
          %mul3A_551 = arith.muli %scan3A_321, %mul3A_550 : i32
          %add3A_552 = arith.addi %mul3A_549, %mul3A_551 : i32
          %add3A_553 = arith.constant 3 : i32
          %add3A_554 = arith.addi %add3A_552, %add3A_553 : i32
          %slice3A_555 = vector.extract_strided_slice %get3A_330 {offsets = [3], sizes = [1], strides = [1]} : vector<16xf32> to vector<1xf32>
          %squeeze3A_556 = vector.extract %slice3A_555[0] : f32 from vector<1xf32>
          %get3A_557 = arith.index_cast %add3A_554 : i32 to index
          %get3A_558 = arith.constant 0 : index
          %get3A_559 = tpu.vector_load %run_scoped3A_6[%get3A_557, %get3A_558] {strides = array<i32>} : memref<240x128xf32, #tpu.memory_space<vmem>>, vector<16xf32>,
          %mul3A_560 = vector.broadcast %squeeze3A_556 : f32 to vector<16xf32>
          %mul3A_561 = arith.mulf %get3A_559, %mul3A_560 : vector<16xf32>
          %swap3A_562 = arith.index_cast %add3A_554 : i32 to index
          %swap3A_563 = arith.constant 0 : index
          %swap3A_564 = tpu.vector_load %run_scoped3A_6[%swap3A_562, %swap3A_563] {strides = array<i32>} : memref<240x128xf32, #tpu.memory_space<vmem>>, vector<16xf32>,
          tpu.vector_store %run_scoped3A_6[%swap3A_562, %swap3A_563], %mul3A_561 {strides = array<i32>} : memref<240x128xf32, #tpu.memory_space<vmem>>, vector<16xf32>,
          %get3A_565 = arith.index_cast %add3A_554 : i32 to index
          %get3A_566 = arith.constant 16 : index
          %get3A_567 = tpu.vector_load %run_scoped3A_6[%get3A_565, %get3A_566] {strides = array<i32>} : memref<240x128xf32, #tpu.memory_space<vmem>>, vector<16xf32>,
          %mul3A_568 = vector.broadcast %squeeze3A_556 : f32 to vector<16xf32>
          %mul3A_569 = arith.mulf %get3A_567, %mul3A_568 : vector<16xf32>
          %swap3A_570 = arith.index_cast %add3A_554 : i32 to index
          %swap3A_571 = arith.constant 16 : index
          %swap3A_572 = tpu.vector_load %run_scoped3A_6[%swap3A_570, %swap3A_571] {strides = array<i32>} : memref<240x128xf32, #tpu.memory_space<vmem>>, vector<16xf32>,
          tpu.vector_store %run_scoped3A_6[%swap3A_570, %swap3A_571], %mul3A_569 {strides = array<i32>} : memref<240x128xf32, #tpu.memory_space<vmem>>, vector<16xf32>,
          %get3A_573 = arith.index_cast %add3A_554 : i32 to index
          %get3A_574 = arith.constant 32 : index
          %get3A_575 = tpu.vector_load %run_scoped3A_6[%get3A_573, %get3A_574] {strides = array<i32>} : memref<240x128xf32, #tpu.memory_space<vmem>>, vector<16xf32>,
          %mul3A_576 = vector.broadcast %squeeze3A_556 : f32 to vector<16xf32>
          %mul3A_577 = arith.mulf %get3A_575, %mul3A_576 : vector<16xf32>
          %swap3A_578 = arith.index_cast %add3A_554 : i32 to index
          %swap3A_579 = arith.constant 32 : index
          %swap3A_580 = tpu.vector_load %run_scoped3A_6[%swap3A_578, %swap3A_579] {strides = array<i32>} : memref<240x128xf32, #tpu.memory_space<vmem>>, vector<16xf32>,
          tpu.vector_store %run_scoped3A_6[%swap3A_578, %swap3A_579], %mul3A_577 {strides = array<i32>} : memref<240x128xf32, #tpu.memory_space<vmem>>, vector<16xf32>,
          %get3A_581 = arith.index_cast %add3A_554 : i32 to index
          %get3A_582 = arith.constant 48 : index
          %get3A_583 = tpu.vector_load %run_scoped3A_6[%get3A_581, %get3A_582] {strides = array<i32>} : memref<240x128xf32, #tpu.memory_space<vmem>>, vector<16xf32>,
          %mul3A_584 = vector.broadcast %squeeze3A_556 : f32 to vector<16xf32>
          %mul3A_585 = arith.mulf %get3A_583, %mul3A_584 : vector<16xf32>
          %swap3A_586 = arith.index_cast %add3A_554 : i32 to index
          %swap3A_587 = arith.constant 48 : index
          %swap3A_588 = tpu.vector_load %run_scoped3A_6[%swap3A_586, %swap3A_587] {strides = array<i32>} : memref<240x128xf32, #tpu.memory_space<vmem>>, vector<16xf32>,
          tpu.vector_store %run_scoped3A_6[%swap3A_586, %swap3A_587], %mul3A_585 {strides = array<i32>} : memref<240x128xf32, #tpu.memory_space<vmem>>, vector<16xf32>,
          %get3A_589 = arith.index_cast %add3A_554 : i32 to index
          %get3A_590 = arith.constant 64 : index
          %get3A_591 = tpu.vector_load %run_scoped3A_6[%get3A_589, %get3A_590] {strides = array<i32>} : memref<240x128xf32, #tpu.memory_space<vmem>>, vector<16xf32>,
          %mul3A_592 = vector.broadcast %squeeze3A_556 : f32 to vector<16xf32>
          %mul3A_593 = arith.mulf %get3A_591, %mul3A_592 : vector<16xf32>
          %swap3A_594 = arith.index_cast %add3A_554 : i32 to index
          %swap3A_595 = arith.constant 64 : index
          %swap3A_596 = tpu.vector_load %run_scoped3A_6[%swap3A_594, %swap3A_595] {strides = array<i32>} : memref<240x128xf32, #tpu.memory_space<vmem>>, vector<16xf32>,
          tpu.vector_store %run_scoped3A_6[%swap3A_594, %swap3A_595], %mul3A_593 {strides = array<i32>} : memref<240x128xf32, #tpu.memory_space<vmem>>, vector<16xf32>,
          %get3A_597 = arith.index_cast %add3A_554 : i32 to index
          %get3A_598 = arith.constant 80 : index
          %get3A_599 = tpu.vector_load %run_scoped3A_6[%get3A_597, %get3A_598] {strides = array<i32>} : memref<240x128xf32, #tpu.memory_space<vmem>>, vector<16xf32>,
          %mul3A_600 = vector.broadcast %squeeze3A_556 : f32 to vector<16xf32>
          %mul3A_601 = arith.mulf %get3A_599, %mul3A_600 : vector<16xf32>
          %swap3A_602 = arith.index_cast %add3A_554 : i32 to index
          %swap3A_603 = arith.constant 80 : index
          %swap3A_604 = tpu.vector_load %run_scoped3A_6[%swap3A_602, %swap3A_603] {strides = array<i32>} : memref<240x128xf32, #tpu.memory_space<vmem>>, vector<16xf32>,
          tpu.vector_store %run_scoped3A_6[%swap3A_602, %swap3A_603], %mul3A_601 {strides = array<i32>} : memref<240x128xf32, #tpu.memory_space<vmem>>, vector<16xf32>,
          %get3A_605 = arith.index_cast %add3A_554 : i32 to index
          %get3A_606 = arith.constant 96 : index
          %get3A_607 = tpu.vector_load %run_scoped3A_6[%get3A_605, %get3A_606] {strides = array<i32>} : memref<240x128xf32, #tpu.memory_space<vmem>>, vector<16xf32>,
          %mul3A_608 = vector.broadcast %squeeze3A_556 : f32 to vector<16xf32>
          %mul3A_609 = arith.mulf %get3A_607, %mul3A_608 : vector<16xf32>
          %swap3A_610 = arith.index_cast %add3A_554 : i32 to index
          %swap3A_611 = arith.constant 96 : index
          %swap3A_612 = tpu.vector_load %run_scoped3A_6[%swap3A_610, %swap3A_611] {strides = array<i32>} : memref<240x128xf32, #tpu.memory_space<vmem>>, vector<16xf32>,
          tpu.vector_store %run_scoped3A_6[%swap3A_610, %swap3A_611], %mul3A_609 {strides = array<i32>} : memref<240x128xf32, #tpu.memory_space<vmem>>, vector<16xf32>,
          %get3A_613 = arith.index_cast %add3A_554 : i32 to index
          %get3A_614 = arith.constant 112 : index
          %get3A_615 = tpu.vector_load %run_scoped3A_6[%get3A_613, %get3A_614] {strides = array<i32>} : memref<240x128xf32, #tpu.memory_space<vmem>>, vector<16xf32>,
          %mul3A_616 = vector.broadcast %squeeze3A_556 : f32 to vector<16xf32>
          %mul3A_617 = arith.mulf %get3A_615, %mul3A_616 : vector<16xf32>
          %swap3A_618 = arith.index_cast %add3A_554 : i32 to index
          %swap3A_619 = arith.constant 112 : index
          %swap3A_620 = tpu.vector_load %run_scoped3A_6[%swap3A_618, %swap3A_619] {strides = array<i32>} : memref<240x128xf32, #tpu.memory_space<vmem>>, vector<16xf32>,
          tpu.vector_store %run_scoped3A_6[%swap3A_618, %swap3A_619], %mul3A_617 {strides = array<i32>} : memref<240x128xf32, #tpu.memory_space<vmem>>, vector<16xf32>,
          %mul3A_621 = arith.constant 80 : i32
          %mul3A_622 = arith.muli %rem3A_137, %mul3A_621 : i32
          %mul3A_623 = arith.constant 16 : i32
          %mul3A_624 = arith.muli %scan3A_321, %mul3A_623 : i32
          %add3A_625 = arith.addi %mul3A_622, %mul3A_624 : i32
          %add3A_626 = arith.constant 4 : i32
          %add3A_627 = arith.addi %add3A_625, %add3A_626 : i32
          %slice3A_628 = vector.extract_strided_slice %get3A_330 {offsets = [4], sizes = [1], strides = [1]} : vector<16xf32> to vector<1xf32>
          %squeeze3A_629 = vector.extract %slice3A_628[0] : f32 from vector<1xf32>
          %get3A_630 = arith.index_cast %add3A_627 : i32 to index
          %get3A_631 = arith.constant 0 : index
          %get3A_632 = tpu.vector_load %run_scoped3A_6[%get3A_630, %get3A_631] {strides = array<i32>} : memref<240x128xf32, #tpu.memory_space<vmem>>, vector<16xf32>,
          %mul3A_633 = vector.broadcast %squeeze3A_629 : f32 to vector<16xf32>
          %mul3A_634 = arith.mulf %get3A_632, %mul3A_633 : vector<16xf32>
          %swap3A_635 = arith.index_cast %add3A_627 : i32 to index
          %swap3A_636 = arith.constant 0 : index
          %swap3A_637 = tpu.vector_load %run_scoped3A_6[%swap3A_635, %swap3A_636] {strides = array<i32>} : memref<240x128xf32, #tpu.memory_space<vmem>>, vector<16xf32>,
          tpu.vector_store %run_scoped3A_6[%swap3A_635, %swap3A_636], %mul3A_634 {strides = array<i32>} : memref<240x128xf32, #tpu.memory_space<vmem>>, vector<16xf32>,
          %get3A_638 = arith.index_cast %add3A_627 : i32 to index
          %get3A_639 = arith.constant 16 : index
          %get3A_640 = tpu.vector_load %run_scoped3A_6[%get3A_638, %get3A_639] {strides = array<i32>} : memref<240x128xf32, #tpu.memory_space<vmem>>, vector<16xf32>,
          %mul3A_641 = vector.broadcast %squeeze3A_629 : f32 to vector<16xf32>
          %mul3A_642 = arith.mulf %get3A_640, %mul3A_641 : vector<16xf32>
          %swap3A_643 = arith.index_cast %add3A_627 : i32 to index
          %swap3A_644 = arith.constant 16 : index
          %swap3A_645 = tpu.vector_load %run_scoped3A_6[%swap3A_643, %swap3A_644] {strides = array<i32>} : memref<240x128xf32, #tpu.memory_space<vmem>>, vector<16xf32>,
          tpu.vector_store %run_scoped3A_6[%swap3A_643, %swap3A_644], %mul3A_642 {strides = array<i32>} : memref<240x128xf32, #tpu.memory_space<vmem>>, vector<16xf32>,
          %get3A_646 = arith.index_cast %add3A_627 : i32 to index
          %get3A_647 = arith.constant 32 : index
          %get3A_648 = tpu.vector_load %run_scoped3A_6[%get3A_646, %get3A_647] {strides = array<i32>} : memref<240x128xf32, #tpu.memory_space<vmem>>, vector<16xf32>,
          %mul3A_649 = vector.broadcast %squeeze3A_629 : f32 to vector<16xf32>
          %mul3A_650 = arith.mulf %get3A_648, %mul3A_649 : vector<16xf32>
          %swap3A_651 = arith.index_cast %add3A_627 : i32 to index
          %swap3A_652 = arith.constant 32 : index
          %swap3A_653 = tpu.vector_load %run_scoped3A_6[%swap3A_651, %swap3A_652] {strides = array<i32>} : memref<240x128xf32, #tpu.memory_space<vmem>>, vector<16xf32>,
          tpu.vector_store %run_scoped3A_6[%swap3A_651, %swap3A_652], %mul3A_650 {strides = array<i32>} : memref<240x128xf32, #tpu.memory_space<vmem>>, vector<16xf32>,
          %get3A_654 = arith.index_cast %add3A_627 : i32 to index
          %get3A_655 = arith.constant 48 : index
          %get3A_656 = tpu.vector_load %run_scoped3A_6[%get3A_654, %get3A_655] {strides = array<i32>} : memref<240x128xf32, #tpu.memory_space<vmem>>, vector<16xf32>,
          %mul3A_657 = vector.broadcast %squeeze3A_629 : f32 to vector<16xf32>
          %mul3A_658 = arith.mulf %get3A_656, %mul3A_657 : vector<16xf32>
          %swap3A_659 = arith.index_cast %add3A_627 : i32 to index
          %swap3A_660 = arith.constant 48 : index
          %swap3A_661 = tpu.vector_load %run_scoped3A_6[%swap3A_659, %swap3A_660] {strides = array<i32>} : memref<240x128xf32, #tpu.memory_space<vmem>>, vector<16xf32>,
          tpu.vector_store %run_scoped3A_6[%swap3A_659, %swap3A_660], %mul3A_658 {strides = array<i32>} : memref<240x128xf32, #tpu.memory_space<vmem>>, vector<16xf32>,
          %get3A_662 = arith.index_cast %add3A_627 : i32 to index
          %get3A_663 = arith.constant 64 : index
          %get3A_664 = tpu.vector_load %run_scoped3A_6[%get3A_662, %get3A_663] {strides = array<i32>} : memref<240x128xf32, #tpu.memory_space<vmem>>, vector<16xf32>,
          %mul3A_665 = vector.broadcast %squeeze3A_629 : f32 to vector<16xf32>
          %mul3A_666 = arith.mulf %get3A_664, %mul3A_665 : vector<16xf32>
          %swap3A_667 = arith.index_cast %add3A_627 : i32 to index
          %swap3A_668 = arith.constant 64 : index
          %swap3A_669 = tpu.vector_load %run_scoped3A_6[%swap3A_667, %swap3A_668] {strides = array<i32>} : memref<240x128xf32, #tpu.memory_space<vmem>>, vector<16xf32>,
          tpu.vector_store %run_scoped3A_6[%swap3A_667, %swap3A_668], %mul3A_666 {strides = array<i32>} : memref<240x128xf32, #tpu.memory_space<vmem>>, vector<16xf32>,
          %get3A_670 = arith.index_cast %add3A_627 : i32 to index
          %get3A_671 = arith.constant 80 : index
          %get3A_672 = tpu.vector_load %run_scoped3A_6[%get3A_670, %get3A_671] {strides = array<i32>} : memref<240x128xf32, #tpu.memory_space<vmem>>, vector<16xf32>,
          %mul3A_673 = vector.broadcast %squeeze3A_629 : f32 to vector<16xf32>
          %mul3A_674 = arith.mulf %get3A_672, %mul3A_673 : vector<16xf32>
          %swap3A_675 = arith.index_cast %add3A_627 : i32 to index
          %swap3A_676 = arith.constant 80 : index
          %swap3A_677 = tpu.vector_load %run_scoped3A_6[%swap3A_675, %swap3A_676] {strides = array<i32>} : memref<240x128xf32, #tpu.memory_space<vmem>>, vector<16xf32>,
          tpu.vector_store %run_scoped3A_6[%swap3A_675, %swap3A_676], %mul3A_674 {strides = array<i32>} : memref<240x128xf32, #tpu.memory_space<vmem>>, vector<16xf32>,
          %get3A_678 = arith.index_cast %add3A_627 : i32 to index
          %get3A_679 = arith.constant 96 : index
          %get3A_680 = tpu.vector_load %run_scoped3A_6[%get3A_678, %get3A_679] {strides = array<i32>} : memref<240x128xf32, #tpu.memory_space<vmem>>, vector<16xf32>,
          %mul3A_681 = vector.broadcast %squeeze3A_629 : f32 to vector<16xf32>
          %mul3A_682 = arith.mulf %get3A_680, %mul3A_681 : vector<16xf32>
          %swap3A_683 = arith.index_cast %add3A_627 : i32 to index
          %swap3A_684 = arith.constant 96 : index
          %swap3A_685 = tpu.vector_load %run_scoped3A_6[%swap3A_683, %swap3A_684] {strides = array<i32>} : memref<240x128xf32, #tpu.memory_space<vmem>>, vector<16xf32>,
          tpu.vector_store %run_scoped3A_6[%swap3A_683, %swap3A_684], %mul3A_682 {strides = array<i32>} : memref<240x128xf32, #tpu.memory_space<vmem>>, vector<16xf32>,
          %get3A_686 = arith.index_cast %add3A_627 : i32 to index
          %get3A_687 = arith.constant 112 : index
          %get3A_688 = tpu.vector_load %run_scoped3A_6[%get3A_686, %get3A_687] {strides = array<i32>} : memref<240x128xf32, #tpu.memory_space<vmem>>, vector<16xf32>,
          %mul3A_689 = vector.broadcast %squeeze3A_629 : f32 to vector<16xf32>
          %mul3A_690 = arith.mulf %get3A_688, %mul3A_689 : vector<16xf32>
          %swap3A_691 = arith.index_cast %add3A_627 : i32 to index
          %swap3A_692 = arith.constant 112 : index
          %swap3A_693 = tpu.vector_load %run_scoped3A_6[%swap3A_691, %swap3A_692] {strides = array<i32>} : memref<240x128xf32, #tpu.memory_space<vmem>>, vector<16xf32>,
          tpu.vector_store %run_scoped3A_6[%swap3A_691, %swap3A_692], %mul3A_690 {strides = array<i32>} : memref<240x128xf32, #tpu.memory_space<vmem>>, vector<16xf32>,
          %mul3A_694 = arith.constant 80 : i32
          %mul3A_695 = arith.muli %rem3A_137, %mul3A_694 : i32
          %mul3A_696 = arith.constant 16 : i32
          %mul3A_697 = arith.muli %scan3A_321, %mul3A_696 : i32
          %add3A_698 = arith.addi %mul3A_695, %mul3A_697 : i32
          %add3A_699 = arith.constant 5 : i32
          %add3A_700 = arith.addi %add3A_698, %add3A_699 : i32
          %slice3A_701 = vector.extract_strided_slice %get3A_330 {offsets = [5], sizes = [1], strides = [1]} : vector<16xf32> to vector<1xf32>
          %squeeze3A_702 = vector.extract %slice3A_701[0] : f32 from vector<1xf32>
          %get3A_703 = arith.index_cast %add3A_700 : i32 to index
          %get3A_704 = arith.constant 0 : index
          %get3A_705 = tpu.vector_load %run_scoped3A_6[%get3A_703, %get3A_704] {strides = array<i32>} : memref<240x128xf32, #tpu.memory_space<vmem>>, vector<16xf32>,
          %mul3A_706 = vector.broadcast %squeeze3A_702 : f32 to vector<16xf32>
          %mul3A_707 = arith.mulf %get3A_705, %mul3A_706 : vector<16xf32>
          %swap3A_708 = arith.index_cast %add3A_700 : i32 to index
          %swap3A_709 = arith.constant 0 : index
          %swap3A_710 = tpu.vector_load %run_scoped3A_6[%swap3A_708, %swap3A_709] {strides = array<i32>} : memref<240x128xf32, #tpu.memory_space<vmem>>, vector<16xf32>,
          tpu.vector_store %run_scoped3A_6[%swap3A_708, %swap3A_709], %mul3A_707 {strides = array<i32>} : memref<240x128xf32, #tpu.memory_space<vmem>>, vector<16xf32>,
          %get3A_711 = arith.index_cast %add3A_700 : i32 to index
          %get3A_712 = arith.constant 16 : index
          %get3A_713 = tpu.vector_load %run_scoped3A_6[%get3A_711, %get3A_712] {strides = array<i32>} : memref<240x128xf32, #tpu.memory_space<vmem>>, vector<16xf32>,
          %mul3A_714 = vector.broadcast %squeeze3A_702 : f32 to vector<16xf32>
          %mul3A_715 = arith.mulf %get3A_713, %mul3A_714 : vector<16xf32>
          %swap3A_716 = arith.index_cast %add3A_700 : i32 to index
          %swap3A_717 = arith.constant 16 : index
          %swap3A_718 = tpu.vector_load %run_scoped3A_6[%swap3A_716, %swap3A_717] {strides = array<i32>} : memref<240x128xf32, #tpu.memory_space<vmem>>, vector<16xf32>,
          tpu.vector_store %run_scoped3A_6[%swap3A_716, %swap3A_717], %mul3A_715 {strides = array<i32>} : memref<240x128xf32, #tpu.memory_space<vmem>>, vector<16xf32>,
          %get3A_719 = arith.index_cast %add3A_700 : i32 to index
          %get3A_720 = arith.constant 32 : index
          %get3A_721 = tpu.vector_load %run_scoped3A_6[%get3A_719, %get3A_720] {strides = array<i32>} : memref<240x128xf32, #tpu.memory_space<vmem>>, vector<16xf32>,
          %mul3A_722 = vector.broadcast %squeeze3A_702 : f32 to vector<16xf32>
          %mul3A_723 = arith.mulf %get3A_721, %mul3A_722 : vector<16xf32>
          %swap3A_724 = arith.index_cast %add3A_700 : i32 to index
          %swap3A_725 = arith.constant 32 : index
          %swap3A_726 = tpu.vector_load %run_scoped3A_6[%swap3A_724, %swap3A_725] {strides = array<i32>} : memref<240x128xf32, #tpu.memory_space<vmem>>, vector<16xf32>,
          tpu.vector_store %run_scoped3A_6[%swap3A_724, %swap3A_725], %mul3A_723 {strides = array<i32>} : memref<240x128xf32, #tpu.memory_space<vmem>>, vector<16xf32>,
          %get3A_727 = arith.index_cast %add3A_700 : i32 to index
          %get3A_728 = arith.constant 48 : index
          %get3A_729 = tpu.vector_load %run_scoped3A_6[%get3A_727, %get3A_728] {strides = array<i32>} : memref<240x128xf32, #tpu.memory_space<vmem>>, vector<16xf32>,
          %mul3A_730 = vector.broadcast %squeeze3A_702 : f32 to vector<16xf32>
          %mul3A_731 = arith.mulf %get3A_729, %mul3A_730 : vector<16xf32>
          %swap3A_732 = arith.index_cast %add3A_700 : i32 to index
          %swap3A_733 = arith.constant 48 : index
          %swap3A_734 = tpu.vector_load %run_scoped3A_6[%swap3A_732, %swap3A_733] {strides = array<i32>} : memref<240x128xf32, #tpu.memory_space<vmem>>, vector<16xf32>,
          tpu.vector_store %run_scoped3A_6[%swap3A_732, %swap3A_733], %mul3A_731 {strides = array<i32>} : memref<240x128xf32, #tpu.memory_space<vmem>>, vector<16xf32>,
          %get3A_735 = arith.index_cast %add3A_700 : i32 to index
          %get3A_736 = arith.constant 64 : index
          %get3A_737 = tpu.vector_load %run_scoped3A_6[%get3A_735, %get3A_736] {strides = array<i32>} : memref<240x128xf32, #tpu.memory_space<vmem>>, vector<16xf32>,
          %mul3A_738 = vector.broadcast %squeeze3A_702 : f32 to vector<16xf32>
          %mul3A_739 = arith.mulf %get3A_737, %mul3A_738 : vector<16xf32>
          %swap3A_740 = arith.index_cast %add3A_700 : i32 to index
          %swap3A_741 = arith.constant 64 : index
          %swap3A_742 = tpu.vector_load %run_scoped3A_6[%swap3A_740, %swap3A_741] {strides = array<i32>} : memref<240x128xf32, #tpu.memory_space<vmem>>, vector<16xf32>,
          tpu.vector_store %run_scoped3A_6[%swap3A_740, %swap3A_741], %mul3A_739 {strides = array<i32>} : memref<240x128xf32, #tpu.memory_space<vmem>>, vector<16xf32>,
          %get3A_743 = arith.index_cast %add3A_700 : i32 to index
          %get3A_744 = arith.constant 80 : index
          %get3A_745 = tpu.vector_load %run_scoped3A_6[%get3A_743, %get3A_744] {strides = array<i32>} : memref<240x128xf32, #tpu.memory_space<vmem>>, vector<16xf32>,
          %mul3A_746 = vector.broadcast %squeeze3A_702 : f32 to vector<16xf32>
          %mul3A_747 = arith.mulf %get3A_745, %mul3A_746 : vector<16xf32>
          %swap3A_748 = arith.index_cast %add3A_700 : i32 to index
          %swap3A_749 = arith.constant 80 : index
          %swap3A_750 = tpu.vector_load %run_scoped3A_6[%swap3A_748, %swap3A_749] {strides = array<i32>} : memref<240x128xf32, #tpu.memory_space<vmem>>, vector<16xf32>,
          tpu.vector_store %run_scoped3A_6[%swap3A_748, %swap3A_749], %mul3A_747 {strides = array<i32>} : memref<240x128xf32, #tpu.memory_space<vmem>>, vector<16xf32>,
          %get3A_751 = arith.index_cast %add3A_700 : i32 to index
          %get3A_752 = arith.constant 96 : index
          %get3A_753 = tpu.vector_load %run_scoped3A_6[%get3A_751, %get3A_752] {strides = array<i32>} : memref<240x128xf32, #tpu.memory_space<vmem>>, vector<16xf32>,
          %mul3A_754 = vector.broadcast %squeeze3A_702 : f32 to vector<16xf32>
          %mul3A_755 = arith.mulf %get3A_753, %mul3A_754 : vector<16xf32>
          %swap3A_756 = arith.index_cast %add3A_700 : i32 to index
          %swap3A_757 = arith.constant 96 : index
          %swap3A_758 = tpu.vector_load %run_scoped3A_6[%swap3A_756, %swap3A_757] {strides = array<i32>} : memref<240x128xf32, #tpu.memory_space<vmem>>, vector<16xf32>,
          tpu.vector_store %run_scoped3A_6[%swap3A_756, %swap3A_757], %mul3A_755 {strides = array<i32>} : memref<240x128xf32, #tpu.memory_space<vmem>>, vector<16xf32>,
          %get3A_759 = arith.index_cast %add3A_700 : i32 to index
          %get3A_760 = arith.constant 112 : index
          %get3A_761 = tpu.vector_load %run_scoped3A_6[%get3A_759, %get3A_760] {strides = array<i32>} : memref<240x128xf32, #tpu.memory_space<vmem>>, vector<16xf32>,
          %mul3A_762 = vector.broadcast %squeeze3A_702 : f32 to vector<16xf32>
          %mul3A_763 = arith.mulf %get3A_761, %mul3A_762 : vector<16xf32>
          %swap3A_764 = arith.index_cast %add3A_700 : i32 to index
          %swap3A_765 = arith.constant 112 : index
          %swap3A_766 = tpu.vector_load %run_scoped3A_6[%swap3A_764, %swap3A_765] {strides = array<i32>} : memref<240x128xf32, #tpu.memory_space<vmem>>, vector<16xf32>,
          tpu.vector_store %run_scoped3A_6[%swap3A_764, %swap3A_765], %mul3A_763 {strides = array<i32>} : memref<240x128xf32, #tpu.memory_space<vmem>>, vector<16xf32>,
          %mul3A_767 = arith.constant 80 : i32
          %mul3A_768 = arith.muli %rem3A_137, %mul3A_767 : i32
          %mul3A_769 = arith.constant 16 : i32
          %mul3A_770 = arith.muli %scan3A_321, %mul3A_769 : i32
          %add3A_771 = arith.addi %mul3A_768, %mul3A_770 : i32
          %add3A_772 = arith.constant 6 : i32
          %add3A_773 = arith.addi %add3A_771, %add3A_772 : i32
          %slice3A_774 = vector.extract_strided_slice %get3A_330 {offsets = [6], sizes = [1], strides = [1]} : vector<16xf32> to vector<1xf32>
          %squeeze3A_775 = vector.extract %slice3A_774[0] : f32 from vector<1xf32>
          %get3A_776 = arith.index_cast %add3A_773 : i32 to index
          %get3A_777 = arith.constant 0 : index
          %get3A_778 = tpu.vector_load %run_scoped3A_6[%get3A_776, %get3A_777] {strides = array<i32>} : memref<240x128xf32, #tpu.memory_space<vmem>>, vector<16xf32>,
          %mul3A_779 = vector.broadcast %squeeze3A_775 : f32 to vector<16xf32>
          %mul3A_780 = arith.mulf %get3A_778, %mul3A_779 : vector<16xf32>
          %swap3A_781 = arith.index_cast %add3A_773 : i32 to index
          %swap3A_782 = arith.constant 0 : index
          %swap3A_783 = tpu.vector_load %run_scoped3A_6[%swap3A_781, %swap3A_782] {strides = array<i32>} : memref<240x128xf32, #tpu.memory_space<vmem>>, vector<16xf32>,
          tpu.vector_store %run_scoped3A_6[%swap3A_781, %swap3A_782], %mul3A_780 {strides = array<i32>} : memref<240x128xf32, #tpu.memory_space<vmem>>, vector<16xf32>,
          %get3A_784 = arith.index_cast %add3A_773 : i32 to index
          %get3A_785 = arith.constant 16 : index
          %get3A_786 = tpu.vector_load %run_scoped3A_6[%get3A_784, %get3A_785] {strides = array<i32>} : memref<240x128xf32, #tpu.memory_space<vmem>>, vector<16xf32>,
          %mul3A_787 = vector.broadcast %squeeze3A_775 : f32 to vector<16xf32>
          %mul3A_788 = arith.mulf %get3A_786, %mul3A_787 : vector<16xf32>
          %swap3A_789 = arith.index_cast %add3A_773 : i32 to index
          %swap3A_790 = arith.constant 16 : index
          %swap3A_791 = tpu.vector_load %run_scoped3A_6[%swap3A_789, %swap3A_790] {strides = array<i32>} : memref<240x128xf32, #tpu.memory_space<vmem>>, vector<16xf32>,
          tpu.vector_store %run_scoped3A_6[%swap3A_789, %swap3A_790], %mul3A_788 {strides = array<i32>} : memref<240x128xf32, #tpu.memory_space<vmem>>, vector<16xf32>,
          %get3A_792 = arith.index_cast %add3A_773 : i32 to index
          %get3A_793 = arith.constant 32 : index
          %get3A_794 = tpu.vector_load %run_scoped3A_6[%get3A_792, %get3A_793] {strides = array<i32>} : memref<240x128xf32, #tpu.memory_space<vmem>>, vector<16xf32>,
          %mul3A_795 = vector.broadcast %squeeze3A_775 : f32 to vector<16xf32>
          %mul3A_796 = arith.mulf %get3A_794, %mul3A_795 : vector<16xf32>
          %swap3A_797 = arith.index_cast %add3A_773 : i32 to index
          %swap3A_798 = arith.constant 32 : index
          %swap3A_799 = tpu.vector_load %run_scoped3A_6[%swap3A_797, %swap3A_798] {strides = array<i32>} : memref<240x128xf32, #tpu.memory_space<vmem>>, vector<16xf32>,
          tpu.vector_store %run_scoped3A_6[%swap3A_797, %swap3A_798], %mul3A_796 {strides = array<i32>} : memref<240x128xf32, #tpu.memory_space<vmem>>, vector<16xf32>,
          %get3A_800 = arith.index_cast %add3A_773 : i32 to index
          %get3A_801 = arith.constant 48 : index
          %get3A_802 = tpu.vector_load %run_scoped3A_6[%get3A_800, %get3A_801] {strides = array<i32>} : memref<240x128xf32, #tpu.memory_space<vmem>>, vector<16xf32>,
          %mul3A_803 = vector.broadcast %squeeze3A_775 : f32 to vector<16xf32>
          %mul3A_804 = arith.mulf %get3A_802, %mul3A_803 : vector<16xf32>
          %swap3A_805 = arith.index_cast %add3A_773 : i32 to index
          %swap3A_806 = arith.constant 48 : index
          %swap3A_807 = tpu.vector_load %run_scoped3A_6[%swap3A_805, %swap3A_806] {strides = array<i32>} : memref<240x128xf32, #tpu.memory_space<vmem>>, vector<16xf32>,
          tpu.vector_store %run_scoped3A_6[%swap3A_805, %swap3A_806], %mul3A_804 {strides = array<i32>} : memref<240x128xf32, #tpu.memory_space<vmem>>, vector<16xf32>,
          %get3A_808 = arith.index_cast %add3A_773 : i32 to index
          %get3A_809 = arith.constant 64 : index
          %get3A_810 = tpu.vector_load %run_scoped3A_6[%get3A_808, %get3A_809] {strides = array<i32>} : memref<240x128xf32, #tpu.memory_space<vmem>>, vector<16xf32>,
          %mul3A_811 = vector.broadcast %squeeze3A_775 : f32 to vector<16xf32>
          %mul3A_812 = arith.mulf %get3A_810, %mul3A_811 : vector<16xf32>
          %swap3A_813 = arith.index_cast %add3A_773 : i32 to index
          %swap3A_814 = arith.constant 64 : index
          %swap3A_815 = tpu.vector_load %run_scoped3A_6[%swap3A_813, %swap3A_814] {strides = array<i32>} : memref<240x128xf32, #tpu.memory_space<vmem>>, vector<16xf32>,
          tpu.vector_store %run_scoped3A_6[%swap3A_813, %swap3A_814], %mul3A_812 {strides = array<i32>} : memref<240x128xf32, #tpu.memory_space<vmem>>, vector<16xf32>,
          %get3A_816 = arith.index_cast %add3A_773 : i32 to index
          %get3A_817 = arith.constant 80 : index
          %get3A_818 = tpu.vector_load %run_scoped3A_6[%get3A_816, %get3A_817] {strides = array<i32>} : memref<240x128xf32, #tpu.memory_space<vmem>>, vector<16xf32>,
          %mul3A_819 = vector.broadcast %squeeze3A_775 : f32 to vector<16xf32>
          %mul3A_820 = arith.mulf %get3A_818, %mul3A_819 : vector<16xf32>
          %swap3A_821 = arith.index_cast %add3A_773 : i32 to index
          %swap3A_822 = arith.constant 80 : index
          %swap3A_823 = tpu.vector_load %run_scoped3A_6[%swap3A_821, %swap3A_822] {strides = array<i32>} : memref<240x128xf32, #tpu.memory_space<vmem>>, vector<16xf32>,
          tpu.vector_store %run_scoped3A_6[%swap3A_821, %swap3A_822], %mul3A_820 {strides = array<i32>} : memref<240x128xf32, #tpu.memory_space<vmem>>, vector<16xf32>,
          %get3A_824 = arith.index_cast %add3A_773 : i32 to index
          %get3A_825 = arith.constant 96 : index
          %get3A_826 = tpu.vector_load %run_scoped3A_6[%get3A_824, %get3A_825] {strides = array<i32>} : memref<240x128xf32, #tpu.memory_space<vmem>>, vector<16xf32>,
          %mul3A_827 = vector.broadcast %squeeze3A_775 : f32 to vector<16xf32>
          %mul3A_828 = arith.mulf %get3A_826, %mul3A_827 : vector<16xf32>
          %swap3A_829 = arith.index_cast %add3A_773 : i32 to index
          %swap3A_830 = arith.constant 96 : index
          %swap3A_831 = tpu.vector_load %run_scoped3A_6[%swap3A_829, %swap3A_830] {strides = array<i32>} : memref<240x128xf32, #tpu.memory_space<vmem>>, vector<16xf32>,
          tpu.vector_store %run_scoped3A_6[%swap3A_829, %swap3A_830], %mul3A_828 {strides = array<i32>} : memref<240x128xf32, #tpu.memory_space<vmem>>, vector<16xf32>,
          %get3A_832 = arith.index_cast %add3A_773 : i32 to index
          %get3A_833 = arith.constant 112 : index
          %get3A_834 = tpu.vector_load %run_scoped3A_6[%get3A_832, %get3A_833] {strides = array<i32>} : memref<240x128xf32, #tpu.memory_space<vmem>>, vector<16xf32>,
          %mul3A_835 = vector.broadcast %squeeze3A_775 : f32 to vector<16xf32>
          %mul3A_836 = arith.mulf %get3A_834, %mul3A_835 : vector<16xf32>
          %swap3A_837 = arith.index_cast %add3A_773 : i32 to index
          %swap3A_838 = arith.constant 112 : index
          %swap3A_839 = tpu.vector_load %run_scoped3A_6[%swap3A_837, %swap3A_838] {strides = array<i32>} : memref<240x128xf32, #tpu.memory_space<vmem>>, vector<16xf32>,
          tpu.vector_store %run_scoped3A_6[%swap3A_837, %swap3A_838], %mul3A_836 {strides = array<i32>} : memref<240x128xf32, #tpu.memory_space<vmem>>, vector<16xf32>,
          %mul3A_840 = arith.constant 80 : i32
          %mul3A_841 = arith.muli %rem3A_137, %mul3A_840 : i32
          %mul3A_842 = arith.constant 16 : i32
          %mul3A_843 = arith.muli %scan3A_321, %mul3A_842 : i32
          %add3A_844 = arith.addi %mul3A_841, %mul3A_843 : i32
          %add3A_845 = arith.constant 7 : i32
          %add3A_846 = arith.addi %add3A_844, %add3A_845 : i32
          %slice3A_847 = vector.extract_strided_slice %get3A_330 {offsets = [7], sizes = [1], strides = [1]} : vector<16xf32> to vector<1xf32>
          %squeeze3A_848 = vector.extract %slice3A_847[0] : f32 from vector<1xf32>
          %get3A_849 = arith.index_cast %add3A_846 : i32 to index
          %get3A_850 = arith.constant 0 : index
          %get3A_851 = tpu.vector_load %run_scoped3A_6[%get3A_849, %get3A_850] {strides = array<i32>} : memref<240x128xf32, #tpu.memory_space<vmem>>, vector<16xf32>,
          %mul3A_852 = vector.broadcast %squeeze3A_848 : f32 to vector<16xf32>
          %mul3A_853 = arith.mulf %get3A_851, %mul3A_852 : vector<16xf32>
          %swap3A_854 = arith.index_cast %add3A_846 : i32 to index
          %swap3A_855 = arith.constant 0 : index
          %swap3A_856 = tpu.vector_load %run_scoped3A_6[%swap3A_854, %swap3A_855] {strides = array<i32>} : memref<240x128xf32, #tpu.memory_space<vmem>>, vector<16xf32>,
          tpu.vector_store %run_scoped3A_6[%swap3A_854, %swap3A_855], %mul3A_853 {strides = array<i32>} : memref<240x128xf32, #tpu.memory_space<vmem>>, vector<16xf32>,
          %get3A_857 = arith.index_cast %add3A_846 : i32 to index
          %get3A_858 = arith.constant 16 : index
          %get3A_859 = tpu.vector_load %run_scoped3A_6[%get3A_857, %get3A_858] {strides = array<i32>} : memref<240x128xf32, #tpu.memory_space<vmem>>, vector<16xf32>,
          %mul3A_860 = vector.broadcast %squeeze3A_848 : f32 to vector<16xf32>
          %mul3A_861 = arith.mulf %get3A_859, %mul3A_860 : vector<16xf32>
          %swap3A_862 = arith.index_cast %add3A_846 : i32 to index
          %swap3A_863 = arith.constant 16 : index
          %swap3A_864 = tpu.vector_load %run_scoped3A_6[%swap3A_862, %swap3A_863] {strides = array<i32>} : memref<240x128xf32, #tpu.memory_space<vmem>>, vector<16xf32>,
          tpu.vector_store %run_scoped3A_6[%swap3A_862, %swap3A_863], %mul3A_861 {strides = array<i32>} : memref<240x128xf32, #tpu.memory_space<vmem>>, vector<16xf32>,
          %get3A_865 = arith.index_cast %add3A_846 : i32 to index
          %get3A_866 = arith.constant 32 : index
          %get3A_867 = tpu.vector_load %run_scoped3A_6[%get3A_865, %get3A_866] {strides = array<i32>} : memref<240x128xf32, #tpu.memory_space<vmem>>, vector<16xf32>,
          %mul3A_868 = vector.broadcast %squeeze3A_848 : f32 to vector<16xf32>
          %mul3A_869 = arith.mulf %get3A_867, %mul3A_868 : vector<16xf32>
          %swap3A_870 = arith.index_cast %add3A_846 : i32 to index
          %swap3A_871 = arith.constant 32 : index
          %swap3A_872 = tpu.vector_load %run_scoped3A_6[%swap3A_870, %swap3A_871] {strides = array<i32>} : memref<240x128xf32, #tpu.memory_space<vmem>>, vector<16xf32>,
          tpu.vector_store %run_scoped3A_6[%swap3A_870, %swap3A_871], %mul3A_869 {strides = array<i32>} : memref<240x128xf32, #tpu.memory_space<vmem>>, vector<16xf32>,
          %get3A_873 = arith.index_cast %add3A_846 : i32 to index
          %get3A_874 = arith.constant 48 : index
          %get3A_875 = tpu.vector_load %run_scoped3A_6[%get3A_873, %get3A_874] {strides = array<i32>} : memref<240x128xf32, #tpu.memory_space<vmem>>, vector<16xf32>,
          %mul3A_876 = vector.broadcast %squeeze3A_848 : f32 to vector<16xf32>
          %mul3A_877 = arith.mulf %get3A_875, %mul3A_876 : vector<16xf32>
          %swap3A_878 = arith.index_cast %add3A_846 : i32 to index
          %swap3A_879 = arith.constant 48 : index
          %swap3A_880 = tpu.vector_load %run_scoped3A_6[%swap3A_878, %swap3A_879] {strides = array<i32>} : memref<240x128xf32, #tpu.memory_space<vmem>>, vector<16xf32>,
          tpu.vector_store %run_scoped3A_6[%swap3A_878, %swap3A_879], %mul3A_877 {strides = array<i32>} : memref<240x128xf32, #tpu.memory_space<vmem>>, vector<16xf32>,
          %get3A_881 = arith.index_cast %add3A_846 : i32 to index
          %get3A_882 = arith.constant 64 : index
          %get3A_883 = tpu.vector_load %run_scoped3A_6[%get3A_881, %get3A_882] {strides = array<i32>} : memref<240x128xf32, #tpu.memory_space<vmem>>, vector<16xf32>,
          %mul3A_884 = vector.broadcast %squeeze3A_848 : f32 to vector<16xf32>
          %mul3A_885 = arith.mulf %get3A_883, %mul3A_884 : vector<16xf32>
          %swap3A_886 = arith.index_cast %add3A_846 : i32 to index
          %swap3A_887 = arith.constant 64 : index
          %swap3A_888 = tpu.vector_load %run_scoped3A_6[%swap3A_886, %swap3A_887] {strides = array<i32>} : memref<240x128xf32, #tpu.memory_space<vmem>>, vector<16xf32>,
          tpu.vector_store %run_scoped3A_6[%swap3A_886, %swap3A_887], %mul3A_885 {strides = array<i32>} : memref<240x128xf32, #tpu.memory_space<vmem>>, vector<16xf32>,
          %get3A_889 = arith.index_cast %add3A_846 : i32 to index
          %get3A_890 = arith.constant 80 : index
          %get3A_891 = tpu.vector_load %run_scoped3A_6[%get3A_889, %get3A_890] {strides = array<i32>} : memref<240x128xf32, #tpu.memory_space<vmem>>, vector<16xf32>,
          %mul3A_892 = vector.broadcast %squeeze3A_848 : f32 to vector<16xf32>
          %mul3A_893 = arith.mulf %get3A_891, %mul3A_892 : vector<16xf32>
          %swap3A_894 = arith.index_cast %add3A_846 : i32 to index
          %swap3A_895 = arith.constant 80 : index
          %swap3A_896 = tpu.vector_load %run_scoped3A_6[%swap3A_894, %swap3A_895] {strides = array<i32>} : memref<240x128xf32, #tpu.memory_space<vmem>>, vector<16xf32>,
          tpu.vector_store %run_scoped3A_6[%swap3A_894, %swap3A_895], %mul3A_893 {strides = array<i32>} : memref<240x128xf32, #tpu.memory_space<vmem>>, vector<16xf32>,
          %get3A_897 = arith.index_cast %add3A_846 : i32 to index
          %get3A_898 = arith.constant 96 : index
          %get3A_899 = tpu.vector_load %run_scoped3A_6[%get3A_897, %get3A_898] {strides = array<i32>} : memref<240x128xf32, #tpu.memory_space<vmem>>, vector<16xf32>,
          %mul3A_900 = vector.broadcast %squeeze3A_848 : f32 to vector<16xf32>
          %mul3A_901 = arith.mulf %get3A_899, %mul3A_900 : vector<16xf32>
          %swap3A_902 = arith.index_cast %add3A_846 : i32 to index
          %swap3A_903 = arith.constant 96 : index
          %swap3A_904 = tpu.vector_load %run_scoped3A_6[%swap3A_902, %swap3A_903] {strides = array<i32>} : memref<240x128xf32, #tpu.memory_space<vmem>>, vector<16xf32>,
          tpu.vector_store %run_scoped3A_6[%swap3A_902, %swap3A_903], %mul3A_901 {strides = array<i32>} : memref<240x128xf32, #tpu.memory_space<vmem>>, vector<16xf32>,
          %get3A_905 = arith.index_cast %add3A_846 : i32 to index
          %get3A_906 = arith.constant 112 : index
          %get3A_907 = tpu.vector_load %run_scoped3A_6[%get3A_905, %get3A_906] {strides = array<i32>} : memref<240x128xf32, #tpu.memory_space<vmem>>, vector<16xf32>,
          %mul3A_908 = vector.broadcast %squeeze3A_848 : f32 to vector<16xf32>
          %mul3A_909 = arith.mulf %get3A_907, %mul3A_908 : vector<16xf32>
          %swap3A_910 = arith.index_cast %add3A_846 : i32 to index
          %swap3A_911 = arith.constant 112 : index
          %swap3A_912 = tpu.vector_load %run_scoped3A_6[%swap3A_910, %swap3A_911] {strides = array<i32>} : memref<240x128xf32, #tpu.memory_space<vmem>>, vector<16xf32>,
          tpu.vector_store %run_scoped3A_6[%swap3A_910, %swap3A_911], %mul3A_909 {strides = array<i32>} : memref<240x128xf32, #tpu.memory_space<vmem>>, vector<16xf32>,
          %mul3A_913 = arith.constant 80 : i32
          %mul3A_914 = arith.muli %rem3A_137, %mul3A_913 : i32
          %mul3A_915 = arith.constant 16 : i32
          %mul3A_916 = arith.muli %scan3A_321, %mul3A_915 : i32
          %add3A_917 = arith.addi %mul3A_914, %mul3A_916 : i32
          %add3A_918 = arith.constant 8 : i32
          %add3A_919 = arith.addi %add3A_917, %add3A_918 : i32
          %slice3A_920 = vector.extract_strided_slice %get3A_330 {offsets = [8], sizes = [1], strides = [1]} : vector<16xf32> to vector<1xf32>
          %squeeze3A_921 = vector.extract %slice3A_920[0] : f32 from vector<1xf32>
          %get3A_922 = arith.index_cast %add3A_919 : i32 to index
          %get3A_923 = arith.constant 0 : index
          %get3A_924 = tpu.vector_load %run_scoped3A_6[%get3A_922, %get3A_923] {strides = array<i32>} : memref<240x128xf32, #tpu.memory_space<vmem>>, vector<16xf32>,
          %mul3A_925 = vector.broadcast %squeeze3A_921 : f32 to vector<16xf32>
          %mul3A_926 = arith.mulf %get3A_924, %mul3A_925 : vector<16xf32>
          %swap3A_927 = arith.index_cast %add3A_919 : i32 to index
          %swap3A_928 = arith.constant 0 : index
          %swap3A_929 = tpu.vector_load %run_scoped3A_6[%swap3A_927, %swap3A_928] {strides = array<i32>} : memref<240x128xf32, #tpu.memory_space<vmem>>, vector<16xf32>,
          tpu.vector_store %run_scoped3A_6[%swap3A_927, %swap3A_928], %mul3A_926 {strides = array<i32>} : memref<240x128xf32, #tpu.memory_space<vmem>>, vector<16xf32>,
          %get3A_930 = arith.index_cast %add3A_919 : i32 to index
          %get3A_931 = arith.constant 16 : index
          %get3A_932 = tpu.vector_load %run_scoped3A_6[%get3A_930, %get3A_931] {strides = array<i32>} : memref<240x128xf32, #tpu.memory_space<vmem>>, vector<16xf32>,
          %mul3A_933 = vector.broadcast %squeeze3A_921 : f32 to vector<16xf32>
          %mul3A_934 = arith.mulf %get3A_932, %mul3A_933 : vector<16xf32>
          %swap3A_935 = arith.index_cast %add3A_919 : i32 to index
          %swap3A_936 = arith.constant 16 : index
          %swap3A_937 = tpu.vector_load %run_scoped3A_6[%swap3A_935, %swap3A_936] {strides = array<i32>} : memref<240x128xf32, #tpu.memory_space<vmem>>, vector<16xf32>,
          tpu.vector_store %run_scoped3A_6[%swap3A_935, %swap3A_936], %mul3A_934 {strides = array<i32>} : memref<240x128xf32, #tpu.memory_space<vmem>>, vector<16xf32>,
          %get3A_938 = arith.index_cast %add3A_919 : i32 to index
          %get3A_939 = arith.constant 32 : index
          %get3A_940 = tpu.vector_load %run_scoped3A_6[%get3A_938, %get3A_939] {strides = array<i32>} : memref<240x128xf32, #tpu.memory_space<vmem>>, vector<16xf32>,
          %mul3A_941 = vector.broadcast %squeeze3A_921 : f32 to vector<16xf32>
          %mul3A_942 = arith.mulf %get3A_940, %mul3A_941 : vector<16xf32>
          %swap3A_943 = arith.index_cast %add3A_919 : i32 to index
          %swap3A_944 = arith.constant 32 : index
          %swap3A_945 = tpu.vector_load %run_scoped3A_6[%swap3A_943, %swap3A_944] {strides = array<i32>} : memref<240x128xf32, #tpu.memory_space<vmem>>, vector<16xf32>,
          tpu.vector_store %run_scoped3A_6[%swap3A_943, %swap3A_944], %mul3A_942 {strides = array<i32>} : memref<240x128xf32, #tpu.memory_space<vmem>>, vector<16xf32>,
          %get3A_946 = arith.index_cast %add3A_919 : i32 to index
          %get3A_947 = arith.constant 48 : index
          %get3A_948 = tpu.vector_load %run_scoped3A_6[%get3A_946, %get3A_947] {strides = array<i32>} : memref<240x128xf32, #tpu.memory_space<vmem>>, vector<16xf32>,
          %mul3A_949 = vector.broadcast %squeeze3A_921 : f32 to vector<16xf32>
          %mul3A_950 = arith.mulf %get3A_948, %mul3A_949 : vector<16xf32>
          %swap3A_951 = arith.index_cast %add3A_919 : i32 to index
          %swap3A_952 = arith.constant 48 : index
          %swap3A_953 = tpu.vector_load %run_scoped3A_6[%swap3A_951, %swap3A_952] {strides = array<i32>} : memref<240x128xf32, #tpu.memory_space<vmem>>, vector<16xf32>,
          tpu.vector_store %run_scoped3A_6[%swap3A_951, %swap3A_952], %mul3A_950 {strides = array<i32>} : memref<240x128xf32, #tpu.memory_space<vmem>>, vector<16xf32>,
          %get3A_954 = arith.index_cast %add3A_919 : i32 to index
          %get3A_955 = arith.constant 64 : index
          %get3A_956 = tpu.vector_load %run_scoped3A_6[%get3A_954, %get3A_955] {strides = array<i32>} : memref<240x128xf32, #tpu.memory_space<vmem>>, vector<16xf32>,
          %mul3A_957 = vector.broadcast %squeeze3A_921 : f32 to vector<16xf32>
          %mul3A_958 = arith.mulf %get3A_956, %mul3A_957 : vector<16xf32>
          %swap3A_959 = arith.index_cast %add3A_919 : i32 to index
          %swap3A_960 = arith.constant 64 : index
          %swap3A_961 = tpu.vector_load %run_scoped3A_6[%swap3A_959, %swap3A_960] {strides = array<i32>} : memref<240x128xf32, #tpu.memory_space<vmem>>, vector<16xf32>,
          tpu.vector_store %run_scoped3A_6[%swap3A_959, %swap3A_960], %mul3A_958 {strides = array<i32>} : memref<240x128xf32, #tpu.memory_space<vmem>>, vector<16xf32>,
          %get3A_962 = arith.index_cast %add3A_919 : i32 to index
          %get3A_963 = arith.constant 80 : index
          %get3A_964 = tpu.vector_load %run_scoped3A_6[%get3A_962, %get3A_963] {strides = array<i32>} : memref<240x128xf32, #tpu.memory_space<vmem>>, vector<16xf32>,
          %mul3A_965 = vector.broadcast %squeeze3A_921 : f32 to vector<16xf32>
          %mul3A_966 = arith.mulf %get3A_964, %mul3A_965 : vector<16xf32>
          %swap3A_967 = arith.index_cast %add3A_919 : i32 to index
          %swap3A_968 = arith.constant 80 : index
          %swap3A_969 = tpu.vector_load %run_scoped3A_6[%swap3A_967, %swap3A_968] {strides = array<i32>} : memref<240x128xf32, #tpu.memory_space<vmem>>, vector<16xf32>,
          tpu.vector_store %run_scoped3A_6[%swap3A_967, %swap3A_968], %mul3A_966 {strides = array<i32>} : memref<240x128xf32, #tpu.memory_space<vmem>>, vector<16xf32>,
          %get3A_970 = arith.index_cast %add3A_919 : i32 to index
          %get3A_971 = arith.constant 96 : index
          %get3A_972 = tpu.vector_load %run_scoped3A_6[%get3A_970, %get3A_971] {strides = array<i32>} : memref<240x128xf32, #tpu.memory_space<vmem>>, vector<16xf32>,
          %mul3A_973 = vector.broadcast %squeeze3A_921 : f32 to vector<16xf32>
          %mul3A_974 = arith.mulf %get3A_972, %mul3A_973 : vector<16xf32>
          %swap3A_975 = arith.index_cast %add3A_919 : i32 to index
          %swap3A_976 = arith.constant 96 : index
          %swap3A_977 = tpu.vector_load %run_scoped3A_6[%swap3A_975, %swap3A_976] {strides = array<i32>} : memref<240x128xf32, #tpu.memory_space<vmem>>, vector<16xf32>,
          tpu.vector_store %run_scoped3A_6[%swap3A_975, %swap3A_976], %mul3A_974 {strides = array<i32>} : memref<240x128xf32, #tpu.memory_space<vmem>>, vector<16xf32>,
          %get3A_978 = arith.index_cast %add3A_919 : i32 to index
          %get3A_979 = arith.constant 112 : index
          %get3A_980 = tpu.vector_load %run_scoped3A_6[%get3A_978, %get3A_979] {strides = array<i32>} : memref<240x128xf32, #tpu.memory_space<vmem>>, vector<16xf32>,
          %mul3A_981 = vector.broadcast %squeeze3A_921 : f32 to vector<16xf32>
          %mul3A_982 = arith.mulf %get3A_980, %mul3A_981 : vector<16xf32>
          %swap3A_983 = arith.index_cast %add3A_919 : i32 to index
          %swap3A_984 = arith.constant 112 : index
          %swap3A_985 = tpu.vector_load %run_scoped3A_6[%swap3A_983, %swap3A_984] {strides = array<i32>} : memref<240x128xf32, #tpu.memory_space<vmem>>, vector<16xf32>,
          tpu.vector_store %run_scoped3A_6[%swap3A_983, %swap3A_984], %mul3A_982 {strides = array<i32>} : memref<240x128xf32, #tpu.memory_space<vmem>>, vector<16xf32>,
          %mul3A_986 = arith.constant 80 : i32
          %mul3A_987 = arith.muli %rem3A_137, %mul3A_986 : i32
          %mul3A_988 = arith.constant 16 : i32
          %mul3A_989 = arith.muli %scan3A_321, %mul3A_988 : i32
          %add3A_990 = arith.addi %mul3A_987, %mul3A_989 : i32
          %add3A_991 = arith.constant 9 : i32
          %add3A_992 = arith.addi %add3A_990, %add3A_991 : i32
          %slice3A_993 = vector.extract_strided_slice %get3A_330 {offsets = [9], sizes = [1], strides = [1]} : vector<16xf32> to vector<1xf32>
          %squeeze3A_994 = vector.extract %slice3A_993[0] : f32 from vector<1xf32>
          %get3A_995 = arith.index_cast %add3A_992 : i32 to index
          %get3A_996 = arith.constant 0 : index
          %get3A_997 = tpu.vector_load %run_scoped3A_6[%get3A_995, %get3A_996] {strides = array<i32>} : memref<240x128xf32, #tpu.memory_space<vmem>>, vector<16xf32>,
          %mul3A_998 = vector.broadcast %squeeze3A_994 : f32 to vector<16xf32>
          %mul3A_999 = arith.mulf %get3A_997, %mul3A_998 : vector<16xf32>
          %swap3A_1000 = arith.index_cast %add3A_992 : i32 to index
          %swap3A_1001 = arith.constant 0 : index
          %swap3A_1002 = tpu.vector_load %run_scoped3A_6[%swap3A_1000, %swap3A_1001] {strides = array<i32>} : memref<240x128xf32, #tpu.memory_space<vmem>>, vector<16xf32>,
          tpu.vector_store %run_scoped3A_6[%swap3A_1000, %swap3A_1001], %mul3A_999 {strides = array<i32>} : memref<240x128xf32, #tpu.memory_space<vmem>>, vector<16xf32>,
          %get3A_1003 = arith.index_cast %add3A_992 : i32 to index
          %get3A_1004 = arith.constant 16 : index
          %get3A_1005 = tpu.vector_load %run_scoped3A_6[%get3A_1003, %get3A_1004] {strides = array<i32>} : memref<240x128xf32, #tpu.memory_space<vmem>>, vector<16xf32>,
          %mul3A_1006 = vector.broadcast %squeeze3A_994 : f32 to vector<16xf32>
          %mul3A_1007 = arith.mulf %get3A_1005, %mul3A_1006 : vector<16xf32>
          %swap3A_1008 = arith.index_cast %add3A_992 : i32 to index
          %swap3A_1009 = arith.constant 16 : index
          %swap3A_1010 = tpu.vector_load %run_scoped3A_6[%swap3A_1008, %swap3A_1009] {strides = array<i32>} : memref<240x128xf32, #tpu.memory_space<vmem>>, vector<16xf32>,
          tpu.vector_store %run_scoped3A_6[%swap3A_1008, %swap3A_1009], %mul3A_1007 {strides = array<i32>} : memref<240x128xf32, #tpu.memory_space<vmem>>, vector<16xf32>,
          %get3A_1011 = arith.index_cast %add3A_992 : i32 to index
          %get3A_1012 = arith.constant 32 : index
          %get3A_1013 = tpu.vector_load %run_scoped3A_6[%get3A_1011, %get3A_1012] {strides = array<i32>} : memref<240x128xf32, #tpu.memory_space<vmem>>, vector<16xf32>,
          %mul3A_1014 = vector.broadcast %squeeze3A_994 : f32 to vector<16xf32>
          %mul3A_1015 = arith.mulf %get3A_1013, %mul3A_1014 : vector<16xf32>
          %swap3A_1016 = arith.index_cast %add3A_992 : i32 to index
          %swap3A_1017 = arith.constant 32 : index
          %swap3A_1018 = tpu.vector_load %run_scoped3A_6[%swap3A_1016, %swap3A_1017] {strides = array<i32>} : memref<240x128xf32, #tpu.memory_space<vmem>>, vector<16xf32>,
          tpu.vector_store %run_scoped3A_6[%swap3A_1016, %swap3A_1017], %mul3A_1015 {strides = array<i32>} : memref<240x128xf32, #tpu.memory_space<vmem>>, vector<16xf32>,
          %get3A_1019 = arith.index_cast %add3A_992 : i32 to index
          %get3A_1020 = arith.constant 48 : index
          %get3A_1021 = tpu.vector_load %run_scoped3A_6[%get3A_1019, %get3A_1020] {strides = array<i32>} : memref<240x128xf32, #tpu.memory_space<vmem>>, vector<16xf32>,
          %mul3A_1022 = vector.broadcast %squeeze3A_994 : f32 to vector<16xf32>
          %mul3A_1023 = arith.mulf %get3A_1021, %mul3A_1022 : vector<16xf32>
          %swap3A_1024 = arith.index_cast %add3A_992 : i32 to index
          %swap3A_1025 = arith.constant 48 : index
          %swap3A_1026 = tpu.vector_load %run_scoped3A_6[%swap3A_1024, %swap3A_1025] {strides = array<i32>} : memref<240x128xf32, #tpu.memory_space<vmem>>, vector<16xf32>,
          tpu.vector_store %run_scoped3A_6[%swap3A_1024, %swap3A_1025], %mul3A_1023 {strides = array<i32>} : memref<240x128xf32, #tpu.memory_space<vmem>>, vector<16xf32>,
          %get3A_1027 = arith.index_cast %add3A_992 : i32 to index
          %get3A_1028 = arith.constant 64 : index
          %get3A_1029 = tpu.vector_load %run_scoped3A_6[%get3A_1027, %get3A_1028] {strides = array<i32>} : memref<240x128xf32, #tpu.memory_space<vmem>>, vector<16xf32>,
          %mul3A_1030 = vector.broadcast %squeeze3A_994 : f32 to vector<16xf32>
          %mul3A_1031 = arith.mulf %get3A_1029, %mul3A_1030 : vector<16xf32>
          %swap3A_1032 = arith.index_cast %add3A_992 : i32 to index
          %swap3A_1033 = arith.constant 64 : index
          %swap3A_1034 = tpu.vector_load %run_scoped3A_6[%swap3A_1032, %swap3A_1033] {strides = array<i32>} : memref<240x128xf32, #tpu.memory_space<vmem>>, vector<16xf32>,
          tpu.vector_store %run_scoped3A_6[%swap3A_1032, %swap3A_1033], %mul3A_1031 {strides = array<i32>} : memref<240x128xf32, #tpu.memory_space<vmem>>, vector<16xf32>,
          %get3A_1035 = arith.index_cast %add3A_992 : i32 to index
          %get3A_1036 = arith.constant 80 : index
          %get3A_1037 = tpu.vector_load %run_scoped3A_6[%get3A_1035, %get3A_1036] {strides = array<i32>} : memref<240x128xf32, #tpu.memory_space<vmem>>, vector<16xf32>,
          %mul3A_1038 = vector.broadcast %squeeze3A_994 : f32 to vector<16xf32>
          %mul3A_1039 = arith.mulf %get3A_1037, %mul3A_1038 : vector<16xf32>
          %swap3A_1040 = arith.index_cast %add3A_992 : i32 to index
          %swap3A_1041 = arith.constant 80 : index
          %swap3A_1042 = tpu.vector_load %run_scoped3A_6[%swap3A_1040, %swap3A_1041] {strides = array<i32>} : memref<240x128xf32, #tpu.memory_space<vmem>>, vector<16xf32>,
          tpu.vector_store %run_scoped3A_6[%swap3A_1040, %swap3A_1041], %mul3A_1039 {strides = array<i32>} : memref<240x128xf32, #tpu.memory_space<vmem>>, vector<16xf32>,
          %get3A_1043 = arith.index_cast %add3A_992 : i32 to index
          %get3A_1044 = arith.constant 96 : index
          %get3A_1045 = tpu.vector_load %run_scoped3A_6[%get3A_1043, %get3A_1044] {strides = array<i32>} : memref<240x128xf32, #tpu.memory_space<vmem>>, vector<16xf32>,
          %mul3A_1046 = vector.broadcast %squeeze3A_994 : f32 to vector<16xf32>
          %mul3A_1047 = arith.mulf %get3A_1045, %mul3A_1046 : vector<16xf32>
          %swap3A_1048 = arith.index_cast %add3A_992 : i32 to index
          %swap3A_1049 = arith.constant 96 : index
          %swap3A_1050 = tpu.vector_load %run_scoped3A_6[%swap3A_1048, %swap3A_1049] {strides = array<i32>} : memref<240x128xf32, #tpu.memory_space<vmem>>, vector<16xf32>,
          tpu.vector_store %run_scoped3A_6[%swap3A_1048, %swap3A_1049], %mul3A_1047 {strides = array<i32>} : memref<240x128xf32, #tpu.memory_space<vmem>>, vector<16xf32>,
          %get3A_1051 = arith.index_cast %add3A_992 : i32 to index
          %get3A_1052 = arith.constant 112 : index
          %get3A_1053 = tpu.vector_load %run_scoped3A_6[%get3A_1051, %get3A_1052] {strides = array<i32>} : memref<240x128xf32, #tpu.memory_space<vmem>>, vector<16xf32>,
          %mul3A_1054 = vector.broadcast %squeeze3A_994 : f32 to vector<16xf32>
          %mul3A_1055 = arith.mulf %get3A_1053, %mul3A_1054 : vector<16xf32>
          %swap3A_1056 = arith.index_cast %add3A_992 : i32 to index
          %swap3A_1057 = arith.constant 112 : index
          %swap3A_1058 = tpu.vector_load %run_scoped3A_6[%swap3A_1056, %swap3A_1057] {strides = array<i32>} : memref<240x128xf32, #tpu.memory_space<vmem>>, vector<16xf32>,
          tpu.vector_store %run_scoped3A_6[%swap3A_1056, %swap3A_1057], %mul3A_1055 {strides = array<i32>} : memref<240x128xf32, #tpu.memory_space<vmem>>, vector<16xf32>,
          %mul3A_1059 = arith.constant 80 : i32
          %mul3A_1060 = arith.muli %rem3A_137, %mul3A_1059 : i32
          %mul3A_1061 = arith.constant 16 : i32
          %mul3A_1062 = arith.muli %scan3A_321, %mul3A_1061 : i32
          %add3A_1063 = arith.addi %mul3A_1060, %mul3A_1062 : i32
          %add3A_1064 = arith.constant 10 : i32
          %add3A_1065 = arith.addi %add3A_1063, %add3A_1064 : i32
          %slice3A_1066 = vector.extract_strided_slice %get3A_330 {offsets = [10], sizes = [1], strides = [1]} : vector<16xf32> to vector<1xf32>
          %squeeze3A_1067 = vector.extract %slice3A_1066[0] : f32 from vector<1xf32>
          %get3A_1068 = arith.index_cast %add3A_1065 : i32 to index
          %get3A_1069 = arith.constant 0 : index
          %get3A_1070 = tpu.vector_load %run_scoped3A_6[%get3A_1068, %get3A_1069] {strides = array<i32>} : memref<240x128xf32, #tpu.memory_space<vmem>>, vector<16xf32>,
          %mul3A_1071 = vector.broadcast %squeeze3A_1067 : f32 to vector<16xf32>
          %mul3A_1072 = arith.mulf %get3A_1070, %mul3A_1071 : vector<16xf32>
          %swap3A_1073 = arith.index_cast %add3A_1065 : i32 to index
          %swap3A_1074 = arith.constant 0 : index
          %swap3A_1075 = tpu.vector_load %run_scoped3A_6[%swap3A_1073, %swap3A_1074] {strides = array<i32>} : memref<240x128xf32, #tpu.memory_space<vmem>>, vector<16xf32>,
          tpu.vector_store %run_scoped3A_6[%swap3A_1073, %swap3A_1074], %mul3A_1072 {strides = array<i32>} : memref<240x128xf32, #tpu.memory_space<vmem>>, vector<16xf32>,
          %get3A_1076 = arith.index_cast %add3A_1065 : i32 to index
          %get3A_1077 = arith.constant 16 : index
          %get3A_1078 = tpu.vector_load %run_scoped3A_6[%get3A_1076, %get3A_1077] {strides = array<i32>} : memref<240x128xf32, #tpu.memory_space<vmem>>, vector<16xf32>,
          %mul3A_1079 = vector.broadcast %squeeze3A_1067 : f32 to vector<16xf32>
          %mul3A_1080 = arith.mulf %get3A_1078, %mul3A_1079 : vector<16xf32>
          %swap3A_1081 = arith.index_cast %add3A_1065 : i32 to index
          %swap3A_1082 = arith.constant 16 : index
          %swap3A_1083 = tpu.vector_load %run_scoped3A_6[%swap3A_1081, %swap3A_1082] {strides = array<i32>} : memref<240x128xf32, #tpu.memory_space<vmem>>, vector<16xf32>,
          tpu.vector_store %run_scoped3A_6[%swap3A_1081, %swap3A_1082], %mul3A_1080 {strides = array<i32>} : memref<240x128xf32, #tpu.memory_space<vmem>>, vector<16xf32>,
          %get3A_1084 = arith.index_cast %add3A_1065 : i32 to index
          %get3A_1085 = arith.constant 32 : index
          %get3A_1086 = tpu.vector_load %run_scoped3A_6[%get3A_1084, %get3A_1085] {strides = array<i32>} : memref<240x128xf32, #tpu.memory_space<vmem>>, vector<16xf32>,
          %mul3A_1087 = vector.broadcast %squeeze3A_1067 : f32 to vector<16xf32>
          %mul3A_1088 = arith.mulf %get3A_1086, %mul3A_1087 : vector<16xf32>
          %swap3A_1089 = arith.index_cast %add3A_1065 : i32 to index
          %swap3A_1090 = arith.constant 32 : index
          %swap3A_1091 = tpu.vector_load %run_scoped3A_6[%swap3A_1089, %swap3A_1090] {strides = array<i32>} : memref<240x128xf32, #tpu.memory_space<vmem>>, vector<16xf32>,
          tpu.vector_store %run_scoped3A_6[%swap3A_1089, %swap3A_1090], %mul3A_1088 {strides = array<i32>} : memref<240x128xf32, #tpu.memory_space<vmem>>, vector<16xf32>,
          %get3A_1092 = arith.index_cast %add3A_1065 : i32 to index
          %get3A_1093 = arith.constant 48 : index
          %get3A_1094 = tpu.vector_load %run_scoped3A_6[%get3A_1092, %get3A_1093] {strides = array<i32>} : memref<240x128xf32, #tpu.memory_space<vmem>>, vector<16xf32>,
          %mul3A_1095 = vector.broadcast %squeeze3A_1067 : f32 to vector<16xf32>
          %mul3A_1096 = arith.mulf %get3A_1094, %mul3A_1095 : vector<16xf32>
          %swap3A_1097 = arith.index_cast %add3A_1065 : i32 to index
          %swap3A_1098 = arith.constant 48 : index
          %swap3A_1099 = tpu.vector_load %run_scoped3A_6[%swap3A_1097, %swap3A_1098] {strides = array<i32>} : memref<240x128xf32, #tpu.memory_space<vmem>>, vector<16xf32>,
          tpu.vector_store %run_scoped3A_6[%swap3A_1097, %swap3A_1098], %mul3A_1096 {strides = array<i32>} : memref<240x128xf32, #tpu.memory_space<vmem>>, vector<16xf32>,
          %get3A_1100 = arith.index_cast %add3A_1065 : i32 to index
          %get3A_1101 = arith.constant 64 : index
          %get3A_1102 = tpu.vector_load %run_scoped3A_6[%get3A_1100, %get3A_1101] {strides = array<i32>} : memref<240x128xf32, #tpu.memory_space<vmem>>, vector<16xf32>,
          %mul3A_1103 = vector.broadcast %squeeze3A_1067 : f32 to vector<16xf32>
          %mul3A_1104 = arith.mulf %get3A_1102, %mul3A_1103 : vector<16xf32>
          %swap3A_1105 = arith.index_cast %add3A_1065 : i32 to index
          %swap3A_1106 = arith.constant 64 : index
          %swap3A_1107 = tpu.vector_load %run_scoped3A_6[%swap3A_1105, %swap3A_1106] {strides = array<i32>} : memref<240x128xf32, #tpu.memory_space<vmem>>, vector<16xf32>,
          tpu.vector_store %run_scoped3A_6[%swap3A_1105, %swap3A_1106], %mul3A_1104 {strides = array<i32>} : memref<240x128xf32, #tpu.memory_space<vmem>>, vector<16xf32>,
          %get3A_1108 = arith.index_cast %add3A_1065 : i32 to index
          %get3A_1109 = arith.constant 80 : index
          %get3A_1110 = tpu.vector_load %run_scoped3A_6[%get3A_1108, %get3A_1109] {strides = array<i32>} : memref<240x128xf32, #tpu.memory_space<vmem>>, vector<16xf32>,
          %mul3A_1111 = vector.broadcast %squeeze3A_1067 : f32 to vector<16xf32>
          %mul3A_1112 = arith.mulf %get3A_1110, %mul3A_1111 : vector<16xf32>
          %swap3A_1113 = arith.index_cast %add3A_1065 : i32 to index
          %swap3A_1114 = arith.constant 80 : index
          %swap3A_1115 = tpu.vector_load %run_scoped3A_6[%swap3A_1113, %swap3A_1114] {strides = array<i32>} : memref<240x128xf32, #tpu.memory_space<vmem>>, vector<16xf32>,
          tpu.vector_store %run_scoped3A_6[%swap3A_1113, %swap3A_1114], %mul3A_1112 {strides = array<i32>} : memref<240x128xf32, #tpu.memory_space<vmem>>, vector<16xf32>,
          %get3A_1116 = arith.index_cast %add3A_1065 : i32 to index
          %get3A_1117 = arith.constant 96 : index
          %get3A_1118 = tpu.vector_load %run_scoped3A_6[%get3A_1116, %get3A_1117] {strides = array<i32>} : memref<240x128xf32, #tpu.memory_space<vmem>>, vector<16xf32>,
          %mul3A_1119 = vector.broadcast %squeeze3A_1067 : f32 to vector<16xf32>
          %mul3A_1120 = arith.mulf %get3A_1118, %mul3A_1119 : vector<16xf32>
          %swap3A_1121 = arith.index_cast %add3A_1065 : i32 to index
          %swap3A_1122 = arith.constant 96 : index
          %swap3A_1123 = tpu.vector_load %run_scoped3A_6[%swap3A_1121, %swap3A_1122] {strides = array<i32>} : memref<240x128xf32, #tpu.memory_space<vmem>>, vector<16xf32>,
          tpu.vector_store %run_scoped3A_6[%swap3A_1121, %swap3A_1122], %mul3A_1120 {strides = array<i32>} : memref<240x128xf32, #tpu.memory_space<vmem>>, vector<16xf32>,
          %get3A_1124 = arith.index_cast %add3A_1065 : i32 to index
          %get3A_1125 = arith.constant 112 : index
          %get3A_1126 = tpu.vector_load %run_scoped3A_6[%get3A_1124, %get3A_1125] {strides = array<i32>} : memref<240x128xf32, #tpu.memory_space<vmem>>, vector<16xf32>,
          %mul3A_1127 = vector.broadcast %squeeze3A_1067 : f32 to vector<16xf32>
          %mul3A_1128 = arith.mulf %get3A_1126, %mul3A_1127 : vector<16xf32>
          %swap3A_1129 = arith.index_cast %add3A_1065 : i32 to index
          %swap3A_1130 = arith.constant 112 : index
          %swap3A_1131 = tpu.vector_load %run_scoped3A_6[%swap3A_1129, %swap3A_1130] {strides = array<i32>} : memref<240x128xf32, #tpu.memory_space<vmem>>, vector<16xf32>,
          tpu.vector_store %run_scoped3A_6[%swap3A_1129, %swap3A_1130], %mul3A_1128 {strides = array<i32>} : memref<240x128xf32, #tpu.memory_space<vmem>>, vector<16xf32>,
          %mul3A_1132 = arith.constant 80 : i32
          %mul3A_1133 = arith.muli %rem3A_137, %mul3A_1132 : i32
          %mul3A_1134 = arith.constant 16 : i32
          %mul3A_1135 = arith.muli %scan3A_321, %mul3A_1134 : i32
          %add3A_1136 = arith.addi %mul3A_1133, %mul3A_1135 : i32
          %add3A_1137 = arith.constant 11 : i32
          %add3A_1138 = arith.addi %add3A_1136, %add3A_1137 : i32
          %slice3A_1139 = vector.extract_strided_slice %get3A_330 {offsets = [11], sizes = [1], strides = [1]} : vector<16xf32> to vector<1xf32>
          %squeeze3A_1140 = vector.extract %slice3A_1139[0] : f32 from vector<1xf32>
          %get3A_1141 = arith.index_cast %add3A_1138 : i32 to index
          %get3A_1142 = arith.constant 0 : index
          %get3A_1143 = tpu.vector_load %run_scoped3A_6[%get3A_1141, %get3A_1142] {strides = array<i32>} : memref<240x128xf32, #tpu.memory_space<vmem>>, vector<16xf32>,
          %mul3A_1144 = vector.broadcast %squeeze3A_1140 : f32 to vector<16xf32>
          %mul3A_1145 = arith.mulf %get3A_1143, %mul3A_1144 : vector<16xf32>
          %swap3A_1146 = arith.index_cast %add3A_1138 : i32 to index
          %swap3A_1147 = arith.constant 0 : index
          %swap3A_1148 = tpu.vector_load %run_scoped3A_6[%swap3A_1146, %swap3A_1147] {strides = array<i32>} : memref<240x128xf32, #tpu.memory_space<vmem>>, vector<16xf32>,
          tpu.vector_store %run_scoped3A_6[%swap3A_1146, %swap3A_1147], %mul3A_1145 {strides = array<i32>} : memref<240x128xf32, #tpu.memory_space<vmem>>, vector<16xf32>,
          %get3A_1149 = arith.index_cast %add3A_1138 : i32 to index
          %get3A_1150 = arith.constant 16 : index
          %get3A_1151 = tpu.vector_load %run_scoped3A_6[%get3A_1149, %get3A_1150] {strides = array<i32>} : memref<240x128xf32, #tpu.memory_space<vmem>>, vector<16xf32>,
          %mul3A_1152 = vector.broadcast %squeeze3A_1140 : f32 to vector<16xf32>
          %mul3A_1153 = arith.mulf %get3A_1151, %mul3A_1152 : vector<16xf32>
          %swap3A_1154 = arith.index_cast %add3A_1138 : i32 to index
          %swap3A_1155 = arith.constant 16 : index
          %swap3A_1156 = tpu.vector_load %run_scoped3A_6[%swap3A_1154, %swap3A_1155] {strides = array<i32>} : memref<240x128xf32, #tpu.memory_space<vmem>>, vector<16xf32>,
          tpu.vector_store %run_scoped3A_6[%swap3A_1154, %swap3A_1155], %mul3A_1153 {strides = array<i32>} : memref<240x128xf32, #tpu.memory_space<vmem>>, vector<16xf32>,
          %get3A_1157 = arith.index_cast %add3A_1138 : i32 to index
          %get3A_1158 = arith.constant 32 : index
          %get3A_1159 = tpu.vector_load %run_scoped3A_6[%get3A_1157, %get3A_1158] {strides = array<i32>} : memref<240x128xf32, #tpu.memory_space<vmem>>, vector<16xf32>,
          %mul3A_1160 = vector.broadcast %squeeze3A_1140 : f32 to vector<16xf32>
          %mul3A_1161 = arith.mulf %get3A_1159, %mul3A_1160 : vector<16xf32>
          %swap3A_1162 = arith.index_cast %add3A_1138 : i32 to index
          %swap3A_1163 = arith.constant 32 : index
          %swap3A_1164 = tpu.vector_load %run_scoped3A_6[%swap3A_1162, %swap3A_1163] {strides = array<i32>} : memref<240x128xf32, #tpu.memory_space<vmem>>, vector<16xf32>,
          tpu.vector_store %run_scoped3A_6[%swap3A_1162, %swap3A_1163], %mul3A_1161 {strides = array<i32>} : memref<240x128xf32, #tpu.memory_space<vmem>>, vector<16xf32>,
          %get3A_1165 = arith.index_cast %add3A_1138 : i32 to index
          %get3A_1166 = arith.constant 48 : index
          %get3A_1167 = tpu.vector_load %run_scoped3A_6[%get3A_1165, %get3A_1166] {strides = array<i32>} : memref<240x128xf32, #tpu.memory_space<vmem>>, vector<16xf32>,
          %mul3A_1168 = vector.broadcast %squeeze3A_1140 : f32 to vector<16xf32>
          %mul3A_1169 = arith.mulf %get3A_1167, %mul3A_1168 : vector<16xf32>
          %swap3A_1170 = arith.index_cast %add3A_1138 : i32 to index
          %swap3A_1171 = arith.constant 48 : index
          %swap3A_1172 = tpu.vector_load %run_scoped3A_6[%swap3A_1170, %swap3A_1171] {strides = array<i32>} : memref<240x128xf32, #tpu.memory_space<vmem>>, vector<16xf32>,
          tpu.vector_store %run_scoped3A_6[%swap3A_1170, %swap3A_1171], %mul3A_1169 {strides = array<i32>} : memref<240x128xf32, #tpu.memory_space<vmem>>, vector<16xf32>,
          %get3A_1173 = arith.index_cast %add3A_1138 : i32 to index
          %get3A_1174 = arith.constant 64 : index
          %get3A_1175 = tpu.vector_load %run_scoped3A_6[%get3A_1173, %get3A_1174] {strides = array<i32>} : memref<240x128xf32, #tpu.memory_space<vmem>>, vector<16xf32>,
          %mul3A_1176 = vector.broadcast %squeeze3A_1140 : f32 to vector<16xf32>
          %mul3A_1177 = arith.mulf %get3A_1175, %mul3A_1176 : vector<16xf32>
          %swap3A_1178 = arith.index_cast %add3A_1138 : i32 to index
          %swap3A_1179 = arith.constant 64 : index
          %swap3A_1180 = tpu.vector_load %run_scoped3A_6[%swap3A_1178, %swap3A_1179] {strides = array<i32>} : memref<240x128xf32, #tpu.memory_space<vmem>>, vector<16xf32>,
          tpu.vector_store %run_scoped3A_6[%swap3A_1178, %swap3A_1179], %mul3A_1177 {strides = array<i32>} : memref<240x128xf32, #tpu.memory_space<vmem>>, vector<16xf32>,
          %get3A_1181 = arith.index_cast %add3A_1138 : i32 to index
          %get3A_1182 = arith.constant 80 : index
          %get3A_1183 = tpu.vector_load %run_scoped3A_6[%get3A_1181, %get3A_1182] {strides = array<i32>} : memref<240x128xf32, #tpu.memory_space<vmem>>, vector<16xf32>,
          %mul3A_1184 = vector.broadcast %squeeze3A_1140 : f32 to vector<16xf32>
          %mul3A_1185 = arith.mulf %get3A_1183, %mul3A_1184 : vector<16xf32>
          %swap3A_1186 = arith.index_cast %add3A_1138 : i32 to index
          %swap3A_1187 = arith.constant 80 : index
          %swap3A_1188 = tpu.vector_load %run_scoped3A_6[%swap3A_1186, %swap3A_1187] {strides = array<i32>} : memref<240x128xf32, #tpu.memory_space<vmem>>, vector<16xf32>,
          tpu.vector_store %run_scoped3A_6[%swap3A_1186, %swap3A_1187], %mul3A_1185 {strides = array<i32>} : memref<240x128xf32, #tpu.memory_space<vmem>>, vector<16xf32>,
          %get3A_1189 = arith.index_cast %add3A_1138 : i32 to index
          %get3A_1190 = arith.constant 96 : index
          %get3A_1191 = tpu.vector_load %run_scoped3A_6[%get3A_1189, %get3A_1190] {strides = array<i32>} : memref<240x128xf32, #tpu.memory_space<vmem>>, vector<16xf32>,
          %mul3A_1192 = vector.broadcast %squeeze3A_1140 : f32 to vector<16xf32>
          %mul3A_1193 = arith.mulf %get3A_1191, %mul3A_1192 : vector<16xf32>
          %swap3A_1194 = arith.index_cast %add3A_1138 : i32 to index
          %swap3A_1195 = arith.constant 96 : index
          %swap3A_1196 = tpu.vector_load %run_scoped3A_6[%swap3A_1194, %swap3A_1195] {strides = array<i32>} : memref<240x128xf32, #tpu.memory_space<vmem>>, vector<16xf32>,
          tpu.vector_store %run_scoped3A_6[%swap3A_1194, %swap3A_1195], %mul3A_1193 {strides = array<i32>} : memref<240x128xf32, #tpu.memory_space<vmem>>, vector<16xf32>,
          %get3A_1197 = arith.index_cast %add3A_1138 : i32 to index
          %get3A_1198 = arith.constant 112 : index
          %get3A_1199 = tpu.vector_load %run_scoped3A_6[%get3A_1197, %get3A_1198] {strides = array<i32>} : memref<240x128xf32, #tpu.memory_space<vmem>>, vector<16xf32>,
          %mul3A_1200 = vector.broadcast %squeeze3A_1140 : f32 to vector<16xf32>
          %mul3A_1201 = arith.mulf %get3A_1199, %mul3A_1200 : vector<16xf32>
          %swap3A_1202 = arith.index_cast %add3A_1138 : i32 to index
          %swap3A_1203 = arith.constant 112 : index
          %swap3A_1204 = tpu.vector_load %run_scoped3A_6[%swap3A_1202, %swap3A_1203] {strides = array<i32>} : memref<240x128xf32, #tpu.memory_space<vmem>>, vector<16xf32>,
          tpu.vector_store %run_scoped3A_6[%swap3A_1202, %swap3A_1203], %mul3A_1201 {strides = array<i32>} : memref<240x128xf32, #tpu.memory_space<vmem>>, vector<16xf32>,
          %mul3A_1205 = arith.constant 80 : i32
          %mul3A_1206 = arith.muli %rem3A_137, %mul3A_1205 : i32
          %mul3A_1207 = arith.constant 16 : i32
          %mul3A_1208 = arith.muli %scan3A_321, %mul3A_1207 : i32
          %add3A_1209 = arith.addi %mul3A_1206, %mul3A_1208 : i32
          %add3A_1210 = arith.constant 12 : i32
          %add3A_1211 = arith.addi %add3A_1209, %add3A_1210 : i32
          %slice3A_1212 = vector.extract_strided_slice %get3A_330 {offsets = [12], sizes = [1], strides = [1]} : vector<16xf32> to vector<1xf32>
          %squeeze3A_1213 = vector.extract %slice3A_1212[0] : f32 from vector<1xf32>
          %get3A_1214 = arith.index_cast %add3A_1211 : i32 to index
          %get3A_1215 = arith.constant 0 : index
          %get3A_1216 = tpu.vector_load %run_scoped3A_6[%get3A_1214, %get3A_1215] {strides = array<i32>} : memref<240x128xf32, #tpu.memory_space<vmem>>, vector<16xf32>,
          %mul3A_1217 = vector.broadcast %squeeze3A_1213 : f32 to vector<16xf32>
          %mul3A_1218 = arith.mulf %get3A_1216, %mul3A_1217 : vector<16xf32>
          %swap3A_1219 = arith.index_cast %add3A_1211 : i32 to index
          %swap3A_1220 = arith.constant 0 : index
          %swap3A_1221 = tpu.vector_load %run_scoped3A_6[%swap3A_1219, %swap3A_1220] {strides = array<i32>} : memref<240x128xf32, #tpu.memory_space<vmem>>, vector<16xf32>,
          tpu.vector_store %run_scoped3A_6[%swap3A_1219, %swap3A_1220], %mul3A_1218 {strides = array<i32>} : memref<240x128xf32, #tpu.memory_space<vmem>>, vector<16xf32>,
          %get3A_1222 = arith.index_cast %add3A_1211 : i32 to index
          %get3A_1223 = arith.constant 16 : index
          %get3A_1224 = tpu.vector_load %run_scoped3A_6[%get3A_1222, %get3A_1223] {strides = array<i32>} : memref<240x128xf32, #tpu.memory_space<vmem>>, vector<16xf32>,
          %mul3A_1225 = vector.broadcast %squeeze3A_1213 : f32 to vector<16xf32>
          %mul3A_1226 = arith.mulf %get3A_1224, %mul3A_1225 : vector<16xf32>
          %swap3A_1227 = arith.index_cast %add3A_1211 : i32 to index
          %swap3A_1228 = arith.constant 16 : index
          %swap3A_1229 = tpu.vector_load %run_scoped3A_6[%swap3A_1227, %swap3A_1228] {strides = array<i32>} : memref<240x128xf32, #tpu.memory_space<vmem>>, vector<16xf32>,
          tpu.vector_store %run_scoped3A_6[%swap3A_1227, %swap3A_1228], %mul3A_1226 {strides = array<i32>} : memref<240x128xf32, #tpu.memory_space<vmem>>, vector<16xf32>,
          %get3A_1230 = arith.index_cast %add3A_1211 : i32 to index
          %get3A_1231 = arith.constant 32 : index
          %get3A_1232 = tpu.vector_load %run_scoped3A_6[%get3A_1230, %get3A_1231] {strides = array<i32>} : memref<240x128xf32, #tpu.memory_space<vmem>>, vector<16xf32>,
          %mul3A_1233 = vector.broadcast %squeeze3A_1213 : f32 to vector<16xf32>
          %mul3A_1234 = arith.mulf %get3A_1232, %mul3A_1233 : vector<16xf32>
          %swap3A_1235 = arith.index_cast %add3A_1211 : i32 to index
          %swap3A_1236 = arith.constant 32 : index
          %swap3A_1237 = tpu.vector_load %run_scoped3A_6[%swap3A_1235, %swap3A_1236] {strides = array<i32>} : memref<240x128xf32, #tpu.memory_space<vmem>>, vector<16xf32>,
          tpu.vector_store %run_scoped3A_6[%swap3A_1235, %swap3A_1236], %mul3A_1234 {strides = array<i32>} : memref<240x128xf32, #tpu.memory_space<vmem>>, vector<16xf32>,
          %get3A_1238 = arith.index_cast %add3A_1211 : i32 to index
          %get3A_1239 = arith.constant 48 : index
          %get3A_1240 = tpu.vector_load %run_scoped3A_6[%get3A_1238, %get3A_1239] {strides = array<i32>} : memref<240x128xf32, #tpu.memory_space<vmem>>, vector<16xf32>,
          %mul3A_1241 = vector.broadcast %squeeze3A_1213 : f32 to vector<16xf32>
          %mul3A_1242 = arith.mulf %get3A_1240, %mul3A_1241 : vector<16xf32>
          %swap3A_1243 = arith.index_cast %add3A_1211 : i32 to index
          %swap3A_1244 = arith.constant 48 : index
          %swap3A_1245 = tpu.vector_load %run_scoped3A_6[%swap3A_1243, %swap3A_1244] {strides = array<i32>} : memref<240x128xf32, #tpu.memory_space<vmem>>, vector<16xf32>,
          tpu.vector_store %run_scoped3A_6[%swap3A_1243, %swap3A_1244], %mul3A_1242 {strides = array<i32>} : memref<240x128xf32, #tpu.memory_space<vmem>>, vector<16xf32>,
          %get3A_1246 = arith.index_cast %add3A_1211 : i32 to index
          %get3A_1247 = arith.constant 64 : index
          %get3A_1248 = tpu.vector_load %run_scoped3A_6[%get3A_1246, %get3A_1247] {strides = array<i32>} : memref<240x128xf32, #tpu.memory_space<vmem>>, vector<16xf32>,
          %mul3A_1249 = vector.broadcast %squeeze3A_1213 : f32 to vector<16xf32>
          %mul3A_1250 = arith.mulf %get3A_1248, %mul3A_1249 : vector<16xf32>
          %swap3A_1251 = arith.index_cast %add3A_1211 : i32 to index
          %swap3A_1252 = arith.constant 64 : index
          %swap3A_1253 = tpu.vector_load %run_scoped3A_6[%swap3A_1251, %swap3A_1252] {strides = array<i32>} : memref<240x128xf32, #tpu.memory_space<vmem>>, vector<16xf32>,
          tpu.vector_store %run_scoped3A_6[%swap3A_1251, %swap3A_1252], %mul3A_1250 {strides = array<i32>} : memref<240x128xf32, #tpu.memory_space<vmem>>, vector<16xf32>,
          %get3A_1254 = arith.index_cast %add3A_1211 : i32 to index
          %get3A_1255 = arith.constant 80 : index
          %get3A_1256 = tpu.vector_load %run_scoped3A_6[%get3A_1254, %get3A_1255] {strides = array<i32>} : memref<240x128xf32, #tpu.memory_space<vmem>>, vector<16xf32>,
          %mul3A_1257 = vector.broadcast %squeeze3A_1213 : f32 to vector<16xf32>
          %mul3A_1258 = arith.mulf %get3A_1256, %mul3A_1257 : vector<16xf32>
          %swap3A_1259 = arith.index_cast %add3A_1211 : i32 to index
          %swap3A_1260 = arith.constant 80 : index
          %swap3A_1261 = tpu.vector_load %run_scoped3A_6[%swap3A_1259, %swap3A_1260] {strides = array<i32>} : memref<240x128xf32, #tpu.memory_space<vmem>>, vector<16xf32>,
          tpu.vector_store %run_scoped3A_6[%swap3A_1259, %swap3A_1260], %mul3A_1258 {strides = array<i32>} : memref<240x128xf32, #tpu.memory_space<vmem>>, vector<16xf32>,
          %get3A_1262 = arith.index_cast %add3A_1211 : i32 to index
          %get3A_1263 = arith.constant 96 : index
          %get3A_1264 = tpu.vector_load %run_scoped3A_6[%get3A_1262, %get3A_1263] {strides = array<i32>} : memref<240x128xf32, #tpu.memory_space<vmem>>, vector<16xf32>,
          %mul3A_1265 = vector.broadcast %squeeze3A_1213 : f32 to vector<16xf32>
          %mul3A_1266 = arith.mulf %get3A_1264, %mul3A_1265 : vector<16xf32>
          %swap3A_1267 = arith.index_cast %add3A_1211 : i32 to index
          %swap3A_1268 = arith.constant 96 : index
          %swap3A_1269 = tpu.vector_load %run_scoped3A_6[%swap3A_1267, %swap3A_1268] {strides = array<i32>} : memref<240x128xf32, #tpu.memory_space<vmem>>, vector<16xf32>,
          tpu.vector_store %run_scoped3A_6[%swap3A_1267, %swap3A_1268], %mul3A_1266 {strides = array<i32>} : memref<240x128xf32, #tpu.memory_space<vmem>>, vector<16xf32>,
          %get3A_1270 = arith.index_cast %add3A_1211 : i32 to index
          %get3A_1271 = arith.constant 112 : index
          %get3A_1272 = tpu.vector_load %run_scoped3A_6[%get3A_1270, %get3A_1271] {strides = array<i32>} : memref<240x128xf32, #tpu.memory_space<vmem>>, vector<16xf32>,
          %mul3A_1273 = vector.broadcast %squeeze3A_1213 : f32 to vector<16xf32>
          %mul3A_1274 = arith.mulf %get3A_1272, %mul3A_1273 : vector<16xf32>
          %swap3A_1275 = arith.index_cast %add3A_1211 : i32 to index
          %swap3A_1276 = arith.constant 112 : index
          %swap3A_1277 = tpu.vector_load %run_scoped3A_6[%swap3A_1275, %swap3A_1276] {strides = array<i32>} : memref<240x128xf32, #tpu.memory_space<vmem>>, vector<16xf32>,
          tpu.vector_store %run_scoped3A_6[%swap3A_1275, %swap3A_1276], %mul3A_1274 {strides = array<i32>} : memref<240x128xf32, #tpu.memory_space<vmem>>, vector<16xf32>,
          %mul3A_1278 = arith.constant 80 : i32
          %mul3A_1279 = arith.muli %rem3A_137, %mul3A_1278 : i32
          %mul3A_1280 = arith.constant 16 : i32
          %mul3A_1281 = arith.muli %scan3A_321, %mul3A_1280 : i32
          %add3A_1282 = arith.addi %mul3A_1279, %mul3A_1281 : i32
          %add3A_1283 = arith.constant 13 : i32
          %add3A_1284 = arith.addi %add3A_1282, %add3A_1283 : i32
          %slice3A_1285 = vector.extract_strided_slice %get3A_330 {offsets = [13], sizes = [1], strides = [1]} : vector<16xf32> to vector<1xf32>
          %squeeze3A_1286 = vector.extract %slice3A_1285[0] : f32 from vector<1xf32>
          %get3A_1287 = arith.index_cast %add3A_1284 : i32 to index
          %get3A_1288 = arith.constant 0 : index
          %get3A_1289 = tpu.vector_load %run_scoped3A_6[%get3A_1287, %get3A_1288] {strides = array<i32>} : memref<240x128xf32, #tpu.memory_space<vmem>>, vector<16xf32>,
          %mul3A_1290 = vector.broadcast %squeeze3A_1286 : f32 to vector<16xf32>
          %mul3A_1291 = arith.mulf %get3A_1289, %mul3A_1290 : vector<16xf32>
          %swap3A_1292 = arith.index_cast %add3A_1284 : i32 to index
          %swap3A_1293 = arith.constant 0 : index
          %swap3A_1294 = tpu.vector_load %run_scoped3A_6[%swap3A_1292, %swap3A_1293] {strides = array<i32>} : memref<240x128xf32, #tpu.memory_space<vmem>>, vector<16xf32>,
          tpu.vector_store %run_scoped3A_6[%swap3A_1292, %swap3A_1293], %mul3A_1291 {strides = array<i32>} : memref<240x128xf32, #tpu.memory_space<vmem>>, vector<16xf32>,
          %get3A_1295 = arith.index_cast %add3A_1284 : i32 to index
          %get3A_1296 = arith.constant 16 : index
          %get3A_1297 = tpu.vector_load %run_scoped3A_6[%get3A_1295, %get3A_1296] {strides = array<i32>} : memref<240x128xf32, #tpu.memory_space<vmem>>, vector<16xf32>,
          %mul3A_1298 = vector.broadcast %squeeze3A_1286 : f32 to vector<16xf32>
          %mul3A_1299 = arith.mulf %get3A_1297, %mul3A_1298 : vector<16xf32>
          %swap3A_1300 = arith.index_cast %add3A_1284 : i32 to index
          %swap3A_1301 = arith.constant 16 : index
          %swap3A_1302 = tpu.vector_load %run_scoped3A_6[%swap3A_1300, %swap3A_1301] {strides = array<i32>} : memref<240x128xf32, #tpu.memory_space<vmem>>, vector<16xf32>,
          tpu.vector_store %run_scoped3A_6[%swap3A_1300, %swap3A_1301], %mul3A_1299 {strides = array<i32>} : memref<240x128xf32, #tpu.memory_space<vmem>>, vector<16xf32>,
          %get3A_1303 = arith.index_cast %add3A_1284 : i32 to index
          %get3A_1304 = arith.constant 32 : index
          %get3A_1305 = tpu.vector_load %run_scoped3A_6[%get3A_1303, %get3A_1304] {strides = array<i32>} : memref<240x128xf32, #tpu.memory_space<vmem>>, vector<16xf32>,
          %mul3A_1306 = vector.broadcast %squeeze3A_1286 : f32 to vector<16xf32>
          %mul3A_1307 = arith.mulf %get3A_1305, %mul3A_1306 : vector<16xf32>
          %swap3A_1308 = arith.index_cast %add3A_1284 : i32 to index
          %swap3A_1309 = arith.constant 32 : index
          %swap3A_1310 = tpu.vector_load %run_scoped3A_6[%swap3A_1308, %swap3A_1309] {strides = array<i32>} : memref<240x128xf32, #tpu.memory_space<vmem>>, vector<16xf32>,
          tpu.vector_store %run_scoped3A_6[%swap3A_1308, %swap3A_1309], %mul3A_1307 {strides = array<i32>} : memref<240x128xf32, #tpu.memory_space<vmem>>, vector<16xf32>,
          %get3A_1311 = arith.index_cast %add3A_1284 : i32 to index
          %get3A_1312 = arith.constant 48 : index
          %get3A_1313 = tpu.vector_load %run_scoped3A_6[%get3A_1311, %get3A_1312] {strides = array<i32>} : memref<240x128xf32, #tpu.memory_space<vmem>>, vector<16xf32>,
          %mul3A_1314 = vector.broadcast %squeeze3A_1286 : f32 to vector<16xf32>
          %mul3A_1315 = arith.mulf %get3A_1313, %mul3A_1314 : vector<16xf32>
          %swap3A_1316 = arith.index_cast %add3A_1284 : i32 to index
          %swap3A_1317 = arith.constant 48 : index
          %swap3A_1318 = tpu.vector_load %run_scoped3A_6[%swap3A_1316, %swap3A_1317] {strides = array<i32>} : memref<240x128xf32, #tpu.memory_space<vmem>>, vector<16xf32>,
          tpu.vector_store %run_scoped3A_6[%swap3A_1316, %swap3A_1317], %mul3A_1315 {strides = array<i32>} : memref<240x128xf32, #tpu.memory_space<vmem>>, vector<16xf32>,
          %get3A_1319 = arith.index_cast %add3A_1284 : i32 to index
          %get3A_1320 = arith.constant 64 : index
          %get3A_1321 = tpu.vector_load %run_scoped3A_6[%get3A_1319, %get3A_1320] {strides = array<i32>} : memref<240x128xf32, #tpu.memory_space<vmem>>, vector<16xf32>,
          %mul3A_1322 = vector.broadcast %squeeze3A_1286 : f32 to vector<16xf32>
          %mul3A_1323 = arith.mulf %get3A_1321, %mul3A_1322 : vector<16xf32>
          %swap3A_1324 = arith.index_cast %add3A_1284 : i32 to index
          %swap3A_1325 = arith.constant 64 : index
          %swap3A_1326 = tpu.vector_load %run_scoped3A_6[%swap3A_1324, %swap3A_1325] {strides = array<i32>} : memref<240x128xf32, #tpu.memory_space<vmem>>, vector<16xf32>,
          tpu.vector_store %run_scoped3A_6[%swap3A_1324, %swap3A_1325], %mul3A_1323 {strides = array<i32>} : memref<240x128xf32, #tpu.memory_space<vmem>>, vector<16xf32>,
          %get3A_1327 = arith.index_cast %add3A_1284 : i32 to index
          %get3A_1328 = arith.constant 80 : index
          %get3A_1329 = tpu.vector_load %run_scoped3A_6[%get3A_1327, %get3A_1328] {strides = array<i32>} : memref<240x128xf32, #tpu.memory_space<vmem>>, vector<16xf32>,
          %mul3A_1330 = vector.broadcast %squeeze3A_1286 : f32 to vector<16xf32>
          %mul3A_1331 = arith.mulf %get3A_1329, %mul3A_1330 : vector<16xf32>
          %swap3A_1332 = arith.index_cast %add3A_1284 : i32 to index
          %swap3A_1333 = arith.constant 80 : index
          %swap3A_1334 = tpu.vector_load %run_scoped3A_6[%swap3A_1332, %swap3A_1333] {strides = array<i32>} : memref<240x128xf32, #tpu.memory_space<vmem>>, vector<16xf32>,
          tpu.vector_store %run_scoped3A_6[%swap3A_1332, %swap3A_1333], %mul3A_1331 {strides = array<i32>} : memref<240x128xf32, #tpu.memory_space<vmem>>, vector<16xf32>,
          %get3A_1335 = arith.index_cast %add3A_1284 : i32 to index
          %get3A_1336 = arith.constant 96 : index
          %get3A_1337 = tpu.vector_load %run_scoped3A_6[%get3A_1335, %get3A_1336] {strides = array<i32>} : memref<240x128xf32, #tpu.memory_space<vmem>>, vector<16xf32>,
          %mul3A_1338 = vector.broadcast %squeeze3A_1286 : f32 to vector<16xf32>
          %mul3A_1339 = arith.mulf %get3A_1337, %mul3A_1338 : vector<16xf32>
          %swap3A_1340 = arith.index_cast %add3A_1284 : i32 to index
          %swap3A_1341 = arith.constant 96 : index
          %swap3A_1342 = tpu.vector_load %run_scoped3A_6[%swap3A_1340, %swap3A_1341] {strides = array<i32>} : memref<240x128xf32, #tpu.memory_space<vmem>>, vector<16xf32>,
          tpu.vector_store %run_scoped3A_6[%swap3A_1340, %swap3A_1341], %mul3A_1339 {strides = array<i32>} : memref<240x128xf32, #tpu.memory_space<vmem>>, vector<16xf32>,
          %get3A_1343 = arith.index_cast %add3A_1284 : i32 to index
          %get3A_1344 = arith.constant 112 : index
          %get3A_1345 = tpu.vector_load %run_scoped3A_6[%get3A_1343, %get3A_1344] {strides = array<i32>} : memref<240x128xf32, #tpu.memory_space<vmem>>, vector<16xf32>,
          %mul3A_1346 = vector.broadcast %squeeze3A_1286 : f32 to vector<16xf32>
          %mul3A_1347 = arith.mulf %get3A_1345, %mul3A_1346 : vector<16xf32>
          %swap3A_1348 = arith.index_cast %add3A_1284 : i32 to index
          %swap3A_1349 = arith.constant 112 : index
          %swap3A_1350 = tpu.vector_load %run_scoped3A_6[%swap3A_1348, %swap3A_1349] {strides = array<i32>} : memref<240x128xf32, #tpu.memory_space<vmem>>, vector<16xf32>,
          tpu.vector_store %run_scoped3A_6[%swap3A_1348, %swap3A_1349], %mul3A_1347 {strides = array<i32>} : memref<240x128xf32, #tpu.memory_space<vmem>>, vector<16xf32>,
          %mul3A_1351 = arith.constant 80 : i32
          %mul3A_1352 = arith.muli %rem3A_137, %mul3A_1351 : i32
          %mul3A_1353 = arith.constant 16 : i32
          %mul3A_1354 = arith.muli %scan3A_321, %mul3A_1353 : i32
          %add3A_1355 = arith.addi %mul3A_1352, %mul3A_1354 : i32
          %add3A_1356 = arith.constant 14 : i32
          %add3A_1357 = arith.addi %add3A_1355, %add3A_1356 : i32
          %slice3A_1358 = vector.extract_strided_slice %get3A_330 {offsets = [14], sizes = [1], strides = [1]} : vector<16xf32> to vector<1xf32>
          %squeeze3A_1359 = vector.extract %slice3A_1358[0] : f32 from vector<1xf32>
          %get3A_1360 = arith.index_cast %add3A_1357 : i32 to index
          %get3A_1361 = arith.constant 0 : index
          %get3A_1362 = tpu.vector_load %run_scoped3A_6[%get3A_1360, %get3A_1361] {strides = array<i32>} : memref<240x128xf32, #tpu.memory_space<vmem>>, vector<16xf32>,
          %mul3A_1363 = vector.broadcast %squeeze3A_1359 : f32 to vector<16xf32>
          %mul3A_1364 = arith.mulf %get3A_1362, %mul3A_1363 : vector<16xf32>
          %swap3A_1365 = arith.index_cast %add3A_1357 : i32 to index
          %swap3A_1366 = arith.constant 0 : index
          %swap3A_1367 = tpu.vector_load %run_scoped3A_6[%swap3A_1365, %swap3A_1366] {strides = array<i32>} : memref<240x128xf32, #tpu.memory_space<vmem>>, vector<16xf32>,
          tpu.vector_store %run_scoped3A_6[%swap3A_1365, %swap3A_1366], %mul3A_1364 {strides = array<i32>} : memref<240x128xf32, #tpu.memory_space<vmem>>, vector<16xf32>,
          %get3A_1368 = arith.index_cast %add3A_1357 : i32 to index
          %get3A_1369 = arith.constant 16 : index
          %get3A_1370 = tpu.vector_load %run_scoped3A_6[%get3A_1368, %get3A_1369] {strides = array<i32>} : memref<240x128xf32, #tpu.memory_space<vmem>>, vector<16xf32>,
          %mul3A_1371 = vector.broadcast %squeeze3A_1359 : f32 to vector<16xf32>
          %mul3A_1372 = arith.mulf %get3A_1370, %mul3A_1371 : vector<16xf32>
          %swap3A_1373 = arith.index_cast %add3A_1357 : i32 to index
          %swap3A_1374 = arith.constant 16 : index
          %swap3A_1375 = tpu.vector_load %run_scoped3A_6[%swap3A_1373, %swap3A_1374] {strides = array<i32>} : memref<240x128xf32, #tpu.memory_space<vmem>>, vector<16xf32>,
          tpu.vector_store %run_scoped3A_6[%swap3A_1373, %swap3A_1374], %mul3A_1372 {strides = array<i32>} : memref<240x128xf32, #tpu.memory_space<vmem>>, vector<16xf32>,
          %get3A_1376 = arith.index_cast %add3A_1357 : i32 to index
          %get3A_1377 = arith.constant 32 : index
          %get3A_1378 = tpu.vector_load %run_scoped3A_6[%get3A_1376, %get3A_1377] {strides = array<i32>} : memref<240x128xf32, #tpu.memory_space<vmem>>, vector<16xf32>,
          %mul3A_1379 = vector.broadcast %squeeze3A_1359 : f32 to vector<16xf32>
          %mul3A_1380 = arith.mulf %get3A_1378, %mul3A_1379 : vector<16xf32>
          %swap3A_1381 = arith.index_cast %add3A_1357 : i32 to index
          %swap3A_1382 = arith.constant 32 : index
          %swap3A_1383 = tpu.vector_load %run_scoped3A_6[%swap3A_1381, %swap3A_1382] {strides = array<i32>} : memref<240x128xf32, #tpu.memory_space<vmem>>, vector<16xf32>,
          tpu.vector_store %run_scoped3A_6[%swap3A_1381, %swap3A_1382], %mul3A_1380 {strides = array<i32>} : memref<240x128xf32, #tpu.memory_space<vmem>>, vector<16xf32>,
          %get3A_1384 = arith.index_cast %add3A_1357 : i32 to index
          %get3A_1385 = arith.constant 48 : index
          %get3A_1386 = tpu.vector_load %run_scoped3A_6[%get3A_1384, %get3A_1385] {strides = array<i32>} : memref<240x128xf32, #tpu.memory_space<vmem>>, vector<16xf32>,
          %mul3A_1387 = vector.broadcast %squeeze3A_1359 : f32 to vector<16xf32>
          %mul3A_1388 = arith.mulf %get3A_1386, %mul3A_1387 : vector<16xf32>
          %swap3A_1389 = arith.index_cast %add3A_1357 : i32 to index
          %swap3A_1390 = arith.constant 48 : index
          %swap3A_1391 = tpu.vector_load %run_scoped3A_6[%swap3A_1389, %swap3A_1390] {strides = array<i32>} : memref<240x128xf32, #tpu.memory_space<vmem>>, vector<16xf32>,
          tpu.vector_store %run_scoped3A_6[%swap3A_1389, %swap3A_1390], %mul3A_1388 {strides = array<i32>} : memref<240x128xf32, #tpu.memory_space<vmem>>, vector<16xf32>,
          %get3A_1392 = arith.index_cast %add3A_1357 : i32 to index
          %get3A_1393 = arith.constant 64 : index
          %get3A_1394 = tpu.vector_load %run_scoped3A_6[%get3A_1392, %get3A_1393] {strides = array<i32>} : memref<240x128xf32, #tpu.memory_space<vmem>>, vector<16xf32>,
          %mul3A_1395 = vector.broadcast %squeeze3A_1359 : f32 to vector<16xf32>
          %mul3A_1396 = arith.mulf %get3A_1394, %mul3A_1395 : vector<16xf32>
          %swap3A_1397 = arith.index_cast %add3A_1357 : i32 to index
          %swap3A_1398 = arith.constant 64 : index
          %swap3A_1399 = tpu.vector_load %run_scoped3A_6[%swap3A_1397, %swap3A_1398] {strides = array<i32>} : memref<240x128xf32, #tpu.memory_space<vmem>>, vector<16xf32>,
          tpu.vector_store %run_scoped3A_6[%swap3A_1397, %swap3A_1398], %mul3A_1396 {strides = array<i32>} : memref<240x128xf32, #tpu.memory_space<vmem>>, vector<16xf32>,
          %get3A_1400 = arith.index_cast %add3A_1357 : i32 to index
          %get3A_1401 = arith.constant 80 : index
          %get3A_1402 = tpu.vector_load %run_scoped3A_6[%get3A_1400, %get3A_1401] {strides = array<i32>} : memref<240x128xf32, #tpu.memory_space<vmem>>, vector<16xf32>,
          %mul3A_1403 = vector.broadcast %squeeze3A_1359 : f32 to vector<16xf32>
          %mul3A_1404 = arith.mulf %get3A_1402, %mul3A_1403 : vector<16xf32>
          %swap3A_1405 = arith.index_cast %add3A_1357 : i32 to index
          %swap3A_1406 = arith.constant 80 : index
          %swap3A_1407 = tpu.vector_load %run_scoped3A_6[%swap3A_1405, %swap3A_1406] {strides = array<i32>} : memref<240x128xf32, #tpu.memory_space<vmem>>, vector<16xf32>,
          tpu.vector_store %run_scoped3A_6[%swap3A_1405, %swap3A_1406], %mul3A_1404 {strides = array<i32>} : memref<240x128xf32, #tpu.memory_space<vmem>>, vector<16xf32>,
          %get3A_1408 = arith.index_cast %add3A_1357 : i32 to index
          %get3A_1409 = arith.constant 96 : index
          %get3A_1410 = tpu.vector_load %run_scoped3A_6[%get3A_1408, %get3A_1409] {strides = array<i32>} : memref<240x128xf32, #tpu.memory_space<vmem>>, vector<16xf32>,
          %mul3A_1411 = vector.broadcast %squeeze3A_1359 : f32 to vector<16xf32>
          %mul3A_1412 = arith.mulf %get3A_1410, %mul3A_1411 : vector<16xf32>
          %swap3A_1413 = arith.index_cast %add3A_1357 : i32 to index
          %swap3A_1414 = arith.constant 96 : index
          %swap3A_1415 = tpu.vector_load %run_scoped3A_6[%swap3A_1413, %swap3A_1414] {strides = array<i32>} : memref<240x128xf32, #tpu.memory_space<vmem>>, vector<16xf32>,
          tpu.vector_store %run_scoped3A_6[%swap3A_1413, %swap3A_1414], %mul3A_1412 {strides = array<i32>} : memref<240x128xf32, #tpu.memory_space<vmem>>, vector<16xf32>,
          %get3A_1416 = arith.index_cast %add3A_1357 : i32 to index
          %get3A_1417 = arith.constant 112 : index
          %get3A_1418 = tpu.vector_load %run_scoped3A_6[%get3A_1416, %get3A_1417] {strides = array<i32>} : memref<240x128xf32, #tpu.memory_space<vmem>>, vector<16xf32>,
          %mul3A_1419 = vector.broadcast %squeeze3A_1359 : f32 to vector<16xf32>
          %mul3A_1420 = arith.mulf %get3A_1418, %mul3A_1419 : vector<16xf32>
          %swap3A_1421 = arith.index_cast %add3A_1357 : i32 to index
          %swap3A_1422 = arith.constant 112 : index
          %swap3A_1423 = tpu.vector_load %run_scoped3A_6[%swap3A_1421, %swap3A_1422] {strides = array<i32>} : memref<240x128xf32, #tpu.memory_space<vmem>>, vector<16xf32>,
          tpu.vector_store %run_scoped3A_6[%swap3A_1421, %swap3A_1422], %mul3A_1420 {strides = array<i32>} : memref<240x128xf32, #tpu.memory_space<vmem>>, vector<16xf32>,
          %mul3A_1424 = arith.constant 80 : i32
          %mul3A_1425 = arith.muli %rem3A_137, %mul3A_1424 : i32
          %mul3A_1426 = arith.constant 16 : i32
          %mul3A_1427 = arith.muli %scan3A_321, %mul3A_1426 : i32
          %add3A_1428 = arith.addi %mul3A_1425, %mul3A_1427 : i32
          %add3A_1429 = arith.constant 15 : i32
          %add3A_1430 = arith.addi %add3A_1428, %add3A_1429 : i32
          %slice3A_1431 = vector.extract_strided_slice %get3A_330 {offsets = [15], sizes = [1], strides = [1]} : vector<16xf32> to vector<1xf32>
          %squeeze3A_1432 = vector.extract %slice3A_1431[0] : f32 from vector<1xf32>
          %get3A_1433 = arith.index_cast %add3A_1430 : i32 to index
          %get3A_1434 = arith.constant 0 : index
          %get3A_1435 = tpu.vector_load %run_scoped3A_6[%get3A_1433, %get3A_1434] {strides = array<i32>} : memref<240x128xf32, #tpu.memory_space<vmem>>, vector<16xf32>,
          %mul3A_1436 = vector.broadcast %squeeze3A_1432 : f32 to vector<16xf32>
          %mul3A_1437 = arith.mulf %get3A_1435, %mul3A_1436 : vector<16xf32>
          %swap3A_1438 = arith.index_cast %add3A_1430 : i32 to index
          %swap3A_1439 = arith.constant 0 : index
          %swap3A_1440 = tpu.vector_load %run_scoped3A_6[%swap3A_1438, %swap3A_1439] {strides = array<i32>} : memref<240x128xf32, #tpu.memory_space<vmem>>, vector<16xf32>,
          tpu.vector_store %run_scoped3A_6[%swap3A_1438, %swap3A_1439], %mul3A_1437 {strides = array<i32>} : memref<240x128xf32, #tpu.memory_space<vmem>>, vector<16xf32>,
          %get3A_1441 = arith.index_cast %add3A_1430 : i32 to index
          %get3A_1442 = arith.constant 16 : index
          %get3A_1443 = tpu.vector_load %run_scoped3A_6[%get3A_1441, %get3A_1442] {strides = array<i32>} : memref<240x128xf32, #tpu.memory_space<vmem>>, vector<16xf32>,
          %mul3A_1444 = vector.broadcast %squeeze3A_1432 : f32 to vector<16xf32>
          %mul3A_1445 = arith.mulf %get3A_1443, %mul3A_1444 : vector<16xf32>
          %swap3A_1446 = arith.index_cast %add3A_1430 : i32 to index
          %swap3A_1447 = arith.constant 16 : index
          %swap3A_1448 = tpu.vector_load %run_scoped3A_6[%swap3A_1446, %swap3A_1447] {strides = array<i32>} : memref<240x128xf32, #tpu.memory_space<vmem>>, vector<16xf32>,
          tpu.vector_store %run_scoped3A_6[%swap3A_1446, %swap3A_1447], %mul3A_1445 {strides = array<i32>} : memref<240x128xf32, #tpu.memory_space<vmem>>, vector<16xf32>,
          %get3A_1449 = arith.index_cast %add3A_1430 : i32 to index
          %get3A_1450 = arith.constant 32 : index
          %get3A_1451 = tpu.vector_load %run_scoped3A_6[%get3A_1449, %get3A_1450] {strides = array<i32>} : memref<240x128xf32, #tpu.memory_space<vmem>>, vector<16xf32>,
          %mul3A_1452 = vector.broadcast %squeeze3A_1432 : f32 to vector<16xf32>
          %mul3A_1453 = arith.mulf %get3A_1451, %mul3A_1452 : vector<16xf32>
          %swap3A_1454 = arith.index_cast %add3A_1430 : i32 to index
          %swap3A_1455 = arith.constant 32 : index
          %swap3A_1456 = tpu.vector_load %run_scoped3A_6[%swap3A_1454, %swap3A_1455] {strides = array<i32>} : memref<240x128xf32, #tpu.memory_space<vmem>>, vector<16xf32>,
          tpu.vector_store %run_scoped3A_6[%swap3A_1454, %swap3A_1455], %mul3A_1453 {strides = array<i32>} : memref<240x128xf32, #tpu.memory_space<vmem>>, vector<16xf32>,
          %get3A_1457 = arith.index_cast %add3A_1430 : i32 to index
          %get3A_1458 = arith.constant 48 : index
          %get3A_1459 = tpu.vector_load %run_scoped3A_6[%get3A_1457, %get3A_1458] {strides = array<i32>} : memref<240x128xf32, #tpu.memory_space<vmem>>, vector<16xf32>,
          %mul3A_1460 = vector.broadcast %squeeze3A_1432 : f32 to vector<16xf32>
          %mul3A_1461 = arith.mulf %get3A_1459, %mul3A_1460 : vector<16xf32>
          %swap3A_1462 = arith.index_cast %add3A_1430 : i32 to index
          %swap3A_1463 = arith.constant 48 : index
          %swap3A_1464 = tpu.vector_load %run_scoped3A_6[%swap3A_1462, %swap3A_1463] {strides = array<i32>} : memref<240x128xf32, #tpu.memory_space<vmem>>, vector<16xf32>,
          tpu.vector_store %run_scoped3A_6[%swap3A_1462, %swap3A_1463], %mul3A_1461 {strides = array<i32>} : memref<240x128xf32, #tpu.memory_space<vmem>>, vector<16xf32>,
          %get3A_1465 = arith.index_cast %add3A_1430 : i32 to index
          %get3A_1466 = arith.constant 64 : index
          %get3A_1467 = tpu.vector_load %run_scoped3A_6[%get3A_1465, %get3A_1466] {strides = array<i32>} : memref<240x128xf32, #tpu.memory_space<vmem>>, vector<16xf32>,
          %mul3A_1468 = vector.broadcast %squeeze3A_1432 : f32 to vector<16xf32>
          %mul3A_1469 = arith.mulf %get3A_1467, %mul3A_1468 : vector<16xf32>
          %swap3A_1470 = arith.index_cast %add3A_1430 : i32 to index
          %swap3A_1471 = arith.constant 64 : index
          %swap3A_1472 = tpu.vector_load %run_scoped3A_6[%swap3A_1470, %swap3A_1471] {strides = array<i32>} : memref<240x128xf32, #tpu.memory_space<vmem>>, vector<16xf32>,
          tpu.vector_store %run_scoped3A_6[%swap3A_1470, %swap3A_1471], %mul3A_1469 {strides = array<i32>} : memref<240x128xf32, #tpu.memory_space<vmem>>, vector<16xf32>,
          %get3A_1473 = arith.index_cast %add3A_1430 : i32 to index
          %get3A_1474 = arith.constant 80 : index
          %get3A_1475 = tpu.vector_load %run_scoped3A_6[%get3A_1473, %get3A_1474] {strides = array<i32>} : memref<240x128xf32, #tpu.memory_space<vmem>>, vector<16xf32>,
          %mul3A_1476 = vector.broadcast %squeeze3A_1432 : f32 to vector<16xf32>
          %mul3A_1477 = arith.mulf %get3A_1475, %mul3A_1476 : vector<16xf32>
          %swap3A_1478 = arith.index_cast %add3A_1430 : i32 to index
          %swap3A_1479 = arith.constant 80 : index
          %swap3A_1480 = tpu.vector_load %run_scoped3A_6[%swap3A_1478, %swap3A_1479] {strides = array<i32>} : memref<240x128xf32, #tpu.memory_space<vmem>>, vector<16xf32>,
          tpu.vector_store %run_scoped3A_6[%swap3A_1478, %swap3A_1479], %mul3A_1477 {strides = array<i32>} : memref<240x128xf32, #tpu.memory_space<vmem>>, vector<16xf32>,
          %get3A_1481 = arith.index_cast %add3A_1430 : i32 to index
          %get3A_1482 = arith.constant 96 : index
          %get3A_1483 = tpu.vector_load %run_scoped3A_6[%get3A_1481, %get3A_1482] {strides = array<i32>} : memref<240x128xf32, #tpu.memory_space<vmem>>, vector<16xf32>,
          %mul3A_1484 = vector.broadcast %squeeze3A_1432 : f32 to vector<16xf32>
          %mul3A_1485 = arith.mulf %get3A_1483, %mul3A_1484 : vector<16xf32>
          %swap3A_1486 = arith.index_cast %add3A_1430 : i32 to index
          %swap3A_1487 = arith.constant 96 : index
          %swap3A_1488 = tpu.vector_load %run_scoped3A_6[%swap3A_1486, %swap3A_1487] {strides = array<i32>} : memref<240x128xf32, #tpu.memory_space<vmem>>, vector<16xf32>,
          tpu.vector_store %run_scoped3A_6[%swap3A_1486, %swap3A_1487], %mul3A_1485 {strides = array<i32>} : memref<240x128xf32, #tpu.memory_space<vmem>>, vector<16xf32>,
          %get3A_1489 = arith.index_cast %add3A_1430 : i32 to index
          %get3A_1490 = arith.constant 112 : index
          %get3A_1491 = tpu.vector_load %run_scoped3A_6[%get3A_1489, %get3A_1490] {strides = array<i32>} : memref<240x128xf32, #tpu.memory_space<vmem>>, vector<16xf32>,
          %mul3A_1492 = vector.broadcast %squeeze3A_1432 : f32 to vector<16xf32>
          %mul3A_1493 = arith.mulf %get3A_1491, %mul3A_1492 : vector<16xf32>
          %swap3A_1494 = arith.index_cast %add3A_1430 : i32 to index
          %swap3A_1495 = arith.constant 112 : index
          %swap3A_1496 = tpu.vector_load %run_scoped3A_6[%swap3A_1494, %swap3A_1495] {strides = array<i32>} : memref<240x128xf32, #tpu.memory_space<vmem>>, vector<16xf32>,
          tpu.vector_store %run_scoped3A_6[%swap3A_1494, %swap3A_1495], %mul3A_1493 {strides = array<i32>} : memref<240x128xf32, #tpu.memory_space<vmem>>, vector<16xf32>,
          %scan3A_1497 = arith.constant 0 : i32
          scf.yield %scan3A_1497 : i32
        }
        %scan3A_309 = arith.constant 5 : i32
        %mul3A_310 = arith.constant 80 : i32
        %mul3A_311 = arith.muli %rem3A_137, %mul3A_310 : i32
        %dma_start3A_312 = arith.constant 0 : i32
        %dma_start3A_313 = tpu.memref_slice %run_scoped3A_6[%mul3A_311, %dma_start3A_312] : memref<240x128xf32, #tpu.memory_space<vmem>> -> memref<80x128xf32, #tpu.memory_space<vmem>>
        %dma_start3A_314 = arith.constant 0 : i32
        %dma_start3A_315 = tpu.memref_slice %run_scoped3A_5[%rem3A_137, %dma_start3A_314] : memref<3x80xi32, #tpu.memory_space<vmem>> -> memref<1x80xi32, #tpu.memory_space<vmem>>
        %dma_start3A_316 = tpu.memref_squeeze %dma_start3A_315 : memref<1x80xi32, #tpu.memory_space<vmem>> -> memref<80xi32, #tpu.memory_space<vmem>>
        %dma_start3A_317 = arith.constant 0 : i32
        %dma_start3A_318 = arith.constant 0 : i32
        %dma_start3A_319 = tpu.memref_slice %arg13[%dma_start3A_317, %dma_start3A_318] : memref<10000x128xf32, #tpu.memory_space<vmem_shared>> -> memref<10000x128xf32, #tpu.memory_space<vmem_shared>>
        tpu.enqueue_indirect_dma source(%dma_start3A_313 : memref<80x128xf32, #tpu.memory_space<vmem>>) target(%dma_start3A_319 : memref<10000x128xf32, #tpu.memory_space<vmem_shared>>) offsets(%dma_start3A_316 : memref<80xi32, #tpu.memory_space<vmem>>) semaphore(%arg18 : memref<!tpu.dma_semaphore, #tpu.memory_space<semaphore_mem>>) {add = true}
        %scan3A_320 = arith.constant 0 : i32
        scf.yield %scan3A_320 : i32
      }
      %scan3A_101 = arith.constant 125 : i32
      %dma_wait3A = arith.constant 0 : i32
      %dma_wait3A_102 = arith.constant 0 : i32
      %dma_wait3A_103 = tpu.memref_slice %run_scoped3A_6[%dma_wait3A, %dma_wait3A_102] : memref<240x128xf32, #tpu.memory_space<vmem>> -> memref<80x128xf32, #tpu.memory_space<vmem>>
      %dma_wait3A_104 = arith.constant 0 : i32
      %dma_wait3A_105 = arith.constant 0 : i32
      %dma_wait3A_106 = tpu.memref_slice %arg13[%dma_wait3A_104, %dma_wait3A_105] : memref<10000x128xf32, #tpu.memory_space<vmem_shared>> -> memref<80x128xf32, #tpu.memory_space<vmem_shared>>
      %dma_wait3A_107 = arith.constant 0 : i32
      %dma_wait3A_108 = arith.constant 0 : i32
      %dma_wait3A_109 = tpu.memref_slice %arg13[%dma_wait3A_107, %dma_wait3A_108] : memref<10000x128xf32, #tpu.memory_space<vmem_shared>> -> memref<80x128xf32, #tpu.memory_space<vmem_shared>>
      %dma_wait3A_110 = arith.constant 0 : i32
      %dma_wait3A_111 = arith.constant 0 : i32
      %dma_wait3A_112 = tpu.memref_slice %run_scoped3A_6[%dma_wait3A_110, %dma_wait3A_111] : memref<240x128xf32, #tpu.memory_space<vmem>> -> memref<80x128xf32, #tpu.memory_space<vmem>>
      tpu.wait_dma2 semaphore(%arg18 : memref<!tpu.dma_semaphore, #tpu.memory_space<semaphore_mem>>) src(%dma_wait3A_112 : memref<80x128xf32, #tpu.memory_space<vmem>>) dst(%dma_wait3A_109 : memref<80x128xf32, #tpu.memory_space<vmem_shared>>)
      %dma_wait3A_113 = arith.constant 0 : i32
      %dma_wait3A_114 = arith.constant 0 : i32
      %dma_wait3A_115 = tpu.memref_slice %run_scoped3A_6[%dma_wait3A_113, %dma_wait3A_114] : memref<240x128xf32, #tpu.memory_space<vmem>> -> memref<80x128xf32, #tpu.memory_space<vmem>>
      %dma_wait3A_116 = arith.constant 0 : i32
      %dma_wait3A_117 = arith.constant 0 : i32
      %dma_wait3A_118 = tpu.memref_slice %arg13[%dma_wait3A_116, %dma_wait3A_117] : memref<10000x128xf32, #tpu.memory_space<vmem_shared>> -> memref<80x128xf32, #tpu.memory_space<vmem_shared>>
      %dma_wait3A_119 = arith.constant 0 : i32
      %dma_wait3A_120 = arith.constant 0 : i32
      %dma_wait3A_121 = tpu.memref_slice %arg13[%dma_wait3A_119, %dma_wait3A_120] : memref<10000x128xf32, #tpu.memory_space<vmem_shared>> -> memref<80x128xf32, #tpu.memory_space<vmem_shared>>
      %dma_wait3A_122 = arith.constant 0 : i32
      %dma_wait3A_123 = arith.constant 0 : i32
      %dma_wait3A_124 = tpu.memref_slice %run_scoped3A_6[%dma_wait3A_122, %dma_wait3A_123] : memref<240x128xf32, #tpu.memory_space<vmem>> -> memref<80x128xf32, #tpu.memory_space<vmem>>
      tpu.wait_dma2 semaphore(%arg18 : memref<!tpu.dma_semaphore, #tpu.memory_space<semaphore_mem>>) src(%dma_wait3A_124 : memref<80x128xf32, #tpu.memory_space<vmem>>) dst(%dma_wait3A_121 : memref<80x128xf32, #tpu.memory_space<vmem_shared>>)
      "tpu.region"() ({
        %run_scoped3A_135 = tpu.sem_alloc : memref<!tpu.dma_semaphore, #tpu.memory_space<semaphore_mem>>
        %dma_start3A_136 = arith.constant 0 : i32
        %dma_start3A_137 = tpu.memref_slice %arg11[%add3A, %dma_start3A_136] : memref<32x10000xf32, #tpu.memory_space<hbm>> -> memref<1x10000xf32, #tpu.memory_space<hbm>>
        %dma_start3A_138 = tpu.memref_squeeze %dma_start3A_137 : memref<1x10000xf32, #tpu.memory_space<hbm>> -> memref<10000xf32, #tpu.memory_space<hbm>>
        %dma_start3A_139 = arith.constant 0 : i32
        %dma_start3A_140 = tpu.memref_slice %arg11[%add3A, %dma_start3A_139] : memref<32x10000xf32, #tpu.memory_space<hbm>> -> memref<1x10000xf32, #tpu.memory_space<hbm>>
        %dma_start3A_141 = tpu.memref_squeeze %dma_start3A_140 : memref<1x10000xf32, #tpu.memory_space<hbm>> -> memref<10000xf32, #tpu.memory_space<hbm>>
        tpu.enqueue_dma source(%run_scoped3A_8 : memref<10000xf32, #tpu.memory_space<vmem>>) target(%dma_start3A_141 : memref<10000xf32, #tpu.memory_space<hbm>>) target_semaphore(%run_scoped3A_135 : memref<!tpu.dma_semaphore, #tpu.memory_space<semaphore_mem>>)
        %dma_wait3A_142 = arith.constant 0 : i32
        %dma_wait3A_143 = tpu.memref_slice %arg11[%add3A, %dma_wait3A_142] : memref<32x10000xf32, #tpu.memory_space<hbm>> -> memref<1x10000xf32, #tpu.memory_space<hbm>>
        %dma_wait3A_144 = tpu.memref_squeeze %dma_wait3A_143 : memref<1x10000xf32, #tpu.memory_space<hbm>> -> memref<10000xf32, #tpu.memory_space<hbm>>
        %dma_wait3A_145 = arith.constant 0 : i32
        %dma_wait3A_146 = tpu.memref_slice %arg11[%add3A, %dma_wait3A_145] : memref<32x10000xf32, #tpu.memory_space<hbm>> -> memref<1x10000xf32, #tpu.memory_space<hbm>>
        %dma_wait3A_147 = tpu.memref_squeeze %dma_wait3A_146 : memref<1x10000xf32, #tpu.memory_space<hbm>> -> memref<10000xf32, #tpu.memory_space<hbm>>
        tpu.wait_dma2 semaphore(%run_scoped3A_135 : memref<!tpu.dma_semaphore, #tpu.memory_space<semaphore_mem>>) src(%run_scoped3A_8 : memref<10000xf32, #tpu.memory_space<vmem>>) dst(%dma_wait3A_147 : memref<10000xf32, #tpu.memory_space<hbm>>)
        tpu.yield
      }) : () -> ()
      %barrier3A_125 = arith.constant 0 : index
      tpu.barrier barrier_id(%barrier3A_125)
      %mul3A_126 = arith.constant 624 : i32
      %mul3A_127 = arith.muli %arg1, %mul3A_126 : i32
      %mul3A_128 = arith.constant 624 : i32
      %mul3A_129 = arith.muli %arg1, %mul3A_128 : i32
      "tpu.region"() ({
        %run_scoped3A_135 = tpu.sem_alloc : memref<!tpu.dma_semaphore, #tpu.memory_space<semaphore_mem>>
        %dma_start3A_136 = arith.constant 0 : i32
        %dma_start3A_137 = tpu.memref_slice %arg12[%arg0, %mul3A_129, %dma_start3A_136] : memref<2x10000x128xf32, #tpu.memory_space<hbm>> -> memref<1x624x128xf32, #tpu.memory_space<hbm>>
        %dma_start3A_138 = tpu.memref_squeeze %dma_start3A_137 : memref<1x624x128xf32, #tpu.memory_space<hbm>> -> memref<624x128xf32, #tpu.memory_space<hbm>>
        %dma_start3A_139 = arith.constant 0 : i32
        %dma_start3A_140 = tpu.memref_slice %arg13[%mul3A_127, %dma_start3A_139] : memref<10000x128xf32, #tpu.memory_space<vmem_shared>> -> memref<624x128xf32, #tpu.memory_space<vmem_shared>>
        tpu.enqueue_dma source(%dma_start3A_140 : memref<624x128xf32, #tpu.memory_space<vmem_shared>>) target(%dma_start3A_138 : memref<624x128xf32, #tpu.memory_space<hbm>>) target_semaphore(%run_scoped3A_135 : memref<!tpu.dma_semaphore, #tpu.memory_space<semaphore_mem>>)
        %dma_wait3A_141 = arith.constant 0 : i32
        %dma_wait3A_142 = tpu.memref_slice %arg12[%arg0, %mul3A_129, %dma_wait3A_141] : memref<2x10000x128xf32, #tpu.memory_space<hbm>> -> memref<1x624x128xf32, #tpu.memory_space<hbm>>
        %dma_wait3A_143 = tpu.memref_squeeze %dma_wait3A_142 : memref<1x624x128xf32, #tpu.memory_space<hbm>> -> memref<624x128xf32, #tpu.memory_space<hbm>>
        %dma_wait3A_144 = arith.constant 0 : i32
        %dma_wait3A_145 = tpu.memref_slice %arg13[%mul3A_127, %dma_wait3A_144] : memref<10000x128xf32, #tpu.memory_space<vmem_shared>> -> memref<624x128xf32, #tpu.memory_space<vmem_shared>>
        tpu.wait_dma2 semaphore(%run_scoped3A_135 : memref<!tpu.dma_semaphore, #tpu.memory_space<semaphore_mem>>) src(%dma_wait3A_145 : memref<624x128xf32, #tpu.memory_space<vmem_shared>>) dst(%dma_wait3A_143 : memref<624x128xf32, #tpu.memory_space<hbm>>)
        tpu.yield
      }) : () -> ()
      %eq3A_130 = arith.constant 15 : i32
      %eq3A_131 = arith.cmpi eq, %arg1, %eq3A_130 : i32
      %convert_element_type3A_132 = arith.extui %eq3A_131 : i1 to i32
      %cond3A_133 = arith.constant 0 : i32
      %cond3A_134 = arith.cmpi ne, %convert_element_type3A_132, %cond3A_133 : i32
      scf.if %cond3A_134 {
        "tpu.region"() ({
          %run_scoped3A_135 = tpu.sem_alloc : memref<!tpu.dma_semaphore, #tpu.memory_space<semaphore_mem>>
          %dma_start3A_136 = arith.constant 9984 : i32
          %dma_start3A_137 = arith.constant 0 : i32
          %dma_start3A_138 = tpu.memref_slice %arg12[%arg0, %dma_start3A_136, %dma_start3A_137] : memref<2x10000x128xf32, #tpu.memory_space<hbm>> -> memref<1x16x128xf32, #tpu.memory_space<hbm>>
          %dma_start3A_139 = tpu.memref_squeeze %dma_start3A_138 : memref<1x16x128xf32, #tpu.memory_space<hbm>> -> memref<16x128xf32, #tpu.memory_space<hbm>>
          %dma_start3A_140 = arith.constant 9984 : i32
          %dma_start3A_141 = arith.constant 0 : i32
          %dma_start3A_142 = tpu.memref_slice %arg13[%dma_start3A_140, %dma_start3A_141] : memref<10000x128xf32, #tpu.memory_space<vmem_shared>> -> memref<16x128xf32, #tpu.memory_space<vmem_shared>>
          tpu.enqueue_dma source(%dma_start3A_142 : memref<16x128xf32, #tpu.memory_space<vmem_shared>>) target(%dma_start3A_139 : memref<16x128xf32, #tpu.memory_space<hbm>>) target_semaphore(%run_scoped3A_135 : memref<!tpu.dma_semaphore, #tpu.memory_space<semaphore_mem>>)
          %dma_wait3A_143 = arith.constant 9984 : i32
          %dma_wait3A_144 = arith.constant 0 : i32
          %dma_wait3A_145 = tpu.memref_slice %arg12[%arg0, %dma_wait3A_143, %dma_wait3A_144] : memref<2x10000x128xf32, #tpu.memory_space<hbm>> -> memref<1x16x128xf32, #tpu.memory_space<hbm>>
          %dma_wait3A_146 = tpu.memref_squeeze %dma_wait3A_145 : memref<1x16x128xf32, #tpu.memory_space<hbm>> -> memref<16x128xf32, #tpu.memory_space<hbm>>
          %dma_wait3A_147 = arith.constant 9984 : i32
          %dma_wait3A_148 = arith.constant 0 : i32
          %dma_wait3A_149 = tpu.memref_slice %arg13[%dma_wait3A_147, %dma_wait3A_148] : memref<10000x128xf32, #tpu.memory_space<vmem_shared>> -> memref<16x128xf32, #tpu.memory_space<vmem_shared>>
          tpu.wait_dma2 semaphore(%run_scoped3A_135 : memref<!tpu.dma_semaphore, #tpu.memory_space<semaphore_mem>>) src(%dma_wait3A_149 : memref<16x128xf32, #tpu.memory_space<vmem_shared>>) dst(%dma_wait3A_146 : memref<16x128xf32, #tpu.memory_space<hbm>>)
          tpu.yield
        }) : () -> ()
      } else {
      }
      tpu.yield
    }) : () -> ()
    return
  }
}

module attributes {stable_mosaic.version = 14 : i64} {
  func.func @_dense_body(%arg0: i32, %arg1: memref<400x128xf32, #tpu.memory_space<vmem>>, %arg2: memref<12800x16xf32, #tpu.memory_space<vmem>>, %arg3: memref<400x1xf32, #tpu.memory_space<vmem>>, %arg4: memref<128x8xf32, #tpu.memory_space<vmem>>, %arg5: memref<16x2xf32, #tpu.memory_space<vmem>>, %arg6: memref<128x128xf32, #tpu.memory_space<vmem>>, %arg7: memref<128x128xf32, #tpu.memory_space<vmem>>, %arg8: memref<128x128xf32, #tpu.memory_space<vmem>>, %arg9: memref<128x128xf32, #tpu.memory_space<vmem>>, %arg10: memref<1x128xf32, #tpu.memory_space<vmem>>, %arg11: memref<1x128xf32, #tpu.memory_space<vmem>>, %arg12: memref<400x8xf32, #tpu.memory_space<vmem>>, %arg13: memref<2x12800xf32, #tpu.memory_space<vmem>>, %arg14: memref<2x400x128xf32, #tpu.memory_space<vmem>>, %arg15: memref<400x128xf32, #tpu.memory_space<vmem>>) attributes {dimension_semantics = [#tpu.dimension_semantics<arbitrary>], iteration_bounds = array<i64: 25>, scalar_prefetch = 0 : i64, scratch_operands = 0 : i64, tpu.core_type = #tpu.core_type<tc>, window_params = [{transform_indices = @transform_0, window_bounds = array<i64: 400, 128>}, {transform_indices = @transform_1, window_bounds = array<i64: 12800, 16>}, {transform_indices = @transform_2, window_bounds = array<i64: 400, 1>}, {pipeline_mode = #tpu.pipeline_mode<synchronous>, transform_indices = @transform_3, window_bounds = array<i64: 128, 8>}, {pipeline_mode = #tpu.pipeline_mode<synchronous>, transform_indices = @transform_4, window_bounds = array<i64: 16, 2>}, {pipeline_mode = #tpu.pipeline_mode<synchronous>, transform_indices = @transform_5, window_bounds = array<i64: 128, 128>}, {pipeline_mode = #tpu.pipeline_mode<synchronous>, transform_indices = @transform_6, window_bounds = array<i64: 128, 128>}, {pipeline_mode = #tpu.pipeline_mode<synchronous>, transform_indices = @transform_7, window_bounds = array<i64: 128, 128>}, {pipeline_mode = #tpu.pipeline_mode<synchronous>, transform_indices = @transform_8, window_bounds = array<i64: 128, 128>}, {pipeline_mode = #tpu.pipeline_mode<synchronous>, transform_indices = @transform_9, window_bounds = array<i64: 1, 128>}, {pipeline_mode = #tpu.pipeline_mode<synchronous>, transform_indices = @transform_10, window_bounds = array<i64: 1, 128>}, {transform_indices = @transform_11, window_bounds = array<i64: 400, 8>}, {transform_indices = @transform_12, window_bounds = array<i64: 2, 12800>}, {transform_indices = @transform_13, window_bounds = array<i64: 2, 400, 128>}, {transform_indices = @transform_14, window_bounds = array<i64: 400, 128>}]} {
    %get3A = arith.constant 0 : index
    %get3A_0 = arith.constant 0 : index
    %get3A_1 = vector.load %arg1[%get3A, %get3A_0] : memref<400x128xf32, #tpu.memory_space<vmem>>, vector<400x128xf32>
    %get3A_2 = arith.constant 0 : index
    %get3A_3 = arith.constant 0 : index
    %get3A_4 = vector.load %arg3[%get3A_2, %get3A_3] : memref<400x1xf32, #tpu.memory_space<vmem>>, vector<400x1xf32>
    %get3A_5 = arith.constant 0 : index
    %get3A_6 = arith.constant 0 : index
    %get3A_7 = vector.load %arg4[%get3A_5, %get3A_6] : memref<128x8xf32, #tpu.memory_space<vmem>>, vector<128x8xf32>
    %dot_general3A = arith.constant dense<0.000000e+00> : vector<400x8xf32>
    %dot_general3A_8 = tpu.matmul %get3A_1, %get3A_7, %dot_general3A {dimension_numbers = #tpu.dot_dimension_numbers<[1], [0], [0], [1], [0, 0, 1, 1], [], []>, transpose_lhs_hint = false} : vector<400x128xf32>, vector<128x8xf32>, vector<400x8xf32> -> vector<400x8xf32>
    %squeeze3A = vector.shape_cast %get3A_4 : vector<400x1xf32> to vector<400xf32>
    %gt3A = arith.constant 5.000000e-01 : f32
    %gt3A_9 = vector.broadcast %gt3A : f32 to vector<400xf32>
    %gt3A_10 = arith.cmpf ogt, %squeeze3A, %gt3A_9 : vector<400xf32>
    %slice3A = vector.extract_strided_slice %dot_general3A_8 {offsets = [0, 3], sizes = [400, 1], strides = [1, 1]} : vector<400x8xf32> to vector<400x1xf32>
    %squeeze3A_11 = vector.shape_cast %slice3A : vector<400x1xf32> to vector<400xf32>
    %slice3A_12 = vector.extract_strided_slice %dot_general3A_8 {offsets = [0, 2], sizes = [400, 1], strides = [1, 1]} : vector<400x8xf32> to vector<400x1xf32>
    %squeeze3A_13 = vector.shape_cast %slice3A_12 : vector<400x1xf32> to vector<400xf32>
    %select_n3A = arith.select %gt3A_10, %squeeze3A_11, %squeeze3A_13 : vector<400xi1>, vector<400xf32>
    %slice3A_14 = vector.extract_strided_slice %dot_general3A_8 {offsets = [0, 0], sizes = [400, 2], strides = [1, 1]} : vector<400x8xf32> to vector<400x2xf32>
    %broadcast_in_dim3A = vector.shape_cast %select_n3A : vector<400xf32> to vector<400x1xf32>
    %slice3A_15 = vector.extract_strided_slice %dot_general3A_8 {offsets = [0, 3], sizes = [400, 5], strides = [1, 1]} : vector<400x8xf32> to vector<400x5xf32>
    %concatenate3A = tpu.concatenate %slice3A_14, %broadcast_in_dim3A, %slice3A_15 in 1 : vector<400x2xf32>, vector<400x1xf32>, vector<400x5xf32> -> vector<400x8xf32>
    %swap3A = arith.constant 0 : index
    %swap3A_16 = arith.constant 0 : index
    %swap3A_17 = vector.load %arg12[%swap3A, %swap3A_16] : memref<400x8xf32, #tpu.memory_space<vmem>>, vector<400x8xf32>
    tpu.vector_store %arg12[%swap3A, %swap3A_16], %concatenate3A {strides = array<i32>} : memref<400x8xf32, #tpu.memory_space<vmem>>, vector<400x8xf32>,
    %get3A_18 = arith.constant 0 : index
    %get3A_19 = arith.constant 0 : index
    %get3A_20 = vector.load %arg2[%get3A_18, %get3A_19] : memref<12800x16xf32, #tpu.memory_space<vmem>>, vector<12800x16xf32>
    %get3A_21 = arith.constant 0 : index
    %get3A_22 = arith.constant 0 : index
    %get3A_23 = vector.load %arg5[%get3A_21, %get3A_22] : memref<16x2xf32, #tpu.memory_space<vmem>>, vector<16x2xf32>
    %dot_general3A_24 = arith.constant dense<0.000000e+00> : vector<12800x2xf32>
    %dot_general3A_25 = tpu.matmul %get3A_20, %get3A_23, %dot_general3A_24 {dimension_numbers = #tpu.dot_dimension_numbers<[1], [0], [0], [1], [0, 0, 1, 1], [], []>, transpose_lhs_hint = false} : vector<12800x16xf32>, vector<16x2xf32>, vector<12800x2xf32> -> vector<12800x2xf32>
    %transpose3A = tpu.transpose %dot_general3A_25, [1, 0] : vector<12800x2xf32> -> vector<2x12800xf32>
    %swap3A_26 = arith.constant 0 : index
    %swap3A_27 = arith.constant 0 : index
    %swap3A_28 = vector.load %arg13[%swap3A_26, %swap3A_27] : memref<2x12800xf32, #tpu.memory_space<vmem>>, vector<2x12800xf32>
    tpu.vector_store %arg13[%swap3A_26, %swap3A_27], %transpose3A {strides = array<i32>} : memref<2x12800xf32, #tpu.memory_space<vmem>>, vector<2x12800xf32>,
    %get3A_29 = arith.constant 0 : index
    %get3A_30 = arith.constant 0 : index
    %get3A_31 = vector.load %arg6[%get3A_29, %get3A_30] : memref<128x128xf32, #tpu.memory_space<vmem>>, vector<128x128xf32>
    %dot_general3A_32 = arith.constant dense<0.000000e+00> : vector<400x128xf32>
    %dot_general3A_33 = tpu.matmul %get3A_1, %get3A_31, %dot_general3A_32 {dimension_numbers = #tpu.dot_dimension_numbers<[1], [0], [0], [1], [0, 0, 1, 1], [], []>, transpose_lhs_hint = false} : vector<400x128xf32>, vector<128x128xf32>, vector<400x128xf32> -> vector<400x128xf32>
    %swap3A_34 = arith.constant 0 : index
    %swap3A_35 = arith.constant 0 : index
    %swap3A_36 = arith.constant 0 : index
    %swap3A_37 = vector.load %arg14[%swap3A_34, %swap3A_35, %swap3A_36] : memref<2x400x128xf32, #tpu.memory_space<vmem>>, vector<1x400x128xf32>
    %swap3A_38 = vector.shape_cast %swap3A_37 : vector<1x400x128xf32> to vector<400x128xf32>
    %swap3A_39 = vector.shape_cast %dot_general3A_33 : vector<400x128xf32> to vector<1x400x128xf32>
    tpu.vector_store %arg14[%swap3A_34, %swap3A_35, %swap3A_36], %swap3A_39 {strides = array<i32>} : memref<2x400x128xf32, #tpu.memory_space<vmem>>, vector<1x400x128xf32>,
    %get3A_40 = arith.constant 0 : index
    %get3A_41 = arith.constant 0 : index
    %get3A_42 = vector.load %arg7[%get3A_40, %get3A_41] : memref<128x128xf32, #tpu.memory_space<vmem>>, vector<128x128xf32>
    %dot_general3A_43 = arith.constant dense<0.000000e+00> : vector<400x128xf32>
    %dot_general3A_44 = tpu.matmul %get3A_1, %get3A_42, %dot_general3A_43 {dimension_numbers = #tpu.dot_dimension_numbers<[1], [0], [0], [1], [0, 0, 1, 1], [], []>, transpose_lhs_hint = false} : vector<400x128xf32>, vector<128x128xf32>, vector<400x128xf32> -> vector<400x128xf32>
    %swap3A_45 = arith.constant 1 : index
    %swap3A_46 = arith.constant 0 : index
    %swap3A_47 = arith.constant 0 : index
    %swap3A_48 = vector.load %arg14[%swap3A_45, %swap3A_46, %swap3A_47] : memref<2x400x128xf32, #tpu.memory_space<vmem>>, vector<1x400x128xf32>
    %swap3A_49 = vector.shape_cast %swap3A_48 : vector<1x400x128xf32> to vector<400x128xf32>
    %swap3A_50 = vector.shape_cast %dot_general3A_44 : vector<400x128xf32> to vector<1x400x128xf32>
    tpu.vector_store %arg14[%swap3A_45, %swap3A_46, %swap3A_47], %swap3A_50 {strides = array<i32>} : memref<2x400x128xf32, #tpu.memory_space<vmem>>, vector<1x400x128xf32>,
    %get3A_51 = arith.constant 0 : index
    %get3A_52 = arith.constant 0 : index
    %get3A_53 = vector.load %arg8[%get3A_51, %get3A_52] : memref<128x128xf32, #tpu.memory_space<vmem>>, vector<128x128xf32>
    %dot_general3A_54 = arith.constant dense<0.000000e+00> : vector<400x128xf32>
    %dot_general3A_55 = tpu.matmul %get3A_1, %get3A_53, %dot_general3A_54 {dimension_numbers = #tpu.dot_dimension_numbers<[1], [0], [0], [1], [0, 0, 1, 1], [], []>, transpose_lhs_hint = false} : vector<400x128xf32>, vector<128x128xf32>, vector<400x128xf32> -> vector<400x128xf32>
    %get3A_56 = arith.constant 0 : index
    %get3A_57 = arith.constant 0 : index
    %get3A_58 = vector.load %arg10[%get3A_56, %get3A_57] : memref<1x128xf32, #tpu.memory_space<vmem>>, vector<1x128xf32>
    %add3A = vector.broadcast %get3A_58 : vector<1x128xf32> to vector<400x128xf32>
    %add3A_59 = arith.addf %dot_general3A_55, %add3A : vector<400x128xf32>
    %get3A_60 = arith.constant 0 : index
    %get3A_61 = arith.constant 0 : index
    %get3A_62 = vector.load %arg9[%get3A_60, %get3A_61] : memref<128x128xf32, #tpu.memory_space<vmem>>, vector<128x128xf32>
    %dot_general3A_63 = arith.constant dense<0.000000e+00> : vector<400x128xf32>
    %dot_general3A_64 = tpu.matmul %get3A_1, %get3A_62, %dot_general3A_63 {dimension_numbers = #tpu.dot_dimension_numbers<[1], [0], [0], [1], [0, 0, 1, 1], [], []>, transpose_lhs_hint = false} : vector<400x128xf32>, vector<128x128xf32>, vector<400x128xf32> -> vector<400x128xf32>
    %get3A_65 = arith.constant 0 : index
    %get3A_66 = arith.constant 0 : index
    %get3A_67 = vector.load %arg11[%get3A_65, %get3A_66] : memref<1x128xf32, #tpu.memory_space<vmem>>, vector<1x128xf32>
    %add3A_68 = vector.broadcast %get3A_67 : vector<1x128xf32> to vector<400x128xf32>
    %add3A_69 = arith.addf %dot_general3A_64, %add3A_68 : vector<400x128xf32>
    %gt3A_70 = arith.constant 5.000000e-01 : f32
    %gt3A_71 = vector.broadcast %gt3A_70 : f32 to vector<400x1xf32>
    %gt3A_72 = arith.cmpf ogt, %get3A_4, %gt3A_71 : vector<400x1xf32>
    %broadcast_in_dim3A_73 = vector.shape_cast %gt3A_72 : vector<400x1xi1> to vector<400x1xi1>
    %broadcast_in_dim3A_74 = vector.broadcast %broadcast_in_dim3A_73 : vector<400x1xi1> to vector<400x128xi1>
    %select_n3A_75 = arith.select %broadcast_in_dim3A_74, %add3A_69, %add3A_59 : vector<400x128xi1>, vector<400x128xf32>
    %swap3A_76 = arith.constant 0 : index
    %swap3A_77 = arith.constant 0 : index
    %swap3A_78 = vector.load %arg15[%swap3A_76, %swap3A_77] : memref<400x128xf32, #tpu.memory_space<vmem>>, vector<400x128xf32>
    tpu.vector_store %arg15[%swap3A_76, %swap3A_77], %select_n3A_75 {strides = array<i32>} : memref<400x128xf32, #tpu.memory_space<vmem>>, vector<400x128xf32>,
    return
  }
  func.func @transform_0(%arg0: i32) -> (i32, i32) {
    %c0_i32 = arith.constant 0 : i32
    %c0_i32_0 = arith.constant 0 : i32
    return %arg0, %c0_i32 : i32, i32
  }
  func.func @transform_1(%arg0: i32) -> (i32, i32) {
    %c0_i32 = arith.constant 0 : i32
    %c0_i32_0 = arith.constant 0 : i32
    return %arg0, %c0_i32 : i32, i32
  }
  func.func @transform_2(%arg0: i32) -> (i32, i32) {
    %c0_i32 = arith.constant 0 : i32
    %c0_i32_0 = arith.constant 0 : i32
    return %arg0, %c0_i32 : i32, i32
  }
  func.func @transform_3(%arg0: i32) -> (i32, i32) {
    %c0_i32 = arith.constant 0 : i32
    %c0_i32_0 = arith.constant 0 : i32
    %c0_i32_1 = arith.constant 0 : i32
    return %c0_i32, %c0_i32_0 : i32, i32
  }
  func.func @transform_4(%arg0: i32) -> (i32, i32) {
    %c0_i32 = arith.constant 0 : i32
    %c0_i32_0 = arith.constant 0 : i32
    %c0_i32_1 = arith.constant 0 : i32
    return %c0_i32, %c0_i32_0 : i32, i32
  }
  func.func @transform_5(%arg0: i32) -> (i32, i32) {
    %c0_i32 = arith.constant 0 : i32
    %c0_i32_0 = arith.constant 0 : i32
    %c0_i32_1 = arith.constant 0 : i32
    return %c0_i32, %c0_i32_0 : i32, i32
  }
  func.func @transform_6(%arg0: i32) -> (i32, i32) {
    %c0_i32 = arith.constant 0 : i32
    %c0_i32_0 = arith.constant 0 : i32
    %c0_i32_1 = arith.constant 0 : i32
    return %c0_i32, %c0_i32_0 : i32, i32
  }
  func.func @transform_7(%arg0: i32) -> (i32, i32) {
    %c0_i32 = arith.constant 0 : i32
    %c0_i32_0 = arith.constant 0 : i32
    %c0_i32_1 = arith.constant 0 : i32
    return %c0_i32, %c0_i32_0 : i32, i32
  }
  func.func @transform_8(%arg0: i32) -> (i32, i32) {
    %c0_i32 = arith.constant 0 : i32
    %c0_i32_0 = arith.constant 0 : i32
    %c0_i32_1 = arith.constant 0 : i32
    return %c0_i32, %c0_i32_0 : i32, i32
  }
  func.func @transform_9(%arg0: i32) -> (i32, i32) {
    %c0_i32 = arith.constant 0 : i32
    %c0_i32_0 = arith.constant 0 : i32
    %c0_i32_1 = arith.constant 0 : i32
    return %c0_i32, %c0_i32_0 : i32, i32
  }
  func.func @transform_10(%arg0: i32) -> (i32, i32) {
    %c0_i32 = arith.constant 0 : i32
    %c0_i32_0 = arith.constant 0 : i32
    %c0_i32_1 = arith.constant 0 : i32
    return %c0_i32, %c0_i32_0 : i32, i32
  }
  func.func @transform_11(%arg0: i32) -> (i32, i32) {
    %c0_i32 = arith.constant 0 : i32
    %c0_i32_0 = arith.constant 0 : i32
    return %arg0, %c0_i32 : i32, i32
  }
  func.func @transform_12(%arg0: i32) -> (i32, i32) {
    %c0_i32 = arith.constant 0 : i32
    %c0_i32_0 = arith.constant 0 : i32
    return %c0_i32, %arg0 : i32, i32
  }
  func.func @transform_13(%arg0: i32) -> (i32, i32, i32) {
    %c0_i32 = arith.constant 0 : i32
    %c0_i32_0 = arith.constant 0 : i32
    %c0_i32_1 = arith.constant 0 : i32
    return %c0_i32, %arg0, %c0_i32_0 : i32, i32, i32
  }
  func.func @transform_14(%arg0: i32) -> (i32, i32) {
    %c0_i32 = arith.constant 0 : i32
    %c0_i32_0 = arith.constant 0 : i32
    return %arg0, %c0_i32 : i32, i32
  }
}

module attributes {stable_mosaic.version = 14 : i64} {
  func.func @_final_body(%arg0: i32, %arg1: memref<2x2048x128xf32, #tpu.memory_space<vmem>>, %arg2: memref<32x2048xf32, #tpu.memory_space<vmem>>, %arg3: memref<2048x128xf32, #tpu.memory_space<vmem>>, %arg4: memref<2048x128xf32, #tpu.memory_space<vmem>>) attributes {dimension_semantics = [#tpu.dimension_semantics<arbitrary>], iteration_bounds = array<i64: 5>, scalar_prefetch = 0 : i64, scratch_operands = 0 : i64, tpu.core_type = #tpu.core_type<tc>, window_params = [{transform_indices = @transform_0, window_bounds = array<i64: 2, 2048, 128>}, {transform_indices = @transform_1, window_bounds = array<i64: 32, 2048>}, {transform_indices = @transform_2, window_bounds = array<i64: 2048, 128>}, {transform_indices = @transform_3, window_bounds = array<i64: 2048, 128>}]} {
    %get3A = arith.constant 0 : index
    %get3A_0 = arith.constant 0 : index
    %get3A_1 = vector.load %arg2[%get3A, %get3A_0] : memref<32x2048xf32, #tpu.memory_space<vmem>>, vector<32x2048xf32>
    %reduce_sum3A = arith.constant dense<0.000000e+00> : vector<2048xf32>
    %reduce_sum3A_2 = vector.multi_reduction <add>, %get3A_1, %reduce_sum3A [0] : vector<32x2048xf32> to vector<2048xf32>
    %add3A = arith.constant 1.000000e-16 : f32
    %add3A_3 = vector.broadcast %add3A : f32 to vector<2048xf32>
    %add3A_4 = arith.addf %reduce_sum3A_2, %add3A_3 : vector<2048xf32>
    %div3A = arith.constant 1.000000e+00 : f32
    %div3A_5 = vector.broadcast %div3A : f32 to vector<2048xf32>
    %div3A_6 = arith.divf %div3A_5, %add3A_4 : vector<2048xf32>
    %get3A_7 = arith.constant 0 : index
    %get3A_8 = arith.constant 0 : index
    %get3A_9 = arith.constant 0 : index
    %get3A_10 = vector.load %arg1[%get3A_7, %get3A_8, %get3A_9] : memref<2x2048x128xf32, #tpu.memory_space<vmem>>, vector<1x2048x128xf32>
    %get3A_11 = vector.shape_cast %get3A_10 : vector<1x2048x128xf32> to vector<2048x128xf32>
    %get3A_12 = arith.constant 1 : index
    %get3A_13 = arith.constant 0 : index
    %get3A_14 = arith.constant 0 : index
    %get3A_15 = vector.load %arg1[%get3A_12, %get3A_13, %get3A_14] : memref<2x2048x128xf32, #tpu.memory_space<vmem>>, vector<1x2048x128xf32>
    %get3A_16 = vector.shape_cast %get3A_15 : vector<1x2048x128xf32> to vector<2048x128xf32>
    %add3A_17 = arith.addf %get3A_11, %get3A_16 : vector<2048x128xf32>
    %broadcast_in_dim3A = vector.shape_cast %div3A_6 : vector<2048xf32> to vector<2048x1xf32>
    %mul3A = vector.broadcast %broadcast_in_dim3A : vector<2048x1xf32> to vector<2048x128xf32>
    %mul3A_18 = arith.mulf %add3A_17, %mul3A : vector<2048x128xf32>
    %get3A_19 = arith.constant 0 : index
    %get3A_20 = arith.constant 0 : index
    %get3A_21 = vector.load %arg3[%get3A_19, %get3A_20] : memref<2048x128xf32, #tpu.memory_space<vmem>>, vector<2048x128xf32>
    %add3A_22 = arith.addf %mul3A_18, %get3A_21 : vector<2048x128xf32>
    %max3A = arith.constant 0.000000e+00 : f32
    %max3A_23 = vector.broadcast %max3A : f32 to vector<2048x128xf32>
    %max3A_24 = arith.maximumf %add3A_22, %max3A_23 : vector<2048x128xf32>
    %swap3A = arith.constant 0 : index
    %swap3A_25 = arith.constant 0 : index
    %swap3A_26 = vector.load %arg4[%swap3A, %swap3A_25] : memref<2048x128xf32, #tpu.memory_space<vmem>>, vector<2048x128xf32>
    tpu.vector_store %arg4[%swap3A, %swap3A_25], %max3A_24 {strides = array<i32>} : memref<2048x128xf32, #tpu.memory_space<vmem>>, vector<2048x128xf32>,
    return
  }
  func.func @transform_0(%arg0: i32) -> (i32, i32, i32) {
    %c0_i32 = arith.constant 0 : i32
    %c0_i32_0 = arith.constant 0 : i32
    %c0_i32_1 = arith.constant 0 : i32
    return %c0_i32, %arg0, %c0_i32_0 : i32, i32, i32
  }
  func.func @transform_1(%arg0: i32) -> (i32, i32) {
    %c0_i32 = arith.constant 0 : i32
    %c0_i32_0 = arith.constant 0 : i32
    return %c0_i32, %arg0 : i32, i32
  }
  func.func @transform_2(%arg0: i32) -> (i32, i32) {
    %c0_i32 = arith.constant 0 : i32
    %c0_i32_0 = arith.constant 0 : i32
    return %arg0, %c0_i32 : i32, i32
  }
  func.func @transform_3(%arg0: i32) -> (i32, i32) {
    %c0_i32 = arith.constant 0 : i32
    %c0_i32_0 = arith.constant 0 : i32
    return %arg0, %c0_i32 : i32, i32
  }
}

</mosaic_0001>

<sc_bundles>
// kernel: kernel.5.cloned.1.call-start
scs
__scs_entry_jumppad:
0x0: {  	(pc) =	sbr.rel $0x88, $3  }
0x1: {  	(tag) =	ssettag $0x0;
	lr =	simm.s32 $0x1  }
0x2: {  	[smem:$0x3F8F] =	sst lr;
	_ =	strace $0xD0000000  }
0x3: {  	_ = 	snop  }
0x4: {  	_ = 	snop  }
0x5: {  	_ = 	snop  }
0x6: {  	_ = 	snop  }
0x7: {  	_ = 	snop  }
__scs_overlays_trampoline_lowered:
0x8: {  	[smem:$0x3F9E] =	sst s0  }
0x9: {  	[smem:$0x3F9F] =	sst s1  }
0xa: {  	[smem:$0x3FA0] =	sst s2  }
0xb: {  	[smem:$0x3FA1] =	sst s3  }
0xc: {  	[smem:$0x3FA2] =	sst s4  }
0xd: {  	[smem:$0x3FA3] =	sst s5  }
0xe: {  	[smem:$0x3FA4] =	sst s6  }
0xf: {  	[smem:$0x3FA5] =	sst s7  }
0x10: {  	[smem:$0x3FA6] =	sst s8  }
0x11: {  	[smem:$0x3FA7] =	sst s9;
	s0 =	simm.s32 @!p0 $0x0  }
0x12: {  	s1 =	sld [smem:$0x3F8D];
	s0 =	simm.s32 @p0 $0x1  }
0x13: {  	[smem:$0x3FA8] =	sst s0;
	s0 =	simm.s32 @!p1 $0x0  }
0x14: {  	s2 =	sld [smem:$0x3F8C];
	s0 =	simm.s32 @p1 $0x1  }
0x15: {  	[smem:$0x3FA9] =	sst s0;
	s0 =	simm.s32 @!p2 $0x0  }
0x16: {  	s3 =	sld [smem:$0x3FDB];
	s0 =	simm.s32 @p2 $0x1  }
0x17: {  	s4 =	simm.s32 $0x1BF5;
	[smem:$0x3FAB] =	sst s0  }
0x18: {  	s0 =	sld [smem:$0x3F8E];
	_ =	swait.ge [sflag:s4], $0x0  }
0x19: {  	s7 =	sld [smem:$0x3F8F]  }
0x1a: {  	s8 =	sadd.s32 $0xFFFFE003, lr  }
0x1b: {  	s9 =	sadd.s32 $0xFFFFFEF7, lr;
	s5 =	simm.s32 $0xFFFFFFFF;
	p2 =	slt.u32 s8, $0xFFFFF086  }
0x1c: {  	p1 =	slt.u32 s9, $0xF7A;
	s5 =	simm.s32 @!p2 $0x0  }
0x1d: {  	s5 =	simm.s32 @p1 $0x1;
	p0 =	seq.s32 s7, s2  }
0x1e: {  	s7 =	smul.u32 @!p0 $0xF7A, s2;
	p2 =	seq.s32 @!p0 s5, $0x0  }
0x1f: {  	s9 =	smul.u32 $0xF7A, s1;
	s8 =	simm.s32 @!p0 $0x1BF5;
	p2 =	por !p2, p0  }
0x20: {  	[sflag:s8] =	ssyncset.s32 @!p0 $0xFFFFF086;
	s6 =	sadd.s32 @!p0 s3, s7;
	s7 =	simm.s32 @!p0 $0x108  }
0x21: {  	s3 =	sadd.s32 s3, s9;
	s6 =	sadd.s32 @!p0 $0x88, s6;
	s7 =	simm.s32 @p2 $0x1082  }
0x22: {  	[simem:s7], [sflag:s8] =	dma.local @!p0 [hbm:s6], $0xF7A  }
0x23: {  	s9 =	sor.u32 $0xD0000000, s2;
	s6 =	simm.s32 $0x108;
	_ =	swait.ge @!p0 [sflag:s8], $0x0  }
0x24: {  	s3 =	sadd.s32 $0x88, s3;
	s6 =	simm.s32 @!p1 $0x1082;
	[sflag:s4] =	ssyncset.s32 $0xFFFFF086  }
0x25: {  	[simem:s6], [sflag:s4] =	dma.local [hbm:s3], $0xF7A  }
0x26: {  	[smem:$0x3F8F] =	sst s1;
	(tag) =	ssettag s2;
	_ =	strace s9  }
0x27: {  	s1 =	sld [smem:$0x3F9F]  }
0x28: {  	s2 =	sld [smem:$0x3FA0]  }
0x29: {  	s4 =	sld [smem:$0x3FA2]  }
0x2a: {  	p0 =	seq.s32 s5, $0x0;
	s5 =	sld [smem:$0x3FA3]  }
0x2b: {  	s6 =	sld [smem:$0x3FA4]  }
0x2c: {  	s7 =	sld [smem:$0x3FA5]  }
0x2d: {  	s3 =	simm.s32 $0x108;
	s8 =	sld [smem:$0x3FA6]  }
0x2e: {  	s3 =	simm.s32 @!p0 $0x1082;
	s9 =	sld [smem:$0x3FA7]  }
0x2f: {  	lr =	sadd.s32 s0, s3;
	s0 =	sld [smem:$0x3F9E]  }
0x30: {  	s3 =	sld [smem:$0x3FA1]  }
0x31: {  	[smem:$0x3FAA] =	sst s10  }
0x32: {  	s10 =	sld [smem:$0x3FA8];
	_ =	sdelay $0x3  }
0x33: {  	p0 =	seq.s32 s10, $0x1;
	s10 =	sld [smem:$0x3FAA];
	_ =	sdelay $0x3  }
0x34: {  	[smem:$0x3FAA] =	sst s10  }
0x35: {  	s10 =	sld [smem:$0x3FA9];
	_ =	sdelay $0x3  }
0x36: {  	p1 =	seq.s32 s10, $0x1;
	s10 =	sld [smem:$0x3FAA];
	_ =	sdelay $0x3  }
0x37: {  	[smem:$0x3FAA] =	sst s10  }
0x38: {  	s10 =	sld [smem:$0x3FAB]  }
0x39: {  	_ = 	snop;
	(pc) =	sbr.ind lr, $3  }
0x3a: {  	_ = 	snop  }
0x3b: {  	_ = 	snop  }
0x3c: {  	p2 =	seq.s32 s10, $0x1;
	s10 =	sld [smem:$0x3FAA]  }
0x3d: {  	_ =	shalt  }
0x3e: {  	_ =	shalt  }
0x3f: {  	_ =	shalt  }
0x40: {  	_ =	shalt  }
0x41: {  	_ =	shalt  }
0x42: {  	_ =	shalt  }
0x43: {  	_ =	shalt  }
0x44: {  	_ =	shalt  }
0x45: {  	_ =	shalt  }
0x46: {  	_ =	shalt  }
0x47: {  	_ =	shalt  }
0x48: {  	_ =	shalt  }
0x49: {  	_ =	shalt  }
0x4a: {  	_ =	shalt  }
0x4b: {  	_ =	shalt  }
0x4c: {  	_ =	shalt  }
0x4d: {  	_ =	shalt  }
0x4e: {  	_ =	shalt  }
0x4f: {  	_ =	shalt  }
0x50: {  	_ =	shalt  }
0x51: {  	_ =	shalt  }
0x52: {  	_ =	shalt  }
0x53: {  	_ =	shalt  }
0x54: {  	_ =	shalt  }
0x55: {  	_ =	shalt  }
0x56: {  	_ =	shalt  }
0x57: {  	_ =	shalt  }
0x58: {  	_ =	shalt  }
0x59: {  	_ =	shalt  }
0x5a: {  	_ =	shalt  }
0x5b: {  	_ =	shalt  }
0x5c: {  	_ =	shalt  }
0x5d: {  	_ =	shalt  }
0x5e: {  	_ =	shalt  }
0x5f: {  	_ =	shalt  }
0x60: {  	_ =	shalt  }
0x61: {  	_ =	shalt  }
0x62: {  	_ =	shalt  }
0x63: {  	_ =	shalt  }
0x64: {  	_ =	shalt  }
0x65: {  	_ =	shalt  }
0x66: {  	_ =	shalt  }
0x67: {  	_ =	shalt  }
0x68: {  	_ =	shalt  }
0x69: {  	_ =	shalt  }
0x6a: {  	_ =	shalt  }
0x6b: {  	_ =	shalt  }
0x6c: {  	_ =	shalt  }
0x6d: {  	_ =	shalt  }
0x6e: {  	_ =	shalt  }
0x6f: {  	_ =	shalt  }
0x70: {  	_ =	shalt  }
0x71: {  	_ =	shalt  }
0x72: {  	_ =	shalt  }
0x73: {  	_ =	shalt  }
0x74: {  	_ =	shalt  }
0x75: {  	_ =	shalt  }
0x76: {  	_ =	shalt  }
0x77: {  	_ =	shalt  }
0x78: {  	_ =	shalt  }
0x79: {  	_ =	shalt  }
0x7a: {  	_ =	shalt  }
0x7b: {  	_ =	shalt  }
0x7c: {  	_ =	shalt  }
0x7d: {  	_ =	shalt  }
0x7e: {  	_ =	shalt  }
0x7f: {  	_ =	shalt  }
0x80: {  	_ =	shalt  }
0x81: {  	_ =	shalt  }
0x82: {  	_ =	shalt  }
0x83: {  	_ =	shalt  }
0x84: {  	_ =	shalt  }
0x85: {  	_ =	shalt  }
0x86: {  	_ =	shalt  }
0x87: {  	_ =	shalt  }
.Lfunc_end0:
.L_simem_size_0:
called_computation_lowered:
.L_overlay_start_0:
0x88: {  	s2 =	sld [smem:$0x3FD9]  }
0x89: {  	s3 =	sld [smem:$0x3FFE];
	_ =	sdelay $0x1  }
0x8a: {  	s1 =	srdreg.scid  }
0x8b: {  	s0 =	sand.u32 $0x1, s1  }
0x8c: {  	s17 =	sshll.u32 s0, $0xA;
	s2 =	sadd.s32 s3, s2  }
0x8d: {  	s2 =	sadd.s32 s2, s17  }
0x8e: {  	[smem:$0x3FB6] =	sst s2  }
0x8f: {  	_ = 	snop  }
0x90: {  	s2 =	sld [smem:$0x3FD0];
	(tm) =	ssettm $0x1  }
0x91: {  	s18 =	sld [smem:$0x3FFB];
	_ =	sdelay $0x3  }
0x92: {  	_ =	strace s18  }
0x93: {  	s3 =	sld [smem:$0x3FFC];
	_ =	sdelay $0x3  }
0x94: {  	_ =	strace s3  }
0x95: {  	s3 =	sld [smem:$0x3FFD];
	_ =	sdelay $0x3  }
0x96: {  	_ =	strace s3  }
0x97: {  	_ =	strace $0x8FFFFFFF  }
0x98: {  	s19 =	sld [smem:$0x3FDB];
	_ =	sdelay $0x1  }
0x99: {  	s4 =	simm.s32 $_scs_section_size  }
0x9a: {  	s5 =	simm.s32 $_size__tile_overlayer_lowered;
	s6 =	simm.s32 $_tile_overlayer_lowered  }
0x9b: {  	s22 =	simm.s32 $0x1BFF;
	s21 =	sshll.u32 s6, $0x1;
	s3 =	sadd.s32 s4, s19  }
0x9c: {  	s7 =	simm.s32 $0x0;
	s20 =	sshll.u32 s5, $0x1;
	s5 =	sadd.s32 s21, s3  }
0x9d: {  	[timem:s7], [sflag:s22] =	dma.local [hbm:s5], s20  }
0x9e: {  	_ =	swait.ge [sflag:s22], s20  }
0x9f: {  	s4 =	ssub.s32 $0x0, s20;
	[sflag:s22] =	ssyncset.done $0x0  }
0xa0: {  	[sflag:s22] =	ssyncadd.s32 s4;
	_ =	sdelay $0x1  }
0xa1: {  	s23 =	simm.s32 $0x1B8B  }
0xa2: {  	_ =	swait.ge [sflag:s23], $0x1  }
0xa3: {  	[sflag:s23] =	ssyncset.done $0x0  }
0xa4: {  	s25 =	simm.s32 $0x1B8E;
	s24 =	sld [smem:$0x3FFE];
	[sflag:s23] =	ssyncadd.s32 $0xFFFFFFFF  }
0xa5: {  	s26 =	simm.s32 $execute0_lowered;
	[smem:$0x3FD2] =	sst s25  }
0xa6: {  	s5 =	sshll.u32 s26, $0x1;
	_ =	strace $0x80000046;
	[dreg:$0x1] =	wrdreg $0xFFFFFFFF  }
0xa7: {  	s28 =	simm.s32 $_size_execute0_lowered;
	s3 =	sadd.s32 s3, s5;
	[dreg:$0x0] =	wrdreg $0x0  }
0xa8: {  	s5 =	sshll.u32 s28, $0x1;
	[dreg:$0x2] =	wrdreg s3  }
0xa9: {  	[dreg:$0x3] =	wrdreg s5  }
0xaa: {  	[dreg:$0x4] =	wrdreg $0xC0  }
0xab: {  	_ =	task [dreg:s7], $0x5FFFF  }
0xac: {  	[dreg:$0x1] =	wrdreg $0xFFFFFFFF  }
0xad: {  	[dreg:$0x0] =	wrdreg $0x60  }
0xae: {  	[dreg:$0x2] =	wrdreg s24  }
0xaf: {  	[dreg:$0x3] =	wrdreg s2  }
0xb0: {  	[dreg:$0x4] =	wrdreg $0x0  }
0xb1: {  	[dreg:$0x5] =	wrdreg $0x9  }
0xb2: {  	_ =	task.clear_ibuf [dreg:s7], $0x6FFFF;
	_ =	strace $0x90000046  }
0xb3: {  	s29 =	simm.s32 $0x9;
	_ =	strace $0x80000048  }
0xb4: {  	_ =	swait.ge [sflag:s29], $0x1  }
0xb5: {  	[sflag:s29] =	ssyncadd.s32 $0xFFFFFFFF  }
0xb6: {  	_ =	strace $0x90000048  }
0xb7: {  	_ =	sfence  }
0xb8: {  	s30 =	sld [smem:$0x0];
	_ =	sdelay $0x2  }
0xb9: {  	s31 =	sshll.u32 s1, $0xD;
	s1 =	sshrl.u32 s1, $0x2  }
0xba: {  	s3 =	sand.u32 $0x4000, s31;
	s1 =	sadd.s32 s1, s30  }
0xbb: {  	s0 =	sor.u32 s3, s0;
	s1 =	sshll.u32 s1, $0x11  }
0xbc: {  	s0 =	sor.u32 s1, s0  }
0xbd: {  	s0 =	sadd.s32 $0x8F2B, s0  }
0xbe: {  	[sflag:s0] =	ssyncadd.remote.s32 $0x1  }
0xbf: {  	_ =	sfence.sel $0xFFFF  }
0xc0: {  	[dreg:$0x0] =	wrdreg $0xFFFFFFFF;
	(pc) =	sbr.abs _section_cstart, $3  }
0xc1: {  	[dreg:$0x1] =	wrdreg $0xFFFFFFFF  }
0xc2: {  	_ =	task.clear_ibuf [dreg:s7], $0x2FFFF;
	_ =	strace $0x9FFFFFFF  }
0xc3: {  	(tm) =	ssettm $0x7FFFFFFF  }
tec
execute0_lowered:
.L_overlay_start_1:
0x0: {  	(tag) =	ssettag $0x1  }
0x1: {  	s0 =	rddreg [dreg:$0x0]  }
0x2: {  	s1 =	rddreg [dreg:$0x1]  }
0x3: {  	s3 =	rddreg [dreg:$0x2];
	s4 =	simm.s32 $0x0;
	s2 =	srdreg.scid  }
0x4: {  	s16 =	stileid.u32;
	[smem:$0x7FF] =	sst s4  }
0x5: {  	s2 =	sand.u32 $0x1, s2;
	s5 =	sshll.u32 s16, $0x1;
	s6 =	sshrl.u32 s16, $0x2  }
0x6: {  	s10 =	sadd.s32 $0x2000, s0;
	s17 =	sadd.s32 $0x16800, s0;
	s18 =	sadd.s32 $0x2600, s0  }
0x7: {  	s11 =	sadd.s32 $0x17200, s0;
	s12 =	sadd.s32 $0x21000, s0;
	s20 =	smul.u32 $0x4E000, s16  }
0x8: {  	s21 =	smul.u32 $0x13800, s16;
	_ =	strace $0x80000047;
	s7 =	sor.u32 s2, s5  }
0x9: {  	s5 =	sadd.s32 $0xCA00, s0;
	s8 =	smul.u32 $0x13C00, s6;
	s19 =	ssub.s32 $0x2, s2  }
0xa: {  	[dreg:$0x4] =	wrdreg s10;
	s13 =	smul.u32 $0x2710, s7;
	s14 =	sshrl.u32 s19, $0x1  }
0xb: {  	[dreg:$0x5] =	wrdreg s17;
	s9 =	sshll.u32 s7, $0x7;
	s7 =	ssub.s32 s19, s14  }
0xc: {  	[dreg:$0x6] =	wrdreg s18;
	s15 =	sshrl.u32 s13, $0x3;
	s7 =	smax.u32 s7, $0x1  }
0xd: {  	s6 =	sadd.s32 $0x2C00, s0;
	s18 =	sadd.s32 s5, s15;
	[dreg:$0x11] =	wrdreg s7  }
0xe: {  	s2 =	smul.u32 $0x138800, s2;
	s17 =	sadd.s32 s1, s15;
	[dreg:$0x8] =	wrdreg s18  }
0xf: {  	s9 =	sand.u32 $0x380, s9;
	s24 =	sadd.s32 s12, s15;
	[dreg:$0x7] =	wrdreg s17  }
0x10: {  	s8 =	sor.u32 s8, s9;
	s25 =	sadd.s32 s11, s15;
	[dreg:$0xd] =	wrdreg s24  }
0x11: {  	s9 =	sshrl.u32 s20, $0x2;
	s22 =	sadd.s32 s6, s15;
	[dreg:$0xe] =	wrdreg s25  }
0x12: {  	s29 =	sadd.s32 s9, s3;
	[dreg:$0x9] =	wrdreg s22  }
0x13: {  	s14 =	sadd.s32 s21, s2;
	s17 =	sadd.s32 $0x9C40, s17;
	[dreg:$0xb] =	wrdreg s29  }
0x14: {  	s23 =	sshrl.u32 s14, $0x3;
	s14 =	sadd.s32 $0x4800, s29;
	[dreg:$0xa] =	wrdreg s17  }
0x15: {  	s15 =	sadd.s32 $0x6000, s29;
	[dreg:$0x14] =	wrdreg s14  }
0x16: {  	p0 =	sne.s32 s16, $0xF;
	s16 =	sadd.s32 $0x7800, s29;
	[dreg:$0x15] =	wrdreg s15  }
0x17: {  	s28 =	simm.s32 $0x2;
	s19 =	sadd.s32 $0xA800, s29;
	[dreg:$0x16] =	wrdreg s16  }
0x18: {  	s10 =	sadd.s32 $0x4E4600, s0;
	s20 =	sadd.s32 $0xC000, s29;
	[dreg:$0x18] =	wrdreg s19  }
0x19: {  	s8 =	sshrl.u32 s8, $0x3;
	s21 =	sadd.s32 $0xD800, s29;
	[dreg:$0x19] =	wrdreg s20  }
0x1a: {  	s8 =	sadd.s32 s8, s0;
	s24 =	sadd.s32 $0x10800, s29;
	[dreg:$0x1a] =	wrdreg s21  }
0x1b: {  	s0 =	sadd.s32 $0x2AE00, s0;
	s25 =	sadd.s32 $0x12000, s29;
	[dreg:$0x1c] =	wrdreg s24  }
0x1c: {  	s30 =	simm.s32 $0x7;
	s9 =	sadd.s32 s0, s23;
	[dreg:$0x1d] =	wrdreg s25  }
0x1d: {  	s31 =	simm.s32 $0x4;
	s26 =	sadd.s32 $0x79000, s8;
	[dreg:$0xc] =	wrdreg s9  }
0x1e: {  	s2 =	sshrl.u32 s2, $0x3;
	s8 =	sadd.s32 $0x1800, s29;
	[dreg:$0xf] =	wrdreg s26  }
0x1f: {  	s18 =	sadd.s32 $0x190, s13;
	s17 =	sadd.s32 $0x9000, s29;
	[dreg:$0x12] =	wrdreg s8  }
0x20: {  	s0 =	sadd.s32 s0, s2;
	s23 =	sadd.s32 $0xF000, s29;
	[dreg:$0x17] =	wrdreg s17  }
0x21: {  	s21 =	simm.s32 $0x13880;
	s0 =	sadd.s32 $0x27000, s0;
	[dreg:$0x1b] =	wrdreg s23  }
0x22: {  	s24 =	simm.s32 $0x1AE80;
	s9 =	sadd.s32 $0x3000, s29;
	[dreg:$0x10] =	wrdreg s0  }
0x23: {  	s25 =	simm.s32 $0x1DD00;
	s26 =	sadd.s32 $0x138000, s3;
	[dreg:$0x13] =	wrdreg s9  }
0x24: {  	s2 =	simm.s32 $0x50;
	s23 =	simm.s32 $0x16000;
	[dreg:$0x1e] =	wrdreg s26  }
0x25: {  	v0 =	vlaneseq.u32;
	v1 =	vimm.f32 $0.0e+00;
	s26 =	simm.s32 $0x1;
	s0 =	simm.s32 $0x1D480;
	s9 =	simm.s32 $0x0  }
.LBB2_1:
0x26: {  	[dreg:$0x1f] =	wrdreg s9  }
0x27: {  	s7 =	rddreg [dreg:$0x4];
	s8 =	simm.s32 $0x6  }
0x28: {  	[tilespmem:s21], [sflag:$0x6] =	stream.linear.gather [hbm4b:s7+s4], $0x2780, $0x38;
	[tilespmem:$0x1FC00] =	vst v63  }
0x29: {  	_ =	swait.ge [sflag:s8], $0x2780  }
0x2a: {  	[sflag:s8] =	ssyncset.done $0x0  }
0x2b: {  	s14 =	rddreg [dreg:$0x5];
	[sflag:s8] =	ssyncadd.s32 $0xFFFFD880  }
0x2c: {  	[tilespmem:s23], [sflag:$0x6] =	stream.linear.gather [hbm4b:s14+s4], $0x4E80, $0x38;
	[tilespmem:$0x1FC00] =	vst v63  }
0x2d: {  	_ =	swait.ge [sflag:s8], $0x4E80  }
0x2e: {  	[sflag:s8] =	ssyncset.done $0x0  }
0x2f: {  	s15 =	rddreg [dreg:$0x6];
	[sflag:s8] =	ssyncadd.s32 $0xFFFFB180  }
0x30: {  	[tilespmem:s24], [sflag:$0x6] =	stream.linear.gather [hbm4b:s15+s4], $0x2780, $0x38;
	[tilespmem:$0x1FC00] =	vst v63  }
0x31: {  	_ =	swait.ge [sflag:s8], $0x2780  }
0x32: {  	[sflag:s8] =	ssyncset.done $0x0  }
0x33: {  	s17 =	simm.s32 $0x1D600;
	s16 =	rddreg [dreg:$0x8];
	[sflag:s8] =	ssyncadd.s32 $0xFFFFD880  }
0x34: {  	[tilespmem:s17], [sflag:$0x1] =	stream.linear.gather [hbm4b:s16+s4], $0x190, $0x38;
	[tilespmem:$0x1FC00] =	vst v63  }
0x35: {  	s19 =	simm.s32 $0x1D980  }
0x36: {  	[tilespmem:s19], [sflag:$0x1] =	stream.linear.gather [hbm4b:s22+s4], $0x190, $0x38;
	[tilespmem:$0x1FC00] =	vst v63  }
0x37: {  	s29 =	simm.s32 $0x1DE90;
	s20 =	rddreg [dreg:$0x7]  }
0x38: {  	[tilespmem:s25], [sflag:$0x1] =	stream.linear.gather [hbm4b:s20+s4], $0x190, $0x38;
	[tilespmem:$0x1FC00] =	vst v63  }
0x39: {  	p1 =	por $0x0, $0x0;
	s9 =	simm.s32 $0x0;
	s22 =	rddreg [dreg:$0xa]  }
0x3a: {  	[tilespmem:s29], [sflag:$0x1] =	stream.linear.gather [hbm4b:s22+s4], $0x190, $0x38;
	[tilespmem:$0x1FC00] =	vst v63  }
.LBB2_2:
0x3b: {  	_ =	swait.ge [sflag:s26], $0x190  }
0x3c: {  	[sflag:s26] =	ssyncset.done $0x0  }
0x3d: {  	[sflag:s26] =	ssyncadd.s32 $0xFFFFFE70  }
0x3e: {  	p2 =	seq.s32 s9, $0x18;
	_ =	swait.ge [sflag:s26], $0x190  }
0x3f: {  	s15 =	sand.u32 $0x1, s9;
	s7 =	smul.u32 @!p2 $0x190, s9;
	[sflag:s26] =	ssyncset.done $0x0  }
0x40: {  	s8 =	sxor.u32 @!p2 $0x1, s15;
	s19 =	simm.s32 @!p2 $0x0;
	[sflag:s26] =	ssyncadd.s32 $0xFFFFFE70  }
0x41: {  	s14 =	smul.u32 @!p2 $0x190, s8;
	s7 =	sadd.s32 @!p2 s7, s18;
	_ =	swait.ge [sflag:s26], $0x320  }
0x42: {  	s8 =	smul.u32 @!p2 $0xC80, s8;
	s7 =	sshrl.u32 @!p2 s7, $0x3;
	[sflag:s26] =	ssyncset.done $0x0  }
0x43: {  	s16 =	sor.u32 @!p2 $0x1D600, s14;
	s17 =	sadd.s32 @!p2 s5, s7;
	[sflag:s26] =	ssyncadd.s32 $0xFFFFFCE0  }
0x44: {  	[tilespmem:s16], [sflag:$0x1] =	stream.linear.gather @!p2 [hbm4b:s17+s19], $0x190, $0x38;
	[tilespmem:$0x1FC00] =	vst v63  }
0x45: {  	s14 =	sadd.s32 @!p2 $0x1D980, s14;
	s8 =	sshrl.u32 @!p2 s8, $0x2;
	s16 =	sadd.s32 @!p2 s6, s7  }
0x46: {  	[tilespmem:s14], [sflag:$0x1] =	stream.linear.gather @!p2 [hbm4b:s16+s19], $0x190, $0x38;
	[tilespmem:$0x1FC00] =	vst v63  }
0x47: {  	s7 =	sadd.s32 @!p2 s1, s7;
	s14 =	sadd.s32 @!p2 $0x1DD00, s8  }
0x48: {  	[tilespmem:s14], [sflag:$0x1] =	stream.linear.gather @!p2 [hbm4b:s7+s19], $0x190, $0x38;
	[tilespmem:$0x1FC00] =	vst v63  }
0x49: {  	p3 =	slt.u32 @!p2 s9, $0x2;
	s8 =	sadd.s32 @!p2 $0x1DE90, s8;
	s7 =	sadd.s32 @!p2 $0x9C40, s7  }
0x4a: {  	[tilespmem:s8], [sflag:$0x1] =	stream.linear.gather @!p2 [hbm4b:s7+s19], $0x190, $0x38;
	[tilespmem:$0x1FC00] =	vst v63  }
0x4b: {  	p2 =	por p2, !p3  }
0x4c: {  	s7 =	simm.s32 $0x1;
	_ =	swait.ge @p2 [sflag:s28], $0x190  }
0x4d: {  	s7 =	simm.s32 @!p1 $0x0;
	[sflag:s28] =	ssyncset.done @p2 $0x0  }
0x4e: {  	s7 =	smul.u32 $0x640, s7;
	[sflag:s28] =	ssyncadd.s32 @p2 $0xFFFFFE70  }
0x4f: {  	_ =	swait.ge @p2 [sflag:s28], $0x190  }
0x50: {  	s16 =	sshrl.u32 s7, $0x2;
	[sflag:s28] =	ssyncset.done @p2 $0x0  }
0x51: {  	s7 =	sadd.s32 $0x1D980, s16;
	[sflag:s28] =	ssyncadd.s32 @p2 $0xFFFFFE70  }
0x52: {  	v2 =	vld [tilespmem:s7+$0x0];
	_ =	sdelay $0x5  }
0x53: {  	s7 =	sadd.s32 $0x10, s7  }
0x54: {  	v3 =	vld [tilespmem:s7+$0x0]  }
0x55: {  	v4 =	vld.idx.msk [tilespmem:v2+s21+$0x0], $0xffff  }
0x56: {  	s19 =	sor.u32 $0x1D600, s16  }
0x57: {  	v5 =	vld [tilespmem:s19+$0x0];
	_ =	sdelay $0x2  }
0x58: {  	s7 =	sadd.s32 $0x10, s7;
	v6 =	vmul.u32 $0x2710, v4  }
0x59: {  	s14 =	smul.u32 $0x320, s15;
	v7 =	vld [tilespmem:s7+$0x0]  }
0x5a: {  	v4 =	vmul.u32 $0x190, v4;
	v5 =	vadd.s32 v5, v6;
	v6 =	vld.idx.msk [tilespmem:v3+s21+$0x0], $0xffff  }
0x5b: {  	s20 =	sadd.s32 $0x0, s14;
	s8 =	sadd.s32 $0x10, s19  }
0x5c: {  	v8 =	vld [tilespmem:s8+$0x0];
	v4 =	vadd.s32 s20, v4  }
0x5d: {  	s7 =	sadd.s32 $0x10, s7;
	v4 =	vor.u32 v0, v4  }
0x5e: {  	v10 =	vld [tilespmem:s7+$0x0]  }
0x5f: {  	v2 =	vld.idx.msk [tilespmem:v2+s24+$0x0], $0xffff;
	v11 =	vmul.u32 $0x2710, v6  }
0x60: {  	v9 =	vld.idx.msk [tilespmem:v5+s23+$0x0], $0xffff;
	v6 =	vmul.u32 $0x190, v6  }
0x61: {  	s22 =	sadd.s32 $0x10, s14;
	v12 =	vld.idx.msk [tilespmem:v7+s21+$0x0], $0xffff;
	v8 =	vadd.s32 v8, v11  }
0x62: {  	v4 =	vld.idx.msk [tilespmem:v4+s25+$0x0], $0xffff;
	v6 =	vadd.s32 s22, v6  }
0x63: {  	s8 =	sadd.s32 $0x10, s8;
	v6 =	vor.u32 v0, v6  }
0x64: {  	v11 =	vld [tilespmem:s8+$0x0]  }
0x65: {  	v3 =	vld.idx.msk [tilespmem:v3+s24+$0x0], $0xffff;
	v2 =	vadd.f32 v2, v9  }
0x66: {  	v9 =	vld.idx.msk [tilespmem:v8+s23+$0x0], $0xffff  }
0x67: {  	v15 =	vld.idx.msk [tilespmem:v10+s21+$0x0], $0xffff;
	v13 =	vmul.u32 $0x2710, v12;
	v12 =	vmul.u32 $0x190, v12;
	v4 =	vadd.f32 v4, v2  }
0x68: {  	s19 =	sadd.s32 $0x20, s14;
	s7 =	sadd.s32 $0x10, s7;
	v6 =	vld.idx.msk [tilespmem:v6+s25+$0x0], $0xffff  }
0x69: {  	v12 =	vadd.s32 s19, v12;
	s8 =	sadd.s32 $0x10, s8;
	v2 =	vld [tilespmem:s7+$0x0];
	v11 =	vadd.s32 v11, v13;
	v14 =	vmul.f32 $2.000000030e-01, v4  }
0x6a: {  	v12 =	vor.u32 v0, v12;
	v13 =	vld [tilespmem:s8+$0x0];
	vm0 =	vgt.f32 v4, $0.0e+00  }
0x6b: {  	v4 =	vsel vm0, v4, v14;
	v9 =	vadd.f32 v3, v9  }
0x6c: {  	v4 =	vmul.f32 $1.442695020e+00, v4  }
0x6d: {  	v7 =	vld.idx.msk [tilespmem:v7+s24+$0x0], $0xffff;
	v14 =	vmul.u32 $0x2710, v15;
	v15 =	vmul.u32 $0x190, v15;
	v6 =	vadd.f32 v6, v9  }
0x6e: {  	s20 =	sadd.s32 $0x30, s14;
	(erf) = vpow2.f32 v4;
	v4 =	vld.idx.msk [tilespmem:v11+s23+$0x0], $0xffff  }
0x6f: {  	s7 =	sadd.s32 $0x10, s7;
	v9 =	vld.idx.msk [tilespmem:v12+s25+$0x0], $0xffff;
	v12 =	vadd.s32 v13, v14;
	v14 =	vadd.s32 s20, v15;
	v15 =	vmul.f32 $2.000000030e-01, v6  }
0x70: {  	s22 =	sadd.s32 $0x1E700, s16;
	v3 =	vld [tilespmem:s7+$0x0];
	vm0 =	vgt.f32 v6, $0.0e+00  }
0x71: {  	[tilespmem:s22+$0x0] =	vst v5;
	v13 =	vld.idx.msk [tilespmem:v2+s21+$0x0], $0xffff;
	v5 =	vsel vm0, v6, v15  }
0x72: {  	s20 =	sadd.s32 $0x10, s8;
	v14 =	vor.u32 v0, v14;
	v5 =	vmul.f32 $1.442695020e+00, v5  }
0x73: {  	v16 =	vld [tilespmem:s20+$0x0];
	v7 =	vadd.f32 v7, v4  }
0x74: {  	s8 =	sadd.s32 $0x10, s22;
	v4 =	vld.idx.msk [tilespmem:v10+s24+$0x0], $0xffff;
	(erf) = vpow2.f32 v5  }
0x75: {  	s22 =	sadd.s32 $0x10, s7;
	[tilespmem:s8+$0x0] =	vst v8;
	s8 =	sadd.s32 $0x10, s8;
	v6 =	vld.idx.msk [tilespmem:v12+s23+$0x0], $0xffff;
	v9 =	vadd.f32 v9, v7  }
0x76: {  	s29 =	simm.s32 $0x70;
	[tilespmem:s8+$0x0] =	vst v11;
	s17 =	sadd.s32 $0x10, s8;
	v15 =	vmul.u32 $0x2710, v13;
	v7 =	vld [tilespmem:s22+$0x0]  }
0x77: {  	s15 =	smul.u32 $0x190, s15;
	s19 =	simm.s32 $0x50;
	s16 =	sadd.s32 $0x1E380, s16;
	[tilespmem:s17+$0x0] =	vst v12;
	v12 =	vmul.u32 $0x190, v13;
	v8 =	vld.idx.msk [tilespmem:v14+s25+$0x0], $0xffff;
	v5 =	vpop (erf);
	v11 =	vmul.f32 $2.000000030e-01, v9  }
0x78: {  	s7 =	simm.s32 $0x60;
	s8 =	sadd.s32 $0x40, s14;
	s17 =	sadd.s32 $0x10, s17;
	v10 =	vld.idx.msk [tilespmem:v3+s21+$0x0], $0xffff;
	vm0 =	vgt.f32 v9, $0.0e+00;
	[tilespmem:s16+$0x0] =	vst v5;
	v5 =	vadd.s32 v16, v15  }
.LBB2_3:
0x79: {  	p2 =	sne.s32 s29, $0x180;
	v12 =	vadd.s32 s8, v12;
	[tilespmem:s17+$0x0] =	vst v5;
	v9 =	vsel vm0, v9, v11;
	s8 =	smov.u32 s19;
	s19 =	smov.u32 s7  }
0x7a: {  	s20 =	sadd.s32 $0x10, s20;
	s7 =	smov.u32 s29;
	v11 =	vor.u32 v0, v12;
	v9 =	vmul.f32 $1.442695020e+00, v9  }
0x7b: {  	v12 =	vadd.f32 v4, v6;
	v13 =	vld [tilespmem:s20+$0x0];
	v14 =	vmov v7  }
.Ltmp0:
0x7c: {  	v4 =	vld.idx.msk [tilespmem:v2+s24+$0x0], $0xffff;
	(erf) = vpow2.f32 v9;
	v2 =	vmov v3;
	v3 =	vmov v7;
	(pc) =	sbr.rel @p2 .LBB2_3-.Ltmp0, $4  }
0x7d: {  	s22 =	sadd.s32 $0x10, s22;
	s16 =	sadd.s32 $0x10, s16;
	v9 =	vadd.f32 v8, v12;
	v6 =	vld.idx.msk [tilespmem:v5+s23+$0x0], $0xffff;
	v5 =	vpop (erf)  }
0x7e: {  	v15 =	vmul.u32 $0x2710, v10;
	v7 =	vld [tilespmem:s22+$0x0];
	[tilespmem:s16+$0x0] =	vst v5  }
0x7f: {  	v12 =	vmul.u32 $0x190, v10;
	v8 =	vld.idx.msk [tilespmem:v11+s25+$0x0], $0xffff;
	v11 =	vmul.f32 $2.000000030e-01, v9  }
0x80: {  	s29 =	sadd.s32 $0x10, s29;
	s17 =	sadd.s32 $0x10, s17;
	s8 =	sadd.s32 s14, s8;
	vm0 =	vgt.f32 v9, $0.0e+00;
	v10 =	vld.idx.msk [tilespmem:v14+s21+$0x0], $0xffff;
	v5 =	vadd.s32 v13, v15  }
0x81: {  	_ =	sdelay $0x5  }
0x82: {  	s20 =	sadd.s32 $0x10, s20;
	v14 =	vld.idx.msk [tilespmem:v7+s21+$0x0], $0xffff  }
0x83: {  	v13 =	vld [tilespmem:s20+$0x0];
	s20 =	sadd.s32 $0x10, s20  }
0x84: {  	v15 =	vld [tilespmem:s20+$0x0];
	_ =	sdelay $0x1  }
0x85: {  	v12 =	vadd.s32 s8, v12;
	v16 =	vmul.u32 $0x2710, v10  }
0x86: {  	v12 =	vor.u32 v0, v12;
	v52 =	vmul.u32 $0x190, v10;
	v53 =	vmul.u32 $0x2710, v14  }
0x87: {  	v2 =	vld.idx.msk [tilespmem:v2+s24+$0x0], $0xffff;
	s29 =	sadd.s32 s14, s19;
	v13 =	vadd.s32 v13, v16;
	v14 =	vmul.u32 $0x190, v14  }
0x88: {  	v17 =	vld.idx.msk [tilespmem:v5+s23+$0x0], $0xffff;
	s7 =	sadd.s32 s14, s7;
	v10 =	vadd.s32 s29, v52;
	v15 =	vadd.s32 v15, v53  }
0x89: {  	v3 =	vld.idx.msk [tilespmem:v3+s24+$0x0], $0xffff;
	v10 =	vor.u32 v0, v10;
	v14 =	vadd.s32 s7, v14  }
0x8a: {  	v55 =	vld.idx.msk [tilespmem:v7+s24+$0x0], $0xffff;
	v14 =	vor.u32 v0, v14  }
0x8b: {  	v12 =	vld.idx.msk [tilespmem:v12+s25+$0x0], $0xffff  }
0x8c: {  	v54 =	vld.idx.msk [tilespmem:v13+s23+$0x0], $0xffff  }
0x8d: {  	v18 =	vld.idx.msk [tilespmem:v15+s23+$0x0], $0xffff  }
0x8e: {  	v4 =	vadd.f32 v4, v6;
	v56 =	vld.idx.msk [tilespmem:v10+s25+$0x0], $0xffff  }
0x8f: {  	v57 =	vld.idx.msk [tilespmem:v14+s25+$0x0], $0xffff  }
0x90: {  	v9 =	vsel vm0, v9, v11;
	v4 =	vadd.f32 v8, v4;
	v2 =	vadd.f32 v2, v17  }
0x91: {  	v58 =	vmul.f32 $1.442695020e+00, v9;
	v3 =	vadd.f32 v3, v54  }
0x92: {  	v59 =	vmul.f32 $2.000000030e-01, v4;
	v2 =	vadd.f32 v12, v2;
	v7 =	vadd.f32 v55, v18  }
0x93: {  	(erf) = vpow2.f32 v58;
	vm12 =	vgt.f32 v4, $0.0e+00;
	v3 =	vadd.f32 v56, v3  }
0x94: {  	v4 =	vsel vm12, v4, v59;
	v60 =	vmul.f32 $2.000000030e-01, v2;
	v7 =	vadd.f32 v57, v7  }
0x95: {  	v4 =	vmul.f32 $1.442695020e+00, v4;
	vm13 =	vgt.f32 v2, $0.0e+00;
	v61 =	vmul.f32 $2.000000030e-01, v3  }
0x96: {  	v2 =	vsel vm13, v2, v60;
	vm14 =	vgt.f32 v3, $0.0e+00;
	v62 =	vmul.f32 $2.000000030e-01, v7  }
0x97: {  	v2 =	vmul.f32 $1.442695020e+00, v2;
	v3 =	vsel vm14, v3, v61;
	vm15 =	vgt.f32 v7, $0.0e+00  }
0x98: {  	(erf) = vpow2.f32 v4;
	v3 =	vmul.f32 $1.442695020e+00, v3;
	v63 =	vsel vm15, v7, v62  }
0x99: {  	(erf) = vpow2.f32 v2;
	v2 =	vmul.f32 $1.442695020e+00, v63  }
0x9a: {  	(erf) = vpow2.f32 v3  }
0x9b: {  	(erf) = vpow2.f32 v2;
	_ =	sdelay $0x1  }
0x9c: {  	[tilespmem:s17+$0x0] =	vst v5;
	s14 =	sadd.s32 $0x10, s16;
	s16 =	sadd.s32 $0x10, s17  }
0x9d: {  	s8 =	sadd.s32 $0x10, s16;
	[tilespmem:s16+$0x0] =	vst v13  }
0x9e: {  	[tilespmem:s8+$0x0] =	vst v15;
	v2 =	vpop (erf)  }
0x9f: {  	s7 =	sadd.s32 $0x10, s14;
	[tilespmem:s14+$0x0] =	vst v2;
	v2 =	vpop (erf)  }
0xa0: {  	s17 =	smul.u32 $0x190, s9;
	[tilespmem:s7+$0x0] =	vst v2;
	v2 =	vpop (erf);
	s7 =	sadd.s32 $0x10, s7  }
0xa1: {  	s9 =	sadd.s32 $0x1, s9;
	v3 =	vpop (erf);
	[tilespmem:s7+$0x0] =	vst v2;
	s7 =	sadd.s32 $0x10, s7  }
0xa2: {  	p2 =	sne.s32 s9, $0x19;
	s8 =	sadd.s32 s13, s17;
	[tilespmem:s7+$0x0] =	vst v3;
	v2 =	vpop (erf);
	s7 =	sadd.s32 $0x10, s7  }
.Ltmp1:
0xa3: {  	s8 =	sshrl.u32 s8, $0x3;
	[tilespmem:s7+$0x0] =	vst v2;
	s7 =	sadd.s32 $0x10, s7;
	v2 =	vpop (erf);
	(pc) =	sbr.rel @p2 .LBB2_2-.Ltmp1, $4  }
0xa4: {  	s20 =	sadd.s32 $0x1E380, s15;
	s19 =	sadd.s32 s11, s8;
	[tilespmem:s7+$0x0] =	vst v2  }
0xa5: {  	[hbm4b:s19+s4] =	stream.linear.scatter [tilespmem:s20], [sflag:$0x2], $0x190, $0x38;
	[tilespmem:$0x1FC00] =	vst v63  }
0xa6: {  	p1 =	por !p1, !p1;
	s29 =	sadd.s32 $0x1E700, s15;
	s22 =	sadd.s32 s12, s8  }
0xa7: {  	[hbm4b:s22+s4] =	stream.linear.scatter [tilespmem:s29], [sflag:$0x2], $0x190, $0x38;
	[tilespmem:$0x1FC00] =	vst v63  }
0xa8: {  	_ =	swait.ge [sflag:s28], $0x190  }
0xa9: {  	[sflag:s28] =	ssyncset.done $0x0  }
0xaa: {  	[sflag:s28] =	ssyncadd.s32 $0xFFFFFE70  }
0xab: {  	_ =	swait.ge [sflag:s28], $0x190  }
0xac: {  	[sflag:s28] =	ssyncset.done $0x0  }
0xad: {  	[sflag:s28] =	ssyncadd.s32 $0xFFFFFE70  }
0xae: {  	_ =	swait.ge [sflag:s28], $0x190  }
0xaf: {  	[sflag:s28] =	ssyncset.done $0x0  }
0xb0: {  	[sflag:s28] =	ssyncadd.s32 $0xFFFFFE70  }
0xb1: {  	_ =	swait.ge [sflag:s28], $0x190  }
0xb2: {  	[sflag:s28] =	ssyncset.done $0x0  }
0xb3: {  	s7 =	simm.s32 $0x40;
	s8 =	simm.s32 $0x0;
	[sflag:s28] =	ssyncadd.s32 $0xFFFFFE70  }
.LBB2_6:
0xb4: {  	p1 =	sne.s32 s7, $0x9C00;
	[tilespmem:s8+$0x1D480] =	vst v1;
	s8 =	smov.u32 s7;
	s7 =	sadd.s32 $0x40, s7  }
.Ltmp2:
0xb5: {  	(pc) =	sbr.rel @p1 .LBB2_6-.Ltmp2, $2  }
0xb6: {  	_ =	sdelay $0x2  }
0xb7: {  	s8 =	sshra.s32 s8, $0x2  }
0xb8: {  	s22 =	rddreg [dreg:$0x9]  }
0xb9: {  	[tilespmem:s8+$0x1D480] =	vst v1;
	s7 =	simm.s32 $0x0;
	s9 =	simm.s32 $0x200;
	s29 =	rddreg [dreg:$0xb]  }
.LBB2_8:
0xba: {  	p1 =	sne.s32 s9, $0x5E00;
	[tilespmem:s7+$0x1BCF0] =	vst v1  }
0xbb: {  	[tilespmem:s7+$0x1BC80] =	vst v1  }
0xbc: {  	[tilespmem:s7+$0x1BC90] =	vst v1  }
.Ltmp3:
0xbd: {  	[tilespmem:s7+$0x1BCA0] =	vst v1;
	(pc) =	sbr.rel @p1 .LBB2_8-.Ltmp3, $4  }
0xbe: {  	[tilespmem:s7+$0x1BCB0] =	vst v1  }
0xbf: {  	[tilespmem:s7+$0x1BCC0] =	vst v1  }
0xc0: {  	[tilespmem:s7+$0x1BCD0] =	vst v1  }
0xc1: {  	[tilespmem:s7+$0x1BCE0] =	vst v1;
	s7 =	sshra.s32 s9, $0x2;
	s9 =	sadd.s32 $0x200, s9  }
0xc2: {  	[tilespmem:s7+$0x1BCF0] =	vst v1  }
0xc3: {  	[tilespmem:s7+$0x1BC80] =	vst v1  }
0xc4: {  	[tilespmem:s7+$0x1BC90] =	vst v1  }
0xc5: {  	[tilespmem:s7+$0x1BCA0] =	vst v1  }
0xc6: {  	[tilespmem:s7+$0x1BCB0] =	vst v1  }
0xc7: {  	[tilespmem:s7+$0x1BCC0] =	vst v1  }
0xc8: {  	[tilespmem:s7+$0x1BCD0] =	vst v1  }
0xc9: {  	[tilespmem:s7+$0x1BCE0] =	vst v1;
	s8 =	simm.s32 $0x1BC80  }
0xca: {  	[spmem:s29] =	stream.linear.scatter [tilespmem:s8], [sflag:$0x7], $0x1800, $0x38;
	[tilespmem:$0x1FC00] =	vst v63  }
0xcb: {  	_ =	swait.ge [sflag:s30], $0x1800  }
0xcc: {  	[sflag:s30] =	ssyncset.done $0x0  }
0xcd: {  	s19 =	rddreg [dreg:$0x12];
	[sflag:s30] =	ssyncadd.s32 $0xFFFFE800  }
0xce: {  	[spmem:s19] =	stream.linear.scatter [tilespmem:s8], [sflag:$0x7], $0x1800, $0x38;
	[tilespmem:$0x1FC00] =	vst v63  }
0xcf: {  	_ =	swait.ge [sflag:s30], $0x1800  }
0xd0: {  	[sflag:s30] =	ssyncset.done $0x0  }
0xd1: {  	s20 =	rddreg [dreg:$0x13];
	[sflag:s30] =	ssyncadd.s32 $0xFFFFE800  }
0xd2: {  	[spmem:s20] =	stream.linear.scatter [tilespmem:s8], [sflag:$0x7], $0x1800, $0x38;
	[tilespmem:$0x1FC00] =	vst v63  }
0xd3: {  	_ =	swait.ge [sflag:s30], $0x1800  }
0xd4: {  	[sflag:s30] =	ssyncset.done $0x0  }
0xd5: {  	s9 =	rddreg [dreg:$0x14];
	[sflag:s30] =	ssyncadd.s32 $0xFFFFE800  }
0xd6: {  	[spmem:s9] =	stream.linear.scatter [tilespmem:s8], [sflag:$0x7], $0x1800, $0x38;
	[tilespmem:$0x1FC00] =	vst v63  }
0xd7: {  	_ =	swait.ge [sflag:s30], $0x1800  }
0xd8: {  	[sflag:s30] =	ssyncset.done $0x0  }
0xd9: {  	s14 =	rddreg [dreg:$0x15];
	[sflag:s30] =	ssyncadd.s32 $0xFFFFE800  }
0xda: {  	[spmem:s14] =	stream.linear.scatter [tilespmem:s8], [sflag:$0x7], $0x1800, $0x38;
	[tilespmem:$0x1FC00] =	vst v63  }
0xdb: {  	_ =	swait.ge [sflag:s30], $0x1800  }
0xdc: {  	[sflag:s30] =	ssyncset.done $0x0  }
0xdd: {  	s15 =	rddreg [dreg:$0x16];
	[sflag:s30] =	ssyncadd.s32 $0xFFFFE800  }
0xde: {  	[spmem:s15] =	stream.linear.scatter [tilespmem:s8], [sflag:$0x7], $0x1800, $0x38;
	[tilespmem:$0x1FC00] =	vst v63  }
0xdf: {  	_ =	swait.ge [sflag:s30], $0x1800  }
0xe0: {  	[sflag:s30] =	ssyncset.done $0x0  }
0xe1: {  	s16 =	rddreg [dreg:$0x17];
	[sflag:s30] =	ssyncadd.s32 $0xFFFFE800  }
0xe2: {  	[spmem:s16] =	stream.linear.scatter [tilespmem:s8], [sflag:$0x7], $0x1800, $0x38;
	[tilespmem:$0x1FC00] =	vst v63  }
0xe3: {  	_ =	swait.ge [sflag:s30], $0x1800  }
0xe4: {  	[sflag:s30] =	ssyncset.done $0x0  }
0xe5: {  	s17 =	rddreg [dreg:$0x18];
	[sflag:s30] =	ssyncadd.s32 $0xFFFFE800  }
0xe6: {  	[spmem:s17] =	stream.linear.scatter [tilespmem:s8], [sflag:$0x7], $0x1800, $0x38;
	[tilespmem:$0x1FC00] =	vst v63  }
0xe7: {  	_ =	swait.ge [sflag:s30], $0x1800  }
0xe8: {  	[sflag:s30] =	ssyncset.done $0x0  }
0xe9: {  	s19 =	rddreg [dreg:$0x19];
	[sflag:s30] =	ssyncadd.s32 $0xFFFFE800  }
0xea: {  	[spmem:s19] =	stream.linear.scatter [tilespmem:s8], [sflag:$0x7], $0x1800, $0x38;
	[tilespmem:$0x1FC00] =	vst v63  }
0xeb: {  	_ =	swait.ge [sflag:s30], $0x1800  }
0xec: {  	[sflag:s30] =	ssyncset.done $0x0  }
0xed: {  	s20 =	rddreg [dreg:$0x1a];
	[sflag:s30] =	ssyncadd.s32 $0xFFFFE800  }
0xee: {  	[spmem:s20] =	stream.linear.scatter [tilespmem:s8], [sflag:$0x7], $0x1800, $0x38;
	[tilespmem:$0x1FC00] =	vst v63  }
0xef: {  	_ =	swait.ge [sflag:s30], $0x1800  }
0xf0: {  	[sflag:s30] =	ssyncset.done $0x0  }
0xf1: {  	s9 =	rddreg [dreg:$0x1b];
	[sflag:s30] =	ssyncadd.s32 $0xFFFFE800  }
0xf2: {  	[spmem:s9] =	stream.linear.scatter [tilespmem:s8], [sflag:$0x7], $0x1800, $0x38;
	[tilespmem:$0x1FC00] =	vst v63  }
0xf3: {  	_ =	swait.ge [sflag:s30], $0x1800  }
0xf4: {  	[sflag:s30] =	ssyncset.done $0x0  }
0xf5: {  	s14 =	rddreg [dreg:$0x1c];
	[sflag:s30] =	ssyncadd.s32 $0xFFFFE800  }
0xf6: {  	[spmem:s14] =	stream.linear.scatter [tilespmem:s8], [sflag:$0x7], $0x1800, $0x38;
	[tilespmem:$0x1FC00] =	vst v63  }
0xf7: {  	_ =	swait.ge [sflag:s30], $0x1800  }
0xf8: {  	[sflag:s30] =	ssyncset.done $0x0  }
0xf9: {  	s15 =	rddreg [dreg:$0x1d];
	[sflag:s30] =	ssyncadd.s32 $0xFFFFE800  }
0xfa: {  	[spmem:s15] =	stream.linear.scatter [tilespmem:s8], [sflag:$0x7], $0x1800, $0x38;
	[tilespmem:$0x1FC00] =	vst v63  }
0xfb: {  	_ =	swait.ge [sflag:s30], $0x1800  }
0xfc: {  	[sflag:s30] =	ssyncset.done $0x0  }
0xfd: {  	s7 =	simm.s32 @!p0 $0x1BC80;
	s8 =	rddreg [dreg:$0x1e];
	[sflag:s30] =	ssyncadd.s32 $0xFFFFE800  }
0xfe: {  	[spmem:s8] =	stream.linear.scatter @!p0 [tilespmem:s7], [sflag:$0x7], $0x800, $0x38;
	[tilespmem:$0x1FC00] =	vst v63  }
0xff: {  	s7 =	simm.s32 @!p0 $0x7  }
0x100: {  	_ =	swait.ge @!p0 [sflag:s7], $0x800  }
0x101: {  	[sflag:s7] =	ssyncset.done @!p0 $0x0  }
0x102: {  	s9 =	simm.s32 $0x0;
	s16 =	rddreg [dreg:$0xd];
	[sflag:s7] =	ssyncadd.s32 @!p0 $0xFFFFF800  }
0x103: {  	[tilespmem:s21], [sflag:$0x3] =	stream.linear.gather [hbm4b:s16+s9], $0x190, $0x38;
	[tilespmem:$0x1FC00] =	vst v63  }
0x104: {  	s17 =	simm.s32 $0x13C00  }
0x105: {  	[tilespmem:s17], [sflag:$0x3] =	stream.linear.gather [hbm4b:s22+s9], $0x190, $0x38;
	[tilespmem:$0x1FC00] =	vst v63  }
0x106: {  	s20 =	simm.s32 $0x13F80;
	s19 =	rddreg [dreg:$0xe]  }
0x107: {  	[tilespmem:s20], [sflag:$0x3] =	stream.linear.gather [hbm4b:s19+s9], $0x190, $0x38;
	[tilespmem:$0x1FC00] =	vst v63  }
0x108: {  	[bflag:$0x0] =	sbarrier.arrive $0xFFFF  }
.LBB2_10:
0x109: {  	p1 =	sne.s32 s9, $0x0  }
0x10a: {  	s7 =	simm.s32 @!p1 $0x3  }
0x10b: {  	_ =	swait.ge @!p1 [sflag:s7], $0x190  }
0x10c: {  	[sflag:s7] =	ssyncset.done @!p1 $0x0  }
0x10d: {  	[sflag:s7] =	ssyncadd.s32 @!p1 $0xFFFFFE70  }
0x10e: {  	_ =	swait.ge @!p1 [sflag:s7], $0x190  }
0x10f: {  	s14 =	sand.u32 $0xFF, s9;
	[sflag:s7] =	ssyncset.done @!p1 $0x0  }
0x110: {  	s8 =	smul.u32 $0xCD, s14;
	[sflag:s7] =	ssyncadd.s32 @!p1 $0xFFFFFE70  }
0x111: {  	s16 =	simm.s32 @!p1 $0x13880;
	_ =	swait.ge @!p1 [sflag:s7], $0x190  }
0x112: {  	s17 =	simm.s32 @!p1 $0x14480;
	s8 =	sshrl.u32 s8, $0xA;
	[sflag:s7] =	ssyncset.done @!p1 $0x0  }
0x113: {  	s15 =	smul.u32 $0x5, s8;
	[sflag:s7] =	ssyncadd.s32 @!p1 $0xFFFFFE70;
	s7 =	simm.s32 @!p1 $0x50  }
0x114: {  	[tilespmem:s17], [sflag:$0x4] =	stream.indirect.gather @!p1 [hbm4b:s10+s7], $0x80, s16, s7, $0xb8;
	[tilespmem:$0x1FC00] =	vst v63  }
0x115: {  	s15 =	ssub.s32 s9, s15;
	p1 =	sgt.u32 s9, $0x77  }
0x116: {  	s7 =	sand.u32 @!p1 $0xFF, s15  }
0x117: {  	p2 =	sne.s32 @!p1 s7, $0x0  }
0x118: {  	p1 =	por p2, p1  }
0x119: {  	s7 =	sand.u32 $0x1, s8;
	s8 =	smul.u32 @!p1 $0x190, s8  }
0x11a: {  	s16 =	sxor.u32 @!p1 $0x1, s7  }
0x11b: {  	s16 =	smul.u32 @!p1 $0x190, s16;
	s8 =	sadd.s32 @!p1 s8, s18  }
0x11c: {  	s8 =	sshrl.u32 @!p1 s8, $0x3  }
0x11d: {  	s20 =	simm.s32 @!p1 $0x0;
	s17 =	sadd.s32 @!p1 $0x13880, s16;
	s19 =	sadd.s32 @!p1 s12, s8  }
0x11e: {  	[tilespmem:s17], [sflag:$0x3] =	stream.linear.gather @!p1 [hbm4b:s19+s20], $0x190, $0x38;
	[tilespmem:$0x1FC00] =	vst v63  }
0x11f: {  	s17 =	sor.u32 @!p1 $0x13C00, s16;
	s19 =	sadd.s32 @!p1 s6, s8  }
0x120: {  	[tilespmem:s17], [sflag:$0x3] =	stream.linear.gather @!p1 [hbm4b:s19+s20], $0x190, $0x38;
	[tilespmem:$0x1FC00] =	vst v63  }
0x121: {  	s16 =	sadd.s32 @!p1 $0x13F80, s16;
	s8 =	sadd.s32 @!p1 s11, s8  }
0x122: {  	[tilespmem:s16], [sflag:$0x3] =	stream.linear.gather @!p1 [hbm4b:s8+s20], $0x190, $0x38;
	[tilespmem:$0x1FC00] =	vst v63  }
0x123: {  	p1 =	slt.u32 s9, $0x2  }
0x124: {  	p2 =	seq.s32 @!p1 s9, $0x7C  }
0x125: {  	_ =	swait.ge [sflag:s31], $0x2800;
	p2 =	por p1, !p2  }
.Ltmp4:
0x126: {  	[sflag:s31] =	ssyncset.done $0x0;
	(pc) =	sbr.rel @!p2 .LBB2_12-.Ltmp4, $4  }
0x127: {  	s8 =	simm.s32 @!p1 $0x5;
	[sflag:s31] =	ssyncadd.s32 $0xFFFFD800  }
0x128: {  	_ =	swait.ge @!p1 [sflag:s8], $0x2800  }
0x129: {  	[sflag:s8] =	ssyncset.done @!p1 $0x0  }
0x12a: {  	s15 =	sand.u32 $0xFF, s15;
	[sflag:s8] =	ssyncadd.s32 @!p1 $0xFFFFD800  }
0x12b: {  	s8 =	sadd.s32 $0x1, s9  }
0x12c: {  	s16 =	sand.u32 $0xFF, s8  }
0x12d: {  	p1 =	sne.s32 s15, $0x4;
	s19 =	smul.u32 $0xCD, s16  }
0x12e: {  	s17 =	simm.s32 @!p1 $0x3;
	s16 =	smul.u32 $0xAB, s16  }
0x12f: {  	_ =	swait.ge @!p1 [sflag:s17], $0x190;
	s19 =	sshrl.u32 s19, $0xA  }
0x130: {  	[sflag:s17] =	ssyncset.done @!p1 $0x0;
	s16 =	sshrl.u32 s16, $0x9;
	s20 =	smul.u32 $0x5, s19  }
0x131: {  	[sflag:s17] =	ssyncadd.s32 @!p1 $0xFFFFFE70;
	s16 =	smul.u32 $0x3, s16  }
0x132: {  	_ =	swait.ge @!p1 [sflag:s17], $0x190;
	s19 =	sand.u32 $0x1, s19;
	s20 =	ssub.s32 s8, s20  }
0x133: {  	[sflag:s17] =	ssyncset.done @!p1 $0x0;
	s8 =	ssub.s32 s8, s16;
	s20 =	sand.u32 $0xFF, s20  }
0x134: {  	p2 =	seq.s32 s19, $0x1;
	s8 =	sand.u32 $0xFF, s8;
	s16 =	smul.u32 $0x140, s20  }
0x135: {  	s19 =	simm.s32 $0x190;
	[sflag:s17] =	ssyncadd.s32 @!p1 $0xFFFFFE70;
	s8 =	smul.u32 $0xA000, s8  }
0x136: {  	s19 =	simm.s32 @!p2 $0x0;
	_ =	swait.ge @!p1 [sflag:s17], $0x190;
	s16 =	sshrl.u32 s16, $0x2  }
0x137: {  	[sflag:s17] =	ssyncset.done @!p1 $0x0;
	s8 =	sshrl.u32 s8, $0x2;
	s16 =	sadd.s32 s16, s19  }
0x138: {  	[sflag:s17] =	ssyncadd.s32 @!p1 $0xFFFFFE70;
	s8 =	sadd.s32 $0x14480, s8;
	s16 =	sadd.s32 $0x13880, s16  }
0x139: {  	[tilespmem:s8], [sflag:$0x4] =	stream.indirect.gather [hbm4b:s10+s2], $0x80, s16, s2, $0xb8;
	[tilespmem:$0x1FC00] =	vst v63  }
.LBB2_12:
0x13a: {  	s8 =	smul.u32 $0x50, s15  }
0x13b: {  	s7 =	smul.u32 $0x190, s7;
	_ =	sdelay $0x1  }
0x13c: {  	s7 =	sadd.s32 s8, s7  }
0x13d: {  	s17 =	smul.u32 $0xAB, s14;
	v7 =	vld [tilespmem:s7+$0x13C00]  }
0x13e: {  	v2 =	vld [tilespmem:s7+$0x13F80]  }
0x13f: {  	s8 =	sshrl.u32 s17, $0x9;
	v6 =	vld [tilespmem:s7+$0x13C10]  }
0x140: {  	v8 =	vld [tilespmem:s7+$0x13F90];
	s8 =	smul.u32 $0x3, s8  }
0x141: {  	v5 =	vld [tilespmem:s7+$0x13C20]  }
0x142: {  	v4 =	vld [tilespmem:s7+$0x13C30];
	s8 =	ssub.s32 s9, s8  }
0x143: {  	v9 =	vld [tilespmem:s7+$0x13FA0];
	s20 =	sand.u32 $0xFF, s8  }
0x144: {  	v3 =	vld [tilespmem:s7+$0x13C40];
	s17 =	smul.u32 $0x50, s20  }
0x145: {  	s19 =	sadd.s32 $0x13F80, s7;
	v10 =	vld [tilespmem:s7+$0x13FB0]  }
0x146: {  	s15 =	sadd.s32 $0x0, s17;
	[tilespmem:v7+s0+$0x0] =	vst.idx.add.f32.msk $0xffff, v2;
	v2 =	vmov s19  }
0x147: {  	v11 =	vld [tilespmem:s7+$0x13FC0];
	s16 =	sshll.u32 s15, $0x7  }
0x148: {  	s15 =	sand.u32 $0x3FFFFF80, s16;
	[tilespmem:v6+s0+$0x0] =	vst.idx.add.f32.msk $0xffff, v8  }
0x149: {  	v13 =	vld [tilespmem:s15+$0x144B0]  }
0x14a: {  	s8 =	simm.s32 $0x0;
	v14 =	vld [tilespmem:s15+$0x144C0]  }
0x14b: {  	v8 =	vld.idx.msk [tilespmem:v2+s8+$0x0 ss:$0x1], $0xffff  }
0x14c: {  	[tilespmem:v5+s0+$0x0] =	vst.idx.add.f32.msk $0xffff, v9  }
0x14d: {  	v9 =	vld [tilespmem:s15+$0x14480]  }
0x14e: {  	[tilespmem:v4+s0+$0x0] =	vst.idx.add.f32.msk $0xffff, v10  }
0x14f: {  	v10 =	vld [tilespmem:s15+$0x14490]  }
0x150: {  	[tilespmem:v3+s0+$0x0] =	vst.idx.add.f32.msk $0xffff, v11;
	v12 =	vbroadcast v8, $0x0  }
0x151: {  	v11 =	vld [tilespmem:s15+$0x144A0]  }
0x152: {  	v15 =	vld [tilespmem:s15+$0x144D0];
	v9 =	vmul.f32 v12, v9  }
0x153: {  	v16 =	vld [tilespmem:s15+$0x144E0]  }
0x154: {  	v10 =	vmul.f32 v10, v12;
	[tilespmem:s15+$0x14480] =	vst v9;
	v9 =	vld [tilespmem:s15+$0x144F0];
	_ =	sdelay $0x1  }
0x155: {  	v11 =	vmul.f32 v11, v12;
	[tilespmem:s15+$0x14490] =	vst v10;
	v10 =	vld [tilespmem:s15+$0x14500]  }
0x156: {  	v49 =	vld [tilespmem:s15+$0x14550];
	v13 =	vmul.f32 v13, v12;
	v14 =	vmul.f32 v14, v12  }
0x157: {  	v15 =	vmul.f32 v15, v12;
	v16 =	vmul.f32 v16, v12;
	[tilespmem:s15+$0x144A0] =	vst v11;
	v11 =	vld [tilespmem:s15+$0x14510]  }
0x158: {  	[tilespmem:s15+$0x144B0] =	vst v13;
	v13 =	vld [tilespmem:s15+$0x14520];
	v9 =	vmul.f32 v9, v12;
	v12 =	vbroadcast v8, $0x1  }
0x159: {  	[tilespmem:s15+$0x144C0] =	vst v14;
	v14 =	vld [tilespmem:s15+$0x14530]  }
0x15a: {  	[tilespmem:s15+$0x144D0] =	vst v15;
	v15 =	vld [tilespmem:s15+$0x14540];
	v10 =	vmul.f32 v10, v12  }
0x15b: {  	[tilespmem:s15+$0x144F0] =	vst v9;
	v9 =	vld [tilespmem:s15+$0x14560]  }
0x15c: {  	s19 =	sshll.u32 s20, $0x7;
	v11 =	vmul.f32 v11, v12;
	[tilespmem:s15+$0x14500] =	vst v10;
	v10 =	vld [tilespmem:s15+$0x14570]  }
0x15d: {  	[tilespmem:s19+$0x14300] =	vst v7  }
0x15e: {  	v13 =	vmul.f32 v13, v12;
	[tilespmem:s15+$0x14510] =	vst v11;
	v11 =	vld [tilespmem:s15+$0x14580]  }
0x15f: {  	v50 =	vld [tilespmem:s15+$0x145C0];
	[tilespmem:s15+$0x144E0] =	vst v16;
	v14 =	vmul.f32 v14, v12;
	v15 =	vmul.f32 v15, v12  }
0x160: {  	v16 =	vmul.f32 v49, v12;
	[tilespmem:s15+$0x14520] =	vst v13;
	v13 =	vld [tilespmem:s15+$0x14590];
	v9 =	vmul.f32 v9, v12  }
0x161: {  	[tilespmem:s15+$0x14530] =	vst v14;
	v14 =	vld [tilespmem:s15+$0x145A0];
	v10 =	vmul.f32 v10, v12;
	v12 =	vbroadcast v8, $0x2  }
0x162: {  	[tilespmem:s15+$0x14540] =	vst v15;
	v15 =	vld [tilespmem:s15+$0x145B0]  }
0x163: {  	[tilespmem:s15+$0x14560] =	vst v9;
	v9 =	vld [tilespmem:s15+$0x145D0];
	v11 =	vmul.f32 v11, v12  }
0x164: {  	[tilespmem:s15+$0x14570] =	vst v10;
	v10 =	vld [tilespmem:s15+$0x145E0]  }
0x165: {  	v13 =	vmul.f32 v13, v12;
	[tilespmem:s15+$0x14580] =	vst v11;
	v11 =	vld [tilespmem:s15+$0x145F0]  }
0x166: {  	[tilespmem:s19+$0x14310] =	vst v6  }
0x167: {  	v14 =	vmul.f32 v14, v12;
	[tilespmem:s15+$0x14590] =	vst v13;
	v13 =	vld [tilespmem:s15+$0x14600]  }
0x168: {  	v51 =	vld [tilespmem:s15+$0x14630];
	[tilespmem:s15+$0x14550] =	vst v16;
	v15 =	vmul.f32 v15, v12;
	v16 =	vmul.f32 v50, v12  }
0x169: {  	[tilespmem:s15+$0x145A0] =	vst v14;
	v14 =	vld [tilespmem:s15+$0x14610];
	v9 =	vmul.f32 v9, v12;
	v10 =	vmul.f32 v10, v12  }
0x16a: {  	[tilespmem:s15+$0x145B0] =	vst v15;
	v15 =	vld [tilespmem:s15+$0x14620];
	v11 =	vmul.f32 v11, v12;
	v12 =	vbroadcast v8, $0x3  }
0x16b: {  	[tilespmem:s15+$0x145D0] =	vst v9;
	v9 =	vld [tilespmem:s15+$0x14640]  }
0x16c: {  	[tilespmem:s15+$0x145E0] =	vst v10;
	v10 =	vld [tilespmem:s15+$0x14650];
	v13 =	vmul.f32 v13, v12  }
0x16d: {  	[tilespmem:s15+$0x145F0] =	vst v11;
	v11 =	vld [tilespmem:s15+$0x14660]  }
0x16e: {  	v14 =	vmul.f32 v14, v12;
	[tilespmem:s15+$0x14600] =	vst v13;
	v13 =	vld [tilespmem:s15+$0x14670]  }
0x16f: {  	[tilespmem:s19+$0x14320] =	vst v5  }
0x170: {  	v15 =	vmul.f32 v15, v12;
	[tilespmem:s15+$0x14610] =	vst v14;
	v14 =	vld [tilespmem:s15+$0x14680]  }
0x171: {  	v52 =	vld [tilespmem:s15+$0x146A0];
	[tilespmem:s15+$0x145C0] =	vst v16;
	v16 =	vmul.f32 v51, v12;
	v9 =	vmul.f32 v9, v12  }
0x172: {  	[tilespmem:s15+$0x14620] =	vst v15;
	v15 =	vld [tilespmem:s15+$0x14690];
	v10 =	vmul.f32 v10, v12;
	v11 =	vmul.f32 v11, v12  }
0x173: {  	[tilespmem:s15+$0x14640] =	vst v9;
	v9 =	vld [tilespmem:s15+$0x146B0];
	v12 =	vmul.f32 v13, v12;
	v13 =	vbroadcast v8, $0x4  }
0x174: {  	[tilespmem:s15+$0x14650] =	vst v10;
	v10 =	vld [tilespmem:s15+$0x146C0]  }
0x175: {  	[tilespmem:s15+$0x14660] =	vst v11;
	v11 =	vld [tilespmem:s15+$0x146D0];
	v14 =	vmul.f32 v14, v13  }
0x176: {  	[tilespmem:s15+$0x14670] =	vst v12;
	v12 =	vld [tilespmem:s15+$0x146E0]  }
0x177: {  	v15 =	vmul.f32 v15, v13;
	[tilespmem:s15+$0x14680] =	vst v14;
	v14 =	vld [tilespmem:s15+$0x146F0]  }
0x178: {  	[tilespmem:s19+$0x14330] =	vst v4  }
0x179: {  	v9 =	vmul.f32 v9, v13;
	[tilespmem:s15+$0x14690] =	vst v15;
	v15 =	vld [tilespmem:s15+$0x14700]  }
0x17a: {  	v53 =	vld [tilespmem:s15+$0x14710];
	[tilespmem:s15+$0x14630] =	vst v16;
	v16 =	vmul.f32 v52, v13;
	v10 =	vmul.f32 v10, v13  }
0x17b: {  	[tilespmem:s15+$0x146B0] =	vst v9;
	v9 =	vld [tilespmem:s15+$0x14720];
	v11 =	vmul.f32 v11, v13;
	v12 =	vmul.f32 v12, v13  }
0x17c: {  	[tilespmem:s15+$0x146C0] =	vst v10;
	v10 =	vld [tilespmem:s15+$0x14730];
	v13 =	vmul.f32 v14, v13;
	v14 =	vbroadcast v8, $0x5  }
0x17d: {  	[tilespmem:s15+$0x146D0] =	vst v11;
	v11 =	vld [tilespmem:s15+$0x14740]  }
0x17e: {  	[tilespmem:s15+$0x146E0] =	vst v12;
	v12 =	vld [tilespmem:s15+$0x14750];
	v15 =	vmul.f32 v15, v14  }
0x17f: {  	[tilespmem:s15+$0x146F0] =	vst v13;
	v13 =	vld [tilespmem:s15+$0x14760]  }
0x180: {  	v9 =	vmul.f32 v9, v14;
	[tilespmem:s15+$0x14700] =	vst v15;
	v15 =	vld [tilespmem:s15+$0x14770]  }
0x181: {  	v54 =	vld [tilespmem:s15+$0x14780];
	[tilespmem:s15+$0x146A0] =	vst v16;
	v10 =	vmul.f32 v10, v14  }
0x182: {  	v11 =	vmul.f32 v11, v14;
	[tilespmem:s15+$0x14720] =	vst v9;
	v9 =	vld [tilespmem:s15+$0x14790]  }
0x183: {  	[tilespmem:s15+$0x14730] =	vst v10;
	v10 =	vld [tilespmem:s15+$0x147A0];
	v12 =	vmul.f32 v12, v14  }
0x184: {  	v16 =	vmul.f32 v53, v14;
	[tilespmem:s15+$0x14740] =	vst v11;
	v11 =	vld [tilespmem:s15+$0x147B0];
	v13 =	vmul.f32 v13, v14  }
0x185: {  	[tilespmem:s15+$0x14750] =	vst v12;
	v12 =	vld [tilespmem:s15+$0x147C0];
	v14 =	vmul.f32 v15, v14;
	v15 =	vbroadcast v8, $0x6  }
0x186: {  	[tilespmem:s15+$0x14760] =	vst v13;
	v13 =	vld [tilespmem:s15+$0x147D0]  }
0x187: {  	[tilespmem:s15+$0x14770] =	vst v14;
	v14 =	vld [tilespmem:s15+$0x147E0];
	v9 =	vmul.f32 v9, v15  }
0x188: {  	v55 =	vld [tilespmem:s15+$0x147F0];
	[tilespmem:s15+$0x14710] =	vst v16;
	v10 =	vmul.f32 v10, v15  }
0x189: {  	v11 =	vmul.f32 v11, v15;
	[tilespmem:s15+$0x14790] =	vst v9;
	v9 =	vld [tilespmem:s15+$0x14800]  }
0x18a: {  	v12 =	vmul.f32 v12, v15;
	[tilespmem:s15+$0x147A0] =	vst v10;
	v10 =	vld [tilespmem:s15+$0x14810]  }
0x18b: {  	[tilespmem:s15+$0x147B0] =	vst v11;
	v11 =	vld [tilespmem:s15+$0x14820];
	v13 =	vmul.f32 v13, v15  }
0x18c: {  	v56 =	vbroadcast v8, $0x7;
	[tilespmem:s15+$0x147C0] =	vst v12;
	v12 =	vld [tilespmem:s15+$0x14830];
	v14 =	vmul.f32 v14, v15  }
0x18d: {  	v16 =	vmul.f32 v54, v15;
	[tilespmem:s15+$0x147D0] =	vst v13;
	v13 =	vld [tilespmem:s15+$0x14840];
	v15 =	vmul.f32 v55, v15  }
0x18e: {  	[tilespmem:s15+$0x147E0] =	vst v14;
	v14 =	vld [tilespmem:s15+$0x14850];
	v9 =	vmul.f32 v9, v56  }
0x18f: {  	[tilespmem:s15+$0x147F0] =	vst v15;
	v15 =	vld [tilespmem:s15+$0x14860];
	v10 =	vmul.f32 v10, v56  }
0x190: {  	v11 =	vmul.f32 v11, v56;
	[tilespmem:s15+$0x14800] =	vst v9;
	v9 =	vld [tilespmem:s15+$0x14870]  }
0x191: {  	v12 =	vmul.f32 v12, v56;
	[tilespmem:s15+$0x14810] =	vst v10;
	v10 =	vld [tilespmem:s15+$0x14880]  }
0x192: {  	[tilespmem:s15+$0x14820] =	vst v11;
	v11 =	vld [tilespmem:s15+$0x14890];
	v13 =	vmul.f32 v13, v56  }
0x193: {  	[tilespmem:s15+$0x14830] =	vst v12;
	v12 =	vld [tilespmem:s15+$0x148A0];
	v14 =	vmul.f32 v14, v56  }
0x194: {  	v57 =	vbroadcast v8, $0x8;
	[tilespmem:s15+$0x14840] =	vst v13;
	v13 =	vld [tilespmem:s15+$0x148B0];
	v15 =	vmul.f32 v15, v56  }
0x195: {  	[tilespmem:s15+$0x14850] =	vst v14;
	v14 =	vld [tilespmem:s15+$0x148C0];
	v9 =	vmul.f32 v9, v56  }
0x196: {  	[tilespmem:s15+$0x14860] =	vst v15;
	v15 =	vld [tilespmem:s15+$0x148D0];
	v10 =	vmul.f32 v10, v57  }
0x197: {  	v11 =	vmul.f32 v11, v57;
	[tilespmem:s15+$0x14870] =	vst v9;
	v9 =	vld [tilespmem:s15+$0x148E0]  }
0x198: {  	v12 =	vmul.f32 v12, v57;
	[tilespmem:s15+$0x14880] =	vst v10;
	v10 =	vld [tilespmem:s15+$0x148F0]  }
0x199: {  	[tilespmem:s15+$0x14890] =	vst v11;
	v11 =	vld [tilespmem:s15+$0x14900];
	v13 =	vmul.f32 v13, v57  }
0x19a: {  	[tilespmem:s15+$0x148A0] =	vst v12;
	v12 =	vld [tilespmem:s15+$0x14910];
	v14 =	vmul.f32 v14, v57  }
0x19b: {  	[tilespmem:s15+$0x148B0] =	vst v13;
	v13 =	vld [tilespmem:s15+$0x14920];
	v15 =	vmul.f32 v15, v57  }
0x19c: {  	v58 =	vbroadcast v8, $0x9;
	[tilespmem:s15+$0x148C0] =	vst v14;
	v14 =	vld [tilespmem:s15+$0x14930];
	v9 =	vmul.f32 v9, v57  }
0x19d: {  	[tilespmem:s15+$0x148D0] =	vst v15;
	v15 =	vld [tilespmem:s15+$0x14940];
	v10 =	vmul.f32 v10, v57  }
0x19e: {  	v11 =	vmul.f32 v11, v58;
	[tilespmem:s15+$0x148E0] =	vst v9;
	v9 =	vld [tilespmem:s15+$0x14950]  }
0x19f: {  	v12 =	vmul.f32 v12, v58;
	[tilespmem:s15+$0x148F0] =	vst v10;
	v10 =	vld [tilespmem:s15+$0x14960]  }
0x1a0: {  	[tilespmem:s15+$0x14900] =	vst v11;
	v11 =	vld [tilespmem:s15+$0x14970];
	v13 =	vmul.f32 v13, v58  }
0x1a1: {  	[tilespmem:s15+$0x14910] =	vst v12;
	v12 =	vld [tilespmem:s15+$0x14980];
	v14 =	vmul.f32 v14, v58  }
0x1a2: {  	[tilespmem:s15+$0x14920] =	vst v13;
	v13 =	vld [tilespmem:s15+$0x14990];
	v15 =	vmul.f32 v15, v58  }
0x1a3: {  	[tilespmem:s15+$0x14930] =	vst v14;
	v14 =	vld [tilespmem:s15+$0x149A0];
	v9 =	vmul.f32 v9, v58  }
0x1a4: {  	v59 =	vbroadcast v8, $0xA;
	[tilespmem:s15+$0x14940] =	vst v15;
	v15 =	vld [tilespmem:s15+$0x149B0];
	v10 =	vmul.f32 v10, v58  }
0x1a5: {  	v11 =	vmul.f32 v11, v58;
	[tilespmem:s15+$0x14950] =	vst v9;
	v9 =	vld [tilespmem:s15+$0x149C0]  }
0x1a6: {  	v12 =	vmul.f32 v12, v59;
	[tilespmem:s15+$0x14960] =	vst v10;
	v10 =	vld [tilespmem:s15+$0x149D0]  }
0x1a7: {  	[tilespmem:s15+$0x14970] =	vst v11;
	v11 =	vld [tilespmem:s15+$0x149E0];
	v13 =	vmul.f32 v13, v59  }
0x1a8: {  	[tilespmem:s15+$0x14980] =	vst v12;
	v12 =	vld [tilespmem:s15+$0x149F0];
	v14 =	vmul.f32 v14, v59  }
0x1a9: {  	[tilespmem:s15+$0x14990] =	vst v13;
	v13 =	vld [tilespmem:s15+$0x14A00];
	v15 =	vmul.f32 v15, v59  }
0x1aa: {  	[tilespmem:s15+$0x149A0] =	vst v14;
	v14 =	vld [tilespmem:s15+$0x14A10];
	v9 =	vmul.f32 v9, v59  }
0x1ab: {  	[tilespmem:s15+$0x149B0] =	vst v15;
	v15 =	vld [tilespmem:s15+$0x14A20];
	v10 =	vmul.f32 v10, v59  }
0x1ac: {  	v60 =	vbroadcast v8, $0xB;
	v11 =	vmul.f32 v11, v59;
	[tilespmem:s15+$0x149C0] =	vst v9;
	v9 =	vld [tilespmem:s15+$0x14A30]  }
0x1ad: {  	v12 =	vmul.f32 v12, v59;
	[tilespmem:s15+$0x149D0] =	vst v10;
	v10 =	vld [tilespmem:s15+$0x14A40]  }
0x1ae: {  	[tilespmem:s15+$0x149E0] =	vst v11;
	v11 =	vld [tilespmem:s15+$0x14A50];
	v13 =	vmul.f32 v13, v60  }
0x1af: {  	[tilespmem:s15+$0x149F0] =	vst v12;
	v12 =	vld [tilespmem:s15+$0x14A60];
	v14 =	vmul.f32 v14, v60  }
0x1b0: {  	[tilespmem:s15+$0x14A00] =	vst v13;
	v13 =	vld [tilespmem:s15+$0x14A70];
	v15 =	vmul.f32 v15, v60  }
0x1b1: {  	[tilespmem:s15+$0x14A10] =	vst v14;
	v14 =	vld [tilespmem:s15+$0x14A80];
	v9 =	vmul.f32 v9, v60  }
0x1b2: {  	[tilespmem:s15+$0x14A20] =	vst v15;
	v15 =	vld [tilespmem:s15+$0x14A90];
	v10 =	vmul.f32 v10, v60  }
0x1b3: {  	v11 =	vmul.f32 v11, v60;
	[tilespmem:s15+$0x14A30] =	vst v9;
	v9 =	vld [tilespmem:s15+$0x14AA0]  }
0x1b4: {  	v61 =	vbroadcast v8, $0xC;
	v12 =	vmul.f32 v12, v60;
	[tilespmem:s15+$0x14A40] =	vst v10;
	v10 =	vld [tilespmem:s15+$0x14AB0]  }
0x1b5: {  	[tilespmem:s15+$0x14A50] =	vst v11;
	v11 =	vld [tilespmem:s15+$0x14AC0];
	v13 =	vmul.f32 v13, v60  }
0x1b6: {  	[tilespmem:s15+$0x14A60] =	vst v12;
	v12 =	vld [tilespmem:s15+$0x14AD0];
	v14 =	vmul.f32 v14, v61  }
0x1b7: {  	[tilespmem:s15+$0x14A70] =	vst v13;
	v13 =	vld [tilespmem:s15+$0x14AE0];
	v15 =	vmul.f32 v15, v61  }
0x1b8: {  	[tilespmem:s15+$0x14A80] =	vst v14;
	v14 =	vld [tilespmem:s15+$0x14AF0];
	v9 =	vmul.f32 v9, v61  }
0x1b9: {  	[tilespmem:s15+$0x14A90] =	vst v15;
	v15 =	vld [tilespmem:s15+$0x14B00];
	v10 =	vmul.f32 v10, v61  }
0x1ba: {  	v11 =	vmul.f32 v11, v61;
	[tilespmem:s15+$0x14AA0] =	vst v9;
	v9 =	vld [tilespmem:s15+$0x14B10]  }
0x1bb: {  	v12 =	vmul.f32 v12, v61;
	[tilespmem:s15+$0x14AB0] =	vst v10;
	v10 =	vld [tilespmem:s15+$0x14B20]  }
0x1bc: {  	v62 =	vbroadcast v8, $0xD;
	[tilespmem:s15+$0x14AC0] =	vst v11;
	v11 =	vld [tilespmem:s15+$0x14B30];
	v13 =	vmul.f32 v13, v61  }
0x1bd: {  	[tilespmem:s15+$0x14AD0] =	vst v12;
	v14 =	vmul.f32 v14, v61  }
0x1be: {  	[tilespmem:s15+$0x14AE0] =	vst v13;
	v13 =	vld [tilespmem:s15+$0x14B50];
	v15 =	vmul.f32 v15, v62  }
0x1bf: {  	v12 =	vld [tilespmem:s15+$0x14B40];
	[tilespmem:s15+$0x14AF0] =	vst v14;
	v9 =	vmul.f32 v9, v62  }
0x1c0: {  	v14 =	vld [tilespmem:s15+$0x14B60];
	[tilespmem:s15+$0x14B00] =	vst v15;
	v10 =	vmul.f32 v10, v62  }
0x1c1: {  	v15 =	vld [tilespmem:s15+$0x14B70];
	[tilespmem:s15+$0x14B10] =	vst v9;
	v9 =	vmul.f32 v11, v62  }
0x1c2: {  	[tilespmem:s15+$0x14B20] =	vst v10;
	v10 =	vld [tilespmem:s15+$0x14B90]  }
0x1c3: {  	[tilespmem:s15+$0x14B30] =	vst v9;
	v9 =	vmul.f32 v13, v62  }
0x1c4: {  	[tilespmem:s19+$0x14340] =	vst v3;
	v11 =	vmul.f32 v12, v62;
	v12 =	vld [tilespmem:s15+$0x14BA0]  }
0x1c5: {  	v17 =	vld [tilespmem:s15+$0x14B80];
	v13 =	vmul.f32 v14, v62;
	[tilespmem:s15+$0x14B50] =	vst v9;
	v9 =	vbroadcast v8, $0xE  }
0x1c6: {  	[tilespmem:s15+$0x14B40] =	vst v11;
	v11 =	vld [tilespmem:s15+$0x14BB0];
	v15 =	vmul.f32 v15, v62  }
0x1c7: {  	v14 =	vld [tilespmem:s15+$0x14BC0];
	[tilespmem:s15+$0x14B60] =	vst v13;
	v10 =	vmul.f32 v10, v9  }
0x1c8: {  	v13 =	vld [tilespmem:s15+$0x14BD0];
	[tilespmem:s15+$0x14B70] =	vst v15  }
0x1c9: {  	v15 =	vld [tilespmem:s15+$0x14BE0];
	[tilespmem:s15+$0x14B90] =	vst v10;
	v10 =	vmul.f32 v12, v9  }
0x1ca: {  	v7 =	vld [tilespmem:s15+$0x14BF0];
	[tilespmem:s15+$0x14780] =	vst v16;
	v63 =	vmul.f32 v17, v9  }
0x1cb: {  	s20 =	smul.u32 $0xA000, s20;
	v6 =	vld [tilespmem:s15+$0x14C00];
	[tilespmem:s15+$0x14BA0] =	vst v10;
	v10 =	vmul.f32 v11, v9  }
0x1cc: {  	v5 =	vld [tilespmem:s15+$0x14C10];
	[tilespmem:s15+$0x14B80] =	vst v63;
	v12 =	vmul.f32 v14, v9  }
0x1cd: {  	s8 =	sshrl.u32 s20, $0x2;
	v11 =	vmul.f32 v13, v9;
	[tilespmem:s15+$0x14BB0] =	vst v10;
	v10 =	vld [tilespmem:s15+$0x14C20]  }
0x1ce: {  	s16 =	sadd.s32 $0x14300, s19;
	s20 =	simm.s32 $0x1;
	s14 =	sadd.s32 $0x14480, s8;
	v4 =	vbroadcast v8, $0xF;
	v8 =	vld [tilespmem:s15+$0x14C30];
	[tilespmem:s15+$0x14BC0] =	vst v12;
	v12 =	vmul.f32 v15, v9  }
.LBB2_13:
0x1cf: {  	p1 =	sne.s32 s20, $0x4;
	[tilespmem:s15+$0x14BD0] =	vst v11;
	v3 =	vmul.f32 v7, v9;
	v7 =	vld [tilespmem:s15+$0x14C40]  }
0x1d0: {  	[tilespmem:s15+$0x14BE0] =	vst v12;
	v6 =	vmul.f32 v6, v4;
	v9 =	vld [tilespmem:s15+$0x14C50]  }
0x1d1: {  	[tilespmem:s15+$0x14BF0] =	vst v3;
	v5 =	vmul.f32 v5, v4;
	v11 =	vld [tilespmem:s15+$0x14C60]  }
0x1d2: {  	s7 =	sshll.u32 s20, $0x4;
	[tilespmem:s15+$0x14C00] =	vst v6;
	v6 =	vmul.f32 v10, v4;
	v10 =	vld [tilespmem:s15+$0x14C70]  }
0x1d3: {  	v3 =	vld.idx.msk [tilespmem:v2+s7+$0x0 ss:$0x1], $0xffff;
	s7 =	sadd.s32 s17, s7;
	[tilespmem:s15+$0x14C10] =	vst v5;
	v5 =	vmul.f32 v8, v4  }
0x1d4: {  	s7 =	sshll.u32 s7, $0x7;
	[tilespmem:s15+$0x14C20] =	vst v6;
	v6 =	vmul.f32 v7, v4  }
0x1d5: {  	s7 =	sand.u32 $0x3FFFFF80, s7;
	[tilespmem:s15+$0x14C30] =	vst v5;
	v5 =	vmul.f32 v9, v4  }
0x1d6: {  	v7 =	vld [tilespmem:s7+$0x14480];
	[tilespmem:s15+$0x14C40] =	vst v6;
	v6 =	vmul.f32 v11, v4  }
0x1d7: {  	v8 =	vld [tilespmem:s7+$0x14490];
	[tilespmem:s15+$0x14C50] =	vst v5;
	v4 =	vmul.f32 v10, v4  }
0x1d8: {  	v5 =	vld [tilespmem:s7+$0x144A0];
	[tilespmem:s15+$0x14C60] =	vst v6  }
0x1d9: {  	v6 =	vbroadcast v3, $0x0;
	v9 =	vld [tilespmem:s7+$0x144B0];
	[tilespmem:s15+$0x14C70] =	vst v4;
	s15 =	smov.u32 s7  }
0x1da: {  	v4 =	vld [tilespmem:s15+$0x144C0]  }
0x1db: {  	v7 =	vmul.f32 v6, v7;
	v10 =	vld [tilespmem:s15+$0x144D0]  }
0x1dc: {  	v8 =	vmul.f32 v8, v6;
	v11 =	vld [tilespmem:s15+$0x144E0]  }
0x1dd: {  	[tilespmem:s15+$0x14480] =	vst v7;
	v5 =	vmul.f32 v5, v6;
	v7 =	vld [tilespmem:s15+$0x144F0]  }
0x1de: {  	[tilespmem:s15+$0x14490] =	vst v8;
	v8 =	vmul.f32 v9, v6;
	v9 =	vld [tilespmem:s15+$0x14500]  }
0x1df: {  	[tilespmem:s15+$0x144A0] =	vst v5;
	v4 =	vmul.f32 v4, v6;
	v5 =	vld [tilespmem:s15+$0x14510]  }
0x1e0: {  	[tilespmem:s15+$0x144B0] =	vst v8;
	v8 =	vmul.f32 v10, v6;
	v10 =	vld [tilespmem:s15+$0x14520]  }
0x1e1: {  	[tilespmem:s15+$0x144C0] =	vst v4;
	v4 =	vmul.f32 v11, v6;
	v11 =	vbroadcast v3, $0x1;
	v12 =	vld [tilespmem:s15+$0x14530]  }
0x1e2: {  	[tilespmem:s15+$0x144D0] =	vst v8;
	v6 =	vmul.f32 v7, v6;
	v7 =	vld [tilespmem:s15+$0x14540]  }
0x1e3: {  	[tilespmem:s15+$0x144E0] =	vst v4;
	v4 =	vmul.f32 v9, v11;
	v8 =	vld [tilespmem:s15+$0x14550]  }
0x1e4: {  	[tilespmem:s15+$0x144F0] =	vst v6;
	v5 =	vmul.f32 v5, v11;
	v6 =	vld [tilespmem:s15+$0x14560]  }
0x1e5: {  	[tilespmem:s15+$0x14500] =	vst v4;
	v4 =	vmul.f32 v10, v11;
	v9 =	vld [tilespmem:s15+$0x14570]  }
0x1e6: {  	[tilespmem:s15+$0x14510] =	vst v5;
	v5 =	vmul.f32 v12, v11;
	v10 =	vld [tilespmem:s15+$0x14580]  }
0x1e7: {  	[tilespmem:s15+$0x14520] =	vst v4;
	v4 =	vmul.f32 v7, v11;
	v7 =	vld [tilespmem:s15+$0x14590]  }
0x1e8: {  	[tilespmem:s15+$0x14530] =	vst v5;
	v5 =	vmul.f32 v8, v11;
	v8 =	vld [tilespmem:s15+$0x145A0]  }
0x1e9: {  	[tilespmem:s15+$0x14540] =	vst v4;
	v4 =	vmul.f32 v6, v11;
	v6 =	vbroadcast v3, $0x2;
	v12 =	vld [tilespmem:s15+$0x145B0]  }
0x1ea: {  	[tilespmem:s15+$0x14550] =	vst v5;
	v5 =	vmul.f32 v9, v11;
	v9 =	vld [tilespmem:s15+$0x145C0]  }
0x1eb: {  	[tilespmem:s15+$0x14560] =	vst v4;
	v4 =	vmul.f32 v10, v6;
	v10 =	vld [tilespmem:s15+$0x145D0]  }
0x1ec: {  	[tilespmem:s15+$0x14570] =	vst v5;
	v5 =	vmul.f32 v7, v6;
	v7 =	vld [tilespmem:s15+$0x145E0]  }
0x1ed: {  	[tilespmem:s15+$0x14580] =	vst v4;
	v4 =	vmul.f32 v8, v6;
	v8 =	vld [tilespmem:s15+$0x145F0]  }
0x1ee: {  	[tilespmem:s15+$0x14590] =	vst v5;
	v5 =	vmul.f32 v12, v6;
	v11 =	vld [tilespmem:s15+$0x14600]  }
0x1ef: {  	[tilespmem:s15+$0x145A0] =	vst v4;
	v4 =	vmul.f32 v9, v6;
	v9 =	vld [tilespmem:s15+$0x14610]  }
0x1f0: {  	[tilespmem:s15+$0x145B0] =	vst v5;
	v5 =	vmul.f32 v10, v6;
	v10 =	vld [tilespmem:s15+$0x14620]  }
0x1f1: {  	[tilespmem:s15+$0x145C0] =	vst v4;
	v4 =	vmul.f32 v7, v6;
	v7 =	vbroadcast v3, $0x3;
	v12 =	vld [tilespmem:s15+$0x14630]  }
0x1f2: {  	[tilespmem:s15+$0x145D0] =	vst v5;
	v5 =	vmul.f32 v8, v6;
	v6 =	vld [tilespmem:s15+$0x14640]  }
0x1f3: {  	[tilespmem:s15+$0x145E0] =	vst v4;
	v4 =	vmul.f32 v11, v7;
	v8 =	vld [tilespmem:s15+$0x14650]  }
0x1f4: {  	[tilespmem:s15+$0x145F0] =	vst v5;
	v5 =	vmul.f32 v9, v7;
	v9 =	vld [tilespmem:s15+$0x14660]  }
0x1f5: {  	[tilespmem:s15+$0x14600] =	vst v4;
	v4 =	vmul.f32 v10, v7;
	v10 =	vld [tilespmem:s15+$0x14670]  }
0x1f6: {  	[tilespmem:s15+$0x14610] =	vst v5;
	v5 =	vmul.f32 v12, v7;
	v11 =	vld [tilespmem:s15+$0x14680]  }
0x1f7: {  	[tilespmem:s15+$0x14620] =	vst v4;
	v4 =	vmul.f32 v6, v7;
	v6 =	vld [tilespmem:s15+$0x14690]  }
0x1f8: {  	[tilespmem:s15+$0x14630] =	vst v5;
	v5 =	vmul.f32 v8, v7;
	v8 =	vld [tilespmem:s15+$0x146A0]  }
0x1f9: {  	[tilespmem:s15+$0x14640] =	vst v4;
	v4 =	vmul.f32 v9, v7;
	v9 =	vbroadcast v3, $0x4;
	v12 =	vld [tilespmem:s15+$0x146B0]  }
0x1fa: {  	[tilespmem:s15+$0x14650] =	vst v5;
	v5 =	vmul.f32 v10, v7;
	v7 =	vld [tilespmem:s15+$0x146C0]  }
0x1fb: {  	[tilespmem:s15+$0x14660] =	vst v4;
	v4 =	vmul.f32 v11, v9;
	v10 =	vld [tilespmem:s15+$0x146D0]  }
0x1fc: {  	[tilespmem:s15+$0x14670] =	vst v5;
	v5 =	vmul.f32 v6, v9;
	v6 =	vld [tilespmem:s15+$0x146E0]  }
0x1fd: {  	[tilespmem:s15+$0x14680] =	vst v4;
	v4 =	vmul.f32 v8, v9;
	v8 =	vld [tilespmem:s15+$0x146F0]  }
0x1fe: {  	[tilespmem:s15+$0x14690] =	vst v5;
	v5 =	vmul.f32 v12, v9;
	v11 =	vld [tilespmem:s15+$0x14700]  }
0x1ff: {  	[tilespmem:s15+$0x146A0] =	vst v4;
	v4 =	vmul.f32 v7, v9;
	v7 =	vld [tilespmem:s15+$0x14710]  }
0x200: {  	[tilespmem:s15+$0x146B0] =	vst v5;
	v5 =	vmul.f32 v10, v9;
	v10 =	vld [tilespmem:s15+$0x14720]  }
0x201: {  	[tilespmem:s15+$0x146C0] =	vst v4;
	v4 =	vmul.f32 v6, v9;
	v6 =	vbroadcast v3, $0x5;
	v12 =	vld [tilespmem:s15+$0x14730]  }
0x202: {  	[tilespmem:s15+$0x146D0] =	vst v5;
	v5 =	vmul.f32 v8, v9;
	v8 =	vld [tilespmem:s15+$0x14740]  }
0x203: {  	[tilespmem:s15+$0x146E0] =	vst v4;
	v4 =	vmul.f32 v11, v6;
	v9 =	vld [tilespmem:s15+$0x14750]  }
0x204: {  	[tilespmem:s15+$0x146F0] =	vst v5;
	v5 =	vmul.f32 v7, v6;
	v7 =	vld [tilespmem:s15+$0x14760]  }
0x205: {  	[tilespmem:s15+$0x14700] =	vst v4;
	v4 =	vmul.f32 v10, v6;
	v10 =	vld [tilespmem:s15+$0x14770]  }
0x206: {  	[tilespmem:s15+$0x14710] =	vst v5;
	v5 =	vmul.f32 v12, v6;
	v11 =	vld [tilespmem:s15+$0x14780]  }
0x207: {  	[tilespmem:s15+$0x14720] =	vst v4;
	v4 =	vmul.f32 v8, v6;
	v8 =	vld [tilespmem:s15+$0x14790]  }
0x208: {  	[tilespmem:s15+$0x14730] =	vst v5;
	v5 =	vmul.f32 v9, v6;
	v9 =	vld [tilespmem:s15+$0x147A0]  }
0x209: {  	[tilespmem:s15+$0x14740] =	vst v4;
	v4 =	vmul.f32 v7, v6;
	v7 =	vbroadcast v3, $0x6;
	v12 =	vld [tilespmem:s15+$0x147B0]  }
0x20a: {  	[tilespmem:s15+$0x14750] =	vst v5;
	v5 =	vmul.f32 v10, v6;
	v6 =	vld [tilespmem:s15+$0x147C0]  }
0x20b: {  	[tilespmem:s15+$0x14760] =	vst v4;
	v4 =	vmul.f32 v11, v7;
	v10 =	vld [tilespmem:s15+$0x147D0]  }
0x20c: {  	[tilespmem:s15+$0x14770] =	vst v5;
	v5 =	vmul.f32 v8, v7;
	v8 =	vld [tilespmem:s15+$0x147E0]  }
0x20d: {  	[tilespmem:s15+$0x14780] =	vst v4;
	v4 =	vmul.f32 v9, v7;
	v9 =	vld [tilespmem:s15+$0x147F0]  }
0x20e: {  	[tilespmem:s15+$0x14790] =	vst v5;
	v5 =	vmul.f32 v12, v7;
	v11 =	vld [tilespmem:s15+$0x14800]  }
0x20f: {  	[tilespmem:s15+$0x147A0] =	vst v4;
	v4 =	vmul.f32 v6, v7;
	v6 =	vld [tilespmem:s15+$0x14810]  }
0x210: {  	[tilespmem:s15+$0x147B0] =	vst v5;
	v5 =	vmul.f32 v10, v7;
	v10 =	vld [tilespmem:s15+$0x14820]  }
0x211: {  	[tilespmem:s15+$0x147C0] =	vst v4;
	v4 =	vmul.f32 v8, v7;
	v8 =	vbroadcast v3, $0x7;
	v12 =	vld [tilespmem:s15+$0x14830]  }
0x212: {  	[tilespmem:s15+$0x147D0] =	vst v5;
	v5 =	vmul.f32 v9, v7;
	v7 =	vld [tilespmem:s15+$0x14840]  }
0x213: {  	[tilespmem:s15+$0x147E0] =	vst v4;
	v4 =	vmul.f32 v11, v8;
	v9 =	vld [tilespmem:s15+$0x14850]  }
0x214: {  	[tilespmem:s15+$0x147F0] =	vst v5;
	v5 =	vmul.f32 v6, v8;
	v6 =	vld [tilespmem:s15+$0x14860]  }
0x215: {  	[tilespmem:s15+$0x14800] =	vst v4;
	v4 =	vmul.f32 v10, v8;
	v10 =	vld [tilespmem:s15+$0x14870]  }
0x216: {  	[tilespmem:s15+$0x14810] =	vst v5;
	v5 =	vmul.f32 v12, v8;
	v11 =	vld [tilespmem:s15+$0x14880]  }
0x217: {  	[tilespmem:s15+$0x14820] =	vst v4;
	v4 =	vmul.f32 v7, v8;
	v7 =	vld [tilespmem:s15+$0x14890]  }
0x218: {  	[tilespmem:s15+$0x14830] =	vst v5;
	v5 =	vmul.f32 v9, v8;
	v9 =	vld [tilespmem:s15+$0x148A0]  }
0x219: {  	[tilespmem:s15+$0x14840] =	vst v4;
	v4 =	vmul.f32 v6, v8;
	v6 =	vbroadcast v3, $0x8;
	v12 =	vld [tilespmem:s15+$0x148B0]  }
0x21a: {  	[tilespmem:s15+$0x14850] =	vst v5;
	v5 =	vmul.f32 v10, v8;
	v8 =	vld [tilespmem:s15+$0x148C0]  }
0x21b: {  	[tilespmem:s15+$0x14860] =	vst v4;
	v4 =	vmul.f32 v11, v6;
	v10 =	vld [tilespmem:s15+$0x148D0]  }
0x21c: {  	[tilespmem:s15+$0x14870] =	vst v5;
	v5 =	vmul.f32 v7, v6;
	v7 =	vld [tilespmem:s15+$0x148E0]  }
0x21d: {  	[tilespmem:s15+$0x14880] =	vst v4;
	v4 =	vmul.f32 v9, v6;
	v9 =	vld [tilespmem:s15+$0x148F0]  }
0x21e: {  	[tilespmem:s15+$0x14890] =	vst v5;
	v5 =	vmul.f32 v12, v6;
	v11 =	vld [tilespmem:s15+$0x14900]  }
0x21f: {  	[tilespmem:s15+$0x148A0] =	vst v4;
	v4 =	vmul.f32 v8, v6;
	v8 =	vld [tilespmem:s15+$0x14910]  }
0x220: {  	[tilespmem:s15+$0x148B0] =	vst v5;
	v5 =	vmul.f32 v10, v6;
	v10 =	vld [tilespmem:s15+$0x14920]  }
0x221: {  	[tilespmem:s15+$0x148C0] =	vst v4;
	v4 =	vmul.f32 v7, v6;
	v7 =	vbroadcast v3, $0x9;
	v12 =	vld [tilespmem:s15+$0x14930]  }
0x222: {  	[tilespmem:s15+$0x148D0] =	vst v5;
	v5 =	vmul.f32 v9, v6;
	v6 =	vld [tilespmem:s15+$0x14940]  }
0x223: {  	[tilespmem:s15+$0x148E0] =	vst v4;
	v4 =	vmul.f32 v11, v7;
	v9 =	vld [tilespmem:s15+$0x14950]  }
0x224: {  	[tilespmem:s15+$0x148F0] =	vst v5;
	v5 =	vmul.f32 v8, v7;
	v8 =	vld [tilespmem:s15+$0x14960]  }
0x225: {  	[tilespmem:s15+$0x14900] =	vst v4;
	v4 =	vmul.f32 v10, v7;
	v10 =	vld [tilespmem:s15+$0x14970]  }
0x226: {  	[tilespmem:s15+$0x14910] =	vst v5;
	v5 =	vmul.f32 v12, v7;
	v11 =	vld [tilespmem:s15+$0x14980]  }
0x227: {  	[tilespmem:s15+$0x14920] =	vst v4;
	v4 =	vmul.f32 v6, v7;
	v6 =	vld [tilespmem:s15+$0x14990]  }
0x228: {  	[tilespmem:s15+$0x14930] =	vst v5;
	v5 =	vmul.f32 v9, v7;
	v9 =	vld [tilespmem:s15+$0x149A0]  }
0x229: {  	[tilespmem:s15+$0x14940] =	vst v4;
	v4 =	vmul.f32 v8, v7;
	v8 =	vbroadcast v3, $0xA;
	v12 =	vld [tilespmem:s15+$0x149B0]  }
0x22a: {  	[tilespmem:s15+$0x14950] =	vst v5;
	v5 =	vmul.f32 v10, v7;
	v7 =	vld [tilespmem:s15+$0x149C0]  }
0x22b: {  	[tilespmem:s15+$0x14960] =	vst v4;
	v4 =	vmul.f32 v11, v8;
	v10 =	vld [tilespmem:s15+$0x149D0]  }
0x22c: {  	[tilespmem:s15+$0x14970] =	vst v5;
	v5 =	vmul.f32 v6, v8;
	v6 =	vld [tilespmem:s15+$0x149E0]  }
0x22d: {  	[tilespmem:s15+$0x14980] =	vst v4;
	v4 =	vmul.f32 v9, v8;
	v9 =	vld [tilespmem:s15+$0x149F0]  }
0x22e: {  	[tilespmem:s15+$0x14990] =	vst v5;
	v5 =	vmul.f32 v12, v8;
	v11 =	vld [tilespmem:s15+$0x14A00]  }
0x22f: {  	[tilespmem:s15+$0x149A0] =	vst v4;
	v4 =	vmul.f32 v7, v8;
	v7 =	vld [tilespmem:s15+$0x14A10]  }
0x230: {  	[tilespmem:s15+$0x149B0] =	vst v5;
	v5 =	vmul.f32 v10, v8;
	v10 =	vld [tilespmem:s15+$0x14A20]  }
0x231: {  	[tilespmem:s15+$0x149C0] =	vst v4;
	v4 =	vmul.f32 v6, v8;
	v6 =	vbroadcast v3, $0xB;
	v12 =	vld [tilespmem:s15+$0x14A30]  }
0x232: {  	[tilespmem:s15+$0x149D0] =	vst v5;
	v5 =	vmul.f32 v9, v8;
	v8 =	vld [tilespmem:s15+$0x14A40]  }
0x233: {  	[tilespmem:s15+$0x149E0] =	vst v4;
	v4 =	vmul.f32 v11, v6;
	v9 =	vld [tilespmem:s15+$0x14A50]  }
0x234: {  	[tilespmem:s15+$0x149F0] =	vst v5;
	v5 =	vmul.f32 v7, v6;
	v7 =	vld [tilespmem:s15+$0x14A60]  }
0x235: {  	[tilespmem:s15+$0x14A00] =	vst v4;
	v4 =	vmul.f32 v10, v6;
	v10 =	vld [tilespmem:s15+$0x14A70]  }
0x236: {  	[tilespmem:s15+$0x14A10] =	vst v5;
	v5 =	vmul.f32 v12, v6;
	v11 =	vld [tilespmem:s15+$0x14A80]  }
0x237: {  	[tilespmem:s15+$0x14A20] =	vst v4;
	v4 =	vmul.f32 v8, v6;
	v8 =	vld [tilespmem:s15+$0x14A90]  }
0x238: {  	[tilespmem:s15+$0x14A30] =	vst v5;
	v5 =	vmul.f32 v9, v6;
	v9 =	vld [tilespmem:s15+$0x14AA0]  }
0x239: {  	[tilespmem:s15+$0x14A40] =	vst v4;
	v4 =	vmul.f32 v7, v6;
	v7 =	vbroadcast v3, $0xC;
	v12 =	vld [tilespmem:s15+$0x14AB0]  }
0x23a: {  	[tilespmem:s15+$0x14A50] =	vst v5;
	v5 =	vmul.f32 v10, v6;
	v6 =	vld [tilespmem:s15+$0x14AC0]  }
0x23b: {  	[tilespmem:s15+$0x14A60] =	vst v4;
	v4 =	vmul.f32 v11, v7;
	v10 =	vld [tilespmem:s15+$0x14AD0]  }
0x23c: {  	[tilespmem:s15+$0x14A70] =	vst v5;
	v5 =	vmul.f32 v8, v7;
	v8 =	vld [tilespmem:s15+$0x14AE0]  }
0x23d: {  	[tilespmem:s15+$0x14A80] =	vst v4;
	v4 =	vmul.f32 v9, v7;
	v9 =	vld [tilespmem:s15+$0x14AF0]  }
0x23e: {  	[tilespmem:s15+$0x14A90] =	vst v5;
	v5 =	vmul.f32 v12, v7;
	v11 =	vld [tilespmem:s15+$0x14B00]  }
0x23f: {  	[tilespmem:s15+$0x14AA0] =	vst v4;
	v4 =	vmul.f32 v6, v7;
	v6 =	vld [tilespmem:s15+$0x14B10]  }
0x240: {  	[tilespmem:s15+$0x14AB0] =	vst v5;
	v5 =	vmul.f32 v10, v7;
	v10 =	vld [tilespmem:s15+$0x14B20]  }
0x241: {  	[tilespmem:s15+$0x14AC0] =	vst v4;
	v4 =	vmul.f32 v8, v7;
	v8 =	vbroadcast v3, $0xD;
	v12 =	vld [tilespmem:s15+$0x14B30]  }
0x242: {  	[tilespmem:s15+$0x14AD0] =	vst v5;
	v5 =	vmul.f32 v9, v7;
	v7 =	vld [tilespmem:s15+$0x14B40]  }
0x243: {  	[tilespmem:s15+$0x14AE0] =	vst v4;
	v4 =	vmul.f32 v11, v8;
	v9 =	vld [tilespmem:s15+$0x14B50]  }
0x244: {  	[tilespmem:s15+$0x14AF0] =	vst v5;
	v5 =	vmul.f32 v6, v8;
	v6 =	vld [tilespmem:s15+$0x14B60]  }
0x245: {  	[tilespmem:s15+$0x14B00] =	vst v4;
	v4 =	vmul.f32 v10, v8;
	v10 =	vld [tilespmem:s15+$0x14B70]  }
0x246: {  	[tilespmem:s15+$0x14B10] =	vst v5;
	v5 =	vmul.f32 v12, v8;
	v11 =	vld [tilespmem:s15+$0x14B80]  }
0x247: {  	[tilespmem:s15+$0x14B20] =	vst v4;
	v4 =	vmul.f32 v7, v8;
	v7 =	vld [tilespmem:s15+$0x14B90]  }
0x248: {  	[tilespmem:s15+$0x14B30] =	vst v5;
	v5 =	vmul.f32 v9, v8;
	v12 =	vld [tilespmem:s15+$0x14BA0]  }
0x249: {  	v9 =	vbroadcast v3, $0xE;
	[tilespmem:s15+$0x14B40] =	vst v4;
	v4 =	vmul.f32 v6, v8;
	v6 =	vld [tilespmem:s15+$0x14BB0]  }
0x24a: {  	[tilespmem:s15+$0x14B50] =	vst v5;
	v5 =	vmul.f32 v10, v8;
	v8 =	vld [tilespmem:s15+$0x14BC0]  }
0x24b: {  	[tilespmem:s15+$0x14B60] =	vst v4;
	v4 =	vmul.f32 v11, v9;
	v10 =	vld [tilespmem:s15+$0x14BD0]  }
0x24c: {  	[tilespmem:s15+$0x14B70] =	vst v5;
	v5 =	vmul.f32 v7, v9;
	v13 =	vld [tilespmem:s15+$0x14BE0]  }
.Ltmp5:
0x24d: {  	[tilespmem:s15+$0x14B80] =	vst v4;
	v4 =	vmul.f32 v12, v9;
	v7 =	vld [tilespmem:s15+$0x14BF0];
	(pc) =	sbr.rel @p1 .LBB2_13-.Ltmp5, $4  }
0x24e: {  	[tilespmem:s15+$0x14B90] =	vst v5;
	v11 =	vmul.f32 v6, v9;
	v6 =	vld [tilespmem:s15+$0x14C00]  }
0x24f: {  	[tilespmem:s15+$0x14BA0] =	vst v4;
	v4 =	vmul.f32 v8, v9;
	v5 =	vld [tilespmem:s15+$0x14C10]  }
0x250: {  	[tilespmem:s15+$0x14BB0] =	vst v11;
	v11 =	vmul.f32 v10, v9;
	v10 =	vld [tilespmem:s15+$0x14C20]  }
0x251: {  	s20 =	sadd.s32 $0x1, s20;
	[tilespmem:s15+$0x14BC0] =	vst v4;
	v12 =	vmul.f32 v13, v9;
	v4 =	vbroadcast v3, $0xF;
	v8 =	vld [tilespmem:s15+$0x14C30]  }
0x252: {  	[tilespmem:s15+$0x14BD0] =	vst v11;
	v2 =	vld [tilespmem:s15+$0x14C40];
	v3 =	vmul.f32 v7, v9  }
0x253: {  	v59 =	vld [tilespmem:s15+$0x14C50];
	[tilespmem:s15+$0x14BE0] =	vst v12;
	v6 =	vmul.f32 v6, v4  }
0x254: {  	[tilespmem:s15+$0x14BF0] =	vst v3;
	v3 =	vld [tilespmem:s15+$0x14C60];
	v5 =	vmul.f32 v5, v4  }
0x255: {  	v61 =	vld [tilespmem:s15+$0x14C70];
	[tilespmem:s15+$0x14C00] =	vst v6;
	v60 =	vmul.f32 v10, v4  }
0x256: {  	[tilespmem:s15+$0x14C10] =	vst v5;
	v62 =	vmul.f32 v8, v4  }
0x257: {  	s9 =	sadd.s32 $0x1, s9;
	[tilespmem:s15+$0x14C20] =	vst v60;
	v2 =	vmul.f32 v2, v4  }
0x258: {  	p1 =	sne.s32 s9, $0x7D;
	v63 =	vmul.f32 v59, v4;
	[tilespmem:s15+$0x14C30] =	vst v62  }
.Ltmp6:
0x259: {  	[tilespmem:s15+$0x14C40] =	vst v2;
	v2 =	vmul.f32 v3, v4;
	(pc) =	sbr.rel @p1 .LBB2_10-.Ltmp6, $4  }
0x25a: {  	[tilespmem:s15+$0x14C50] =	vst v63;
	v3 =	vmul.f32 v61, v4  }
0x25b: {  	[tilespmem:s15+$0x14C60] =	vst v2  }
0x25c: {  	[tilespmem:s15+$0x14C70] =	vst v3  }
0x25d: {  	[spmem:s3] =	stream.indirect.scatter.add.f32 [tilespmem:s14], [sflag:$0x5], $0x80, s16, s2, $0xb8;
	[tilespmem:$0x1FC00] =	vst v63  }
0x25e: {  	s7 =	simm.s32 $0x5  }
0x25f: {  	_ =	swait.ge [sflag:s7], $0x2800  }
0x260: {  	[sflag:s7] =	ssyncset.done $0x0  }
0x261: {  	[sflag:s7] =	ssyncadd.s32 $0xFFFFD800  }
0x262: {  	_ =	swait.ge [sflag:s7], $0x2800  }
0x263: {  	s8 =	simm.s32 $0x80;
	[sflag:s7] =	ssyncset.done $0x0  }
0x264: {  	s9 =	simm.s32 $0x400;
	s15 =	rddreg [dreg:$0xf];
	[sflag:s7] =	ssyncadd.s32 $0xFFFFD800  }
0x265: {  	[hbm4b:s15+s8] =	stream.strided.scatter [tilespmem:s0], [sflag:$0x7], $0x2780, s9, s8, $0x38;
	[tilespmem:$0x1FC00] =	vst v63  }
0x266: {  	_ =	swait.ge [sflag:s30], $0x2780  }
0x267: {  	[sflag:s30] =	ssyncset.done $0x0  }
0x268: {  	s16 =	stileid.u32;
	[sflag:s30] =	ssyncadd.s32 $0xFFFFD880  }
0x269: {  	s7 =	sshll.u32 s16, $0x6;
	[bflag:$0x0] =	sbarrier.arrive $0xFFFF  }
0x26a: {  	s17 =	sshrl.u32 s29, $0x3;
	s7 =	sor.u32 $0x1C07, s7;
	s19 =	rddreg [dreg:$0xc]  }
0x26b: {  	[hbm:s19], [sflag:s7] =	dma.local [spmem:s17], $0x2700  }
0x26c: {  	_ =	swait.ge [sflag:s30], $0x2700  }
0x26d: {  	s8 =	simm.s32 @!p0 $0x1FC6;
	[sflag:s30] =	ssyncset.done $0x0;
	s7 =	rddreg [dreg:$0x1e]  }
0x26e: {  	s9 =	rddreg [dreg:$0x10];
	[sflag:s30] =	ssyncadd.s32 $0xFFFFD900;
	s7 =	sshrl.u32 @!p0 s7, $0x3  }
0x26f: {  	[hbm:s9], [sflag:s8] =	dma.local @!p0 [spmem:s7], $0x100  }
0x270: {  	s7 =	simm.s32 @!p0 $0x6  }
0x271: {  	_ =	swait.ge @!p0 [sflag:s7], $0x100  }
0x272: {  	s20 =	rddreg [dreg:$0x1f]  }
0x273: {  	s29 =	rddreg [dreg:$0x11];
	s9 =	sadd.s32 $0x1, s20  }
0x274: {  	p1 =	sne.s32 s9, s29  }
.Ltmp7:
0x275: {  	_ = 	snop;
	(pc) =	sbr.rel @p1 .LBB2_1-.Ltmp7, $3  }
0x276: {  	_ =	sdelay $0x1  }
0x277: {  	[sflag:s7] =	ssyncset.done @!p0 $0x0  }
0x278: {  	[sflag:s7] =	ssyncadd.s32 @!p0 $0xFFFFFF00  }
0x279: {  	_ =	sfence.sel $0x180000  }
0x27a: {  	[bflag:$0x0] =	sbarrier.arrive $0xFFFF  }
0x27b: {  	_ =	strace $0x90000047  }
0x27c: {  	s0 =	stileid.u32;
	[bflag:$0x2] =	sbarrier.arrive $0xFFFF  }
0x27d: {  	p0 =	sne.s32 s0, $0x0;
	s0 =	rddreg [dreg:$0x3]  }
0x27e: {  	s0 =	sadd.s32 @!p0 $0x100000, s0  }
0x27f: {  	[sflag:s0] =	ssyncadd.tile.s32 @!p0 $0x1;
	_ =	shalt  }
.Lfunc_end2:
_tile_overlayer_lowered:
.L_overlay_start_2:
0x280: {  	(tag) =	ssettag $0x2  }
0x281: {  	s0 =	rddreg [dreg:$0x0];
	s2 =	stileid.u32  }
0x282: {  	s1 =	rddreg [dreg:$0x1];
	p0 =	sne.s32 s2, $0x0  }
0x283: {  	s3 =	rddreg [dreg:$0x2];
	[bflag:$0x3] =	sbarrier.arrive $0xFFFF;
	s2 =	simm.s32 @!p0 $0x1C06  }
0x284: {  	[timem:s3], [sflag:s2] =	dma.local @!p0 [hbm:s0], s1  }
0x285: {  	s0 =	simm.s32 @!p0 $0x6  }
0x286: {  	_ =	swait.ge @!p0 [sflag:s0], s1  }
0x287: {  	s1 =	ssub.s32 @!p0 $0x0, s1;
	[sflag:s0] =	ssyncset.done @!p0 $0x0  }
0x288: {  	[sflag:s0] =	ssyncadd.s32 @!p0 s1  }
0x289: {  	[bflag:$0x3] =	sbarrier.arrive $0xFFFF  }
0x28a: {  	_ =	shalt  }

</sc_bundles>
